<compile_context>
chip_gen: v7x
topology: tpu7x:2x2x1
jax: 0.10.2.dev20260603
libtpu: 0.0.44.dev20260713+nightly
codegen_flags: <defaults>
</compile_context>

<pallas_src>
import functools

import jax
import jax.numpy as jnp
from jax import lax
from jax.experimental import pallas as pl
from jax.experimental.pallas import tpu as pltpu
from jax.experimental.pallas import tpu_sc as plsc

_B, _N, _K, _E = 16384, 26, 16, 16
_T = _B * _N
_NC, _NS, _L = 2, 16, 16
_NW = _NC * _NS
_TPW = _T // _NW
_CHUNK = 832
_NCH = _TPW // _CHUNK
_TILES = _CHUNK // _L
_VPW = _TPW // _L
_INV = float(1.0 / (0.0625 + 1e-8))

_GDN = lax.GatherDimensionNumbers(
    offset_dims=(), collapsed_slice_dims=(0,), start_index_map=(0,))


def _vperm(v, idx):
    return lax.gather(v, idx[:, None], dimension_numbers=_GDN,
                      slice_sizes=(1,),
                      mode=lax.GatherScatterMode.PROMISE_IN_BOUNDS)


@functools.partial(
    pl.kernel,
    out_type=jax.ShapeDtypeStruct((_T * _E,), jnp.float32),
    mesh=plsc.VectorSubcoreMesh(
        core_axis_name="c", subcore_axis_name="s",
        num_cores=_NC, num_subcores=_NS,
    ),
    scratch_types=[
        pltpu.VMEM((_TPW,), jnp.float32),
        pltpu.VMEM((_N * _K * _E,), jnp.float32),
        pltpu.VMEM((_N * _E,), jnp.float32),
        pltpu.VMEM((_N * _K * _E,), jnp.int32),
        pltpu.VMEM((_TPW,), jnp.int32),
        pltpu.VMEM((_TPW,), jnp.float32),
        pltpu.VMEM((_CHUNK * _E,), jnp.float32),
        pltpu.VMEM((_CHUNK * _E,), jnp.float32),
        pltpu.SemaphoreType.DMA,
        pltpu.SemaphoreType.DMA,
        pltpu.SemaphoreType.DMA,
    ],
    compiler_params=pltpu.CompilerParams(needs_layout_passes=False),
)
def _pc_embed(x_hbm, w_hbm, bias_hbm, out_hbm,
              x_v, w_v, bias_v, pw_v, g_v, f_v, out_a, out_b,
              sem_x, sem_a, sem_b):
    wid = lax.axis_index("s") * _NC + lax.axis_index("c")
    tok0 = wid * _TPW

    cx = pltpu.async_copy(x_hbm.at[pl.ds(tok0, _TPW)], x_v, sem_x)
    pltpu.sync_copy(w_hbm, w_v)
    pltpu.sync_copy(bias_hbm, bias_v)

    iota = lax.iota(jnp.int32, _L)

    def build_n(n, carry):
        acc = bias_v[pl.ds(n * _E, _L)]
        rot = (iota + n) & (_L - 1)
        for k in range(_K):
            off = (n * _K + k) * _E
            wrow = w_v[pl.ds(off, _L)]
            packed = plsc.bitcast(
                plsc.pack(acc, wrow, format=plsc.PackFormat.INTERLEAVED),
                jnp.int32)
            plsc.store_scatter(pw_v, [rot + off], packed)
            acc = acc + wrow
        return carry

    lax.fori_loop(0, _N, build_n, 0)
    cx.wait()

    @plsc.parallel_loop(0, _VPW, unroll=4)
    def prep(v):
        base = v * _L
        x = x_v[pl.ds(base, _L)]
        n = lax.rem(tok0 + base + iota, _N)
        bket = jnp.minimum((x * 16.0).astype(jnp.int32), _K - 1)
        frac = (x - bket.astype(jnp.float32) * 0.0625) * _INV
        g_v[pl.ds(base, _L)] = (n * _K + bket) * _E + (n & (_L - 1))
        f_v[pl.ds(base, _L)] = frac

    rots = [(iota + e) & (_L - 1) for e in range(_L)]
    sidx = [iota * _E + ((e + iota) & (_L - 1)) for e in range(_E)]

    def run_chunk(c, buf, sem):
        t0 = c * _CHUNK

        @plsc.parallel_loop(0, _TILES, unroll=2)
        def phase1(v):
            base = v * _L
            gs = g_v[pl.ds(t0 + base, _L)]
            fv = f_v[pl.ds(t0 + base, _L)]
            sv = gs & (_L - 1)
            gv = gs - sv
            tb = base * _E
            for e in range(_E):
                gidx = gv + _vperm(rots[e], sv)
                word = plsc.load_gather(pw_v, [gidx])
                p, w = plsc.unpack(
                    plsc.bitcast(word, jnp.bfloat16),
                    format=plsc.PackFormat.INTERLEAVED)
                plsc.store_scatter(buf, [sidx[e] + tb], p + fv * w)

        @plsc.parallel_loop(0, _TILES, unroll=2)
        def phase2(v):
            base = v * _L * _E
            for j in range(_L):
                off = base + j * _E
                row = buf[pl.ds(off, _L)]
                buf[pl.ds(off, _L)] = _vperm(row, rots[j])

        dst = out_hbm.at[pl.ds((tok0 + t0) * _E, _CHUNK * _E)]
        pltpu.async_copy(buf, dst, sem)

    def drain(buf, sem):
        pltpu.make_async_copy(
            out_hbm.at[pl.ds(0, _CHUNK * _E)], buf, sem).wait()

    def pair_body(cp, carry):
        @pl.when(cp > 0)
        def _():
            drain(out_a, sem_a)
        run_chunk(cp * 2, out_a, sem_a)

        @pl.when(cp > 0)
        def _():
            drain(out_b, sem_b)
        run_chunk(cp * 2 + 1, out_b, sem_b)
        return carry

    lax.fori_loop(0, _NCH // 2, pair_body, 0)
    drain(out_a, sem_a)
    drain(out_b, sem_b)


def kernel(X, weight, bias):
    out = _pc_embed(X.reshape(-1), weight.reshape(-1), bias.reshape(-1))
    return out.reshape(_B, _N, _E)

# --- scband reference (transcript-rebuilt; emitter-appended) ---
"""Pipeline reference for scband-piecewise-cont-embeddings-79207786873226 (READ-ONLY COPY).

The authoritative reference and input builder live on the scoring server;
editing this copy changes nothing except your own understanding.
"""

import jax, jax.numpy as jnp
import numpy as np

B = 16384
N = 26
NB = 17  # boundaries per column (uniform on [0,1])
K = NB - 1  # max_num_buckets = 16
E = 16  # embed_dim


def setup_inputs(seed: int = 0) -> dict:
    key = jax.random.key(seed)
    k1, k2 = jax.random.split(key)
    X = jax.random.uniform(k1, (B, N), dtype=jnp.float32)
    # nn.init.normal_(weight, std=0.01)
    weight = jax.random.normal(k2, (N, K, E), dtype=jnp.float32) * 0.01
    bias = jnp.zeros((N, E), dtype=jnp.float32)
    return {"X": X, "weight": weight, "bias": bias}


def _forward(X, weight, bias):
    # All 26 columns share the same boundary vector: linspace(0, 1, 17)
    boundaries = jnp.linspace(0.0, 1.0, NB).astype(jnp.float32)  # [17]
    inner = boundaries[1:-1]  # [15], matches col_boundaries[1:-1]
    # torch.bucketize(feat, inner, right=False) == searchsorted side='left'
    bucket = jnp.searchsorted(inner, X, side='left')  # [B, N] int32
    boundary_start = boundaries[bucket]  # [B, N]
    boundary_end = boundaries[bucket + 1]  # [B, N]
    frac = (X - boundary_start) / (boundary_end - boundary_start + 1e-08)
    # greater_mask = (feat > boundaries[:-1]).float()  -> [B, N, K]
    mask = (X[:, :, None] > boundaries[:-1][None, None, :]).astype(jnp.float32)
    # overwrite position `bucket` with frac (scatter-overwrite via one-hot)
    oh = jax.nn.one_hot(bucket, K, dtype=jnp.float32)  # [B, N, K]
    mask = mask * (1.0 - oh) + frac[:, :, None] * oh
    # einsum('b n k, n k e -> b n e') + bias; activation=None; dropout p=0 (identity)
    out = jnp.einsum('bnk,nke->bne', mask, weight) + bias[None, :, :]
    return out


def reference(X, weight, bias):
    return _forward(X, weight, bias)

if __name__ == "__main__":
    import jax
    _d = setup_inputs()
    print(jax.jit(kernel)(*tuple(_d.values())))

</pallas_src>

<mosaic_0001>
#map = affine_map<(d0, d1) -> (0)>
module attributes {stable_mosaic.version = 14 : i64} {
  func.func @_pc_embed(%arg0: i32, %arg1: i32, %arg2: memref<425984xf32, #tpu.memory_space<hbm>>, %arg3: memref<6656xf32, #tpu.memory_space<hbm>>, %arg4: memref<416xf32, #tpu.memory_space<hbm>>, %arg5: memref<6815744xf32, #tpu.memory_space<hbm>>, %arg6: memref<13312xf32, #tpu.memory_space<vmem>>, %arg7: memref<6656xf32, #tpu.memory_space<vmem>>, %arg8: memref<416xf32, #tpu.memory_space<vmem>>, %arg9: memref<6656xi32, #tpu.memory_space<vmem>>, %arg10: memref<13312xi32, #tpu.memory_space<vmem>>, %arg11: memref<13312xf32, #tpu.memory_space<vmem>>, %arg12: memref<13312xf32, #tpu.memory_space<vmem>>, %arg13: memref<13312xf32, #tpu.memory_space<vmem>>, %arg14: memref<!tpu.dma_semaphore, #tpu.memory_space<semaphore_mem>>, %arg15: memref<!tpu.dma_semaphore, #tpu.memory_space<semaphore_mem>>, %arg16: memref<!tpu.dma_semaphore, #tpu.memory_space<semaphore_mem>>) attributes {dimension_semantics = [#tpu.dimension_semantics<core_parallel>, #tpu.dimension_semantics<subcore_parallel>], iteration_bounds = array<i64: 2, 16>, scalar_prefetch = 0 : i64, scratch_operands = 11 : i64, tpu.core_type = #tpu.core_type<sc_vector_subcore>, window_params = [{transform_indices = #map}, {transform_indices = #map}, {transform_indices = #map}, {transform_indices = #map}]} {
    %mul3A = arith.constant 2 : i32
    %mul3A_0 = arith.muli %arg1, %mul3A : i32
    %add3A = arith.addi %mul3A_0, %arg0 : i32
    %mul3A_1 = arith.constant 13312 : i32
    %mul3A_2 = arith.muli %add3A, %mul3A_1 : i32
    %dma_start3A = tpu.memref_slice %arg2[%mul3A_2] : memref<425984xf32, #tpu.memory_space<hbm>> -> memref<13312xf32, #tpu.memory_space<hbm>>
    %dma_start3A_3 = tpu.memref_slice %arg2[%mul3A_2] : memref<425984xf32, #tpu.memory_space<hbm>> -> memref<13312xf32, #tpu.memory_space<hbm>>
    tpu.enqueue_dma source(%dma_start3A_3 : memref<13312xf32, #tpu.memory_space<hbm>>) target(%arg6 : memref<13312xf32, #tpu.memory_space<vmem>>) target_semaphore(%arg14 : memref<!tpu.dma_semaphore, #tpu.memory_space<semaphore_mem>>)
    "tpu.region"() ({
      %run_scoped3A = tpu.sem_alloc : memref<!tpu.dma_semaphore, #tpu.memory_space<semaphore_mem>>
      tpu.enqueue_dma source(%arg3 : memref<6656xf32, #tpu.memory_space<hbm>>) target(%arg7 : memref<6656xf32, #tpu.memory_space<vmem>>) target_semaphore(%run_scoped3A : memref<!tpu.dma_semaphore, #tpu.memory_space<semaphore_mem>>)
      tpu.wait_dma2 semaphore(%run_scoped3A : memref<!tpu.dma_semaphore, #tpu.memory_space<semaphore_mem>>) src(%arg3 : memref<6656xf32, #tpu.memory_space<hbm>>) dst(%arg7 : memref<6656xf32, #tpu.memory_space<vmem>>)
      tpu.yield
    }) : () -> ()
    "tpu.region"() ({
      %run_scoped3A = tpu.sem_alloc : memref<!tpu.dma_semaphore, #tpu.memory_space<semaphore_mem>>
      tpu.enqueue_dma source(%arg4 : memref<416xf32, #tpu.memory_space<hbm>>) target(%arg8 : memref<416xf32, #tpu.memory_space<vmem>>) target_semaphore(%run_scoped3A : memref<!tpu.dma_semaphore, #tpu.memory_space<semaphore_mem>>)
      tpu.wait_dma2 semaphore(%run_scoped3A : memref<!tpu.dma_semaphore, #tpu.memory_space<semaphore_mem>>) src(%arg4 : memref<416xf32, #tpu.memory_space<hbm>>) dst(%arg8 : memref<416xf32, #tpu.memory_space<vmem>>)
      tpu.yield
    }) : () -> ()
    %iota3A = tpu.iota {dimensions = array<i32: 0>} : vector<16xi32>
    %scan3A = arith.constant 0 : i32
    %scan3A_4 = arith.constant 0 : i32
    %scan3A_5 = arith.constant 26 : i32
    %scan3A_6 = arith.addi %scan3A_4, %scan3A_5 : i32
    %scan3A_7 = arith.constant 1 : i32
    scf.for %scan3A_281 = %scan3A_4 to %scan3A_6 step %scan3A_7  : i32 {
      %mul3A_282 = arith.constant 16 : i32
      %mul3A_283 = arith.muli %scan3A_281, %mul3A_282 : i32
      %get3A = arith.index_cast %mul3A_283 : i32 to index
      %get3A_284 = tpu.vector_load %arg8[%get3A] {strides = array<i32>} : memref<416xf32, #tpu.memory_space<vmem>>, vector<16xf32>,
      %add3A_285 = vector.broadcast %scan3A_281 : i32 to vector<16xi32>
      %add3A_286 = arith.addi %iota3A, %add3A_285 : vector<16xi32>
      %and3A_287 = arith.constant 15 : i32
      %and3A_288 = vector.broadcast %and3A_287 : i32 to vector<16xi32>
      %and3A_289 = arith.andi %add3A_286, %and3A_288 : vector<16xi32>
      %mul3A_290 = arith.constant 16 : i32
      %mul3A_291 = arith.muli %scan3A_281, %mul3A_290 : i32
      %add3A_292 = arith.constant 0 : i32
      %add3A_293 = arith.addi %mul3A_291, %add3A_292 : i32
      %mul3A_294 = arith.constant 16 : i32
      %mul3A_295 = arith.muli %add3A_293, %mul3A_294 : i32
      %get3A_296 = arith.index_cast %mul3A_295 : i32 to index
      %get3A_297 = tpu.vector_load %arg7[%get3A_296] {strides = array<i32>} : memref<6656xf32, #tpu.memory_space<vmem>>, vector<16xf32>,
      %pack3A = tpu.pack_subelements %get3A_284, %get3A_297 {pack_format = #tpu.pack_format<interleaved>, positions = array<i32: 0, 1>} : vector<16xf32>, vector<16xf32> -> vector<32xbf16>
      %bitcast3A = vector.bitcast %pack3A : vector<32xbf16> to vector<16xi32>
      %add3A_298 = vector.broadcast %mul3A_295 : i32 to vector<16xi32>
      %add3A_299 = arith.addi %and3A_289, %add3A_298 : vector<16xi32>
      tpu.vector_store_idx %arg9[%add3A_299], %bitcast3A : memref<6656xi32, #tpu.memory_space<vmem>>[vector<16xi32>], vector<16xi32>,
      %add3A_300 = arith.addf %get3A_284, %get3A_297 : vector<16xf32>
      %mul3A_301 = arith.constant 16 : i32
      %mul3A_302 = arith.muli %scan3A_281, %mul3A_301 : i32
      %add3A_303 = arith.constant 1 : i32
      %add3A_304 = arith.addi %mul3A_302, %add3A_303 : i32
      %mul3A_305 = arith.constant 16 : i32
      %mul3A_306 = arith.muli %add3A_304, %mul3A_305 : i32
      %get3A_307 = arith.index_cast %mul3A_306 : i32 to index
      %get3A_308 = tpu.vector_load %arg7[%get3A_307] {strides = array<i32>} : memref<6656xf32, #tpu.memory_space<vmem>>, vector<16xf32>,
      %pack3A_309 = tpu.pack_subelements %add3A_300, %get3A_308 {pack_format = #tpu.pack_format<interleaved>, positions = array<i32: 0, 1>} : vector<16xf32>, vector<16xf32> -> vector<32xbf16>
      %bitcast3A_310 = vector.bitcast %pack3A_309 : vector<32xbf16> to vector<16xi32>
      %add3A_311 = vector.broadcast %mul3A_306 : i32 to vector<16xi32>
      %add3A_312 = arith.addi %and3A_289, %add3A_311 : vector<16xi32>
      tpu.vector_store_idx %arg9[%add3A_312], %bitcast3A_310 : memref<6656xi32, #tpu.memory_space<vmem>>[vector<16xi32>], vector<16xi32>,
      %add3A_313 = arith.addf %add3A_300, %get3A_308 : vector<16xf32>
      %mul3A_314 = arith.constant 16 : i32
      %mul3A_315 = arith.muli %scan3A_281, %mul3A_314 : i32
      %add3A_316 = arith.constant 2 : i32
      %add3A_317 = arith.addi %mul3A_315, %add3A_316 : i32
      %mul3A_318 = arith.constant 16 : i32
      %mul3A_319 = arith.muli %add3A_317, %mul3A_318 : i32
      %get3A_320 = arith.index_cast %mul3A_319 : i32 to index
      %get3A_321 = tpu.vector_load %arg7[%get3A_320] {strides = array<i32>} : memref<6656xf32, #tpu.memory_space<vmem>>, vector<16xf32>,
      %pack3A_322 = tpu.pack_subelements %add3A_313, %get3A_321 {pack_format = #tpu.pack_format<interleaved>, positions = array<i32: 0, 1>} : vector<16xf32>, vector<16xf32> -> vector<32xbf16>
      %bitcast3A_323 = vector.bitcast %pack3A_322 : vector<32xbf16> to vector<16xi32>
      %add3A_324 = vector.broadcast %mul3A_319 : i32 to vector<16xi32>
      %add3A_325 = arith.addi %and3A_289, %add3A_324 : vector<16xi32>
      tpu.vector_store_idx %arg9[%add3A_325], %bitcast3A_323 : memref<6656xi32, #tpu.memory_space<vmem>>[vector<16xi32>], vector<16xi32>,
      %add3A_326 = arith.addf %add3A_313, %get3A_321 : vector<16xf32>
      %mul3A_327 = arith.constant 16 : i32
      %mul3A_328 = arith.muli %scan3A_281, %mul3A_327 : i32
      %add3A_329 = arith.constant 3 : i32
      %add3A_330 = arith.addi %mul3A_328, %add3A_329 : i32
      %mul3A_331 = arith.constant 16 : i32
      %mul3A_332 = arith.muli %add3A_330, %mul3A_331 : i32
      %get3A_333 = arith.index_cast %mul3A_332 : i32 to index
      %get3A_334 = tpu.vector_load %arg7[%get3A_333] {strides = array<i32>} : memref<6656xf32, #tpu.memory_space<vmem>>, vector<16xf32>,
      %pack3A_335 = tpu.pack_subelements %add3A_326, %get3A_334 {pack_format = #tpu.pack_format<interleaved>, positions = array<i32: 0, 1>} : vector<16xf32>, vector<16xf32> -> vector<32xbf16>
      %bitcast3A_336 = vector.bitcast %pack3A_335 : vector<32xbf16> to vector<16xi32>
      %add3A_337 = vector.broadcast %mul3A_332 : i32 to vector<16xi32>
      %add3A_338 = arith.addi %and3A_289, %add3A_337 : vector<16xi32>
      tpu.vector_store_idx %arg9[%add3A_338], %bitcast3A_336 : memref<6656xi32, #tpu.memory_space<vmem>>[vector<16xi32>], vector<16xi32>,
      %add3A_339 = arith.addf %add3A_326, %get3A_334 : vector<16xf32>
      %mul3A_340 = arith.constant 16 : i32
      %mul3A_341 = arith.muli %scan3A_281, %mul3A_340 : i32
      %add3A_342 = arith.constant 4 : i32
      %add3A_343 = arith.addi %mul3A_341, %add3A_342 : i32
      %mul3A_344 = arith.constant 16 : i32
      %mul3A_345 = arith.muli %add3A_343, %mul3A_344 : i32
      %get3A_346 = arith.index_cast %mul3A_345 : i32 to index
      %get3A_347 = tpu.vector_load %arg7[%get3A_346] {strides = array<i32>} : memref<6656xf32, #tpu.memory_space<vmem>>, vector<16xf32>,
      %pack3A_348 = tpu.pack_subelements %add3A_339, %get3A_347 {pack_format = #tpu.pack_format<interleaved>, positions = array<i32: 0, 1>} : vector<16xf32>, vector<16xf32> -> vector<32xbf16>
      %bitcast3A_349 = vector.bitcast %pack3A_348 : vector<32xbf16> to vector<16xi32>
      %add3A_350 = vector.broadcast %mul3A_345 : i32 to vector<16xi32>
      %add3A_351 = arith.addi %and3A_289, %add3A_350 : vector<16xi32>
      tpu.vector_store_idx %arg9[%add3A_351], %bitcast3A_349 : memref<6656xi32, #tpu.memory_space<vmem>>[vector<16xi32>], vector<16xi32>,
      %add3A_352 = arith.addf %add3A_339, %get3A_347 : vector<16xf32>
      %mul3A_353 = arith.constant 16 : i32
      %mul3A_354 = arith.muli %scan3A_281, %mul3A_353 : i32
      %add3A_355 = arith.constant 5 : i32
      %add3A_356 = arith.addi %mul3A_354, %add3A_355 : i32
      %mul3A_357 = arith.constant 16 : i32
      %mul3A_358 = arith.muli %add3A_356, %mul3A_357 : i32
      %get3A_359 = arith.index_cast %mul3A_358 : i32 to index
      %get3A_360 = tpu.vector_load %arg7[%get3A_359] {strides = array<i32>} : memref<6656xf32, #tpu.memory_space<vmem>>, vector<16xf32>,
      %pack3A_361 = tpu.pack_subelements %add3A_352, %get3A_360 {pack_format = #tpu.pack_format<interleaved>, positions = array<i32: 0, 1>} : vector<16xf32>, vector<16xf32> -> vector<32xbf16>
      %bitcast3A_362 = vector.bitcast %pack3A_361 : vector<32xbf16> to vector<16xi32>
      %add3A_363 = vector.broadcast %mul3A_358 : i32 to vector<16xi32>
      %add3A_364 = arith.addi %and3A_289, %add3A_363 : vector<16xi32>
      tpu.vector_store_idx %arg9[%add3A_364], %bitcast3A_362 : memref<6656xi32, #tpu.memory_space<vmem>>[vector<16xi32>], vector<16xi32>,
      %add3A_365 = arith.addf %add3A_352, %get3A_360 : vector<16xf32>
      %mul3A_366 = arith.constant 16 : i32
      %mul3A_367 = arith.muli %scan3A_281, %mul3A_366 : i32
      %add3A_368 = arith.constant 6 : i32
      %add3A_369 = arith.addi %mul3A_367, %add3A_368 : i32
      %mul3A_370 = arith.constant 16 : i32
      %mul3A_371 = arith.muli %add3A_369, %mul3A_370 : i32
      %get3A_372 = arith.index_cast %mul3A_371 : i32 to index
      %get3A_373 = tpu.vector_load %arg7[%get3A_372] {strides = array<i32>} : memref<6656xf32, #tpu.memory_space<vmem>>, vector<16xf32>,
      %pack3A_374 = tpu.pack_subelements %add3A_365, %get3A_373 {pack_format = #tpu.pack_format<interleaved>, positions = array<i32: 0, 1>} : vector<16xf32>, vector<16xf32> -> vector<32xbf16>
      %bitcast3A_375 = vector.bitcast %pack3A_374 : vector<32xbf16> to vector<16xi32>
      %add3A_376 = vector.broadcast %mul3A_371 : i32 to vector<16xi32>
      %add3A_377 = arith.addi %and3A_289, %add3A_376 : vector<16xi32>
      tpu.vector_store_idx %arg9[%add3A_377], %bitcast3A_375 : memref<6656xi32, #tpu.memory_space<vmem>>[vector<16xi32>], vector<16xi32>,
      %add3A_378 = arith.addf %add3A_365, %get3A_373 : vector<16xf32>
      %mul3A_379 = arith.constant 16 : i32
      %mul3A_380 = arith.muli %scan3A_281, %mul3A_379 : i32
      %add3A_381 = arith.constant 7 : i32
      %add3A_382 = arith.addi %mul3A_380, %add3A_381 : i32
      %mul3A_383 = arith.constant 16 : i32
      %mul3A_384 = arith.muli %add3A_382, %mul3A_383 : i32
      %get3A_385 = arith.index_cast %mul3A_384 : i32 to index
      %get3A_386 = tpu.vector_load %arg7[%get3A_385] {strides = array<i32>} : memref<6656xf32, #tpu.memory_space<vmem>>, vector<16xf32>,
      %pack3A_387 = tpu.pack_subelements %add3A_378, %get3A_386 {pack_format = #tpu.pack_format<interleaved>, positions = array<i32: 0, 1>} : vector<16xf32>, vector<16xf32> -> vector<32xbf16>
      %bitcast3A_388 = vector.bitcast %pack3A_387 : vector<32xbf16> to vector<16xi32>
      %add3A_389 = vector.broadcast %mul3A_384 : i32 to vector<16xi32>
      %add3A_390 = arith.addi %and3A_289, %add3A_389 : vector<16xi32>
      tpu.vector_store_idx %arg9[%add3A_390], %bitcast3A_388 : memref<6656xi32, #tpu.memory_space<vmem>>[vector<16xi32>], vector<16xi32>,
      %add3A_391 = arith.addf %add3A_378, %get3A_386 : vector<16xf32>
      %mul3A_392 = arith.constant 16 : i32
      %mul3A_393 = arith.muli %scan3A_281, %mul3A_392 : i32
      %add3A_394 = arith.constant 8 : i32
      %add3A_395 = arith.addi %mul3A_393, %add3A_394 : i32
      %mul3A_396 = arith.constant 16 : i32
      %mul3A_397 = arith.muli %add3A_395, %mul3A_396 : i32
      %get3A_398 = arith.index_cast %mul3A_397 : i32 to index
      %get3A_399 = tpu.vector_load %arg7[%get3A_398] {strides = array<i32>} : memref<6656xf32, #tpu.memory_space<vmem>>, vector<16xf32>,
      %pack3A_400 = tpu.pack_subelements %add3A_391, %get3A_399 {pack_format = #tpu.pack_format<interleaved>, positions = array<i32: 0, 1>} : vector<16xf32>, vector<16xf32> -> vector<32xbf16>
      %bitcast3A_401 = vector.bitcast %pack3A_400 : vector<32xbf16> to vector<16xi32>
      %add3A_402 = vector.broadcast %mul3A_397 : i32 to vector<16xi32>
      %add3A_403 = arith.addi %and3A_289, %add3A_402 : vector<16xi32>
      tpu.vector_store_idx %arg9[%add3A_403], %bitcast3A_401 : memref<6656xi32, #tpu.memory_space<vmem>>[vector<16xi32>], vector<16xi32>,
      %add3A_404 = arith.addf %add3A_391, %get3A_399 : vector<16xf32>
      %mul3A_405 = arith.constant 16 : i32
      %mul3A_406 = arith.muli %scan3A_281, %mul3A_405 : i32
      %add3A_407 = arith.constant 9 : i32
      %add3A_408 = arith.addi %mul3A_406, %add3A_407 : i32
      %mul3A_409 = arith.constant 16 : i32
      %mul3A_410 = arith.muli %add3A_408, %mul3A_409 : i32
      %get3A_411 = arith.index_cast %mul3A_410 : i32 to index
      %get3A_412 = tpu.vector_load %arg7[%get3A_411] {strides = array<i32>} : memref<6656xf32, #tpu.memory_space<vmem>>, vector<16xf32>,
      %pack3A_413 = tpu.pack_subelements %add3A_404, %get3A_412 {pack_format = #tpu.pack_format<interleaved>, positions = array<i32: 0, 1>} : vector<16xf32>, vector<16xf32> -> vector<32xbf16>
      %bitcast3A_414 = vector.bitcast %pack3A_413 : vector<32xbf16> to vector<16xi32>
      %add3A_415 = vector.broadcast %mul3A_410 : i32 to vector<16xi32>
      %add3A_416 = arith.addi %and3A_289, %add3A_415 : vector<16xi32>
      tpu.vector_store_idx %arg9[%add3A_416], %bitcast3A_414 : memref<6656xi32, #tpu.memory_space<vmem>>[vector<16xi32>], vector<16xi32>,
      %add3A_417 = arith.addf %add3A_404, %get3A_412 : vector<16xf32>
      %mul3A_418 = arith.constant 16 : i32
      %mul3A_419 = arith.muli %scan3A_281, %mul3A_418 : i32
      %add3A_420 = arith.constant 10 : i32
      %add3A_421 = arith.addi %mul3A_419, %add3A_420 : i32
      %mul3A_422 = arith.constant 16 : i32
      %mul3A_423 = arith.muli %add3A_421, %mul3A_422 : i32
      %get3A_424 = arith.index_cast %mul3A_423 : i32 to index
      %get3A_425 = tpu.vector_load %arg7[%get3A_424] {strides = array<i32>} : memref<6656xf32, #tpu.memory_space<vmem>>, vector<16xf32>,
      %pack3A_426 = tpu.pack_subelements %add3A_417, %get3A_425 {pack_format = #tpu.pack_format<interleaved>, positions = array<i32: 0, 1>} : vector<16xf32>, vector<16xf32> -> vector<32xbf16>
      %bitcast3A_427 = vector.bitcast %pack3A_426 : vector<32xbf16> to vector<16xi32>
      %add3A_428 = vector.broadcast %mul3A_423 : i32 to vector<16xi32>
      %add3A_429 = arith.addi %and3A_289, %add3A_428 : vector<16xi32>
      tpu.vector_store_idx %arg9[%add3A_429], %bitcast3A_427 : memref<6656xi32, #tpu.memory_space<vmem>>[vector<16xi32>], vector<16xi32>,
      %add3A_430 = arith.addf %add3A_417, %get3A_425 : vector<16xf32>
      %mul3A_431 = arith.constant 16 : i32
      %mul3A_432 = arith.muli %scan3A_281, %mul3A_431 : i32
      %add3A_433 = arith.constant 11 : i32
      %add3A_434 = arith.addi %mul3A_432, %add3A_433 : i32
      %mul3A_435 = arith.constant 16 : i32
      %mul3A_436 = arith.muli %add3A_434, %mul3A_435 : i32
      %get3A_437 = arith.index_cast %mul3A_436 : i32 to index
      %get3A_438 = tpu.vector_load %arg7[%get3A_437] {strides = array<i32>} : memref<6656xf32, #tpu.memory_space<vmem>>, vector<16xf32>,
      %pack3A_439 = tpu.pack_subelements %add3A_430, %get3A_438 {pack_format = #tpu.pack_format<interleaved>, positions = array<i32: 0, 1>} : vector<16xf32>, vector<16xf32> -> vector<32xbf16>
      %bitcast3A_440 = vector.bitcast %pack3A_439 : vector<32xbf16> to vector<16xi32>
      %add3A_441 = vector.broadcast %mul3A_436 : i32 to vector<16xi32>
      %add3A_442 = arith.addi %and3A_289, %add3A_441 : vector<16xi32>
      tpu.vector_store_idx %arg9[%add3A_442], %bitcast3A_440 : memref<6656xi32, #tpu.memory_space<vmem>>[vector<16xi32>], vector<16xi32>,
      %add3A_443 = arith.addf %add3A_430, %get3A_438 : vector<16xf32>
      %mul3A_444 = arith.constant 16 : i32
      %mul3A_445 = arith.muli %scan3A_281, %mul3A_444 : i32
      %add3A_446 = arith.constant 12 : i32
      %add3A_447 = arith.addi %mul3A_445, %add3A_446 : i32
      %mul3A_448 = arith.constant 16 : i32
      %mul3A_449 = arith.muli %add3A_447, %mul3A_448 : i32
      %get3A_450 = arith.index_cast %mul3A_449 : i32 to index
      %get3A_451 = tpu.vector_load %arg7[%get3A_450] {strides = array<i32>} : memref<6656xf32, #tpu.memory_space<vmem>>, vector<16xf32>,
      %pack3A_452 = tpu.pack_subelements %add3A_443, %get3A_451 {pack_format = #tpu.pack_format<interleaved>, positions = array<i32: 0, 1>} : vector<16xf32>, vector<16xf32> -> vector<32xbf16>
      %bitcast3A_453 = vector.bitcast %pack3A_452 : vector<32xbf16> to vector<16xi32>
      %add3A_454 = vector.broadcast %mul3A_449 : i32 to vector<16xi32>
      %add3A_455 = arith.addi %and3A_289, %add3A_454 : vector<16xi32>
      tpu.vector_store_idx %arg9[%add3A_455], %bitcast3A_453 : memref<6656xi32, #tpu.memory_space<vmem>>[vector<16xi32>], vector<16xi32>,
      %add3A_456 = arith.addf %add3A_443, %get3A_451 : vector<16xf32>
      %mul3A_457 = arith.constant 16 : i32
      %mul3A_458 = arith.muli %scan3A_281, %mul3A_457 : i32
      %add3A_459 = arith.constant 13 : i32
      %add3A_460 = arith.addi %mul3A_458, %add3A_459 : i32
      %mul3A_461 = arith.constant 16 : i32
      %mul3A_462 = arith.muli %add3A_460, %mul3A_461 : i32
      %get3A_463 = arith.index_cast %mul3A_462 : i32 to index
      %get3A_464 = tpu.vector_load %arg7[%get3A_463] {strides = array<i32>} : memref<6656xf32, #tpu.memory_space<vmem>>, vector<16xf32>,
      %pack3A_465 = tpu.pack_subelements %add3A_456, %get3A_464 {pack_format = #tpu.pack_format<interleaved>, positions = array<i32: 0, 1>} : vector<16xf32>, vector<16xf32> -> vector<32xbf16>
      %bitcast3A_466 = vector.bitcast %pack3A_465 : vector<32xbf16> to vector<16xi32>
      %add3A_467 = vector.broadcast %mul3A_462 : i32 to vector<16xi32>
      %add3A_468 = arith.addi %and3A_289, %add3A_467 : vector<16xi32>
      tpu.vector_store_idx %arg9[%add3A_468], %bitcast3A_466 : memref<6656xi32, #tpu.memory_space<vmem>>[vector<16xi32>], vector<16xi32>,
      %add3A_469 = arith.addf %add3A_456, %get3A_464 : vector<16xf32>
      %mul3A_470 = arith.constant 16 : i32
      %mul3A_471 = arith.muli %scan3A_281, %mul3A_470 : i32
      %add3A_472 = arith.constant 14 : i32
      %add3A_473 = arith.addi %mul3A_471, %add3A_472 : i32
      %mul3A_474 = arith.constant 16 : i32
      %mul3A_475 = arith.muli %add3A_473, %mul3A_474 : i32
      %get3A_476 = arith.index_cast %mul3A_475 : i32 to index
      %get3A_477 = tpu.vector_load %arg7[%get3A_476] {strides = array<i32>} : memref<6656xf32, #tpu.memory_space<vmem>>, vector<16xf32>,
      %pack3A_478 = tpu.pack_subelements %add3A_469, %get3A_477 {pack_format = #tpu.pack_format<interleaved>, positions = array<i32: 0, 1>} : vector<16xf32>, vector<16xf32> -> vector<32xbf16>
      %bitcast3A_479 = vector.bitcast %pack3A_478 : vector<32xbf16> to vector<16xi32>
      %add3A_480 = vector.broadcast %mul3A_475 : i32 to vector<16xi32>
      %add3A_481 = arith.addi %and3A_289, %add3A_480 : vector<16xi32>
      tpu.vector_store_idx %arg9[%add3A_481], %bitcast3A_479 : memref<6656xi32, #tpu.memory_space<vmem>>[vector<16xi32>], vector<16xi32>,
      %add3A_482 = arith.addf %add3A_469, %get3A_477 : vector<16xf32>
      %mul3A_483 = arith.constant 16 : i32
      %mul3A_484 = arith.muli %scan3A_281, %mul3A_483 : i32
      %add3A_485 = arith.constant 15 : i32
      %add3A_486 = arith.addi %mul3A_484, %add3A_485 : i32
      %mul3A_487 = arith.constant 16 : i32
      %mul3A_488 = arith.muli %add3A_486, %mul3A_487 : i32
      %get3A_489 = arith.index_cast %mul3A_488 : i32 to index
      %get3A_490 = tpu.vector_load %arg7[%get3A_489] {strides = array<i32>} : memref<6656xf32, #tpu.memory_space<vmem>>, vector<16xf32>,
      %pack3A_491 = tpu.pack_subelements %add3A_482, %get3A_490 {pack_format = #tpu.pack_format<interleaved>, positions = array<i32: 0, 1>} : vector<16xf32>, vector<16xf32> -> vector<32xbf16>
      %bitcast3A_492 = vector.bitcast %pack3A_491 : vector<32xbf16> to vector<16xi32>
      %add3A_493 = vector.broadcast %mul3A_488 : i32 to vector<16xi32>
      %add3A_494 = arith.addi %and3A_289, %add3A_493 : vector<16xi32>
      tpu.vector_store_idx %arg9[%add3A_494], %bitcast3A_492 : memref<6656xi32, #tpu.memory_space<vmem>>[vector<16xi32>], vector<16xi32>,
      %add3A_495 = arith.addf %add3A_482, %get3A_490 : vector<16xf32>
    }
    %scan3A_8 = arith.constant 26 : i32
    %dma_wait3A = tpu.memref_slice %arg2[%mul3A_2] : memref<425984xf32, #tpu.memory_space<hbm>> -> memref<13312xf32, #tpu.memory_space<hbm>>
    %dma_wait3A_9 = tpu.memref_slice %arg2[%mul3A_2] : memref<425984xf32, #tpu.memory_space<hbm>> -> memref<13312xf32, #tpu.memory_space<hbm>>
    tpu.wait_dma2 semaphore(%arg14 : memref<!tpu.dma_semaphore, #tpu.memory_space<semaphore_mem>>) src(%dma_wait3A_9 : memref<13312xf32, #tpu.memory_space<hbm>>) dst(%arg6 : memref<13312xf32, #tpu.memory_space<vmem>>)
    %parallel_loop3A = arith.constant 0 : i32
    %parallel_loop3A_10 = arith.constant 832 : i32
    %parallel_loop3A_11 = arith.constant 1 : i32
    scf.for %parallel_loop3A_281 = %parallel_loop3A to %parallel_loop3A_10 step %parallel_loop3A_11  : i32 {
      %parallel_loop3A_282 = arith.constant 16 : i32
      %parallel_loop3A_283 = arith.muli %parallel_loop3A_281, %parallel_loop3A_282 : i32
      %parallel_loop3A_284 = arith.index_cast %parallel_loop3A_283 : i32 to index
      %parallel_loop3A_285 = tpu.vector_load %arg6[%parallel_loop3A_284] {strides = array<i32>} : memref<13312xf32, #tpu.memory_space<vmem>>, vector<16xf32>,
      %parallel_loop3A_286 = arith.addi %mul3A_2, %parallel_loop3A_283 : i32
      %parallel_loop3A_287 = vector.broadcast %parallel_loop3A_286 : i32 to vector<16xi32>
      %parallel_loop3A_288 = arith.addi %parallel_loop3A_287, %iota3A : vector<16xi32>
      %parallel_loop3A_289 = arith.constant 26 : i32
      %parallel_loop3A_290 = vector.broadcast %parallel_loop3A_289 : i32 to vector<16xi32>
      %parallel_loop3A_291 = arith.remsi %parallel_loop3A_288, %parallel_loop3A_290 : vector<16xi32>
      %parallel_loop3A_292 = arith.constant 1.600000e+01 : f32
      %parallel_loop3A_293 = vector.broadcast %parallel_loop3A_292 : f32 to vector<16xf32>
      %parallel_loop3A_294 = arith.mulf %parallel_loop3A_285, %parallel_loop3A_293 : vector<16xf32>
      %parallel_loop3A_295 = arith.fptosi %parallel_loop3A_294 : vector<16xf32> to vector<16xi32>
      %parallel_loop3A_296 = arith.constant 15 : i32
      %parallel_loop3A_297 = vector.broadcast %parallel_loop3A_296 : i32 to vector<16xi32>
      %parallel_loop3A_298 = arith.minsi %parallel_loop3A_295, %parallel_loop3A_297 : vector<16xi32>
      %parallel_loop3A_299 = arith.sitofp %parallel_loop3A_298 : vector<16xi32> to vector<16xf32>
      %parallel_loop3A_300 = arith.constant 6.250000e-02 : f32
      %parallel_loop3A_301 = vector.broadcast %parallel_loop3A_300 : f32 to vector<16xf32>
      %parallel_loop3A_302 = arith.mulf %parallel_loop3A_299, %parallel_loop3A_301 : vector<16xf32>
      %parallel_loop3A_303 = arith.subf %parallel_loop3A_285, %parallel_loop3A_302 : vector<16xf32>
      %parallel_loop3A_304 = arith.constant 15.9999971 : f32
      %parallel_loop3A_305 = vector.broadcast %parallel_loop3A_304 : f32 to vector<16xf32>
      %parallel_loop3A_306 = arith.mulf %parallel_loop3A_303, %parallel_loop3A_305 : vector<16xf32>
      %parallel_loop3A_307 = arith.constant 16 : i32
      %parallel_loop3A_308 = vector.broadcast %parallel_loop3A_307 : i32 to vector<16xi32>
      %parallel_loop3A_309 = arith.muli %parallel_loop3A_291, %parallel_loop3A_308 : vector<16xi32>
      %parallel_loop3A_310 = arith.addi %parallel_loop3A_309, %parallel_loop3A_298 : vector<16xi32>
      %parallel_loop3A_311 = arith.constant 16 : i32
      %parallel_loop3A_312 = vector.broadcast %parallel_loop3A_311 : i32 to vector<16xi32>
      %parallel_loop3A_313 = arith.muli %parallel_loop3A_310, %parallel_loop3A_312 : vector<16xi32>
      %parallel_loop3A_314 = arith.constant 15 : i32
      %parallel_loop3A_315 = vector.broadcast %parallel_loop3A_314 : i32 to vector<16xi32>
      %parallel_loop3A_316 = arith.andi %parallel_loop3A_291, %parallel_loop3A_315 : vector<16xi32>
      %parallel_loop3A_317 = arith.addi %parallel_loop3A_313, %parallel_loop3A_316 : vector<16xi32>
      %parallel_loop3A_318 = arith.index_cast %parallel_loop3A_283 : i32 to index
      %parallel_loop3A_319 = tpu.vector_load %arg10[%parallel_loop3A_318] {strides = array<i32>} : memref<13312xi32, #tpu.memory_space<vmem>>, vector<16xi32>,
      tpu.vector_store %arg10[%parallel_loop3A_318], %parallel_loop3A_317 {strides = array<i32>} : memref<13312xi32, #tpu.memory_space<vmem>>, vector<16xi32>,
      %parallel_loop3A_320 = arith.index_cast %parallel_loop3A_283 : i32 to index
      %parallel_loop3A_321 = tpu.vector_load %arg11[%parallel_loop3A_320] {strides = array<i32>} : memref<13312xf32, #tpu.memory_space<vmem>>, vector<16xf32>,
      tpu.vector_store %arg11[%parallel_loop3A_320], %parallel_loop3A_306 {strides = array<i32>} : memref<13312xf32, #tpu.memory_space<vmem>>, vector<16xf32>,
    } {sc.loop_unroll_factor = 4 : i64, sc.parallel_access}
    %add3A_12 = arith.constant 0 : i32
    %add3A_13 = vector.broadcast %add3A_12 : i32 to vector<16xi32>
    %add3A_14 = arith.addi %iota3A, %add3A_13 : vector<16xi32>
    %and3A = arith.constant 15 : i32
    %and3A_15 = vector.broadcast %and3A : i32 to vector<16xi32>
    %and3A_16 = arith.andi %add3A_14, %and3A_15 : vector<16xi32>
    %add3A_17 = arith.constant 1 : i32
    %add3A_18 = vector.broadcast %add3A_17 : i32 to vector<16xi32>
    %add3A_19 = arith.addi %iota3A, %add3A_18 : vector<16xi32>
    %and3A_20 = arith.constant 15 : i32
    %and3A_21 = vector.broadcast %and3A_20 : i32 to vector<16xi32>
    %and3A_22 = arith.andi %add3A_19, %and3A_21 : vector<16xi32>
    %add3A_23 = arith.constant 2 : i32
    %add3A_24 = vector.broadcast %add3A_23 : i32 to vector<16xi32>
    %add3A_25 = arith.addi %iota3A, %add3A_24 : vector<16xi32>
    %and3A_26 = arith.constant 15 : i32
    %and3A_27 = vector.broadcast %and3A_26 : i32 to vector<16xi32>
    %and3A_28 = arith.andi %add3A_25, %and3A_27 : vector<16xi32>
    %add3A_29 = arith.constant 3 : i32
    %add3A_30 = vector.broadcast %add3A_29 : i32 to vector<16xi32>
    %add3A_31 = arith.addi %iota3A, %add3A_30 : vector<16xi32>
    %and3A_32 = arith.constant 15 : i32
    %and3A_33 = vector.broadcast %and3A_32 : i32 to vector<16xi32>
    %and3A_34 = arith.andi %add3A_31, %and3A_33 : vector<16xi32>
    %add3A_35 = arith.constant 4 : i32
    %add3A_36 = vector.broadcast %add3A_35 : i32 to vector<16xi32>
    %add3A_37 = arith.addi %iota3A, %add3A_36 : vector<16xi32>
    %and3A_38 = arith.constant 15 : i32
    %and3A_39 = vector.broadcast %and3A_38 : i32 to vector<16xi32>
    %and3A_40 = arith.andi %add3A_37, %and3A_39 : vector<16xi32>
    %add3A_41 = arith.constant 5 : i32
    %add3A_42 = vector.broadcast %add3A_41 : i32 to vector<16xi32>
    %add3A_43 = arith.addi %iota3A, %add3A_42 : vector<16xi32>
    %and3A_44 = arith.constant 15 : i32
    %and3A_45 = vector.broadcast %and3A_44 : i32 to vector<16xi32>
    %and3A_46 = arith.andi %add3A_43, %and3A_45 : vector<16xi32>
    %add3A_47 = arith.constant 6 : i32
    %add3A_48 = vector.broadcast %add3A_47 : i32 to vector<16xi32>
    %add3A_49 = arith.addi %iota3A, %add3A_48 : vector<16xi32>
    %and3A_50 = arith.constant 15 : i32
    %and3A_51 = vector.broadcast %and3A_50 : i32 to vector<16xi32>
    %and3A_52 = arith.andi %add3A_49, %and3A_51 : vector<16xi32>
    %add3A_53 = arith.constant 7 : i32
    %add3A_54 = vector.broadcast %add3A_53 : i32 to vector<16xi32>
    %add3A_55 = arith.addi %iota3A, %add3A_54 : vector<16xi32>
    %and3A_56 = arith.constant 15 : i32
    %and3A_57 = vector.broadcast %and3A_56 : i32 to vector<16xi32>
    %and3A_58 = arith.andi %add3A_55, %and3A_57 : vector<16xi32>
    %add3A_59 = arith.constant 8 : i32
    %add3A_60 = vector.broadcast %add3A_59 : i32 to vector<16xi32>
    %add3A_61 = arith.addi %iota3A, %add3A_60 : vector<16xi32>
    %and3A_62 = arith.constant 15 : i32
    %and3A_63 = vector.broadcast %and3A_62 : i32 to vector<16xi32>
    %and3A_64 = arith.andi %add3A_61, %and3A_63 : vector<16xi32>
    %add3A_65 = arith.constant 9 : i32
    %add3A_66 = vector.broadcast %add3A_65 : i32 to vector<16xi32>
    %add3A_67 = arith.addi %iota3A, %add3A_66 : vector<16xi32>
    %and3A_68 = arith.constant 15 : i32
    %and3A_69 = vector.broadcast %and3A_68 : i32 to vector<16xi32>
    %and3A_70 = arith.andi %add3A_67, %and3A_69 : vector<16xi32>
    %add3A_71 = arith.constant 10 : i32
    %add3A_72 = vector.broadcast %add3A_71 : i32 to vector<16xi32>
    %add3A_73 = arith.addi %iota3A, %add3A_72 : vector<16xi32>
    %and3A_74 = arith.constant 15 : i32
    %and3A_75 = vector.broadcast %and3A_74 : i32 to vector<16xi32>
    %and3A_76 = arith.andi %add3A_73, %and3A_75 : vector<16xi32>
    %add3A_77 = arith.constant 11 : i32
    %add3A_78 = vector.broadcast %add3A_77 : i32 to vector<16xi32>
    %add3A_79 = arith.addi %iota3A, %add3A_78 : vector<16xi32>
    %and3A_80 = arith.constant 15 : i32
    %and3A_81 = vector.broadcast %and3A_80 : i32 to vector<16xi32>
    %and3A_82 = arith.andi %add3A_79, %and3A_81 : vector<16xi32>
    %add3A_83 = arith.constant 12 : i32
    %add3A_84 = vector.broadcast %add3A_83 : i32 to vector<16xi32>
    %add3A_85 = arith.addi %iota3A, %add3A_84 : vector<16xi32>
    %and3A_86 = arith.constant 15 : i32
    %and3A_87 = vector.broadcast %and3A_86 : i32 to vector<16xi32>
    %and3A_88 = arith.andi %add3A_85, %and3A_87 : vector<16xi32>
    %add3A_89 = arith.constant 13 : i32
    %add3A_90 = vector.broadcast %add3A_89 : i32 to vector<16xi32>
    %add3A_91 = arith.addi %iota3A, %add3A_90 : vector<16xi32>
    %and3A_92 = arith.constant 15 : i32
    %and3A_93 = vector.broadcast %and3A_92 : i32 to vector<16xi32>
    %and3A_94 = arith.andi %add3A_91, %and3A_93 : vector<16xi32>
    %add3A_95 = arith.constant 14 : i32
    %add3A_96 = vector.broadcast %add3A_95 : i32 to vector<16xi32>
    %add3A_97 = arith.addi %iota3A, %add3A_96 : vector<16xi32>
    %and3A_98 = arith.constant 15 : i32
    %and3A_99 = vector.broadcast %and3A_98 : i32 to vector<16xi32>
    %and3A_100 = arith.andi %add3A_97, %and3A_99 : vector<16xi32>
    %add3A_101 = arith.constant 15 : i32
    %add3A_102 = vector.broadcast %add3A_101 : i32 to vector<16xi32>
    %add3A_103 = arith.addi %iota3A, %add3A_102 : vector<16xi32>
    %and3A_104 = arith.constant 15 : i32
    %and3A_105 = vector.broadcast %and3A_104 : i32 to vector<16xi32>
    %and3A_106 = arith.andi %add3A_103, %and3A_105 : vector<16xi32>
    %mul3A_107 = arith.constant 16 : i32
    %mul3A_108 = vector.broadcast %mul3A_107 : i32 to vector<16xi32>
    %mul3A_109 = arith.muli %iota3A, %mul3A_108 : vector<16xi32>
    %add3A_110 = arith.constant 0 : i32
    %add3A_111 = vector.broadcast %add3A_110 : i32 to vector<16xi32>
    %add3A_112 = arith.addi %add3A_111, %iota3A : vector<16xi32>
    %and3A_113 = arith.constant 15 : i32
    %and3A_114 = vector.broadcast %and3A_113 : i32 to vector<16xi32>
    %and3A_115 = arith.andi %add3A_112, %and3A_114 : vector<16xi32>
    %add3A_116 = arith.addi %mul3A_109, %and3A_115 : vector<16xi32>
    %mul3A_117 = arith.constant 16 : i32
    %mul3A_118 = vector.broadcast %mul3A_117 : i32 to vector<16xi32>
    %mul3A_119 = arith.muli %iota3A, %mul3A_118 : vector<16xi32>
    %add3A_120 = arith.constant 1 : i32
    %add3A_121 = vector.broadcast %add3A_120 : i32 to vector<16xi32>
    %add3A_122 = arith.addi %add3A_121, %iota3A : vector<16xi32>
    %and3A_123 = arith.constant 15 : i32
    %and3A_124 = vector.broadcast %and3A_123 : i32 to vector<16xi32>
    %and3A_125 = arith.andi %add3A_122, %and3A_124 : vector<16xi32>
    %add3A_126 = arith.addi %mul3A_119, %and3A_125 : vector<16xi32>
    %mul3A_127 = arith.constant 16 : i32
    %mul3A_128 = vector.broadcast %mul3A_127 : i32 to vector<16xi32>
    %mul3A_129 = arith.muli %iota3A, %mul3A_128 : vector<16xi32>
    %add3A_130 = arith.constant 2 : i32
    %add3A_131 = vector.broadcast %add3A_130 : i32 to vector<16xi32>
    %add3A_132 = arith.addi %add3A_131, %iota3A : vector<16xi32>
    %and3A_133 = arith.constant 15 : i32
    %and3A_134 = vector.broadcast %and3A_133 : i32 to vector<16xi32>
    %and3A_135 = arith.andi %add3A_132, %and3A_134 : vector<16xi32>
    %add3A_136 = arith.addi %mul3A_129, %and3A_135 : vector<16xi32>
    %mul3A_137 = arith.constant 16 : i32
    %mul3A_138 = vector.broadcast %mul3A_137 : i32 to vector<16xi32>
    %mul3A_139 = arith.muli %iota3A, %mul3A_138 : vector<16xi32>
    %add3A_140 = arith.constant 3 : i32
    %add3A_141 = vector.broadcast %add3A_140 : i32 to vector<16xi32>
    %add3A_142 = arith.addi %add3A_141, %iota3A : vector<16xi32>
    %and3A_143 = arith.constant 15 : i32
    %and3A_144 = vector.broadcast %and3A_143 : i32 to vector<16xi32>
    %and3A_145 = arith.andi %add3A_142, %and3A_144 : vector<16xi32>
    %add3A_146 = arith.addi %mul3A_139, %and3A_145 : vector<16xi32>
    %mul3A_147 = arith.constant 16 : i32
    %mul3A_148 = vector.broadcast %mul3A_147 : i32 to vector<16xi32>
    %mul3A_149 = arith.muli %iota3A, %mul3A_148 : vector<16xi32>
    %add3A_150 = arith.constant 4 : i32
    %add3A_151 = vector.broadcast %add3A_150 : i32 to vector<16xi32>
    %add3A_152 = arith.addi %add3A_151, %iota3A : vector<16xi32>
    %and3A_153 = arith.constant 15 : i32
    %and3A_154 = vector.broadcast %and3A_153 : i32 to vector<16xi32>
    %and3A_155 = arith.andi %add3A_152, %and3A_154 : vector<16xi32>
    %add3A_156 = arith.addi %mul3A_149, %and3A_155 : vector<16xi32>
    %mul3A_157 = arith.constant 16 : i32
    %mul3A_158 = vector.broadcast %mul3A_157 : i32 to vector<16xi32>
    %mul3A_159 = arith.muli %iota3A, %mul3A_158 : vector<16xi32>
    %add3A_160 = arith.constant 5 : i32
    %add3A_161 = vector.broadcast %add3A_160 : i32 to vector<16xi32>
    %add3A_162 = arith.addi %add3A_161, %iota3A : vector<16xi32>
    %and3A_163 = arith.constant 15 : i32
    %and3A_164 = vector.broadcast %and3A_163 : i32 to vector<16xi32>
    %and3A_165 = arith.andi %add3A_162, %and3A_164 : vector<16xi32>
    %add3A_166 = arith.addi %mul3A_159, %and3A_165 : vector<16xi32>
    %mul3A_167 = arith.constant 16 : i32
    %mul3A_168 = vector.broadcast %mul3A_167 : i32 to vector<16xi32>
    %mul3A_169 = arith.muli %iota3A, %mul3A_168 : vector<16xi32>
    %add3A_170 = arith.constant 6 : i32
    %add3A_171 = vector.broadcast %add3A_170 : i32 to vector<16xi32>
    %add3A_172 = arith.addi %add3A_171, %iota3A : vector<16xi32>
    %and3A_173 = arith.constant 15 : i32
    %and3A_174 = vector.broadcast %and3A_173 : i32 to vector<16xi32>
    %and3A_175 = arith.andi %add3A_172, %and3A_174 : vector<16xi32>
    %add3A_176 = arith.addi %mul3A_169, %and3A_175 : vector<16xi32>
    %mul3A_177 = arith.constant 16 : i32
    %mul3A_178 = vector.broadcast %mul3A_177 : i32 to vector<16xi32>
    %mul3A_179 = arith.muli %iota3A, %mul3A_178 : vector<16xi32>
    %add3A_180 = arith.constant 7 : i32
    %add3A_181 = vector.broadcast %add3A_180 : i32 to vector<16xi32>
    %add3A_182 = arith.addi %add3A_181, %iota3A : vector<16xi32>
    %and3A_183 = arith.constant 15 : i32
    %and3A_184 = vector.broadcast %and3A_183 : i32 to vector<16xi32>
    %and3A_185 = arith.andi %add3A_182, %and3A_184 : vector<16xi32>
    %add3A_186 = arith.addi %mul3A_179, %and3A_185 : vector<16xi32>
    %mul3A_187 = arith.constant 16 : i32
    %mul3A_188 = vector.broadcast %mul3A_187 : i32 to vector<16xi32>
    %mul3A_189 = arith.muli %iota3A, %mul3A_188 : vector<16xi32>
    %add3A_190 = arith.constant 8 : i32
    %add3A_191 = vector.broadcast %add3A_190 : i32 to vector<16xi32>
    %add3A_192 = arith.addi %add3A_191, %iota3A : vector<16xi32>
    %and3A_193 = arith.constant 15 : i32
    %and3A_194 = vector.broadcast %and3A_193 : i32 to vector<16xi32>
    %and3A_195 = arith.andi %add3A_192, %and3A_194 : vector<16xi32>
    %add3A_196 = arith.addi %mul3A_189, %and3A_195 : vector<16xi32>
    %mul3A_197 = arith.constant 16 : i32
    %mul3A_198 = vector.broadcast %mul3A_197 : i32 to vector<16xi32>
    %mul3A_199 = arith.muli %iota3A, %mul3A_198 : vector<16xi32>
    %add3A_200 = arith.constant 9 : i32
    %add3A_201 = vector.broadcast %add3A_200 : i32 to vector<16xi32>
    %add3A_202 = arith.addi %add3A_201, %iota3A : vector<16xi32>
    %and3A_203 = arith.constant 15 : i32
    %and3A_204 = vector.broadcast %and3A_203 : i32 to vector<16xi32>
    %and3A_205 = arith.andi %add3A_202, %and3A_204 : vector<16xi32>
    %add3A_206 = arith.addi %mul3A_199, %and3A_205 : vector<16xi32>
    %mul3A_207 = arith.constant 16 : i32
    %mul3A_208 = vector.broadcast %mul3A_207 : i32 to vector<16xi32>
    %mul3A_209 = arith.muli %iota3A, %mul3A_208 : vector<16xi32>
    %add3A_210 = arith.constant 10 : i32
    %add3A_211 = vector.broadcast %add3A_210 : i32 to vector<16xi32>
    %add3A_212 = arith.addi %add3A_211, %iota3A : vector<16xi32>
    %and3A_213 = arith.constant 15 : i32
    %and3A_214 = vector.broadcast %and3A_213 : i32 to vector<16xi32>
    %and3A_215 = arith.andi %add3A_212, %and3A_214 : vector<16xi32>
    %add3A_216 = arith.addi %mul3A_209, %and3A_215 : vector<16xi32>
    %mul3A_217 = arith.constant 16 : i32
    %mul3A_218 = vector.broadcast %mul3A_217 : i32 to vector<16xi32>
    %mul3A_219 = arith.muli %iota3A, %mul3A_218 : vector<16xi32>
    %add3A_220 = arith.constant 11 : i32
    %add3A_221 = vector.broadcast %add3A_220 : i32 to vector<16xi32>
    %add3A_222 = arith.addi %add3A_221, %iota3A : vector<16xi32>
    %and3A_223 = arith.constant 15 : i32
    %and3A_224 = vector.broadcast %and3A_223 : i32 to vector<16xi32>
    %and3A_225 = arith.andi %add3A_222, %and3A_224 : vector<16xi32>
    %add3A_226 = arith.addi %mul3A_219, %and3A_225 : vector<16xi32>
    %mul3A_227 = arith.constant 16 : i32
    %mul3A_228 = vector.broadcast %mul3A_227 : i32 to vector<16xi32>
    %mul3A_229 = arith.muli %iota3A, %mul3A_228 : vector<16xi32>
    %add3A_230 = arith.constant 12 : i32
    %add3A_231 = vector.broadcast %add3A_230 : i32 to vector<16xi32>
    %add3A_232 = arith.addi %add3A_231, %iota3A : vector<16xi32>
    %and3A_233 = arith.constant 15 : i32
    %and3A_234 = vector.broadcast %and3A_233 : i32 to vector<16xi32>
    %and3A_235 = arith.andi %add3A_232, %and3A_234 : vector<16xi32>
    %add3A_236 = arith.addi %mul3A_229, %and3A_235 : vector<16xi32>
    %mul3A_237 = arith.constant 16 : i32
    %mul3A_238 = vector.broadcast %mul3A_237 : i32 to vector<16xi32>
    %mul3A_239 = arith.muli %iota3A, %mul3A_238 : vector<16xi32>
    %add3A_240 = arith.constant 13 : i32
    %add3A_241 = vector.broadcast %add3A_240 : i32 to vector<16xi32>
    %add3A_242 = arith.addi %add3A_241, %iota3A : vector<16xi32>
    %and3A_243 = arith.constant 15 : i32
    %and3A_244 = vector.broadcast %and3A_243 : i32 to vector<16xi32>
    %and3A_245 = arith.andi %add3A_242, %and3A_244 : vector<16xi32>
    %add3A_246 = arith.addi %mul3A_239, %and3A_245 : vector<16xi32>
    %mul3A_247 = arith.constant 16 : i32
    %mul3A_248 = vector.broadcast %mul3A_247 : i32 to vector<16xi32>
    %mul3A_249 = arith.muli %iota3A, %mul3A_248 : vector<16xi32>
    %add3A_250 = arith.constant 14 : i32
    %add3A_251 = vector.broadcast %add3A_250 : i32 to vector<16xi32>
    %add3A_252 = arith.addi %add3A_251, %iota3A : vector<16xi32>
    %and3A_253 = arith.constant 15 : i32
    %and3A_254 = vector.broadcast %and3A_253 : i32 to vector<16xi32>
    %and3A_255 = arith.andi %add3A_252, %and3A_254 : vector<16xi32>
    %add3A_256 = arith.addi %mul3A_249, %and3A_255 : vector<16xi32>
    %mul3A_257 = arith.constant 16 : i32
    %mul3A_258 = vector.broadcast %mul3A_257 : i32 to vector<16xi32>
    %mul3A_259 = arith.muli %iota3A, %mul3A_258 : vector<16xi32>
    %add3A_260 = arith.constant 15 : i32
    %add3A_261 = vector.broadcast %add3A_260 : i32 to vector<16xi32>
    %add3A_262 = arith.addi %add3A_261, %iota3A : vector<16xi32>
    %and3A_263 = arith.constant 15 : i32
    %and3A_264 = vector.broadcast %and3A_263 : i32 to vector<16xi32>
    %and3A_265 = arith.andi %add3A_262, %and3A_264 : vector<16xi32>
    %add3A_266 = arith.addi %mul3A_259, %and3A_265 : vector<16xi32>
    %scan3A_267 = arith.constant 0 : i32
    %scan3A_268 = arith.constant 0 : i32
    %scan3A_269 = arith.constant 8 : i32
    %scan3A_270 = arith.addi %scan3A_268, %scan3A_269 : i32
    %scan3A_271 = arith.constant 1 : i32
    scf.for %scan3A_281 = %scan3A_268 to %scan3A_270 step %scan3A_271  : i32 {
      %gt3A = arith.constant 0 : i32
      %gt3A_282 = arith.cmpi sgt, %scan3A_281, %gt3A : i32
      %convert_element_type3A = arith.extui %gt3A_282 : i1 to i32
      %cond3A = arith.constant 0 : i32
      %cond3A_283 = arith.cmpi ne, %convert_element_type3A, %cond3A : i32
      scf.if %cond3A_283 {
        %dma_wait3A_321 = arith.constant 0 : i32
        %dma_wait3A_322 = tpu.memref_slice %arg5[%dma_wait3A_321] : memref<6815744xf32, #tpu.memory_space<hbm>> -> memref<13312xf32, #tpu.memory_space<hbm>>
        %dma_wait3A_323 = arith.constant 0 : i32
        %dma_wait3A_324 = tpu.memref_slice %arg5[%dma_wait3A_323] : memref<6815744xf32, #tpu.memory_space<hbm>> -> memref<13312xf32, #tpu.memory_space<hbm>>
        tpu.wait_dma2 semaphore(%arg15 : memref<!tpu.dma_semaphore, #tpu.memory_space<semaphore_mem>>) src(%dma_wait3A_324 : memref<13312xf32, #tpu.memory_space<hbm>>) dst(%arg12 : memref<13312xf32, #tpu.memory_space<vmem>>)
      } else {
      }
      %mul3A_284 = arith.constant 2 : i32
      %mul3A_285 = arith.muli %scan3A_281, %mul3A_284 : i32
      %mul3A_286 = arith.constant 832 : i32
      %mul3A_287 = arith.muli %mul3A_285, %mul3A_286 : i32
      %parallel_loop3A_288 = arith.constant 0 : i32
      %parallel_loop3A_289 = arith.constant 52 : i32
      %parallel_loop3A_290 = arith.constant 1 : i32
      scf.for %parallel_loop3A_321 = %parallel_loop3A_288 to %parallel_loop3A_289 step %parallel_loop3A_290  : i32 {
        %parallel_loop3A_322 = arith.constant 16 : i32
        %parallel_loop3A_323 = arith.muli %parallel_loop3A_321, %parallel_loop3A_322 : i32
        %parallel_loop3A_324 = arith.addi %mul3A_287, %parallel_loop3A_323 : i32
        %parallel_loop3A_325 = arith.index_cast %parallel_loop3A_324 : i32 to index
        %parallel_loop3A_326 = tpu.vector_load %arg10[%parallel_loop3A_325] {strides = array<i32>} : memref<13312xi32, #tpu.memory_space<vmem>>, vector<16xi32>,
        %parallel_loop3A_327 = arith.addi %mul3A_287, %parallel_loop3A_323 : i32
        %parallel_loop3A_328 = arith.index_cast %parallel_loop3A_327 : i32 to index
        %parallel_loop3A_329 = tpu.vector_load %arg11[%parallel_loop3A_328] {strides = array<i32>} : memref<13312xf32, #tpu.memory_space<vmem>>, vector<16xf32>,
        %parallel_loop3A_330 = arith.constant 15 : i32
        %parallel_loop3A_331 = vector.broadcast %parallel_loop3A_330 : i32 to vector<16xi32>
        %parallel_loop3A_332 = arith.andi %parallel_loop3A_326, %parallel_loop3A_331 : vector<16xi32>
        %parallel_loop3A_333 = arith.subi %parallel_loop3A_326, %parallel_loop3A_332 : vector<16xi32>
        %parallel_loop3A_334 = arith.constant 16 : i32
        %parallel_loop3A_335 = arith.muli %parallel_loop3A_323, %parallel_loop3A_334 : i32
        %parallel_loop3A_336 = vector.shape_cast %parallel_loop3A_332 : vector<16xi32> to vector<16x1xi32>
        %parallel_loop3A_337 = vector.shape_cast %parallel_loop3A_336 : vector<16x1xi32> to vector<16xi32>
        %parallel_loop3A_338 = tpu.dynamic_gather %and3A_16[%parallel_loop3A_337] in [0] : vector<16xi32>, vector<16xi32> -> vector<16xi32>
        %parallel_loop3A_339 = arith.addi %parallel_loop3A_333, %parallel_loop3A_338 : vector<16xi32>
        %parallel_loop3A_340 = tpu.vector_load_idx %arg9[%parallel_loop3A_339] : memref<6656xi32, #tpu.memory_space<vmem>>[vector<16xi32>], vector<16xi32>,
        %parallel_loop3A_341 = vector.bitcast %parallel_loop3A_340 : vector<16xi32> to vector<32xbf16>
        %parallel_loop3A_342 = tpu.unpack_subelements %parallel_loop3A_341, 0 {pack_format = #tpu.pack_format<interleaved>} : vector<32xbf16> -> vector<16xf32>
        %parallel_loop3A_343 = tpu.unpack_subelements %parallel_loop3A_341, 1 {pack_format = #tpu.pack_format<interleaved>} : vector<32xbf16> -> vector<16xf32>
        %parallel_loop3A_344 = vector.broadcast %parallel_loop3A_335 : i32 to vector<16xi32>
        %parallel_loop3A_345 = arith.addi %add3A_116, %parallel_loop3A_344 : vector<16xi32>
        %parallel_loop3A_346 = arith.mulf %parallel_loop3A_329, %parallel_loop3A_343 : vector<16xf32>
        %parallel_loop3A_347 = arith.addf %parallel_loop3A_342, %parallel_loop3A_346 : vector<16xf32>
        tpu.vector_store_idx %arg12[%parallel_loop3A_345], %parallel_loop3A_347 : memref<13312xf32, #tpu.memory_space<vmem>>[vector<16xi32>], vector<16xf32>,
        %parallel_loop3A_348 = vector.shape_cast %parallel_loop3A_332 : vector<16xi32> to vector<16x1xi32>
        %parallel_loop3A_349 = vector.shape_cast %parallel_loop3A_348 : vector<16x1xi32> to vector<16xi32>
        %parallel_loop3A_350 = tpu.dynamic_gather %and3A_22[%parallel_loop3A_349] in [0] : vector<16xi32>, vector<16xi32> -> vector<16xi32>
        %parallel_loop3A_351 = arith.addi %parallel_loop3A_333, %parallel_loop3A_350 : vector<16xi32>
        %parallel_loop3A_352 = tpu.vector_load_idx %arg9[%parallel_loop3A_351] : memref<6656xi32, #tpu.memory_space<vmem>>[vector<16xi32>], vector<16xi32>,
        %parallel_loop3A_353 = vector.bitcast %parallel_loop3A_352 : vector<16xi32> to vector<32xbf16>
        %parallel_loop3A_354 = tpu.unpack_subelements %parallel_loop3A_353, 0 {pack_format = #tpu.pack_format<interleaved>} : vector<32xbf16> -> vector<16xf32>
        %parallel_loop3A_355 = tpu.unpack_subelements %parallel_loop3A_353, 1 {pack_format = #tpu.pack_format<interleaved>} : vector<32xbf16> -> vector<16xf32>
        %parallel_loop3A_356 = vector.broadcast %parallel_loop3A_335 : i32 to vector<16xi32>
        %parallel_loop3A_357 = arith.addi %add3A_126, %parallel_loop3A_356 : vector<16xi32>
        %parallel_loop3A_358 = arith.mulf %parallel_loop3A_329, %parallel_loop3A_355 : vector<16xf32>
        %parallel_loop3A_359 = arith.addf %parallel_loop3A_354, %parallel_loop3A_358 : vector<16xf32>
        tpu.vector_store_idx %arg12[%parallel_loop3A_357], %parallel_loop3A_359 : memref<13312xf32, #tpu.memory_space<vmem>>[vector<16xi32>], vector<16xf32>,
        %parallel_loop3A_360 = vector.shape_cast %parallel_loop3A_332 : vector<16xi32> to vector<16x1xi32>
        %parallel_loop3A_361 = vector.shape_cast %parallel_loop3A_360 : vector<16x1xi32> to vector<16xi32>
        %parallel_loop3A_362 = tpu.dynamic_gather %and3A_28[%parallel_loop3A_361] in [0] : vector<16xi32>, vector<16xi32> -> vector<16xi32>
        %parallel_loop3A_363 = arith.addi %parallel_loop3A_333, %parallel_loop3A_362 : vector<16xi32>
        %parallel_loop3A_364 = tpu.vector_load_idx %arg9[%parallel_loop3A_363] : memref<6656xi32, #tpu.memory_space<vmem>>[vector<16xi32>], vector<16xi32>,
        %parallel_loop3A_365 = vector.bitcast %parallel_loop3A_364 : vector<16xi32> to vector<32xbf16>
        %parallel_loop3A_366 = tpu.unpack_subelements %parallel_loop3A_365, 0 {pack_format = #tpu.pack_format<interleaved>} : vector<32xbf16> -> vector<16xf32>
        %parallel_loop3A_367 = tpu.unpack_subelements %parallel_loop3A_365, 1 {pack_format = #tpu.pack_format<interleaved>} : vector<32xbf16> -> vector<16xf32>
        %parallel_loop3A_368 = vector.broadcast %parallel_loop3A_335 : i32 to vector<16xi32>
        %parallel_loop3A_369 = arith.addi %add3A_136, %parallel_loop3A_368 : vector<16xi32>
        %parallel_loop3A_370 = arith.mulf %parallel_loop3A_329, %parallel_loop3A_367 : vector<16xf32>
        %parallel_loop3A_371 = arith.addf %parallel_loop3A_366, %parallel_loop3A_370 : vector<16xf32>
        tpu.vector_store_idx %arg12[%parallel_loop3A_369], %parallel_loop3A_371 : memref<13312xf32, #tpu.memory_space<vmem>>[vector<16xi32>], vector<16xf32>,
        %parallel_loop3A_372 = vector.shape_cast %parallel_loop3A_332 : vector<16xi32> to vector<16x1xi32>
        %parallel_loop3A_373 = vector.shape_cast %parallel_loop3A_372 : vector<16x1xi32> to vector<16xi32>
        %parallel_loop3A_374 = tpu.dynamic_gather %and3A_34[%parallel_loop3A_373] in [0] : vector<16xi32>, vector<16xi32> -> vector<16xi32>
        %parallel_loop3A_375 = arith.addi %parallel_loop3A_333, %parallel_loop3A_374 : vector<16xi32>
        %parallel_loop3A_376 = tpu.vector_load_idx %arg9[%parallel_loop3A_375] : memref<6656xi32, #tpu.memory_space<vmem>>[vector<16xi32>], vector<16xi32>,
        %parallel_loop3A_377 = vector.bitcast %parallel_loop3A_376 : vector<16xi32> to vector<32xbf16>
        %parallel_loop3A_378 = tpu.unpack_subelements %parallel_loop3A_377, 0 {pack_format = #tpu.pack_format<interleaved>} : vector<32xbf16> -> vector<16xf32>
        %parallel_loop3A_379 = tpu.unpack_subelements %parallel_loop3A_377, 1 {pack_format = #tpu.pack_format<interleaved>} : vector<32xbf16> -> vector<16xf32>
        %parallel_loop3A_380 = vector.broadcast %parallel_loop3A_335 : i32 to vector<16xi32>
        %parallel_loop3A_381 = arith.addi %add3A_146, %parallel_loop3A_380 : vector<16xi32>
        %parallel_loop3A_382 = arith.mulf %parallel_loop3A_329, %parallel_loop3A_379 : vector<16xf32>
        %parallel_loop3A_383 = arith.addf %parallel_loop3A_378, %parallel_loop3A_382 : vector<16xf32>
        tpu.vector_store_idx %arg12[%parallel_loop3A_381], %parallel_loop3A_383 : memref<13312xf32, #tpu.memory_space<vmem>>[vector<16xi32>], vector<16xf32>,
        %parallel_loop3A_384 = vector.shape_cast %parallel_loop3A_332 : vector<16xi32> to vector<16x1xi32>
        %parallel_loop3A_385 = vector.shape_cast %parallel_loop3A_384 : vector<16x1xi32> to vector<16xi32>
        %parallel_loop3A_386 = tpu.dynamic_gather %and3A_40[%parallel_loop3A_385] in [0] : vector<16xi32>, vector<16xi32> -> vector<16xi32>
        %parallel_loop3A_387 = arith.addi %parallel_loop3A_333, %parallel_loop3A_386 : vector<16xi32>
        %parallel_loop3A_388 = tpu.vector_load_idx %arg9[%parallel_loop3A_387] : memref<6656xi32, #tpu.memory_space<vmem>>[vector<16xi32>], vector<16xi32>,
        %parallel_loop3A_389 = vector.bitcast %parallel_loop3A_388 : vector<16xi32> to vector<32xbf16>
        %parallel_loop3A_390 = tpu.unpack_subelements %parallel_loop3A_389, 0 {pack_format = #tpu.pack_format<interleaved>} : vector<32xbf16> -> vector<16xf32>
        %parallel_loop3A_391 = tpu.unpack_subelements %parallel_loop3A_389, 1 {pack_format = #tpu.pack_format<interleaved>} : vector<32xbf16> -> vector<16xf32>
        %parallel_loop3A_392 = vector.broadcast %parallel_loop3A_335 : i32 to vector<16xi32>
        %parallel_loop3A_393 = arith.addi %add3A_156, %parallel_loop3A_392 : vector<16xi32>
        %parallel_loop3A_394 = arith.mulf %parallel_loop3A_329, %parallel_loop3A_391 : vector<16xf32>
        %parallel_loop3A_395 = arith.addf %parallel_loop3A_390, %parallel_loop3A_394 : vector<16xf32>
        tpu.vector_store_idx %arg12[%parallel_loop3A_393], %parallel_loop3A_395 : memref<13312xf32, #tpu.memory_space<vmem>>[vector<16xi32>], vector<16xf32>,
        %parallel_loop3A_396 = vector.shape_cast %parallel_loop3A_332 : vector<16xi32> to vector<16x1xi32>
        %parallel_loop3A_397 = vector.shape_cast %parallel_loop3A_396 : vector<16x1xi32> to vector<16xi32>
        %parallel_loop3A_398 = tpu.dynamic_gather %and3A_46[%parallel_loop3A_397] in [0] : vector<16xi32>, vector<16xi32> -> vector<16xi32>
        %parallel_loop3A_399 = arith.addi %parallel_loop3A_333, %parallel_loop3A_398 : vector<16xi32>
        %parallel_loop3A_400 = tpu.vector_load_idx %arg9[%parallel_loop3A_399] : memref<6656xi32, #tpu.memory_space<vmem>>[vector<16xi32>], vector<16xi32>,
        %parallel_loop3A_401 = vector.bitcast %parallel_loop3A_400 : vector<16xi32> to vector<32xbf16>
        %parallel_loop3A_402 = tpu.unpack_subelements %parallel_loop3A_401, 0 {pack_format = #tpu.pack_format<interleaved>} : vector<32xbf16> -> vector<16xf32>
        %parallel_loop3A_403 = tpu.unpack_subelements %parallel_loop3A_401, 1 {pack_format = #tpu.pack_format<interleaved>} : vector<32xbf16> -> vector<16xf32>
        %parallel_loop3A_404 = vector.broadcast %parallel_loop3A_335 : i32 to vector<16xi32>
        %parallel_loop3A_405 = arith.addi %add3A_166, %parallel_loop3A_404 : vector<16xi32>
        %parallel_loop3A_406 = arith.mulf %parallel_loop3A_329, %parallel_loop3A_403 : vector<16xf32>
        %parallel_loop3A_407 = arith.addf %parallel_loop3A_402, %parallel_loop3A_406 : vector<16xf32>
        tpu.vector_store_idx %arg12[%parallel_loop3A_405], %parallel_loop3A_407 : memref<13312xf32, #tpu.memory_space<vmem>>[vector<16xi32>], vector<16xf32>,
        %parallel_loop3A_408 = vector.shape_cast %parallel_loop3A_332 : vector<16xi32> to vector<16x1xi32>
        %parallel_loop3A_409 = vector.shape_cast %parallel_loop3A_408 : vector<16x1xi32> to vector<16xi32>
        %parallel_loop3A_410 = tpu.dynamic_gather %and3A_52[%parallel_loop3A_409] in [0] : vector<16xi32>, vector<16xi32> -> vector<16xi32>
        %parallel_loop3A_411 = arith.addi %parallel_loop3A_333, %parallel_loop3A_410 : vector<16xi32>
        %parallel_loop3A_412 = tpu.vector_load_idx %arg9[%parallel_loop3A_411] : memref<6656xi32, #tpu.memory_space<vmem>>[vector<16xi32>], vector<16xi32>,
        %parallel_loop3A_413 = vector.bitcast %parallel_loop3A_412 : vector<16xi32> to vector<32xbf16>
        %parallel_loop3A_414 = tpu.unpack_subelements %parallel_loop3A_413, 0 {pack_format = #tpu.pack_format<interleaved>} : vector<32xbf16> -> vector<16xf32>
        %parallel_loop3A_415 = tpu.unpack_subelements %parallel_loop3A_413, 1 {pack_format = #tpu.pack_format<interleaved>} : vector<32xbf16> -> vector<16xf32>
        %parallel_loop3A_416 = vector.broadcast %parallel_loop3A_335 : i32 to vector<16xi32>
        %parallel_loop3A_417 = arith.addi %add3A_176, %parallel_loop3A_416 : vector<16xi32>
        %parallel_loop3A_418 = arith.mulf %parallel_loop3A_329, %parallel_loop3A_415 : vector<16xf32>
        %parallel_loop3A_419 = arith.addf %parallel_loop3A_414, %parallel_loop3A_418 : vector<16xf32>
        tpu.vector_store_idx %arg12[%parallel_loop3A_417], %parallel_loop3A_419 : memref<13312xf32, #tpu.memory_space<vmem>>[vector<16xi32>], vector<16xf32>,
        %parallel_loop3A_420 = vector.shape_cast %parallel_loop3A_332 : vector<16xi32> to vector<16x1xi32>
        %parallel_loop3A_421 = vector.shape_cast %parallel_loop3A_420 : vector<16x1xi32> to vector<16xi32>
        %parallel_loop3A_422 = tpu.dynamic_gather %and3A_58[%parallel_loop3A_421] in [0] : vector<16xi32>, vector<16xi32> -> vector<16xi32>
        %parallel_loop3A_423 = arith.addi %parallel_loop3A_333, %parallel_loop3A_422 : vector<16xi32>
        %parallel_loop3A_424 = tpu.vector_load_idx %arg9[%parallel_loop3A_423] : memref<6656xi32, #tpu.memory_space<vmem>>[vector<16xi32>], vector<16xi32>,
        %parallel_loop3A_425 = vector.bitcast %parallel_loop3A_424 : vector<16xi32> to vector<32xbf16>
        %parallel_loop3A_426 = tpu.unpack_subelements %parallel_loop3A_425, 0 {pack_format = #tpu.pack_format<interleaved>} : vector<32xbf16> -> vector<16xf32>
        %parallel_loop3A_427 = tpu.unpack_subelements %parallel_loop3A_425, 1 {pack_format = #tpu.pack_format<interleaved>} : vector<32xbf16> -> vector<16xf32>
        %parallel_loop3A_428 = vector.broadcast %parallel_loop3A_335 : i32 to vector<16xi32>
        %parallel_loop3A_429 = arith.addi %add3A_186, %parallel_loop3A_428 : vector<16xi32>
        %parallel_loop3A_430 = arith.mulf %parallel_loop3A_329, %parallel_loop3A_427 : vector<16xf32>
        %parallel_loop3A_431 = arith.addf %parallel_loop3A_426, %parallel_loop3A_430 : vector<16xf32>
        tpu.vector_store_idx %arg12[%parallel_loop3A_429], %parallel_loop3A_431 : memref<13312xf32, #tpu.memory_space<vmem>>[vector<16xi32>], vector<16xf32>,
        %parallel_loop3A_432 = vector.shape_cast %parallel_loop3A_332 : vector<16xi32> to vector<16x1xi32>
        %parallel_loop3A_433 = vector.shape_cast %parallel_loop3A_432 : vector<16x1xi32> to vector<16xi32>
        %parallel_loop3A_434 = tpu.dynamic_gather %and3A_64[%parallel_loop3A_433] in [0] : vector<16xi32>, vector<16xi32> -> vector<16xi32>
        %parallel_loop3A_435 = arith.addi %parallel_loop3A_333, %parallel_loop3A_434 : vector<16xi32>
        %parallel_loop3A_436 = tpu.vector_load_idx %arg9[%parallel_loop3A_435] : memref<6656xi32, #tpu.memory_space<vmem>>[vector<16xi32>], vector<16xi32>,
        %parallel_loop3A_437 = vector.bitcast %parallel_loop3A_436 : vector<16xi32> to vector<32xbf16>
        %parallel_loop3A_438 = tpu.unpack_subelements %parallel_loop3A_437, 0 {pack_format = #tpu.pack_format<interleaved>} : vector<32xbf16> -> vector<16xf32>
        %parallel_loop3A_439 = tpu.unpack_subelements %parallel_loop3A_437, 1 {pack_format = #tpu.pack_format<interleaved>} : vector<32xbf16> -> vector<16xf32>
        %parallel_loop3A_440 = vector.broadcast %parallel_loop3A_335 : i32 to vector<16xi32>
        %parallel_loop3A_441 = arith.addi %add3A_196, %parallel_loop3A_440 : vector<16xi32>
        %parallel_loop3A_442 = arith.mulf %parallel_loop3A_329, %parallel_loop3A_439 : vector<16xf32>
        %parallel_loop3A_443 = arith.addf %parallel_loop3A_438, %parallel_loop3A_442 : vector<16xf32>
        tpu.vector_store_idx %arg12[%parallel_loop3A_441], %parallel_loop3A_443 : memref<13312xf32, #tpu.memory_space<vmem>>[vector<16xi32>], vector<16xf32>,
        %parallel_loop3A_444 = vector.shape_cast %parallel_loop3A_332 : vector<16xi32> to vector<16x1xi32>
        %parallel_loop3A_445 = vector.shape_cast %parallel_loop3A_444 : vector<16x1xi32> to vector<16xi32>
        %parallel_loop3A_446 = tpu.dynamic_gather %and3A_70[%parallel_loop3A_445] in [0] : vector<16xi32>, vector<16xi32> -> vector<16xi32>
        %parallel_loop3A_447 = arith.addi %parallel_loop3A_333, %parallel_loop3A_446 : vector<16xi32>
        %parallel_loop3A_448 = tpu.vector_load_idx %arg9[%parallel_loop3A_447] : memref<6656xi32, #tpu.memory_space<vmem>>[vector<16xi32>], vector<16xi32>,
        %parallel_loop3A_449 = vector.bitcast %parallel_loop3A_448 : vector<16xi32> to vector<32xbf16>
        %parallel_loop3A_450 = tpu.unpack_subelements %parallel_loop3A_449, 0 {pack_format = #tpu.pack_format<interleaved>} : vector<32xbf16> -> vector<16xf32>
        %parallel_loop3A_451 = tpu.unpack_subelements %parallel_loop3A_449, 1 {pack_format = #tpu.pack_format<interleaved>} : vector<32xbf16> -> vector<16xf32>
        %parallel_loop3A_452 = vector.broadcast %parallel_loop3A_335 : i32 to vector<16xi32>
        %parallel_loop3A_453 = arith.addi %add3A_206, %parallel_loop3A_452 : vector<16xi32>
        %parallel_loop3A_454 = arith.mulf %parallel_loop3A_329, %parallel_loop3A_451 : vector<16xf32>
        %parallel_loop3A_455 = arith.addf %parallel_loop3A_450, %parallel_loop3A_454 : vector<16xf32>
        tpu.vector_store_idx %arg12[%parallel_loop3A_453], %parallel_loop3A_455 : memref<13312xf32, #tpu.memory_space<vmem>>[vector<16xi32>], vector<16xf32>,
        %parallel_loop3A_456 = vector.shape_cast %parallel_loop3A_332 : vector<16xi32> to vector<16x1xi32>
        %parallel_loop3A_457 = vector.shape_cast %parallel_loop3A_456 : vector<16x1xi32> to vector<16xi32>
        %parallel_loop3A_458 = tpu.dynamic_gather %and3A_76[%parallel_loop3A_457] in [0] : vector<16xi32>, vector<16xi32> -> vector<16xi32>
        %parallel_loop3A_459 = arith.addi %parallel_loop3A_333, %parallel_loop3A_458 : vector<16xi32>
        %parallel_loop3A_460 = tpu.vector_load_idx %arg9[%parallel_loop3A_459] : memref<6656xi32, #tpu.memory_space<vmem>>[vector<16xi32>], vector<16xi32>,
        %parallel_loop3A_461 = vector.bitcast %parallel_loop3A_460 : vector<16xi32> to vector<32xbf16>
        %parallel_loop3A_462 = tpu.unpack_subelements %parallel_loop3A_461, 0 {pack_format = #tpu.pack_format<interleaved>} : vector<32xbf16> -> vector<16xf32>
        %parallel_loop3A_463 = tpu.unpack_subelements %parallel_loop3A_461, 1 {pack_format = #tpu.pack_format<interleaved>} : vector<32xbf16> -> vector<16xf32>
        %parallel_loop3A_464 = vector.broadcast %parallel_loop3A_335 : i32 to vector<16xi32>
        %parallel_loop3A_465 = arith.addi %add3A_216, %parallel_loop3A_464 : vector<16xi32>
        %parallel_loop3A_466 = arith.mulf %parallel_loop3A_329, %parallel_loop3A_463 : vector<16xf32>
        %parallel_loop3A_467 = arith.addf %parallel_loop3A_462, %parallel_loop3A_466 : vector<16xf32>
        tpu.vector_store_idx %arg12[%parallel_loop3A_465], %parallel_loop3A_467 : memref<13312xf32, #tpu.memory_space<vmem>>[vector<16xi32>], vector<16xf32>,
        %parallel_loop3A_468 = vector.shape_cast %parallel_loop3A_332 : vector<16xi32> to vector<16x1xi32>
        %parallel_loop3A_469 = vector.shape_cast %parallel_loop3A_468 : vector<16x1xi32> to vector<16xi32>
        %parallel_loop3A_470 = tpu.dynamic_gather %and3A_82[%parallel_loop3A_469] in [0] : vector<16xi32>, vector<16xi32> -> vector<16xi32>
        %parallel_loop3A_471 = arith.addi %parallel_loop3A_333, %parallel_loop3A_470 : vector<16xi32>
        %parallel_loop3A_472 = tpu.vector_load_idx %arg9[%parallel_loop3A_471] : memref<6656xi32, #tpu.memory_space<vmem>>[vector<16xi32>], vector<16xi32>,
        %parallel_loop3A_473 = vector.bitcast %parallel_loop3A_472 : vector<16xi32> to vector<32xbf16>
        %parallel_loop3A_474 = tpu.unpack_subelements %parallel_loop3A_473, 0 {pack_format = #tpu.pack_format<interleaved>} : vector<32xbf16> -> vector<16xf32>
        %parallel_loop3A_475 = tpu.unpack_subelements %parallel_loop3A_473, 1 {pack_format = #tpu.pack_format<interleaved>} : vector<32xbf16> -> vector<16xf32>
        %parallel_loop3A_476 = vector.broadcast %parallel_loop3A_335 : i32 to vector<16xi32>
        %parallel_loop3A_477 = arith.addi %add3A_226, %parallel_loop3A_476 : vector<16xi32>
        %parallel_loop3A_478 = arith.mulf %parallel_loop3A_329, %parallel_loop3A_475 : vector<16xf32>
        %parallel_loop3A_479 = arith.addf %parallel_loop3A_474, %parallel_loop3A_478 : vector<16xf32>
        tpu.vector_store_idx %arg12[%parallel_loop3A_477], %parallel_loop3A_479 : memref<13312xf32, #tpu.memory_space<vmem>>[vector<16xi32>], vector<16xf32>,
        %parallel_loop3A_480 = vector.shape_cast %parallel_loop3A_332 : vector<16xi32> to vector<16x1xi32>
        %parallel_loop3A_481 = vector.shape_cast %parallel_loop3A_480 : vector<16x1xi32> to vector<16xi32>
        %parallel_loop3A_482 = tpu.dynamic_gather %and3A_88[%parallel_loop3A_481] in [0] : vector<16xi32>, vector<16xi32> -> vector<16xi32>
        %parallel_loop3A_483 = arith.addi %parallel_loop3A_333, %parallel_loop3A_482 : vector<16xi32>
        %parallel_loop3A_484 = tpu.vector_load_idx %arg9[%parallel_loop3A_483] : memref<6656xi32, #tpu.memory_space<vmem>>[vector<16xi32>], vector<16xi32>,
        %parallel_loop3A_485 = vector.bitcast %parallel_loop3A_484 : vector<16xi32> to vector<32xbf16>
        %parallel_loop3A_486 = tpu.unpack_subelements %parallel_loop3A_485, 0 {pack_format = #tpu.pack_format<interleaved>} : vector<32xbf16> -> vector<16xf32>
        %parallel_loop3A_487 = tpu.unpack_subelements %parallel_loop3A_485, 1 {pack_format = #tpu.pack_format<interleaved>} : vector<32xbf16> -> vector<16xf32>
        %parallel_loop3A_488 = vector.broadcast %parallel_loop3A_335 : i32 to vector<16xi32>
        %parallel_loop3A_489 = arith.addi %add3A_236, %parallel_loop3A_488 : vector<16xi32>
        %parallel_loop3A_490 = arith.mulf %parallel_loop3A_329, %parallel_loop3A_487 : vector<16xf32>
        %parallel_loop3A_491 = arith.addf %parallel_loop3A_486, %parallel_loop3A_490 : vector<16xf32>
        tpu.vector_store_idx %arg12[%parallel_loop3A_489], %parallel_loop3A_491 : memref<13312xf32, #tpu.memory_space<vmem>>[vector<16xi32>], vector<16xf32>,
        %parallel_loop3A_492 = vector.shape_cast %parallel_loop3A_332 : vector<16xi32> to vector<16x1xi32>
        %parallel_loop3A_493 = vector.shape_cast %parallel_loop3A_492 : vector<16x1xi32> to vector<16xi32>
        %parallel_loop3A_494 = tpu.dynamic_gather %and3A_94[%parallel_loop3A_493] in [0] : vector<16xi32>, vector<16xi32> -> vector<16xi32>
        %parallel_loop3A_495 = arith.addi %parallel_loop3A_333, %parallel_loop3A_494 : vector<16xi32>
        %parallel_loop3A_496 = tpu.vector_load_idx %arg9[%parallel_loop3A_495] : memref<6656xi32, #tpu.memory_space<vmem>>[vector<16xi32>], vector<16xi32>,
        %parallel_loop3A_497 = vector.bitcast %parallel_loop3A_496 : vector<16xi32> to vector<32xbf16>
        %parallel_loop3A_498 = tpu.unpack_subelements %parallel_loop3A_497, 0 {pack_format = #tpu.pack_format<interleaved>} : vector<32xbf16> -> vector<16xf32>
        %parallel_loop3A_499 = tpu.unpack_subelements %parallel_loop3A_497, 1 {pack_format = #tpu.pack_format<interleaved>} : vector<32xbf16> -> vector<16xf32>
        %parallel_loop3A_500 = vector.broadcast %parallel_loop3A_335 : i32 to vector<16xi32>
        %parallel_loop3A_501 = arith.addi %add3A_246, %parallel_loop3A_500 : vector<16xi32>
        %parallel_loop3A_502 = arith.mulf %parallel_loop3A_329, %parallel_loop3A_499 : vector<16xf32>
        %parallel_loop3A_503 = arith.addf %parallel_loop3A_498, %parallel_loop3A_502 : vector<16xf32>
        tpu.vector_store_idx %arg12[%parallel_loop3A_501], %parallel_loop3A_503 : memref<13312xf32, #tpu.memory_space<vmem>>[vector<16xi32>], vector<16xf32>,
        %parallel_loop3A_504 = vector.shape_cast %parallel_loop3A_332 : vector<16xi32> to vector<16x1xi32>
        %parallel_loop3A_505 = vector.shape_cast %parallel_loop3A_504 : vector<16x1xi32> to vector<16xi32>
        %parallel_loop3A_506 = tpu.dynamic_gather %and3A_100[%parallel_loop3A_505] in [0] : vector<16xi32>, vector<16xi32> -> vector<16xi32>
        %parallel_loop3A_507 = arith.addi %parallel_loop3A_333, %parallel_loop3A_506 : vector<16xi32>
        %parallel_loop3A_508 = tpu.vector_load_idx %arg9[%parallel_loop3A_507] : memref<6656xi32, #tpu.memory_space<vmem>>[vector<16xi32>], vector<16xi32>,
        %parallel_loop3A_509 = vector.bitcast %parallel_loop3A_508 : vector<16xi32> to vector<32xbf16>
        %parallel_loop3A_510 = tpu.unpack_subelements %parallel_loop3A_509, 0 {pack_format = #tpu.pack_format<interleaved>} : vector<32xbf16> -> vector<16xf32>
        %parallel_loop3A_511 = tpu.unpack_subelements %parallel_loop3A_509, 1 {pack_format = #tpu.pack_format<interleaved>} : vector<32xbf16> -> vector<16xf32>
        %parallel_loop3A_512 = vector.broadcast %parallel_loop3A_335 : i32 to vector<16xi32>
        %parallel_loop3A_513 = arith.addi %add3A_256, %parallel_loop3A_512 : vector<16xi32>
        %parallel_loop3A_514 = arith.mulf %parallel_loop3A_329, %parallel_loop3A_511 : vector<16xf32>
        %parallel_loop3A_515 = arith.addf %parallel_loop3A_510, %parallel_loop3A_514 : vector<16xf32>
        tpu.vector_store_idx %arg12[%parallel_loop3A_513], %parallel_loop3A_515 : memref<13312xf32, #tpu.memory_space<vmem>>[vector<16xi32>], vector<16xf32>,
        %parallel_loop3A_516 = vector.shape_cast %parallel_loop3A_332 : vector<16xi32> to vector<16x1xi32>
        %parallel_loop3A_517 = vector.shape_cast %parallel_loop3A_516 : vector<16x1xi32> to vector<16xi32>
        %parallel_loop3A_518 = tpu.dynamic_gather %and3A_106[%parallel_loop3A_517] in [0] : vector<16xi32>, vector<16xi32> -> vector<16xi32>
        %parallel_loop3A_519 = arith.addi %parallel_loop3A_333, %parallel_loop3A_518 : vector<16xi32>
        %parallel_loop3A_520 = tpu.vector_load_idx %arg9[%parallel_loop3A_519] : memref<6656xi32, #tpu.memory_space<vmem>>[vector<16xi32>], vector<16xi32>,
        %parallel_loop3A_521 = vector.bitcast %parallel_loop3A_520 : vector<16xi32> to vector<32xbf16>
        %parallel_loop3A_522 = tpu.unpack_subelements %parallel_loop3A_521, 0 {pack_format = #tpu.pack_format<interleaved>} : vector<32xbf16> -> vector<16xf32>
        %parallel_loop3A_523 = tpu.unpack_subelements %parallel_loop3A_521, 1 {pack_format = #tpu.pack_format<interleaved>} : vector<32xbf16> -> vector<16xf32>
        %parallel_loop3A_524 = vector.broadcast %parallel_loop3A_335 : i32 to vector<16xi32>
        %parallel_loop3A_525 = arith.addi %add3A_266, %parallel_loop3A_524 : vector<16xi32>
        %parallel_loop3A_526 = arith.mulf %parallel_loop3A_329, %parallel_loop3A_523 : vector<16xf32>
        %parallel_loop3A_527 = arith.addf %parallel_loop3A_522, %parallel_loop3A_526 : vector<16xf32>
        tpu.vector_store_idx %arg12[%parallel_loop3A_525], %parallel_loop3A_527 : memref<13312xf32, #tpu.memory_space<vmem>>[vector<16xi32>], vector<16xf32>,
      } {sc.loop_unroll_factor = 2 : i64, sc.parallel_access}
      %parallel_loop3A_291 = arith.constant 0 : i32
      %parallel_loop3A_292 = arith.constant 52 : i32
      %parallel_loop3A_293 = arith.constant 1 : i32
      scf.for %parallel_loop3A_321 = %parallel_loop3A_291 to %parallel_loop3A_292 step %parallel_loop3A_293  : i32 {
        %parallel_loop3A_322 = arith.constant 16 : i32
        %parallel_loop3A_323 = arith.muli %parallel_loop3A_321, %parallel_loop3A_322 : i32
        %parallel_loop3A_324 = arith.constant 16 : i32
        %parallel_loop3A_325 = arith.muli %parallel_loop3A_323, %parallel_loop3A_324 : i32
        %parallel_loop3A_326 = arith.constant 0 : i32
        %parallel_loop3A_327 = arith.addi %parallel_loop3A_325, %parallel_loop3A_326 : i32
        %parallel_loop3A_328 = arith.index_cast %parallel_loop3A_327 : i32 to index
        %parallel_loop3A_329 = tpu.vector_load %arg12[%parallel_loop3A_328] {strides = array<i32>} : memref<13312xf32, #tpu.memory_space<vmem>>, vector<16xf32>,
        %parallel_loop3A_330 = vector.shape_cast %and3A_16 : vector<16xi32> to vector<16x1xi32>
        %parallel_loop3A_331 = vector.shape_cast %parallel_loop3A_330 : vector<16x1xi32> to vector<16xi32>
        %parallel_loop3A_332 = tpu.dynamic_gather %parallel_loop3A_329[%parallel_loop3A_331] in [0] : vector<16xf32>, vector<16xi32> -> vector<16xf32>
        %parallel_loop3A_333 = arith.index_cast %parallel_loop3A_327 : i32 to index
        %parallel_loop3A_334 = tpu.vector_load %arg12[%parallel_loop3A_333] {strides = array<i32>} : memref<13312xf32, #tpu.memory_space<vmem>>, vector<16xf32>,
        tpu.vector_store %arg12[%parallel_loop3A_333], %parallel_loop3A_332 {strides = array<i32>} : memref<13312xf32, #tpu.memory_space<vmem>>, vector<16xf32>,
        %parallel_loop3A_335 = arith.constant 16 : i32
        %parallel_loop3A_336 = arith.addi %parallel_loop3A_325, %parallel_loop3A_335 : i32
        %parallel_loop3A_337 = arith.index_cast %parallel_loop3A_336 : i32 to index
        %parallel_loop3A_338 = tpu.vector_load %arg12[%parallel_loop3A_337] {strides = array<i32>} : memref<13312xf32, #tpu.memory_space<vmem>>, vector<16xf32>,
        %parallel_loop3A_339 = vector.shape_cast %and3A_22 : vector<16xi32> to vector<16x1xi32>
        %parallel_loop3A_340 = vector.shape_cast %parallel_loop3A_339 : vector<16x1xi32> to vector<16xi32>
        %parallel_loop3A_341 = tpu.dynamic_gather %parallel_loop3A_338[%parallel_loop3A_340] in [0] : vector<16xf32>, vector<16xi32> -> vector<16xf32>
        %parallel_loop3A_342 = arith.index_cast %parallel_loop3A_336 : i32 to index
        %parallel_loop3A_343 = tpu.vector_load %arg12[%parallel_loop3A_342] {strides = array<i32>} : memref<13312xf32, #tpu.memory_space<vmem>>, vector<16xf32>,
        tpu.vector_store %arg12[%parallel_loop3A_342], %parallel_loop3A_341 {strides = array<i32>} : memref<13312xf32, #tpu.memory_space<vmem>>, vector<16xf32>,
        %parallel_loop3A_344 = arith.constant 32 : i32
        %parallel_loop3A_345 = arith.addi %parallel_loop3A_325, %parallel_loop3A_344 : i32
        %parallel_loop3A_346 = arith.index_cast %parallel_loop3A_345 : i32 to index
        %parallel_loop3A_347 = tpu.vector_load %arg12[%parallel_loop3A_346] {strides = array<i32>} : memref<13312xf32, #tpu.memory_space<vmem>>, vector<16xf32>,
        %parallel_loop3A_348 = vector.shape_cast %and3A_28 : vector<16xi32> to vector<16x1xi32>
        %parallel_loop3A_349 = vector.shape_cast %parallel_loop3A_348 : vector<16x1xi32> to vector<16xi32>
        %parallel_loop3A_350 = tpu.dynamic_gather %parallel_loop3A_347[%parallel_loop3A_349] in [0] : vector<16xf32>, vector<16xi32> -> vector<16xf32>
        %parallel_loop3A_351 = arith.index_cast %parallel_loop3A_345 : i32 to index
        %parallel_loop3A_352 = tpu.vector_load %arg12[%parallel_loop3A_351] {strides = array<i32>} : memref<13312xf32, #tpu.memory_space<vmem>>, vector<16xf32>,
        tpu.vector_store %arg12[%parallel_loop3A_351], %parallel_loop3A_350 {strides = array<i32>} : memref<13312xf32, #tpu.memory_space<vmem>>, vector<16xf32>,
        %parallel_loop3A_353 = arith.constant 48 : i32
        %parallel_loop3A_354 = arith.addi %parallel_loop3A_325, %parallel_loop3A_353 : i32
        %parallel_loop3A_355 = arith.index_cast %parallel_loop3A_354 : i32 to index
        %parallel_loop3A_356 = tpu.vector_load %arg12[%parallel_loop3A_355] {strides = array<i32>} : memref<13312xf32, #tpu.memory_space<vmem>>, vector<16xf32>,
        %parallel_loop3A_357 = vector.shape_cast %and3A_34 : vector<16xi32> to vector<16x1xi32>
        %parallel_loop3A_358 = vector.shape_cast %parallel_loop3A_357 : vector<16x1xi32> to vector<16xi32>
        %parallel_loop3A_359 = tpu.dynamic_gather %parallel_loop3A_356[%parallel_loop3A_358] in [0] : vector<16xf32>, vector<16xi32> -> vector<16xf32>
        %parallel_loop3A_360 = arith.index_cast %parallel_loop3A_354 : i32 to index
        %parallel_loop3A_361 = tpu.vector_load %arg12[%parallel_loop3A_360] {strides = array<i32>} : memref<13312xf32, #tpu.memory_space<vmem>>, vector<16xf32>,
        tpu.vector_store %arg12[%parallel_loop3A_360], %parallel_loop3A_359 {strides = array<i32>} : memref<13312xf32, #tpu.memory_space<vmem>>, vector<16xf32>,
        %parallel_loop3A_362 = arith.constant 64 : i32
        %parallel_loop3A_363 = arith.addi %parallel_loop3A_325, %parallel_loop3A_362 : i32
        %parallel_loop3A_364 = arith.index_cast %parallel_loop3A_363 : i32 to index
        %parallel_loop3A_365 = tpu.vector_load %arg12[%parallel_loop3A_364] {strides = array<i32>} : memref<13312xf32, #tpu.memory_space<vmem>>, vector<16xf32>,
        %parallel_loop3A_366 = vector.shape_cast %and3A_40 : vector<16xi32> to vector<16x1xi32>
        %parallel_loop3A_367 = vector.shape_cast %parallel_loop3A_366 : vector<16x1xi32> to vector<16xi32>
        %parallel_loop3A_368 = tpu.dynamic_gather %parallel_loop3A_365[%parallel_loop3A_367] in [0] : vector<16xf32>, vector<16xi32> -> vector<16xf32>
        %parallel_loop3A_369 = arith.index_cast %parallel_loop3A_363 : i32 to index
        %parallel_loop3A_370 = tpu.vector_load %arg12[%parallel_loop3A_369] {strides = array<i32>} : memref<13312xf32, #tpu.memory_space<vmem>>, vector<16xf32>,
        tpu.vector_store %arg12[%parallel_loop3A_369], %parallel_loop3A_368 {strides = array<i32>} : memref<13312xf32, #tpu.memory_space<vmem>>, vector<16xf32>,
        %parallel_loop3A_371 = arith.constant 80 : i32
        %parallel_loop3A_372 = arith.addi %parallel_loop3A_325, %parallel_loop3A_371 : i32
        %parallel_loop3A_373 = arith.index_cast %parallel_loop3A_372 : i32 to index
        %parallel_loop3A_374 = tpu.vector_load %arg12[%parallel_loop3A_373] {strides = array<i32>} : memref<13312xf32, #tpu.memory_space<vmem>>, vector<16xf32>,
        %parallel_loop3A_375 = vector.shape_cast %and3A_46 : vector<16xi32> to vector<16x1xi32>
        %parallel_loop3A_376 = vector.shape_cast %parallel_loop3A_375 : vector<16x1xi32> to vector<16xi32>
        %parallel_loop3A_377 = tpu.dynamic_gather %parallel_loop3A_374[%parallel_loop3A_376] in [0] : vector<16xf32>, vector<16xi32> -> vector<16xf32>
        %parallel_loop3A_378 = arith.index_cast %parallel_loop3A_372 : i32 to index
        %parallel_loop3A_379 = tpu.vector_load %arg12[%parallel_loop3A_378] {strides = array<i32>} : memref<13312xf32, #tpu.memory_space<vmem>>, vector<16xf32>,
        tpu.vector_store %arg12[%parallel_loop3A_378], %parallel_loop3A_377 {strides = array<i32>} : memref<13312xf32, #tpu.memory_space<vmem>>, vector<16xf32>,
        %parallel_loop3A_380 = arith.constant 96 : i32
        %parallel_loop3A_381 = arith.addi %parallel_loop3A_325, %parallel_loop3A_380 : i32
        %parallel_loop3A_382 = arith.index_cast %parallel_loop3A_381 : i32 to index
        %parallel_loop3A_383 = tpu.vector_load %arg12[%parallel_loop3A_382] {strides = array<i32>} : memref<13312xf32, #tpu.memory_space<vmem>>, vector<16xf32>,
        %parallel_loop3A_384 = vector.shape_cast %and3A_52 : vector<16xi32> to vector<16x1xi32>
        %parallel_loop3A_385 = vector.shape_cast %parallel_loop3A_384 : vector<16x1xi32> to vector<16xi32>
        %parallel_loop3A_386 = tpu.dynamic_gather %parallel_loop3A_383[%parallel_loop3A_385] in [0] : vector<16xf32>, vector<16xi32> -> vector<16xf32>
        %parallel_loop3A_387 = arith.index_cast %parallel_loop3A_381 : i32 to index
        %parallel_loop3A_388 = tpu.vector_load %arg12[%parallel_loop3A_387] {strides = array<i32>} : memref<13312xf32, #tpu.memory_space<vmem>>, vector<16xf32>,
        tpu.vector_store %arg12[%parallel_loop3A_387], %parallel_loop3A_386 {strides = array<i32>} : memref<13312xf32, #tpu.memory_space<vmem>>, vector<16xf32>,
        %parallel_loop3A_389 = arith.constant 112 : i32
        %parallel_loop3A_390 = arith.addi %parallel_loop3A_325, %parallel_loop3A_389 : i32
        %parallel_loop3A_391 = arith.index_cast %parallel_loop3A_390 : i32 to index
        %parallel_loop3A_392 = tpu.vector_load %arg12[%parallel_loop3A_391] {strides = array<i32>} : memref<13312xf32, #tpu.memory_space<vmem>>, vector<16xf32>,
        %parallel_loop3A_393 = vector.shape_cast %and3A_58 : vector<16xi32> to vector<16x1xi32>
        %parallel_loop3A_394 = vector.shape_cast %parallel_loop3A_393 : vector<16x1xi32> to vector<16xi32>
        %parallel_loop3A_395 = tpu.dynamic_gather %parallel_loop3A_392[%parallel_loop3A_394] in [0] : vector<16xf32>, vector<16xi32> -> vector<16xf32>
        %parallel_loop3A_396 = arith.index_cast %parallel_loop3A_390 : i32 to index
        %parallel_loop3A_397 = tpu.vector_load %arg12[%parallel_loop3A_396] {strides = array<i32>} : memref<13312xf32, #tpu.memory_space<vmem>>, vector<16xf32>,
        tpu.vector_store %arg12[%parallel_loop3A_396], %parallel_loop3A_395 {strides = array<i32>} : memref<13312xf32, #tpu.memory_space<vmem>>, vector<16xf32>,
        %parallel_loop3A_398 = arith.constant 128 : i32
        %parallel_loop3A_399 = arith.addi %parallel_loop3A_325, %parallel_loop3A_398 : i32
        %parallel_loop3A_400 = arith.index_cast %parallel_loop3A_399 : i32 to index
        %parallel_loop3A_401 = tpu.vector_load %arg12[%parallel_loop3A_400] {strides = array<i32>} : memref<13312xf32, #tpu.memory_space<vmem>>, vector<16xf32>,
        %parallel_loop3A_402 = vector.shape_cast %and3A_64 : vector<16xi32> to vector<16x1xi32>
        %parallel_loop3A_403 = vector.shape_cast %parallel_loop3A_402 : vector<16x1xi32> to vector<16xi32>
        %parallel_loop3A_404 = tpu.dynamic_gather %parallel_loop3A_401[%parallel_loop3A_403] in [0] : vector<16xf32>, vector<16xi32> -> vector<16xf32>
        %parallel_loop3A_405 = arith.index_cast %parallel_loop3A_399 : i32 to index
        %parallel_loop3A_406 = tpu.vector_load %arg12[%parallel_loop3A_405] {strides = array<i32>} : memref<13312xf32, #tpu.memory_space<vmem>>, vector<16xf32>,
        tpu.vector_store %arg12[%parallel_loop3A_405], %parallel_loop3A_404 {strides = array<i32>} : memref<13312xf32, #tpu.memory_space<vmem>>, vector<16xf32>,
        %parallel_loop3A_407 = arith.constant 144 : i32
        %parallel_loop3A_408 = arith.addi %parallel_loop3A_325, %parallel_loop3A_407 : i32
        %parallel_loop3A_409 = arith.index_cast %parallel_loop3A_408 : i32 to index
        %parallel_loop3A_410 = tpu.vector_load %arg12[%parallel_loop3A_409] {strides = array<i32>} : memref<13312xf32, #tpu.memory_space<vmem>>, vector<16xf32>,
        %parallel_loop3A_411 = vector.shape_cast %and3A_70 : vector<16xi32> to vector<16x1xi32>
        %parallel_loop3A_412 = vector.shape_cast %parallel_loop3A_411 : vector<16x1xi32> to vector<16xi32>
        %parallel_loop3A_413 = tpu.dynamic_gather %parallel_loop3A_410[%parallel_loop3A_412] in [0] : vector<16xf32>, vector<16xi32> -> vector<16xf32>
        %parallel_loop3A_414 = arith.index_cast %parallel_loop3A_408 : i32 to index
        %parallel_loop3A_415 = tpu.vector_load %arg12[%parallel_loop3A_414] {strides = array<i32>} : memref<13312xf32, #tpu.memory_space<vmem>>, vector<16xf32>,
        tpu.vector_store %arg12[%parallel_loop3A_414], %parallel_loop3A_413 {strides = array<i32>} : memref<13312xf32, #tpu.memory_space<vmem>>, vector<16xf32>,
        %parallel_loop3A_416 = arith.constant 160 : i32
        %parallel_loop3A_417 = arith.addi %parallel_loop3A_325, %parallel_loop3A_416 : i32
        %parallel_loop3A_418 = arith.index_cast %parallel_loop3A_417 : i32 to index
        %parallel_loop3A_419 = tpu.vector_load %arg12[%parallel_loop3A_418] {strides = array<i32>} : memref<13312xf32, #tpu.memory_space<vmem>>, vector<16xf32>,
        %parallel_loop3A_420 = vector.shape_cast %and3A_76 : vector<16xi32> to vector<16x1xi32>
        %parallel_loop3A_421 = vector.shape_cast %parallel_loop3A_420 : vector<16x1xi32> to vector<16xi32>
        %parallel_loop3A_422 = tpu.dynamic_gather %parallel_loop3A_419[%parallel_loop3A_421] in [0] : vector<16xf32>, vector<16xi32> -> vector<16xf32>
        %parallel_loop3A_423 = arith.index_cast %parallel_loop3A_417 : i32 to index
        %parallel_loop3A_424 = tpu.vector_load %arg12[%parallel_loop3A_423] {strides = array<i32>} : memref<13312xf32, #tpu.memory_space<vmem>>, vector<16xf32>,
        tpu.vector_store %arg12[%parallel_loop3A_423], %parallel_loop3A_422 {strides = array<i32>} : memref<13312xf32, #tpu.memory_space<vmem>>, vector<16xf32>,
        %parallel_loop3A_425 = arith.constant 176 : i32
        %parallel_loop3A_426 = arith.addi %parallel_loop3A_325, %parallel_loop3A_425 : i32
        %parallel_loop3A_427 = arith.index_cast %parallel_loop3A_426 : i32 to index
        %parallel_loop3A_428 = tpu.vector_load %arg12[%parallel_loop3A_427] {strides = array<i32>} : memref<13312xf32, #tpu.memory_space<vmem>>, vector<16xf32>,
        %parallel_loop3A_429 = vector.shape_cast %and3A_82 : vector<16xi32> to vector<16x1xi32>
        %parallel_loop3A_430 = vector.shape_cast %parallel_loop3A_429 : vector<16x1xi32> to vector<16xi32>
        %parallel_loop3A_431 = tpu.dynamic_gather %parallel_loop3A_428[%parallel_loop3A_430] in [0] : vector<16xf32>, vector<16xi32> -> vector<16xf32>
        %parallel_loop3A_432 = arith.index_cast %parallel_loop3A_426 : i32 to index
        %parallel_loop3A_433 = tpu.vector_load %arg12[%parallel_loop3A_432] {strides = array<i32>} : memref<13312xf32, #tpu.memory_space<vmem>>, vector<16xf32>,
        tpu.vector_store %arg12[%parallel_loop3A_432], %parallel_loop3A_431 {strides = array<i32>} : memref<13312xf32, #tpu.memory_space<vmem>>, vector<16xf32>,
        %parallel_loop3A_434 = arith.constant 192 : i32
        %parallel_loop3A_435 = arith.addi %parallel_loop3A_325, %parallel_loop3A_434 : i32
        %parallel_loop3A_436 = arith.index_cast %parallel_loop3A_435 : i32 to index
        %parallel_loop3A_437 = tpu.vector_load %arg12[%parallel_loop3A_436] {strides = array<i32>} : memref<13312xf32, #tpu.memory_space<vmem>>, vector<16xf32>,
        %parallel_loop3A_438 = vector.shape_cast %and3A_88 : vector<16xi32> to vector<16x1xi32>
        %parallel_loop3A_439 = vector.shape_cast %parallel_loop3A_438 : vector<16x1xi32> to vector<16xi32>
        %parallel_loop3A_440 = tpu.dynamic_gather %parallel_loop3A_437[%parallel_loop3A_439] in [0] : vector<16xf32>, vector<16xi32> -> vector<16xf32>
        %parallel_loop3A_441 = arith.index_cast %parallel_loop3A_435 : i32 to index
        %parallel_loop3A_442 = tpu.vector_load %arg12[%parallel_loop3A_441] {strides = array<i32>} : memref<13312xf32, #tpu.memory_space<vmem>>, vector<16xf32>,
        tpu.vector_store %arg12[%parallel_loop3A_441], %parallel_loop3A_440 {strides = array<i32>} : memref<13312xf32, #tpu.memory_space<vmem>>, vector<16xf32>,
        %parallel_loop3A_443 = arith.constant 208 : i32
        %parallel_loop3A_444 = arith.addi %parallel_loop3A_325, %parallel_loop3A_443 : i32
        %parallel_loop3A_445 = arith.index_cast %parallel_loop3A_444 : i32 to index
        %parallel_loop3A_446 = tpu.vector_load %arg12[%parallel_loop3A_445] {strides = array<i32>} : memref<13312xf32, #tpu.memory_space<vmem>>, vector<16xf32>,
        %parallel_loop3A_447 = vector.shape_cast %and3A_94 : vector<16xi32> to vector<16x1xi32>
        %parallel_loop3A_448 = vector.shape_cast %parallel_loop3A_447 : vector<16x1xi32> to vector<16xi32>
        %parallel_loop3A_449 = tpu.dynamic_gather %parallel_loop3A_446[%parallel_loop3A_448] in [0] : vector<16xf32>, vector<16xi32> -> vector<16xf32>
        %parallel_loop3A_450 = arith.index_cast %parallel_loop3A_444 : i32 to index
        %parallel_loop3A_451 = tpu.vector_load %arg12[%parallel_loop3A_450] {strides = array<i32>} : memref<13312xf32, #tpu.memory_space<vmem>>, vector<16xf32>,
        tpu.vector_store %arg12[%parallel_loop3A_450], %parallel_loop3A_449 {strides = array<i32>} : memref<13312xf32, #tpu.memory_space<vmem>>, vector<16xf32>,
        %parallel_loop3A_452 = arith.constant 224 : i32
        %parallel_loop3A_453 = arith.addi %parallel_loop3A_325, %parallel_loop3A_452 : i32
        %parallel_loop3A_454 = arith.index_cast %parallel_loop3A_453 : i32 to index
        %parallel_loop3A_455 = tpu.vector_load %arg12[%parallel_loop3A_454] {strides = array<i32>} : memref<13312xf32, #tpu.memory_space<vmem>>, vector<16xf32>,
        %parallel_loop3A_456 = vector.shape_cast %and3A_100 : vector<16xi32> to vector<16x1xi32>
        %parallel_loop3A_457 = vector.shape_cast %parallel_loop3A_456 : vector<16x1xi32> to vector<16xi32>
        %parallel_loop3A_458 = tpu.dynamic_gather %parallel_loop3A_455[%parallel_loop3A_457] in [0] : vector<16xf32>, vector<16xi32> -> vector<16xf32>
        %parallel_loop3A_459 = arith.index_cast %parallel_loop3A_453 : i32 to index
        %parallel_loop3A_460 = tpu.vector_load %arg12[%parallel_loop3A_459] {strides = array<i32>} : memref<13312xf32, #tpu.memory_space<vmem>>, vector<16xf32>,
        tpu.vector_store %arg12[%parallel_loop3A_459], %parallel_loop3A_458 {strides = array<i32>} : memref<13312xf32, #tpu.memory_space<vmem>>, vector<16xf32>,
        %parallel_loop3A_461 = arith.constant 240 : i32
        %parallel_loop3A_462 = arith.addi %parallel_loop3A_325, %parallel_loop3A_461 : i32
        %parallel_loop3A_463 = arith.index_cast %parallel_loop3A_462 : i32 to index
        %parallel_loop3A_464 = tpu.vector_load %arg12[%parallel_loop3A_463] {strides = array<i32>} : memref<13312xf32, #tpu.memory_space<vmem>>, vector<16xf32>,
        %parallel_loop3A_465 = vector.shape_cast %and3A_106 : vector<16xi32> to vector<16x1xi32>
        %parallel_loop3A_466 = vector.shape_cast %parallel_loop3A_465 : vector<16x1xi32> to vector<16xi32>
        %parallel_loop3A_467 = tpu.dynamic_gather %parallel_loop3A_464[%parallel_loop3A_466] in [0] : vector<16xf32>, vector<16xi32> -> vector<16xf32>
        %parallel_loop3A_468 = arith.index_cast %parallel_loop3A_462 : i32 to index
        %parallel_loop3A_469 = tpu.vector_load %arg12[%parallel_loop3A_468] {strides = array<i32>} : memref<13312xf32, #tpu.memory_space<vmem>>, vector<16xf32>,
        tpu.vector_store %arg12[%parallel_loop3A_468], %parallel_loop3A_467 {strides = array<i32>} : memref<13312xf32, #tpu.memory_space<vmem>>, vector<16xf32>,
      } {sc.loop_unroll_factor = 2 : i64, sc.parallel_access}
      %add3A_294 = arith.addi %mul3A_2, %mul3A_287 : i32
      %mul3A_295 = arith.constant 16 : i32
      %mul3A_296 = arith.muli %add3A_294, %mul3A_295 : i32
      %dma_start3A_297 = tpu.memref_slice %arg5[%mul3A_296] : memref<6815744xf32, #tpu.memory_space<hbm>> -> memref<13312xf32, #tpu.memory_space<hbm>>
      %dma_start3A_298 = tpu.memref_slice %arg5[%mul3A_296] : memref<6815744xf32, #tpu.memory_space<hbm>> -> memref<13312xf32, #tpu.memory_space<hbm>>
      tpu.enqueue_dma source(%arg12 : memref<13312xf32, #tpu.memory_space<vmem>>) target(%dma_start3A_298 : memref<13312xf32, #tpu.memory_space<hbm>>) target_semaphore(%arg15 : memref<!tpu.dma_semaphore, #tpu.memory_space<semaphore_mem>>)
      %gt3A_299 = arith.constant 0 : i32
      %gt3A_300 = arith.cmpi sgt, %scan3A_281, %gt3A_299 : i32
      %convert_element_type3A_301 = arith.extui %gt3A_300 : i1 to i32
      %cond3A_302 = arith.constant 0 : i32
      %cond3A_303 = arith.cmpi ne, %convert_element_type3A_301, %cond3A_302 : i32
      scf.if %cond3A_303 {
        %dma_wait3A_321 = arith.constant 0 : i32
        %dma_wait3A_322 = tpu.memref_slice %arg5[%dma_wait3A_321] : memref<6815744xf32, #tpu.memory_space<hbm>> -> memref<13312xf32, #tpu.memory_space<hbm>>
        %dma_wait3A_323 = arith.constant 0 : i32
        %dma_wait3A_324 = tpu.memref_slice %arg5[%dma_wait3A_323] : memref<6815744xf32, #tpu.memory_space<hbm>> -> memref<13312xf32, #tpu.memory_space<hbm>>
        tpu.wait_dma2 semaphore(%arg16 : memref<!tpu.dma_semaphore, #tpu.memory_space<semaphore_mem>>) src(%dma_wait3A_324 : memref<13312xf32, #tpu.memory_space<hbm>>) dst(%arg13 : memref<13312xf32, #tpu.memory_space<vmem>>)
      } else {
      }
      %mul3A_304 = arith.constant 2 : i32
      %mul3A_305 = arith.muli %scan3A_281, %mul3A_304 : i32
      %add3A_306 = arith.constant 1 : i32
      %add3A_307 = arith.addi %mul3A_305, %add3A_306 : i32
      %mul3A_308 = arith.constant 832 : i32
      %mul3A_309 = arith.muli %add3A_307, %mul3A_308 : i32
      %parallel_loop3A_310 = arith.constant 0 : i32
      %parallel_loop3A_311 = arith.constant 52 : i32
      %parallel_loop3A_312 = arith.constant 1 : i32
      scf.for %parallel_loop3A_321 = %parallel_loop3A_310 to %parallel_loop3A_311 step %parallel_loop3A_312  : i32 {
        %parallel_loop3A_322 = arith.constant 16 : i32
        %parallel_loop3A_323 = arith.muli %parallel_loop3A_321, %parallel_loop3A_322 : i32
        %parallel_loop3A_324 = arith.addi %mul3A_309, %parallel_loop3A_323 : i32
        %parallel_loop3A_325 = arith.index_cast %parallel_loop3A_324 : i32 to index
        %parallel_loop3A_326 = tpu.vector_load %arg10[%parallel_loop3A_325] {strides = array<i32>} : memref<13312xi32, #tpu.memory_space<vmem>>, vector<16xi32>,
        %parallel_loop3A_327 = arith.addi %mul3A_309, %parallel_loop3A_323 : i32
        %parallel_loop3A_328 = arith.index_cast %parallel_loop3A_327 : i32 to index
        %parallel_loop3A_329 = tpu.vector_load %arg11[%parallel_loop3A_328] {strides = array<i32>} : memref<13312xf32, #tpu.memory_space<vmem>>, vector<16xf32>,
        %parallel_loop3A_330 = arith.constant 15 : i32
        %parallel_loop3A_331 = vector.broadcast %parallel_loop3A_330 : i32 to vector<16xi32>
        %parallel_loop3A_332 = arith.andi %parallel_loop3A_326, %parallel_loop3A_331 : vector<16xi32>
        %parallel_loop3A_333 = arith.subi %parallel_loop3A_326, %parallel_loop3A_332 : vector<16xi32>
        %parallel_loop3A_334 = arith.constant 16 : i32
        %parallel_loop3A_335 = arith.muli %parallel_loop3A_323, %parallel_loop3A_334 : i32
        %parallel_loop3A_336 = vector.shape_cast %parallel_loop3A_332 : vector<16xi32> to vector<16x1xi32>
        %parallel_loop3A_337 = vector.shape_cast %parallel_loop3A_336 : vector<16x1xi32> to vector<16xi32>
        %parallel_loop3A_338 = tpu.dynamic_gather %and3A_16[%parallel_loop3A_337] in [0] : vector<16xi32>, vector<16xi32> -> vector<16xi32>
        %parallel_loop3A_339 = arith.addi %parallel_loop3A_333, %parallel_loop3A_338 : vector<16xi32>
        %parallel_loop3A_340 = tpu.vector_load_idx %arg9[%parallel_loop3A_339] : memref<6656xi32, #tpu.memory_space<vmem>>[vector<16xi32>], vector<16xi32>,
        %parallel_loop3A_341 = vector.bitcast %parallel_loop3A_340 : vector<16xi32> to vector<32xbf16>
        %parallel_loop3A_342 = tpu.unpack_subelements %parallel_loop3A_341, 0 {pack_format = #tpu.pack_format<interleaved>} : vector<32xbf16> -> vector<16xf32>
        %parallel_loop3A_343 = tpu.unpack_subelements %parallel_loop3A_341, 1 {pack_format = #tpu.pack_format<interleaved>} : vector<32xbf16> -> vector<16xf32>
        %parallel_loop3A_344 = vector.broadcast %parallel_loop3A_335 : i32 to vector<16xi32>
        %parallel_loop3A_345 = arith.addi %add3A_116, %parallel_loop3A_344 : vector<16xi32>
        %parallel_loop3A_346 = arith.mulf %parallel_loop3A_329, %parallel_loop3A_343 : vector<16xf32>
        %parallel_loop3A_347 = arith.addf %parallel_loop3A_342, %parallel_loop3A_346 : vector<16xf32>
        tpu.vector_store_idx %arg13[%parallel_loop3A_345], %parallel_loop3A_347 : memref<13312xf32, #tpu.memory_space<vmem>>[vector<16xi32>], vector<16xf32>,
        %parallel_loop3A_348 = vector.shape_cast %parallel_loop3A_332 : vector<16xi32> to vector<16x1xi32>
        %parallel_loop3A_349 = vector.shape_cast %parallel_loop3A_348 : vector<16x1xi32> to vector<16xi32>
        %parallel_loop3A_350 = tpu.dynamic_gather %and3A_22[%parallel_loop3A_349] in [0] : vector<16xi32>, vector<16xi32> -> vector<16xi32>
        %parallel_loop3A_351 = arith.addi %parallel_loop3A_333, %parallel_loop3A_350 : vector<16xi32>
        %parallel_loop3A_352 = tpu.vector_load_idx %arg9[%parallel_loop3A_351] : memref<6656xi32, #tpu.memory_space<vmem>>[vector<16xi32>], vector<16xi32>,
        %parallel_loop3A_353 = vector.bitcast %parallel_loop3A_352 : vector<16xi32> to vector<32xbf16>
        %parallel_loop3A_354 = tpu.unpack_subelements %parallel_loop3A_353, 0 {pack_format = #tpu.pack_format<interleaved>} : vector<32xbf16> -> vector<16xf32>
        %parallel_loop3A_355 = tpu.unpack_subelements %parallel_loop3A_353, 1 {pack_format = #tpu.pack_format<interleaved>} : vector<32xbf16> -> vector<16xf32>
        %parallel_loop3A_356 = vector.broadcast %parallel_loop3A_335 : i32 to vector<16xi32>
        %parallel_loop3A_357 = arith.addi %add3A_126, %parallel_loop3A_356 : vector<16xi32>
        %parallel_loop3A_358 = arith.mulf %parallel_loop3A_329, %parallel_loop3A_355 : vector<16xf32>
        %parallel_loop3A_359 = arith.addf %parallel_loop3A_354, %parallel_loop3A_358 : vector<16xf32>
        tpu.vector_store_idx %arg13[%parallel_loop3A_357], %parallel_loop3A_359 : memref<13312xf32, #tpu.memory_space<vmem>>[vector<16xi32>], vector<16xf32>,
        %parallel_loop3A_360 = vector.shape_cast %parallel_loop3A_332 : vector<16xi32> to vector<16x1xi32>
        %parallel_loop3A_361 = vector.shape_cast %parallel_loop3A_360 : vector<16x1xi32> to vector<16xi32>
        %parallel_loop3A_362 = tpu.dynamic_gather %and3A_28[%parallel_loop3A_361] in [0] : vector<16xi32>, vector<16xi32> -> vector<16xi32>
        %parallel_loop3A_363 = arith.addi %parallel_loop3A_333, %parallel_loop3A_362 : vector<16xi32>
        %parallel_loop3A_364 = tpu.vector_load_idx %arg9[%parallel_loop3A_363] : memref<6656xi32, #tpu.memory_space<vmem>>[vector<16xi32>], vector<16xi32>,
        %parallel_loop3A_365 = vector.bitcast %parallel_loop3A_364 : vector<16xi32> to vector<32xbf16>
        %parallel_loop3A_366 = tpu.unpack_subelements %parallel_loop3A_365, 0 {pack_format = #tpu.pack_format<interleaved>} : vector<32xbf16> -> vector<16xf32>
        %parallel_loop3A_367 = tpu.unpack_subelements %parallel_loop3A_365, 1 {pack_format = #tpu.pack_format<interleaved>} : vector<32xbf16> -> vector<16xf32>
        %parallel_loop3A_368 = vector.broadcast %parallel_loop3A_335 : i32 to vector<16xi32>
        %parallel_loop3A_369 = arith.addi %add3A_136, %parallel_loop3A_368 : vector<16xi32>
        %parallel_loop3A_370 = arith.mulf %parallel_loop3A_329, %parallel_loop3A_367 : vector<16xf32>
        %parallel_loop3A_371 = arith.addf %parallel_loop3A_366, %parallel_loop3A_370 : vector<16xf32>
        tpu.vector_store_idx %arg13[%parallel_loop3A_369], %parallel_loop3A_371 : memref<13312xf32, #tpu.memory_space<vmem>>[vector<16xi32>], vector<16xf32>,
        %parallel_loop3A_372 = vector.shape_cast %parallel_loop3A_332 : vector<16xi32> to vector<16x1xi32>
        %parallel_loop3A_373 = vector.shape_cast %parallel_loop3A_372 : vector<16x1xi32> to vector<16xi32>
        %parallel_loop3A_374 = tpu.dynamic_gather %and3A_34[%parallel_loop3A_373] in [0] : vector<16xi32>, vector<16xi32> -> vector<16xi32>
        %parallel_loop3A_375 = arith.addi %parallel_loop3A_333, %parallel_loop3A_374 : vector<16xi32>
        %parallel_loop3A_376 = tpu.vector_load_idx %arg9[%parallel_loop3A_375] : memref<6656xi32, #tpu.memory_space<vmem>>[vector<16xi32>], vector<16xi32>,
        %parallel_loop3A_377 = vector.bitcast %parallel_loop3A_376 : vector<16xi32> to vector<32xbf16>
        %parallel_loop3A_378 = tpu.unpack_subelements %parallel_loop3A_377, 0 {pack_format = #tpu.pack_format<interleaved>} : vector<32xbf16> -> vector<16xf32>
        %parallel_loop3A_379 = tpu.unpack_subelements %parallel_loop3A_377, 1 {pack_format = #tpu.pack_format<interleaved>} : vector<32xbf16> -> vector<16xf32>
        %parallel_loop3A_380 = vector.broadcast %parallel_loop3A_335 : i32 to vector<16xi32>
        %parallel_loop3A_381 = arith.addi %add3A_146, %parallel_loop3A_380 : vector<16xi32>
        %parallel_loop3A_382 = arith.mulf %parallel_loop3A_329, %parallel_loop3A_379 : vector<16xf32>
        %parallel_loop3A_383 = arith.addf %parallel_loop3A_378, %parallel_loop3A_382 : vector<16xf32>
        tpu.vector_store_idx %arg13[%parallel_loop3A_381], %parallel_loop3A_383 : memref<13312xf32, #tpu.memory_space<vmem>>[vector<16xi32>], vector<16xf32>,
        %parallel_loop3A_384 = vector.shape_cast %parallel_loop3A_332 : vector<16xi32> to vector<16x1xi32>
        %parallel_loop3A_385 = vector.shape_cast %parallel_loop3A_384 : vector<16x1xi32> to vector<16xi32>
        %parallel_loop3A_386 = tpu.dynamic_gather %and3A_40[%parallel_loop3A_385] in [0] : vector<16xi32>, vector<16xi32> -> vector<16xi32>
        %parallel_loop3A_387 = arith.addi %parallel_loop3A_333, %parallel_loop3A_386 : vector<16xi32>
        %parallel_loop3A_388 = tpu.vector_load_idx %arg9[%parallel_loop3A_387] : memref<6656xi32, #tpu.memory_space<vmem>>[vector<16xi32>], vector<16xi32>,
        %parallel_loop3A_389 = vector.bitcast %parallel_loop3A_388 : vector<16xi32> to vector<32xbf16>
        %parallel_loop3A_390 = tpu.unpack_subelements %parallel_loop3A_389, 0 {pack_format = #tpu.pack_format<interleaved>} : vector<32xbf16> -> vector<16xf32>
        %parallel_loop3A_391 = tpu.unpack_subelements %parallel_loop3A_389, 1 {pack_format = #tpu.pack_format<interleaved>} : vector<32xbf16> -> vector<16xf32>
        %parallel_loop3A_392 = vector.broadcast %parallel_loop3A_335 : i32 to vector<16xi32>
        %parallel_loop3A_393 = arith.addi %add3A_156, %parallel_loop3A_392 : vector<16xi32>
        %parallel_loop3A_394 = arith.mulf %parallel_loop3A_329, %parallel_loop3A_391 : vector<16xf32>
        %parallel_loop3A_395 = arith.addf %parallel_loop3A_390, %parallel_loop3A_394 : vector<16xf32>
        tpu.vector_store_idx %arg13[%parallel_loop3A_393], %parallel_loop3A_395 : memref<13312xf32, #tpu.memory_space<vmem>>[vector<16xi32>], vector<16xf32>,
        %parallel_loop3A_396 = vector.shape_cast %parallel_loop3A_332 : vector<16xi32> to vector<16x1xi32>
        %parallel_loop3A_397 = vector.shape_cast %parallel_loop3A_396 : vector<16x1xi32> to vector<16xi32>
        %parallel_loop3A_398 = tpu.dynamic_gather %and3A_46[%parallel_loop3A_397] in [0] : vector<16xi32>, vector<16xi32> -> vector<16xi32>
        %parallel_loop3A_399 = arith.addi %parallel_loop3A_333, %parallel_loop3A_398 : vector<16xi32>
        %parallel_loop3A_400 = tpu.vector_load_idx %arg9[%parallel_loop3A_399] : memref<6656xi32, #tpu.memory_space<vmem>>[vector<16xi32>], vector<16xi32>,
        %parallel_loop3A_401 = vector.bitcast %parallel_loop3A_400 : vector<16xi32> to vector<32xbf16>
        %parallel_loop3A_402 = tpu.unpack_subelements %parallel_loop3A_401, 0 {pack_format = #tpu.pack_format<interleaved>} : vector<32xbf16> -> vector<16xf32>
        %parallel_loop3A_403 = tpu.unpack_subelements %parallel_loop3A_401, 1 {pack_format = #tpu.pack_format<interleaved>} : vector<32xbf16> -> vector<16xf32>
        %parallel_loop3A_404 = vector.broadcast %parallel_loop3A_335 : i32 to vector<16xi32>
        %parallel_loop3A_405 = arith.addi %add3A_166, %parallel_loop3A_404 : vector<16xi32>
        %parallel_loop3A_406 = arith.mulf %parallel_loop3A_329, %parallel_loop3A_403 : vector<16xf32>
        %parallel_loop3A_407 = arith.addf %parallel_loop3A_402, %parallel_loop3A_406 : vector<16xf32>
        tpu.vector_store_idx %arg13[%parallel_loop3A_405], %parallel_loop3A_407 : memref<13312xf32, #tpu.memory_space<vmem>>[vector<16xi32>], vector<16xf32>,
        %parallel_loop3A_408 = vector.shape_cast %parallel_loop3A_332 : vector<16xi32> to vector<16x1xi32>
        %parallel_loop3A_409 = vector.shape_cast %parallel_loop3A_408 : vector<16x1xi32> to vector<16xi32>
        %parallel_loop3A_410 = tpu.dynamic_gather %and3A_52[%parallel_loop3A_409] in [0] : vector<16xi32>, vector<16xi32> -> vector<16xi32>
        %parallel_loop3A_411 = arith.addi %parallel_loop3A_333, %parallel_loop3A_410 : vector<16xi32>
        %parallel_loop3A_412 = tpu.vector_load_idx %arg9[%parallel_loop3A_411] : memref<6656xi32, #tpu.memory_space<vmem>>[vector<16xi32>], vector<16xi32>,
        %parallel_loop3A_413 = vector.bitcast %parallel_loop3A_412 : vector<16xi32> to vector<32xbf16>
        %parallel_loop3A_414 = tpu.unpack_subelements %parallel_loop3A_413, 0 {pack_format = #tpu.pack_format<interleaved>} : vector<32xbf16> -> vector<16xf32>
        %parallel_loop3A_415 = tpu.unpack_subelements %parallel_loop3A_413, 1 {pack_format = #tpu.pack_format<interleaved>} : vector<32xbf16> -> vector<16xf32>
        %parallel_loop3A_416 = vector.broadcast %parallel_loop3A_335 : i32 to vector<16xi32>
        %parallel_loop3A_417 = arith.addi %add3A_176, %parallel_loop3A_416 : vector<16xi32>
        %parallel_loop3A_418 = arith.mulf %parallel_loop3A_329, %parallel_loop3A_415 : vector<16xf32>
        %parallel_loop3A_419 = arith.addf %parallel_loop3A_414, %parallel_loop3A_418 : vector<16xf32>
        tpu.vector_store_idx %arg13[%parallel_loop3A_417], %parallel_loop3A_419 : memref<13312xf32, #tpu.memory_space<vmem>>[vector<16xi32>], vector<16xf32>,
        %parallel_loop3A_420 = vector.shape_cast %parallel_loop3A_332 : vector<16xi32> to vector<16x1xi32>
        %parallel_loop3A_421 = vector.shape_cast %parallel_loop3A_420 : vector<16x1xi32> to vector<16xi32>
        %parallel_loop3A_422 = tpu.dynamic_gather %and3A_58[%parallel_loop3A_421] in [0] : vector<16xi32>, vector<16xi32> -> vector<16xi32>
        %parallel_loop3A_423 = arith.addi %parallel_loop3A_333, %parallel_loop3A_422 : vector<16xi32>
        %parallel_loop3A_424 = tpu.vector_load_idx %arg9[%parallel_loop3A_423] : memref<6656xi32, #tpu.memory_space<vmem>>[vector<16xi32>], vector<16xi32>,
        %parallel_loop3A_425 = vector.bitcast %parallel_loop3A_424 : vector<16xi32> to vector<32xbf16>
        %parallel_loop3A_426 = tpu.unpack_subelements %parallel_loop3A_425, 0 {pack_format = #tpu.pack_format<interleaved>} : vector<32xbf16> -> vector<16xf32>
        %parallel_loop3A_427 = tpu.unpack_subelements %parallel_loop3A_425, 1 {pack_format = #tpu.pack_format<interleaved>} : vector<32xbf16> -> vector<16xf32>
        %parallel_loop3A_428 = vector.broadcast %parallel_loop3A_335 : i32 to vector<16xi32>
        %parallel_loop3A_429 = arith.addi %add3A_186, %parallel_loop3A_428 : vector<16xi32>
        %parallel_loop3A_430 = arith.mulf %parallel_loop3A_329, %parallel_loop3A_427 : vector<16xf32>
        %parallel_loop3A_431 = arith.addf %parallel_loop3A_426, %parallel_loop3A_430 : vector<16xf32>
        tpu.vector_store_idx %arg13[%parallel_loop3A_429], %parallel_loop3A_431 : memref<13312xf32, #tpu.memory_space<vmem>>[vector<16xi32>], vector<16xf32>,
        %parallel_loop3A_432 = vector.shape_cast %parallel_loop3A_332 : vector<16xi32> to vector<16x1xi32>
        %parallel_loop3A_433 = vector.shape_cast %parallel_loop3A_432 : vector<16x1xi32> to vector<16xi32>
        %parallel_loop3A_434 = tpu.dynamic_gather %and3A_64[%parallel_loop3A_433] in [0] : vector<16xi32>, vector<16xi32> -> vector<16xi32>
        %parallel_loop3A_435 = arith.addi %parallel_loop3A_333, %parallel_loop3A_434 : vector<16xi32>
        %parallel_loop3A_436 = tpu.vector_load_idx %arg9[%parallel_loop3A_435] : memref<6656xi32, #tpu.memory_space<vmem>>[vector<16xi32>], vector<16xi32>,
        %parallel_loop3A_437 = vector.bitcast %parallel_loop3A_436 : vector<16xi32> to vector<32xbf16>
        %parallel_loop3A_438 = tpu.unpack_subelements %parallel_loop3A_437, 0 {pack_format = #tpu.pack_format<interleaved>} : vector<32xbf16> -> vector<16xf32>
        %parallel_loop3A_439 = tpu.unpack_subelements %parallel_loop3A_437, 1 {pack_format = #tpu.pack_format<interleaved>} : vector<32xbf16> -> vector<16xf32>
        %parallel_loop3A_440 = vector.broadcast %parallel_loop3A_335 : i32 to vector<16xi32>
        %parallel_loop3A_441 = arith.addi %add3A_196, %parallel_loop3A_440 : vector<16xi32>
        %parallel_loop3A_442 = arith.mulf %parallel_loop3A_329, %parallel_loop3A_439 : vector<16xf32>
        %parallel_loop3A_443 = arith.addf %parallel_loop3A_438, %parallel_loop3A_442 : vector<16xf32>
        tpu.vector_store_idx %arg13[%parallel_loop3A_441], %parallel_loop3A_443 : memref<13312xf32, #tpu.memory_space<vmem>>[vector<16xi32>], vector<16xf32>,
        %parallel_loop3A_444 = vector.shape_cast %parallel_loop3A_332 : vector<16xi32> to vector<16x1xi32>
        %parallel_loop3A_445 = vector.shape_cast %parallel_loop3A_444 : vector<16x1xi32> to vector<16xi32>
        %parallel_loop3A_446 = tpu.dynamic_gather %and3A_70[%parallel_loop3A_445] in [0] : vector<16xi32>, vector<16xi32> -> vector<16xi32>
        %parallel_loop3A_447 = arith.addi %parallel_loop3A_333, %parallel_loop3A_446 : vector<16xi32>
        %parallel_loop3A_448 = tpu.vector_load_idx %arg9[%parallel_loop3A_447] : memref<6656xi32, #tpu.memory_space<vmem>>[vector<16xi32>], vector<16xi32>,
        %parallel_loop3A_449 = vector.bitcast %parallel_loop3A_448 : vector<16xi32> to vector<32xbf16>
        %parallel_loop3A_450 = tpu.unpack_subelements %parallel_loop3A_449, 0 {pack_format = #tpu.pack_format<interleaved>} : vector<32xbf16> -> vector<16xf32>
        %parallel_loop3A_451 = tpu.unpack_subelements %parallel_loop3A_449, 1 {pack_format = #tpu.pack_format<interleaved>} : vector<32xbf16> -> vector<16xf32>
        %parallel_loop3A_452 = vector.broadcast %parallel_loop3A_335 : i32 to vector<16xi32>
        %parallel_loop3A_453 = arith.addi %add3A_206, %parallel_loop3A_452 : vector<16xi32>
        %parallel_loop3A_454 = arith.mulf %parallel_loop3A_329, %parallel_loop3A_451 : vector<16xf32>
        %parallel_loop3A_455 = arith.addf %parallel_loop3A_450, %parallel_loop3A_454 : vector<16xf32>
        tpu.vector_store_idx %arg13[%parallel_loop3A_453], %parallel_loop3A_455 : memref<13312xf32, #tpu.memory_space<vmem>>[vector<16xi32>], vector<16xf32>,
        %parallel_loop3A_456 = vector.shape_cast %parallel_loop3A_332 : vector<16xi32> to vector<16x1xi32>
        %parallel_loop3A_457 = vector.shape_cast %parallel_loop3A_456 : vector<16x1xi32> to vector<16xi32>
        %parallel_loop3A_458 = tpu.dynamic_gather %and3A_76[%parallel_loop3A_457] in [0] : vector<16xi32>, vector<16xi32> -> vector<16xi32>
        %parallel_loop3A_459 = arith.addi %parallel_loop3A_333, %parallel_loop3A_458 : vector<16xi32>
        %parallel_loop3A_460 = tpu.vector_load_idx %arg9[%parallel_loop3A_459] : memref<6656xi32, #tpu.memory_space<vmem>>[vector<16xi32>], vector<16xi32>,
        %parallel_loop3A_461 = vector.bitcast %parallel_loop3A_460 : vector<16xi32> to vector<32xbf16>
        %parallel_loop3A_462 = tpu.unpack_subelements %parallel_loop3A_461, 0 {pack_format = #tpu.pack_format<interleaved>} : vector<32xbf16> -> vector<16xf32>
        %parallel_loop3A_463 = tpu.unpack_subelements %parallel_loop3A_461, 1 {pack_format = #tpu.pack_format<interleaved>} : vector<32xbf16> -> vector<16xf32>
        %parallel_loop3A_464 = vector.broadcast %parallel_loop3A_335 : i32 to vector<16xi32>
        %parallel_loop3A_465 = arith.addi %add3A_216, %parallel_loop3A_464 : vector<16xi32>
        %parallel_loop3A_466 = arith.mulf %parallel_loop3A_329, %parallel_loop3A_463 : vector<16xf32>
        %parallel_loop3A_467 = arith.addf %parallel_loop3A_462, %parallel_loop3A_466 : vector<16xf32>
        tpu.vector_store_idx %arg13[%parallel_loop3A_465], %parallel_loop3A_467 : memref<13312xf32, #tpu.memory_space<vmem>>[vector<16xi32>], vector<16xf32>,
        %parallel_loop3A_468 = vector.shape_cast %parallel_loop3A_332 : vector<16xi32> to vector<16x1xi32>
        %parallel_loop3A_469 = vector.shape_cast %parallel_loop3A_468 : vector<16x1xi32> to vector<16xi32>
        %parallel_loop3A_470 = tpu.dynamic_gather %and3A_82[%parallel_loop3A_469] in [0] : vector<16xi32>, vector<16xi32> -> vector<16xi32>
        %parallel_loop3A_471 = arith.addi %parallel_loop3A_333, %parallel_loop3A_470 : vector<16xi32>
        %parallel_loop3A_472 = tpu.vector_load_idx %arg9[%parallel_loop3A_471] : memref<6656xi32, #tpu.memory_space<vmem>>[vector<16xi32>], vector<16xi32>,
        %parallel_loop3A_473 = vector.bitcast %parallel_loop3A_472 : vector<16xi32> to vector<32xbf16>
        %parallel_loop3A_474 = tpu.unpack_subelements %parallel_loop3A_473, 0 {pack_format = #tpu.pack_format<interleaved>} : vector<32xbf16> -> vector<16xf32>
        %parallel_loop3A_475 = tpu.unpack_subelements %parallel_loop3A_473, 1 {pack_format = #tpu.pack_format<interleaved>} : vector<32xbf16> -> vector<16xf32>
        %parallel_loop3A_476 = vector.broadcast %parallel_loop3A_335 : i32 to vector<16xi32>
        %parallel_loop3A_477 = arith.addi %add3A_226, %parallel_loop3A_476 : vector<16xi32>
        %parallel_loop3A_478 = arith.mulf %parallel_loop3A_329, %parallel_loop3A_475 : vector<16xf32>
        %parallel_loop3A_479 = arith.addf %parallel_loop3A_474, %parallel_loop3A_478 : vector<16xf32>
        tpu.vector_store_idx %arg13[%parallel_loop3A_477], %parallel_loop3A_479 : memref<13312xf32, #tpu.memory_space<vmem>>[vector<16xi32>], vector<16xf32>,
        %parallel_loop3A_480 = vector.shape_cast %parallel_loop3A_332 : vector<16xi32> to vector<16x1xi32>
        %parallel_loop3A_481 = vector.shape_cast %parallel_loop3A_480 : vector<16x1xi32> to vector<16xi32>
        %parallel_loop3A_482 = tpu.dynamic_gather %and3A_88[%parallel_loop3A_481] in [0] : vector<16xi32>, vector<16xi32> -> vector<16xi32>
        %parallel_loop3A_483 = arith.addi %parallel_loop3A_333, %parallel_loop3A_482 : vector<16xi32>
        %parallel_loop3A_484 = tpu.vector_load_idx %arg9[%parallel_loop3A_483] : memref<6656xi32, #tpu.memory_space<vmem>>[vector<16xi32>], vector<16xi32>,
        %parallel_loop3A_485 = vector.bitcast %parallel_loop3A_484 : vector<16xi32> to vector<32xbf16>
        %parallel_loop3A_486 = tpu.unpack_subelements %parallel_loop3A_485, 0 {pack_format = #tpu.pack_format<interleaved>} : vector<32xbf16> -> vector<16xf32>
        %parallel_loop3A_487 = tpu.unpack_subelements %parallel_loop3A_485, 1 {pack_format = #tpu.pack_format<interleaved>} : vector<32xbf16> -> vector<16xf32>
        %parallel_loop3A_488 = vector.broadcast %parallel_loop3A_335 : i32 to vector<16xi32>
        %parallel_loop3A_489 = arith.addi %add3A_236, %parallel_loop3A_488 : vector<16xi32>
        %parallel_loop3A_490 = arith.mulf %parallel_loop3A_329, %parallel_loop3A_487 : vector<16xf32>
        %parallel_loop3A_491 = arith.addf %parallel_loop3A_486, %parallel_loop3A_490 : vector<16xf32>
        tpu.vector_store_idx %arg13[%parallel_loop3A_489], %parallel_loop3A_491 : memref<13312xf32, #tpu.memory_space<vmem>>[vector<16xi32>], vector<16xf32>,
        %parallel_loop3A_492 = vector.shape_cast %parallel_loop3A_332 : vector<16xi32> to vector<16x1xi32>
        %parallel_loop3A_493 = vector.shape_cast %parallel_loop3A_492 : vector<16x1xi32> to vector<16xi32>
        %parallel_loop3A_494 = tpu.dynamic_gather %and3A_94[%parallel_loop3A_493] in [0] : vector<16xi32>, vector<16xi32> -> vector<16xi32>
        %parallel_loop3A_495 = arith.addi %parallel_loop3A_333, %parallel_loop3A_494 : vector<16xi32>
        %parallel_loop3A_496 = tpu.vector_load_idx %arg9[%parallel_loop3A_495] : memref<6656xi32, #tpu.memory_space<vmem>>[vector<16xi32>], vector<16xi32>,
        %parallel_loop3A_497 = vector.bitcast %parallel_loop3A_496 : vector<16xi32> to vector<32xbf16>
        %parallel_loop3A_498 = tpu.unpack_subelements %parallel_loop3A_497, 0 {pack_format = #tpu.pack_format<interleaved>} : vector<32xbf16> -> vector<16xf32>
        %parallel_loop3A_499 = tpu.unpack_subelements %parallel_loop3A_497, 1 {pack_format = #tpu.pack_format<interleaved>} : vector<32xbf16> -> vector<16xf32>
        %parallel_loop3A_500 = vector.broadcast %parallel_loop3A_335 : i32 to vector<16xi32>
        %parallel_loop3A_501 = arith.addi %add3A_246, %parallel_loop3A_500 : vector<16xi32>
        %parallel_loop3A_502 = arith.mulf %parallel_loop3A_329, %parallel_loop3A_499 : vector<16xf32>
        %parallel_loop3A_503 = arith.addf %parallel_loop3A_498, %parallel_loop3A_502 : vector<16xf32>
        tpu.vector_store_idx %arg13[%parallel_loop3A_501], %parallel_loop3A_503 : memref<13312xf32, #tpu.memory_space<vmem>>[vector<16xi32>], vector<16xf32>,
        %parallel_loop3A_504 = vector.shape_cast %parallel_loop3A_332 : vector<16xi32> to vector<16x1xi32>
        %parallel_loop3A_505 = vector.shape_cast %parallel_loop3A_504 : vector<16x1xi32> to vector<16xi32>
        %parallel_loop3A_506 = tpu.dynamic_gather %and3A_100[%parallel_loop3A_505] in [0] : vector<16xi32>, vector<16xi32> -> vector<16xi32>
        %parallel_loop3A_507 = arith.addi %parallel_loop3A_333, %parallel_loop3A_506 : vector<16xi32>
        %parallel_loop3A_508 = tpu.vector_load_idx %arg9[%parallel_loop3A_507] : memref<6656xi32, #tpu.memory_space<vmem>>[vector<16xi32>], vector<16xi32>,
        %parallel_loop3A_509 = vector.bitcast %parallel_loop3A_508 : vector<16xi32> to vector<32xbf16>
        %parallel_loop3A_510 = tpu.unpack_subelements %parallel_loop3A_509, 0 {pack_format = #tpu.pack_format<interleaved>} : vector<32xbf16> -> vector<16xf32>
        %parallel_loop3A_511 = tpu.unpack_subelements %parallel_loop3A_509, 1 {pack_format = #tpu.pack_format<interleaved>} : vector<32xbf16> -> vector<16xf32>
        %parallel_loop3A_512 = vector.broadcast %parallel_loop3A_335 : i32 to vector<16xi32>
        %parallel_loop3A_513 = arith.addi %add3A_256, %parallel_loop3A_512 : vector<16xi32>
        %parallel_loop3A_514 = arith.mulf %parallel_loop3A_329, %parallel_loop3A_511 : vector<16xf32>
        %parallel_loop3A_515 = arith.addf %parallel_loop3A_510, %parallel_loop3A_514 : vector<16xf32>
        tpu.vector_store_idx %arg13[%parallel_loop3A_513], %parallel_loop3A_515 : memref<13312xf32, #tpu.memory_space<vmem>>[vector<16xi32>], vector<16xf32>,
        %parallel_loop3A_516 = vector.shape_cast %parallel_loop3A_332 : vector<16xi32> to vector<16x1xi32>
        %parallel_loop3A_517 = vector.shape_cast %parallel_loop3A_516 : vector<16x1xi32> to vector<16xi32>
        %parallel_loop3A_518 = tpu.dynamic_gather %and3A_106[%parallel_loop3A_517] in [0] : vector<16xi32>, vector<16xi32> -> vector<16xi32>
        %parallel_loop3A_519 = arith.addi %parallel_loop3A_333, %parallel_loop3A_518 : vector<16xi32>
        %parallel_loop3A_520 = tpu.vector_load_idx %arg9[%parallel_loop3A_519] : memref<6656xi32, #tpu.memory_space<vmem>>[vector<16xi32>], vector<16xi32>,
        %parallel_loop3A_521 = vector.bitcast %parallel_loop3A_520 : vector<16xi32> to vector<32xbf16>
        %parallel_loop3A_522 = tpu.unpack_subelements %parallel_loop3A_521, 0 {pack_format = #tpu.pack_format<interleaved>} : vector<32xbf16> -> vector<16xf32>
        %parallel_loop3A_523 = tpu.unpack_subelements %parallel_loop3A_521, 1 {pack_format = #tpu.pack_format<interleaved>} : vector<32xbf16> -> vector<16xf32>
        %parallel_loop3A_524 = vector.broadcast %parallel_loop3A_335 : i32 to vector<16xi32>
        %parallel_loop3A_525 = arith.addi %add3A_266, %parallel_loop3A_524 : vector<16xi32>
        %parallel_loop3A_526 = arith.mulf %parallel_loop3A_329, %parallel_loop3A_523 : vector<16xf32>
        %parallel_loop3A_527 = arith.addf %parallel_loop3A_522, %parallel_loop3A_526 : vector<16xf32>
        tpu.vector_store_idx %arg13[%parallel_loop3A_525], %parallel_loop3A_527 : memref<13312xf32, #tpu.memory_space<vmem>>[vector<16xi32>], vector<16xf32>,
      } {sc.loop_unroll_factor = 2 : i64, sc.parallel_access}
      %parallel_loop3A_313 = arith.constant 0 : i32
      %parallel_loop3A_314 = arith.constant 52 : i32
      %parallel_loop3A_315 = arith.constant 1 : i32
      scf.for %parallel_loop3A_321 = %parallel_loop3A_313 to %parallel_loop3A_314 step %parallel_loop3A_315  : i32 {
        %parallel_loop3A_322 = arith.constant 16 : i32
        %parallel_loop3A_323 = arith.muli %parallel_loop3A_321, %parallel_loop3A_322 : i32
        %parallel_loop3A_324 = arith.constant 16 : i32
        %parallel_loop3A_325 = arith.muli %parallel_loop3A_323, %parallel_loop3A_324 : i32
        %parallel_loop3A_326 = arith.constant 0 : i32
        %parallel_loop3A_327 = arith.addi %parallel_loop3A_325, %parallel_loop3A_326 : i32
        %parallel_loop3A_328 = arith.index_cast %parallel_loop3A_327 : i32 to index
        %parallel_loop3A_329 = tpu.vector_load %arg13[%parallel_loop3A_328] {strides = array<i32>} : memref<13312xf32, #tpu.memory_space<vmem>>, vector<16xf32>,
        %parallel_loop3A_330 = vector.shape_cast %and3A_16 : vector<16xi32> to vector<16x1xi32>
        %parallel_loop3A_331 = vector.shape_cast %parallel_loop3A_330 : vector<16x1xi32> to vector<16xi32>
        %parallel_loop3A_332 = tpu.dynamic_gather %parallel_loop3A_329[%parallel_loop3A_331] in [0] : vector<16xf32>, vector<16xi32> -> vector<16xf32>
        %parallel_loop3A_333 = arith.index_cast %parallel_loop3A_327 : i32 to index
        %parallel_loop3A_334 = tpu.vector_load %arg13[%parallel_loop3A_333] {strides = array<i32>} : memref<13312xf32, #tpu.memory_space<vmem>>, vector<16xf32>,
        tpu.vector_store %arg13[%parallel_loop3A_333], %parallel_loop3A_332 {strides = array<i32>} : memref<13312xf32, #tpu.memory_space<vmem>>, vector<16xf32>,
        %parallel_loop3A_335 = arith.constant 16 : i32
        %parallel_loop3A_336 = arith.addi %parallel_loop3A_325, %parallel_loop3A_335 : i32
        %parallel_loop3A_337 = arith.index_cast %parallel_loop3A_336 : i32 to index
        %parallel_loop3A_338 = tpu.vector_load %arg13[%parallel_loop3A_337] {strides = array<i32>} : memref<13312xf32, #tpu.memory_space<vmem>>, vector<16xf32>,
        %parallel_loop3A_339 = vector.shape_cast %and3A_22 : vector<16xi32> to vector<16x1xi32>
        %parallel_loop3A_340 = vector.shape_cast %parallel_loop3A_339 : vector<16x1xi32> to vector<16xi32>
        %parallel_loop3A_341 = tpu.dynamic_gather %parallel_loop3A_338[%parallel_loop3A_340] in [0] : vector<16xf32>, vector<16xi32> -> vector<16xf32>
        %parallel_loop3A_342 = arith.index_cast %parallel_loop3A_336 : i32 to index
        %parallel_loop3A_343 = tpu.vector_load %arg13[%parallel_loop3A_342] {strides = array<i32>} : memref<13312xf32, #tpu.memory_space<vmem>>, vector<16xf32>,
        tpu.vector_store %arg13[%parallel_loop3A_342], %parallel_loop3A_341 {strides = array<i32>} : memref<13312xf32, #tpu.memory_space<vmem>>, vector<16xf32>,
        %parallel_loop3A_344 = arith.constant 32 : i32
        %parallel_loop3A_345 = arith.addi %parallel_loop3A_325, %parallel_loop3A_344 : i32
        %parallel_loop3A_346 = arith.index_cast %parallel_loop3A_345 : i32 to index
        %parallel_loop3A_347 = tpu.vector_load %arg13[%parallel_loop3A_346] {strides = array<i32>} : memref<13312xf32, #tpu.memory_space<vmem>>, vector<16xf32>,
        %parallel_loop3A_348 = vector.shape_cast %and3A_28 : vector<16xi32> to vector<16x1xi32>
        %parallel_loop3A_349 = vector.shape_cast %parallel_loop3A_348 : vector<16x1xi32> to vector<16xi32>
        %parallel_loop3A_350 = tpu.dynamic_gather %parallel_loop3A_347[%parallel_loop3A_349] in [0] : vector<16xf32>, vector<16xi32> -> vector<16xf32>
        %parallel_loop3A_351 = arith.index_cast %parallel_loop3A_345 : i32 to index
        %parallel_loop3A_352 = tpu.vector_load %arg13[%parallel_loop3A_351] {strides = array<i32>} : memref<13312xf32, #tpu.memory_space<vmem>>, vector<16xf32>,
        tpu.vector_store %arg13[%parallel_loop3A_351], %parallel_loop3A_350 {strides = array<i32>} : memref<13312xf32, #tpu.memory_space<vmem>>, vector<16xf32>,
        %parallel_loop3A_353 = arith.constant 48 : i32
        %parallel_loop3A_354 = arith.addi %parallel_loop3A_325, %parallel_loop3A_353 : i32
        %parallel_loop3A_355 = arith.index_cast %parallel_loop3A_354 : i32 to index
        %parallel_loop3A_356 = tpu.vector_load %arg13[%parallel_loop3A_355] {strides = array<i32>} : memref<13312xf32, #tpu.memory_space<vmem>>, vector<16xf32>,
        %parallel_loop3A_357 = vector.shape_cast %and3A_34 : vector<16xi32> to vector<16x1xi32>
        %parallel_loop3A_358 = vector.shape_cast %parallel_loop3A_357 : vector<16x1xi32> to vector<16xi32>
        %parallel_loop3A_359 = tpu.dynamic_gather %parallel_loop3A_356[%parallel_loop3A_358] in [0] : vector<16xf32>, vector<16xi32> -> vector<16xf32>
        %parallel_loop3A_360 = arith.index_cast %parallel_loop3A_354 : i32 to index
        %parallel_loop3A_361 = tpu.vector_load %arg13[%parallel_loop3A_360] {strides = array<i32>} : memref<13312xf32, #tpu.memory_space<vmem>>, vector<16xf32>,
        tpu.vector_store %arg13[%parallel_loop3A_360], %parallel_loop3A_359 {strides = array<i32>} : memref<13312xf32, #tpu.memory_space<vmem>>, vector<16xf32>,
        %parallel_loop3A_362 = arith.constant 64 : i32
        %parallel_loop3A_363 = arith.addi %parallel_loop3A_325, %parallel_loop3A_362 : i32
        %parallel_loop3A_364 = arith.index_cast %parallel_loop3A_363 : i32 to index
        %parallel_loop3A_365 = tpu.vector_load %arg13[%parallel_loop3A_364] {strides = array<i32>} : memref<13312xf32, #tpu.memory_space<vmem>>, vector<16xf32>,
        %parallel_loop3A_366 = vector.shape_cast %and3A_40 : vector<16xi32> to vector<16x1xi32>
        %parallel_loop3A_367 = vector.shape_cast %parallel_loop3A_366 : vector<16x1xi32> to vector<16xi32>
        %parallel_loop3A_368 = tpu.dynamic_gather %parallel_loop3A_365[%parallel_loop3A_367] in [0] : vector<16xf32>, vector<16xi32> -> vector<16xf32>
        %parallel_loop3A_369 = arith.index_cast %parallel_loop3A_363 : i32 to index
        %parallel_loop3A_370 = tpu.vector_load %arg13[%parallel_loop3A_369] {strides = array<i32>} : memref<13312xf32, #tpu.memory_space<vmem>>, vector<16xf32>,
        tpu.vector_store %arg13[%parallel_loop3A_369], %parallel_loop3A_368 {strides = array<i32>} : memref<13312xf32, #tpu.memory_space<vmem>>, vector<16xf32>,
        %parallel_loop3A_371 = arith.constant 80 : i32
        %parallel_loop3A_372 = arith.addi %parallel_loop3A_325, %parallel_loop3A_371 : i32
        %parallel_loop3A_373 = arith.index_cast %parallel_loop3A_372 : i32 to index
        %parallel_loop3A_374 = tpu.vector_load %arg13[%parallel_loop3A_373] {strides = array<i32>} : memref<13312xf32, #tpu.memory_space<vmem>>, vector<16xf32>,
        %parallel_loop3A_375 = vector.shape_cast %and3A_46 : vector<16xi32> to vector<16x1xi32>
        %parallel_loop3A_376 = vector.shape_cast %parallel_loop3A_375 : vector<16x1xi32> to vector<16xi32>
        %parallel_loop3A_377 = tpu.dynamic_gather %parallel_loop3A_374[%parallel_loop3A_376] in [0] : vector<16xf32>, vector<16xi32> -> vector<16xf32>
        %parallel_loop3A_378 = arith.index_cast %parallel_loop3A_372 : i32 to index
        %parallel_loop3A_379 = tpu.vector_load %arg13[%parallel_loop3A_378] {strides = array<i32>} : memref<13312xf32, #tpu.memory_space<vmem>>, vector<16xf32>,
        tpu.vector_store %arg13[%parallel_loop3A_378], %parallel_loop3A_377 {strides = array<i32>} : memref<13312xf32, #tpu.memory_space<vmem>>, vector<16xf32>,
        %parallel_loop3A_380 = arith.constant 96 : i32
        %parallel_loop3A_381 = arith.addi %parallel_loop3A_325, %parallel_loop3A_380 : i32
        %parallel_loop3A_382 = arith.index_cast %parallel_loop3A_381 : i32 to index
        %parallel_loop3A_383 = tpu.vector_load %arg13[%parallel_loop3A_382] {strides = array<i32>} : memref<13312xf32, #tpu.memory_space<vmem>>, vector<16xf32>,
        %parallel_loop3A_384 = vector.shape_cast %and3A_52 : vector<16xi32> to vector<16x1xi32>
        %parallel_loop3A_385 = vector.shape_cast %parallel_loop3A_384 : vector<16x1xi32> to vector<16xi32>
        %parallel_loop3A_386 = tpu.dynamic_gather %parallel_loop3A_383[%parallel_loop3A_385] in [0] : vector<16xf32>, vector<16xi32> -> vector<16xf32>
        %parallel_loop3A_387 = arith.index_cast %parallel_loop3A_381 : i32 to index
        %parallel_loop3A_388 = tpu.vector_load %arg13[%parallel_loop3A_387] {strides = array<i32>} : memref<13312xf32, #tpu.memory_space<vmem>>, vector<16xf32>,
        tpu.vector_store %arg13[%parallel_loop3A_387], %parallel_loop3A_386 {strides = array<i32>} : memref<13312xf32, #tpu.memory_space<vmem>>, vector<16xf32>,
        %parallel_loop3A_389 = arith.constant 112 : i32
        %parallel_loop3A_390 = arith.addi %parallel_loop3A_325, %parallel_loop3A_389 : i32
        %parallel_loop3A_391 = arith.index_cast %parallel_loop3A_390 : i32 to index
        %parallel_loop3A_392 = tpu.vector_load %arg13[%parallel_loop3A_391] {strides = array<i32>} : memref<13312xf32, #tpu.memory_space<vmem>>, vector<16xf32>,
        %parallel_loop3A_393 = vector.shape_cast %and3A_58 : vector<16xi32> to vector<16x1xi32>
        %parallel_loop3A_394 = vector.shape_cast %parallel_loop3A_393 : vector<16x1xi32> to vector<16xi32>
        %parallel_loop3A_395 = tpu.dynamic_gather %parallel_loop3A_392[%parallel_loop3A_394] in [0] : vector<16xf32>, vector<16xi32> -> vector<16xf32>
        %parallel_loop3A_396 = arith.index_cast %parallel_loop3A_390 : i32 to index
        %parallel_loop3A_397 = tpu.vector_load %arg13[%parallel_loop3A_396] {strides = array<i32>} : memref<13312xf32, #tpu.memory_space<vmem>>, vector<16xf32>,
        tpu.vector_store %arg13[%parallel_loop3A_396], %parallel_loop3A_395 {strides = array<i32>} : memref<13312xf32, #tpu.memory_space<vmem>>, vector<16xf32>,
        %parallel_loop3A_398 = arith.constant 128 : i32
        %parallel_loop3A_399 = arith.addi %parallel_loop3A_325, %parallel_loop3A_398 : i32
        %parallel_loop3A_400 = arith.index_cast %parallel_loop3A_399 : i32 to index
        %parallel_loop3A_401 = tpu.vector_load %arg13[%parallel_loop3A_400] {strides = array<i32>} : memref<13312xf32, #tpu.memory_space<vmem>>, vector<16xf32>,
        %parallel_loop3A_402 = vector.shape_cast %and3A_64 : vector<16xi32> to vector<16x1xi32>
        %parallel_loop3A_403 = vector.shape_cast %parallel_loop3A_402 : vector<16x1xi32> to vector<16xi32>
        %parallel_loop3A_404 = tpu.dynamic_gather %parallel_loop3A_401[%parallel_loop3A_403] in [0] : vector<16xf32>, vector<16xi32> -> vector<16xf32>
        %parallel_loop3A_405 = arith.index_cast %parallel_loop3A_399 : i32 to index
        %parallel_loop3A_406 = tpu.vector_load %arg13[%parallel_loop3A_405] {strides = array<i32>} : memref<13312xf32, #tpu.memory_space<vmem>>, vector<16xf32>,
        tpu.vector_store %arg13[%parallel_loop3A_405], %parallel_loop3A_404 {strides = array<i32>} : memref<13312xf32, #tpu.memory_space<vmem>>, vector<16xf32>,
        %parallel_loop3A_407 = arith.constant 144 : i32
        %parallel_loop3A_408 = arith.addi %parallel_loop3A_325, %parallel_loop3A_407 : i32
        %parallel_loop3A_409 = arith.index_cast %parallel_loop3A_408 : i32 to index
        %parallel_loop3A_410 = tpu.vector_load %arg13[%parallel_loop3A_409] {strides = array<i32>} : memref<13312xf32, #tpu.memory_space<vmem>>, vector<16xf32>,
        %parallel_loop3A_411 = vector.shape_cast %and3A_70 : vector<16xi32> to vector<16x1xi32>
        %parallel_loop3A_412 = vector.shape_cast %parallel_loop3A_411 : vector<16x1xi32> to vector<16xi32>
        %parallel_loop3A_413 = tpu.dynamic_gather %parallel_loop3A_410[%parallel_loop3A_412] in [0] : vector<16xf32>, vector<16xi32> -> vector<16xf32>
        %parallel_loop3A_414 = arith.index_cast %parallel_loop3A_408 : i32 to index
        %parallel_loop3A_415 = tpu.vector_load %arg13[%parallel_loop3A_414] {strides = array<i32>} : memref<13312xf32, #tpu.memory_space<vmem>>, vector<16xf32>,
        tpu.vector_store %arg13[%parallel_loop3A_414], %parallel_loop3A_413 {strides = array<i32>} : memref<13312xf32, #tpu.memory_space<vmem>>, vector<16xf32>,
        %parallel_loop3A_416 = arith.constant 160 : i32
        %parallel_loop3A_417 = arith.addi %parallel_loop3A_325, %parallel_loop3A_416 : i32
        %parallel_loop3A_418 = arith.index_cast %parallel_loop3A_417 : i32 to index
        %parallel_loop3A_419 = tpu.vector_load %arg13[%parallel_loop3A_418] {strides = array<i32>} : memref<13312xf32, #tpu.memory_space<vmem>>, vector<16xf32>,
        %parallel_loop3A_420 = vector.shape_cast %and3A_76 : vector<16xi32> to vector<16x1xi32>
        %parallel_loop3A_421 = vector.shape_cast %parallel_loop3A_420 : vector<16x1xi32> to vector<16xi32>
        %parallel_loop3A_422 = tpu.dynamic_gather %parallel_loop3A_419[%parallel_loop3A_421] in [0] : vector<16xf32>, vector<16xi32> -> vector<16xf32>
        %parallel_loop3A_423 = arith.index_cast %parallel_loop3A_417 : i32 to index
        %parallel_loop3A_424 = tpu.vector_load %arg13[%parallel_loop3A_423] {strides = array<i32>} : memref<13312xf32, #tpu.memory_space<vmem>>, vector<16xf32>,
        tpu.vector_store %arg13[%parallel_loop3A_423], %parallel_loop3A_422 {strides = array<i32>} : memref<13312xf32, #tpu.memory_space<vmem>>, vector<16xf32>,
        %parallel_loop3A_425 = arith.constant 176 : i32
        %parallel_loop3A_426 = arith.addi %parallel_loop3A_325, %parallel_loop3A_425 : i32
        %parallel_loop3A_427 = arith.index_cast %parallel_loop3A_426 : i32 to index
        %parallel_loop3A_428 = tpu.vector_load %arg13[%parallel_loop3A_427] {strides = array<i32>} : memref<13312xf32, #tpu.memory_space<vmem>>, vector<16xf32>,
        %parallel_loop3A_429 = vector.shape_cast %and3A_82 : vector<16xi32> to vector<16x1xi32>
        %parallel_loop3A_430 = vector.shape_cast %parallel_loop3A_429 : vector<16x1xi32> to vector<16xi32>
        %parallel_loop3A_431 = tpu.dynamic_gather %parallel_loop3A_428[%parallel_loop3A_430] in [0] : vector<16xf32>, vector<16xi32> -> vector<16xf32>
        %parallel_loop3A_432 = arith.index_cast %parallel_loop3A_426 : i32 to index
        %parallel_loop3A_433 = tpu.vector_load %arg13[%parallel_loop3A_432] {strides = array<i32>} : memref<13312xf32, #tpu.memory_space<vmem>>, vector<16xf32>,
        tpu.vector_store %arg13[%parallel_loop3A_432], %parallel_loop3A_431 {strides = array<i32>} : memref<13312xf32, #tpu.memory_space<vmem>>, vector<16xf32>,
        %parallel_loop3A_434 = arith.constant 192 : i32
        %parallel_loop3A_435 = arith.addi %parallel_loop3A_325, %parallel_loop3A_434 : i32
        %parallel_loop3A_436 = arith.index_cast %parallel_loop3A_435 : i32 to index
        %parallel_loop3A_437 = tpu.vector_load %arg13[%parallel_loop3A_436] {strides = array<i32>} : memref<13312xf32, #tpu.memory_space<vmem>>, vector<16xf32>,
        %parallel_loop3A_438 = vector.shape_cast %and3A_88 : vector<16xi32> to vector<16x1xi32>
        %parallel_loop3A_439 = vector.shape_cast %parallel_loop3A_438 : vector<16x1xi32> to vector<16xi32>
        %parallel_loop3A_440 = tpu.dynamic_gather %parallel_loop3A_437[%parallel_loop3A_439] in [0] : vector<16xf32>, vector<16xi32> -> vector<16xf32>
        %parallel_loop3A_441 = arith.index_cast %parallel_loop3A_435 : i32 to index
        %parallel_loop3A_442 = tpu.vector_load %arg13[%parallel_loop3A_441] {strides = array<i32>} : memref<13312xf32, #tpu.memory_space<vmem>>, vector<16xf32>,
        tpu.vector_store %arg13[%parallel_loop3A_441], %parallel_loop3A_440 {strides = array<i32>} : memref<13312xf32, #tpu.memory_space<vmem>>, vector<16xf32>,
        %parallel_loop3A_443 = arith.constant 208 : i32
        %parallel_loop3A_444 = arith.addi %parallel_loop3A_325, %parallel_loop3A_443 : i32
        %parallel_loop3A_445 = arith.index_cast %parallel_loop3A_444 : i32 to index
        %parallel_loop3A_446 = tpu.vector_load %arg13[%parallel_loop3A_445] {strides = array<i32>} : memref<13312xf32, #tpu.memory_space<vmem>>, vector<16xf32>,
        %parallel_loop3A_447 = vector.shape_cast %and3A_94 : vector<16xi32> to vector<16x1xi32>
        %parallel_loop3A_448 = vector.shape_cast %parallel_loop3A_447 : vector<16x1xi32> to vector<16xi32>
        %parallel_loop3A_449 = tpu.dynamic_gather %parallel_loop3A_446[%parallel_loop3A_448] in [0] : vector<16xf32>, vector<16xi32> -> vector<16xf32>
        %parallel_loop3A_450 = arith.index_cast %parallel_loop3A_444 : i32 to index
        %parallel_loop3A_451 = tpu.vector_load %arg13[%parallel_loop3A_450] {strides = array<i32>} : memref<13312xf32, #tpu.memory_space<vmem>>, vector<16xf32>,
        tpu.vector_store %arg13[%parallel_loop3A_450], %parallel_loop3A_449 {strides = array<i32>} : memref<13312xf32, #tpu.memory_space<vmem>>, vector<16xf32>,
        %parallel_loop3A_452 = arith.constant 224 : i32
        %parallel_loop3A_453 = arith.addi %parallel_loop3A_325, %parallel_loop3A_452 : i32
        %parallel_loop3A_454 = arith.index_cast %parallel_loop3A_453 : i32 to index
        %parallel_loop3A_455 = tpu.vector_load %arg13[%parallel_loop3A_454] {strides = array<i32>} : memref<13312xf32, #tpu.memory_space<vmem>>, vector<16xf32>,
        %parallel_loop3A_456 = vector.shape_cast %and3A_100 : vector<16xi32> to vector<16x1xi32>
        %parallel_loop3A_457 = vector.shape_cast %parallel_loop3A_456 : vector<16x1xi32> to vector<16xi32>
        %parallel_loop3A_458 = tpu.dynamic_gather %parallel_loop3A_455[%parallel_loop3A_457] in [0] : vector<16xf32>, vector<16xi32> -> vector<16xf32>
        %parallel_loop3A_459 = arith.index_cast %parallel_loop3A_453 : i32 to index
        %parallel_loop3A_460 = tpu.vector_load %arg13[%parallel_loop3A_459] {strides = array<i32>} : memref<13312xf32, #tpu.memory_space<vmem>>, vector<16xf32>,
        tpu.vector_store %arg13[%parallel_loop3A_459], %parallel_loop3A_458 {strides = array<i32>} : memref<13312xf32, #tpu.memory_space<vmem>>, vector<16xf32>,
        %parallel_loop3A_461 = arith.constant 240 : i32
        %parallel_loop3A_462 = arith.addi %parallel_loop3A_325, %parallel_loop3A_461 : i32
        %parallel_loop3A_463 = arith.index_cast %parallel_loop3A_462 : i32 to index
        %parallel_loop3A_464 = tpu.vector_load %arg13[%parallel_loop3A_463] {strides = array<i32>} : memref<13312xf32, #tpu.memory_space<vmem>>, vector<16xf32>,
        %parallel_loop3A_465 = vector.shape_cast %and3A_106 : vector<16xi32> to vector<16x1xi32>
        %parallel_loop3A_466 = vector.shape_cast %parallel_loop3A_465 : vector<16x1xi32> to vector<16xi32>
        %parallel_loop3A_467 = tpu.dynamic_gather %parallel_loop3A_464[%parallel_loop3A_466] in [0] : vector<16xf32>, vector<16xi32> -> vector<16xf32>
        %parallel_loop3A_468 = arith.index_cast %parallel_loop3A_462 : i32 to index
        %parallel_loop3A_469 = tpu.vector_load %arg13[%parallel_loop3A_468] {strides = array<i32>} : memref<13312xf32, #tpu.memory_space<vmem>>, vector<16xf32>,
        tpu.vector_store %arg13[%parallel_loop3A_468], %parallel_loop3A_467 {strides = array<i32>} : memref<13312xf32, #tpu.memory_space<vmem>>, vector<16xf32>,
      } {sc.loop_unroll_factor = 2 : i64, sc.parallel_access}
      %add3A_316 = arith.addi %mul3A_2, %mul3A_309 : i32
      %mul3A_317 = arith.constant 16 : i32
      %mul3A_318 = arith.muli %add3A_316, %mul3A_317 : i32
      %dma_start3A_319 = tpu.memref_slice %arg5[%mul3A_318] : memref<6815744xf32, #tpu.memory_space<hbm>> -> memref<13312xf32, #tpu.memory_space<hbm>>
      %dma_start3A_320 = tpu.memref_slice %arg5[%mul3A_318] : memref<6815744xf32, #tpu.memory_space<hbm>> -> memref<13312xf32, #tpu.memory_space<hbm>>
      tpu.enqueue_dma source(%arg13 : memref<13312xf32, #tpu.memory_space<vmem>>) target(%dma_start3A_320 : memref<13312xf32, #tpu.memory_space<hbm>>) target_semaphore(%arg16 : memref<!tpu.dma_semaphore, #tpu.memory_space<semaphore_mem>>)
    }
    %scan3A_272 = arith.constant 8 : i32
    %dma_wait3A_273 = arith.constant 0 : i32
    %dma_wait3A_274 = tpu.memref_slice %arg5[%dma_wait3A_273] : memref<6815744xf32, #tpu.memory_space<hbm>> -> memref<13312xf32, #tpu.memory_space<hbm>>
    %dma_wait3A_275 = arith.constant 0 : i32
    %dma_wait3A_276 = tpu.memref_slice %arg5[%dma_wait3A_275] : memref<6815744xf32, #tpu.memory_space<hbm>> -> memref<13312xf32, #tpu.memory_space<hbm>>
    tpu.wait_dma2 semaphore(%arg15 : memref<!tpu.dma_semaphore, #tpu.memory_space<semaphore_mem>>) src(%dma_wait3A_276 : memref<13312xf32, #tpu.memory_space<hbm>>) dst(%arg12 : memref<13312xf32, #tpu.memory_space<vmem>>)
    %dma_wait3A_277 = arith.constant 0 : i32
    %dma_wait3A_278 = tpu.memref_slice %arg5[%dma_wait3A_277] : memref<6815744xf32, #tpu.memory_space<hbm>> -> memref<13312xf32, #tpu.memory_space<hbm>>
    %dma_wait3A_279 = arith.constant 0 : i32
    %dma_wait3A_280 = tpu.memref_slice %arg5[%dma_wait3A_279] : memref<6815744xf32, #tpu.memory_space<hbm>> -> memref<13312xf32, #tpu.memory_space<hbm>>
    tpu.wait_dma2 semaphore(%arg16 : memref<!tpu.dma_semaphore, #tpu.memory_space<semaphore_mem>>) src(%dma_wait3A_280 : memref<13312xf32, #tpu.memory_space<hbm>>) dst(%arg13 : memref<13312xf32, #tpu.memory_space<vmem>>)
    return
  }
}

</mosaic_0001>

<sc_bundles>
// kernel: kernel.3.cloned.1.call-start
scs
__scs_entry_jumppad:
0x0: {  	(pc) =	sbr.rel $0x88, $3  }
0x1: {  	(tag) =	ssettag $0x0;
	lr =	simm.s32 $0x1  }
0x2: {  	[smem:$0x3F9E] =	sst lr;
	_ =	strace $0xD0000000  }
0x3: {  	_ = 	snop  }
0x4: {  	_ = 	snop  }
0x5: {  	_ = 	snop  }
0x6: {  	_ = 	snop  }
0x7: {  	_ = 	snop  }
__scs_overlays_trampoline_lowered:
0x8: {  	[smem:$0x3FAD] =	sst s0  }
0x9: {  	[smem:$0x3FAE] =	sst s1  }
0xa: {  	[smem:$0x3FAF] =	sst s2  }
0xb: {  	[smem:$0x3FB0] =	sst s3  }
0xc: {  	[smem:$0x3FB1] =	sst s4  }
0xd: {  	[smem:$0x3FB2] =	sst s5  }
0xe: {  	[smem:$0x3FB3] =	sst s6  }
0xf: {  	[smem:$0x3FB4] =	sst s7  }
0x10: {  	[smem:$0x3FB5] =	sst s8  }
0x11: {  	[smem:$0x3FB6] =	sst s9;
	s0 =	simm.s32 @!p0 $0x0  }
0x12: {  	s1 =	sld [smem:$0x3F9C];
	s0 =	simm.s32 @p0 $0x1  }
0x13: {  	[smem:$0x3FB7] =	sst s0;
	s0 =	simm.s32 @!p1 $0x0  }
0x14: {  	s2 =	sld [smem:$0x3F9B];
	s0 =	simm.s32 @p1 $0x1  }
0x15: {  	[smem:$0x3FB8] =	sst s0;
	s0 =	simm.s32 @!p2 $0x0  }
0x16: {  	s3 =	sld [smem:$0x3FDB];
	s0 =	simm.s32 @p2 $0x1  }
0x17: {  	s4 =	simm.s32 $0x1BF5;
	[smem:$0x3FBA] =	sst s0  }
0x18: {  	s0 =	sld [smem:$0x3F9D];
	_ =	swait.ge [sflag:s4], $0x0  }
0x19: {  	s7 =	sld [smem:$0x3F9E]  }
0x1a: {  	s8 =	sadd.s32 $0xFFFFE003, lr  }
0x1b: {  	s9 =	sadd.s32 $0xFFFFFEF7, lr;
	s5 =	simm.s32 $0xFFFFFFFF;
	p2 =	slt.u32 s8, $0xFFFFF086  }
0x1c: {  	p1 =	slt.u32 s9, $0xF7A;
	s5 =	simm.s32 @!p2 $0x0  }
0x1d: {  	s5 =	simm.s32 @p1 $0x1;
	p0 =	seq.s32 s7, s2  }
0x1e: {  	s7 =	smul.u32 @!p0 $0xF7A, s2;
	p2 =	seq.s32 @!p0 s5, $0x0  }
0x1f: {  	s9 =	smul.u32 $0xF7A, s1;
	s8 =	simm.s32 @!p0 $0x1BF5;
	p2 =	por !p2, p0  }
0x20: {  	[sflag:s8] =	ssyncset.s32 @!p0 $0xFFFFF086;
	s6 =	sadd.s32 @!p0 s3, s7;
	s7 =	simm.s32 @!p0 $0x108  }
0x21: {  	s3 =	sadd.s32 s3, s9;
	s6 =	sadd.s32 @!p0 $0x88, s6;
	s7 =	simm.s32 @p2 $0x1082  }
0x22: {  	[simem:s7], [sflag:s8] =	dma.local @!p0 [hbm:s6], $0xF7A  }
0x23: {  	s9 =	sor.u32 $0xD0000000, s2;
	s6 =	simm.s32 $0x108;
	_ =	swait.ge @!p0 [sflag:s8], $0x0  }
0x24: {  	s3 =	sadd.s32 $0x88, s3;
	s6 =	simm.s32 @!p1 $0x1082;
	[sflag:s4] =	ssyncset.s32 $0xFFFFF086  }
0x25: {  	[simem:s6], [sflag:s4] =	dma.local [hbm:s3], $0xF7A  }
0x26: {  	[smem:$0x3F9E] =	sst s1;
	(tag) =	ssettag s2;
	_ =	strace s9  }
0x27: {  	s1 =	sld [smem:$0x3FAE]  }
0x28: {  	s2 =	sld [smem:$0x3FAF]  }
0x29: {  	s4 =	sld [smem:$0x3FB1]  }
0x2a: {  	p0 =	seq.s32 s5, $0x0;
	s5 =	sld [smem:$0x3FB2]  }
0x2b: {  	s6 =	sld [smem:$0x3FB3]  }
0x2c: {  	s7 =	sld [smem:$0x3FB4]  }
0x2d: {  	s3 =	simm.s32 $0x108;
	s8 =	sld [smem:$0x3FB5]  }
0x2e: {  	s3 =	simm.s32 @!p0 $0x1082;
	s9 =	sld [smem:$0x3FB6]  }
0x2f: {  	lr =	sadd.s32 s0, s3;
	s0 =	sld [smem:$0x3FAD]  }
0x30: {  	s3 =	sld [smem:$0x3FB0]  }
0x31: {  	[smem:$0x3FB9] =	sst s10  }
0x32: {  	s10 =	sld [smem:$0x3FB7];
	_ =	sdelay $0x3  }
0x33: {  	p0 =	seq.s32 s10, $0x1;
	s10 =	sld [smem:$0x3FB9];
	_ =	sdelay $0x3  }
0x34: {  	[smem:$0x3FB9] =	sst s10  }
0x35: {  	s10 =	sld [smem:$0x3FB8];
	_ =	sdelay $0x3  }
0x36: {  	p1 =	seq.s32 s10, $0x1;
	s10 =	sld [smem:$0x3FB9];
	_ =	sdelay $0x3  }
0x37: {  	[smem:$0x3FB9] =	sst s10  }
0x38: {  	s10 =	sld [smem:$0x3FBA]  }
0x39: {  	_ = 	snop;
	(pc) =	sbr.ind lr, $3  }
0x3a: {  	_ = 	snop  }
0x3b: {  	_ = 	snop  }
0x3c: {  	p2 =	seq.s32 s10, $0x1;
	s10 =	sld [smem:$0x3FB9]  }
0x3d: {  	_ =	shalt  }
0x3e: {  	_ =	shalt  }
0x3f: {  	_ =	shalt  }
0x40: {  	_ =	shalt  }
0x41: {  	_ =	shalt  }
0x42: {  	_ =	shalt  }
0x43: {  	_ =	shalt  }
0x44: {  	_ =	shalt  }
0x45: {  	_ =	shalt  }
0x46: {  	_ =	shalt  }
0x47: {  	_ =	shalt  }
0x48: {  	_ =	shalt  }
0x49: {  	_ =	shalt  }
0x4a: {  	_ =	shalt  }
0x4b: {  	_ =	shalt  }
0x4c: {  	_ =	shalt  }
0x4d: {  	_ =	shalt  }
0x4e: {  	_ =	shalt  }
0x4f: {  	_ =	shalt  }
0x50: {  	_ =	shalt  }
0x51: {  	_ =	shalt  }
0x52: {  	_ =	shalt  }
0x53: {  	_ =	shalt  }
0x54: {  	_ =	shalt  }
0x55: {  	_ =	shalt  }
0x56: {  	_ =	shalt  }
0x57: {  	_ =	shalt  }
0x58: {  	_ =	shalt  }
0x59: {  	_ =	shalt  }
0x5a: {  	_ =	shalt  }
0x5b: {  	_ =	shalt  }
0x5c: {  	_ =	shalt  }
0x5d: {  	_ =	shalt  }
0x5e: {  	_ =	shalt  }
0x5f: {  	_ =	shalt  }
0x60: {  	_ =	shalt  }
0x61: {  	_ =	shalt  }
0x62: {  	_ =	shalt  }
0x63: {  	_ =	shalt  }
0x64: {  	_ =	shalt  }
0x65: {  	_ =	shalt  }
0x66: {  	_ =	shalt  }
0x67: {  	_ =	shalt  }
0x68: {  	_ =	shalt  }
0x69: {  	_ =	shalt  }
0x6a: {  	_ =	shalt  }
0x6b: {  	_ =	shalt  }
0x6c: {  	_ =	shalt  }
0x6d: {  	_ =	shalt  }
0x6e: {  	_ =	shalt  }
0x6f: {  	_ =	shalt  }
0x70: {  	_ =	shalt  }
0x71: {  	_ =	shalt  }
0x72: {  	_ =	shalt  }
0x73: {  	_ =	shalt  }
0x74: {  	_ =	shalt  }
0x75: {  	_ =	shalt  }
0x76: {  	_ =	shalt  }
0x77: {  	_ =	shalt  }
0x78: {  	_ =	shalt  }
0x79: {  	_ =	shalt  }
0x7a: {  	_ =	shalt  }
0x7b: {  	_ =	shalt  }
0x7c: {  	_ =	shalt  }
0x7d: {  	_ =	shalt  }
0x7e: {  	_ =	shalt  }
0x7f: {  	_ =	shalt  }
0x80: {  	_ =	shalt  }
0x81: {  	_ =	shalt  }
0x82: {  	_ =	shalt  }
0x83: {  	_ =	shalt  }
0x84: {  	_ =	shalt  }
0x85: {  	_ =	shalt  }
0x86: {  	_ =	shalt  }
0x87: {  	_ =	shalt  }
.Lfunc_end0:
.L_simem_size_0:
called_computation_lowered:
.L_overlay_start_0:
0x88: {  	s2 =	sld [smem:$0x3FD9]  }
0x89: {  	s3 =	sld [smem:$0x3FFE];
	_ =	sdelay $0x1  }
0x8a: {  	s1 =	srdreg.scid  }
0x8b: {  	s0 =	sand.u32 $0x1, s1  }
0x8c: {  	s17 =	sshll.u32 s0, $0xA;
	s2 =	sadd.s32 s3, s2  }
0x8d: {  	s2 =	sadd.s32 s2, s17  }
0x8e: {  	[smem:$0x3FC5] =	sst s2  }
0x8f: {  	_ = 	snop  }
0x90: {  	s2 =	sld [smem:$0x3FD0];
	(tm) =	ssettm $0x1  }
0x91: {  	s18 =	sld [smem:$0x3FFB];
	_ =	sdelay $0x3  }
0x92: {  	_ =	strace s18  }
0x93: {  	s3 =	sld [smem:$0x3FFC];
	_ =	sdelay $0x3  }
0x94: {  	_ =	strace s3  }
0x95: {  	s3 =	sld [smem:$0x3FFD];
	_ =	sdelay $0x3  }
0x96: {  	_ =	strace s3  }
0x97: {  	_ =	strace $0x8FFFFFFF  }
0x98: {  	s19 =	sld [smem:$0x3FDB];
	_ =	sdelay $0x1  }
0x99: {  	s4 =	simm.s32 $_scs_section_size  }
0x9a: {  	s5 =	simm.s32 $_size__tile_overlayer_lowered;
	s6 =	simm.s32 $_tile_overlayer_lowered  }
0x9b: {  	s22 =	simm.s32 $0x1BFF;
	s21 =	sshll.u32 s6, $0x1;
	s3 =	sadd.s32 s4, s19  }
0x9c: {  	s7 =	simm.s32 $0x0;
	s20 =	sshll.u32 s5, $0x1;
	s5 =	sadd.s32 s21, s3  }
0x9d: {  	[timem:s7], [sflag:s22] =	dma.local [hbm:s5], s20  }
0x9e: {  	_ =	swait.ge [sflag:s22], s20  }
0x9f: {  	s4 =	ssub.s32 $0x0, s20;
	[sflag:s22] =	ssyncset.done $0x0  }
0xa0: {  	[sflag:s22] =	ssyncadd.s32 s4;
	_ =	sdelay $0x1  }
0xa1: {  	s23 =	simm.s32 $0x1B8B  }
0xa2: {  	_ =	swait.ge [sflag:s23], $0x1  }
0xa3: {  	[sflag:s23] =	ssyncset.done $0x0  }
0xa4: {  	s25 =	simm.s32 $0x1B8E;
	s24 =	sld [smem:$0x3FFE];
	[sflag:s23] =	ssyncadd.s32 $0xFFFFFFFF  }
0xa5: {  	s26 =	simm.s32 $execute0_lowered;
	[smem:$0x3FD2] =	sst s25  }
0xa6: {  	s5 =	sshll.u32 s26, $0x1;
	_ =	strace $0x80000046;
	[dreg:$0x1] =	wrdreg $0xFFFFFFFF  }
0xa7: {  	s28 =	simm.s32 $_size_execute0_lowered;
	s3 =	sadd.s32 s3, s5;
	[dreg:$0x0] =	wrdreg $0x0  }
0xa8: {  	s5 =	sshll.u32 s28, $0x1;
	[dreg:$0x2] =	wrdreg s3  }
0xa9: {  	[dreg:$0x3] =	wrdreg s5  }
0xaa: {  	[dreg:$0x4] =	wrdreg $0xC0  }
0xab: {  	_ =	task [dreg:s7], $0x5FFFF  }
0xac: {  	[dreg:$0x1] =	wrdreg $0xFFFFFFFF  }
0xad: {  	[dreg:$0x0] =	wrdreg $0x60  }
0xae: {  	[dreg:$0x2] =	wrdreg s24  }
0xaf: {  	[dreg:$0x3] =	wrdreg s2  }
0xb0: {  	[dreg:$0x4] =	wrdreg $0x9  }
0xb1: {  	_ =	task.clear_ibuf [dreg:s7], $0x5FFFF;
	_ =	strace $0x90000046  }
0xb2: {  	s29 =	simm.s32 $0x9;
	_ =	strace $0x80000048  }
0xb3: {  	_ =	swait.ge [sflag:s29], $0x1  }
0xb4: {  	[sflag:s29] =	ssyncadd.s32 $0xFFFFFFFF  }
0xb5: {  	_ =	strace $0x90000048  }
0xb6: {  	_ =	sfence  }
0xb7: {  	s30 =	sld [smem:$0x0];
	_ =	sdelay $0x2  }
0xb8: {  	s31 =	sshll.u32 s1, $0xD;
	s1 =	sshrl.u32 s1, $0x2  }
0xb9: {  	s3 =	sand.u32 $0x4000, s31;
	s1 =	sadd.s32 s1, s30  }
0xba: {  	s0 =	sor.u32 s3, s0;
	s1 =	sshll.u32 s1, $0x11  }
0xbb: {  	s0 =	sor.u32 s1, s0  }
0xbc: {  	s0 =	sadd.s32 $0x8F2B, s0  }
0xbd: {  	[sflag:s0] =	ssyncadd.remote.s32 $0x1  }
0xbe: {  	_ =	sfence.sel $0xFFFF  }
0xbf: {  	[dreg:$0x0] =	wrdreg $0xFFFFFFFF;
	(pc) =	sbr.abs _section_cstart, $3  }
0xc0: {  	[dreg:$0x1] =	wrdreg $0xFFFFFFFF  }
0xc1: {  	_ =	task.clear_ibuf [dreg:s7], $0x2FFFF;
	_ =	strace $0x9FFFFFFF  }
0xc2: {  	(tm) =	ssettm $0x7FFFFFFF  }
0xc3: {  	_ =	shalt  }
tec
execute0_lowered:
.L_overlay_start_1:
0x0: {  	(tag) =	ssettag $0x1  }
0x1: {  	v0 =	vimm.s32 $0xFEDCBA9;
	v1 =	vimm.s32 $0x87654321  }
0x2: {  	v11 =	vlaneseq.u32;
	v2 =	vimm.s32 $0x0;
	v39 =	vimm.s32 $0xBCAB9A89  }
0x3: {  	v40 =	vimm.s32 $0xF0EFDECD;
	v3 =	vimm.s32 $0x34231201;
	v4 =	vimm.s32 $0x78675645  }
0x4: {  	v5 =	vimm.s32 $0x10FEDCBA;
	v6 =	vimm.s32 $0x98765432;
	vm0 =	vcmask $0x1F10  }
0x5: {  	v42 =	vimm.s32 $0xBDAC9B8A;
	v43 =	vimm.s32 $0xF1E0DFCE;
	v44 =	vimm.s32 $0x35241302  }
0x6: {  	v45 =	vimm.s32 $0x79685746;
	vm1 =	vcmask $0x300;
	v50 =	vimm.s32 $0x210FEDCB  }
0x7: {  	v51 =	vimm.s32 $0xBEAD9C8B;
	v52 =	vimm.s32 $0xF2E1D0CF;
	v53 =	vimm.s32 $0x36251403  }
0x8: {  	v54 =	vimm.s32 $0x7A695847;
	v55 =	vimm.s32 $0xA9876543;
	v56 =	vimm.s32 $0xBFAE9D8C  }
0x9: {  	v57 =	vimm.s32 $0x3210FEDC;
	v58 =	vimm.s32 $0xF3E2D1C0;
	v59 =	vimm.s32 $0x37261504  }
0xa: {  	v60 =	vimm.s32 $0x7B6A5948;
	v62 =	vimm.s32 $0xBA987654;
	v13 =	vimm.s32 $0x43210FED  }
0xb: {  	v14 =	vimm.s32 $0xCBA98765;
	v24 =	vimm.s32 $0xB0AF9E8D;
	v25 =	vimm.s32 $0xF4E3D2C1  }
0xc: {  	v26 =	vimm.s32 $0x38271605;
	v32 =	vimm.s32 $0x7C6B5A49;
	v33 =	vimm.s32 $0xB1A09F8E  }
0xd: {  	v34 =	vimm.s32 $0xF5E4D3C2;
	v15 =	vimm.s32 $0xFCEBDAC9;
	v16 =	vimm.s32 $0xDCBA9876  }
0xe: {  	v0 =	vunpack.c.l.s4.s8 v0;
	v1 =	vunpack.c.l.s4.s8 v1;
	v3 =	vunpack.c.0.s8.s32 v3  }
0xf: {  	v4 =	vunpack.c.0.s8.s32 v4;
	v5 =	vunpack.c.l.s4.s8 v5;
	v6 =	vunpack.c.l.s4.s8 v6  }
0x10: {  	v17 =	vsel vm1, $0x7, v2;
	v28 =	vmul.u32 $0x11, v11;
	v2 =	vunpack.c.0.s8.s32 v52  }
0x11: {  	v61 =	vunpack.c.l.s4.s8 v57;
	v57 =	vimm.s32 $0xB4A39281;
	v16 =	vunpack.c.l.s4.s8 v16  }
0x12: {  	v7 =	vunpack.c.0.s8.s32 v0;
	v8 =	vunpack.c.0.s8.s32 v1;
	v0 =	vunpack.c.0.s8.s32 v39  }
0x13: {  	v1 =	vunpack.c.0.s8.s32 v40;
	v41 =	vsel vm0, v4, v3;
	v9 =	vunpack.c.0.s8.s32 v5  }
0x14: {  	v10 =	vunpack.c.0.s8.s32 v6;
	v3 =	vunpack.c.0.s8.s32 v42;
	v4 =	vunpack.c.0.s8.s32 v43  }
0x15: {  	v5 =	vunpack.c.0.s8.s32 v44;
	v6 =	vunpack.c.0.s8.s32 v45;
	v11 =	vunpack.c.0.s8.s32 v61  }
0x16: {  	v39 =	vimm.s32 $0x39281706;
	v40 =	vimm.s32 $0x7D6C5B4A;
	v43 =	vimm.s32 $0x3A291807  }
0x17: {  	v42 =	vimm.s32 $0xF6E5D4C3;
	v44 =	vimm.s32 $0x7E6D5C4B;
	v45 =	vunpack.c.0.s8.s32 v43  }
0x18: {  	v43 =	vunpack.c.0.s8.s32 v15;
	v15 =	vimm.s32 $0x75645342;
	v0 =	vsel vm0, v1, v0  }
0x19: {  	[tilespmem:$0x1FDE0] =	vst v7;
	v7 =	vcombine.low v8, v7;
	v46 =	vcombine.low v10, v9;
	v3 =	vsel vm0, v4, v3  }
0x1a: {  	v47 =	vsel vm0, v6, v5;
	v1 =	vunpack.c.0.s8.s32 v51;
	v4 =	vunpack.c.0.s8.s32 v54  }
0x1b: {  	[tilespmem:$0x1FDF0] =	vst v8;
	v5 =	vunpack.c.l.s4.s8 v55;
	v6 =	vunpack.c.0.s8.s32 v58;
	v8 =	vunpack.c.0.s8.s32 v60  }
0x1c: {  	v54 =	vimm.s32 $0xF7E6D5C4;
	v55 =	vimm.s32 $0x3B2A1908;
	v58 =	vimm.s32 $0xF8E7D6C5  }
0x1d: {  	v0 =	vcombine.low v41, v0;
	v48 =	vcombine.low v47, v3;
	v3 =	vunpack.c.0.s8.s32 v53  }
0x1e: {  	v41 =	vimm.s32 $0xB2A1908F;
	v47 =	vimm.s32 $0x76543210;
	v53 =	vimm.s32 $0xB3A29180  }
0x1f: {  	[tilespmem:$0x1FE60] =	vst v11;
	v11 =	vunpack.c.0.s8.s32 v58;
	v49 =	vand.u32 $0xF, v7;
	v20 =	vand.u32 $0xF, v46  }
0x20: {  	v1 =	vsel vm0, v2, v1;
	v2 =	vunpack.c.0.s8.s32 v56;
	v7 =	vunpack.c.0.s8.s32 v59  }
0x21: {  	[tilespmem:$0x1FE00] =	vst v9;
	v9 =	vunpack.c.0.s8.s32 v5;
	v5 =	vunpack.c.0.s8.s32 v32;
	v46 =	vunpack.c.0.s8.s32 v44  }
0x22: {  	v56 =	vimm.s32 $0x7F6E5D4C;
	v32 =	vimm.s32 $0xB6A59483;
	v0 =	vand.u32 $0xFF, v0  }
0x23: {  	v19 =	vand.u32 $0xFF, v48;
	v3 =	vsel vm0, v4, v3;
	v4 =	vunpack.c.l.s4.s8 v62  }
0x24: {  	v48 =	vimm.s32 $0xFEDCBA98;
	v62 =	vimm.s32 $0x3C2B1A09;
	[tilespmem:$0x1FE30] =	vst v0;
	v0 =	vunpack.c.l.s4.s8 v50  }
0x25: {  	v1 =	vcombine.low v3, v1;
	v2 =	vsel vm0, v6, v2;
	v63 =	vsel vm0, v8, v7  }
0x26: {  	v3 =	vunpack.c.0.s8.s32 v25;
	v6 =	vunpack.c.0.s8.s32 v33;
	v7 =	vunpack.c.0.s8.s32 v34  }
0x27: {  	[tilespmem:$0x1FE20] =	vst v49;
	v49 =	vunpack.c.l.s4.s8 v48;
	v50 =	vimm.s32 $0x543210FE;
	v8 =	vunpack.c.0.s8.s32 v55  }
0x28: {  	[tilespmem:$0x1FE50] =	vst v9;
	v9 =	vunpack.c.0.s8.s32 v56;
	v33 =	vimm.s32 $0xFAE9D8C7;
	v48 =	vimm.s32 $0xB9A89786  }
0x29: {  	[tilespmem:$0x1FE10] =	vst v10;
	v55 =	vimm.s32 $0xFEEDDCCB;
	v56 =	vimm.s32 $0x3221100F;
	v10 =	vcombine.low v63, v2  }
0x2a: {  	v12 =	vunpack.c.0.s8.s32 v4;
	v2 =	vunpack.c.0.s8.s32 v24;
	v4 =	vunpack.c.0.s8.s32 v26  }
0x2b: {  	v63 =	vimm.s32 $0x706F5E4D;
	v24 =	vimm.s32 $0x71605F4E;
	v34 =	vunpack.c.0.s8.s32 v33  }
0x2c: {  	v0 =	vunpack.c.0.s8.s32 v0;
	v21 =	vand.u32 $0xFF, v1;
	v1 =	vunpack.c.l.s4.s8 v14  }
0x2d: {  	v38 =	vsel vm0, v7, v6;
	v52 =	vunpack.c.0.s8.s32 v49;
	v6 =	vunpack.c.0.s8.s32 v54  }
0x2e: {  	v60 =	vsel vm0, v9, v8;
	v14 =	vimm.s32 $0x3D2C1B0A;
	v26 =	vunpack.c.0.s8.s32 v24  }
0x2f: {  	v7 =	vunpack.c.l.s4.s8 v50;
	v49 =	vimm.s32 $0xFDECDBCA;
	v50 =	vimm.s32 $0x31201F0E  }
0x30: {  	v36 =	vsel vm0, v3, v2;
	v37 =	vsel vm0, v5, v4;
	v2 =	vunpack.c.0.s8.s32 v39  }
0x31: {  	v3 =	vunpack.c.0.s8.s32 v40;
	v4 =	vunpack.c.0.s8.s32 v41;
	v5 =	vunpack.c.0.s8.s32 v42  }
0x32: {  	[tilespmem:$0x1FE70] =	vst v12;
	v12 =	vimm.s32 $0xB5A49382;
	v25 =	vunpack.c.0.s8.s32 v14;
	v39 =	vimm.s32 $0xB7A69584  }
0x33: {  	v40 =	vimm.s32 $0xFBEAD9C8;
	v14 =	vimm.s32 $0xB8A79685;
	[tilespmem:$0x1FE40] =	vst v0;
	v0 =	vand.u32 $0xFF, v10  }
0x34: {  	v35 =	vunpack.c.0.s8.s32 v1;
	v10 =	vunpack.c.0.s8.s32 v57;
	v8 =	vunpack.c.0.s8.s32 v12  }
0x35: {  	v12 =	vimm.s32 $0x3F2E1D0C;
	v41 =	vunpack.c.0.s8.s32 v14;
	v14 =	vunpack.c.0.s8.s32 v56  }
0x36: {  	v58 =	vunpack.c.0.s8.s32 v7;
	[tilespmem:$0x1FE80] =	vst v0;
	v0 =	vunpack.c.l.s4.s8 v13;
	v2 =	vsel vm0, v3, v2  }
0x37: {  	v4 =	vsel vm0, v5, v4;
	v3 =	vsel vm0, v46, v45;
	v5 =	vunpack.c.l.s4.s8 v47  }
0x38: {  	v13 =	vimm.s32 $0xF9E8D7C6;
	v12 =	vunpack.c.0.s8.s32 v12;
	v46 =	vimm.s32 $0x302F1E0D  }
0x39: {  	v47 =	vimm.s32 $0x74635241;
	v2 =	vcombine.low v2, v38;
	v1 =	vcombine.low v3, v4  }
0x3a: {  	v4 =	vand.u32 $0xF, v52;
	v61 =	vsel vm0, v11, v10;
	v9 =	vunpack.c.0.s8.s32 v13  }
0x3b: {  	v38 =	vimm.s32 $0x7261504F;
	v10 =	vunpack.c.0.s8.s32 v39;
	v11 =	vunpack.c.0.s8.s32 v40  }
0x3c: {  	v13 =	vimm.s32 $0x73625140;
	v52 =	vunpack.c.0.s8.s32 v15;
	v15 =	vimm.s32 $0x76655443  }
0x3d: {  	v0 =	vunpack.c.0.s8.s32 v0;
	v51 =	vunpack.c.0.s8.s32 v5;
	v5 =	vunpack.c.0.s8.s32 v53  }
0x3e: {  	v13 =	vunpack.c.0.s8.s32 v13;
	v15 =	vunpack.c.0.s8.s32 v15;
	v8 =	vsel vm0, v9, v8  }
0x3f: {  	s0 =	rddreg [dreg:$0x0];
	s3 =	simm.s32 $0x0;
	[tilespmem:$0x1FEA0] =	vst v35;
	v9 =	vunpack.c.0.s8.s32 v32;
	v44 =	vsel vm0, v11, v10;
	v10 =	vunpack.c.0.s8.s32 v46  }
0x40: {  	[smem:$0x7FF] =	sst s3;
	v11 =	vunpack.c.0.s8.s32 v47;
	[tilespmem:$0x1FE90] =	vst v0;
	v0 =	vcombine.low v37, v36;
	v42 =	vcombine.low v4, v51  }
0x41: {  	s2 =	rddreg [dreg:$0x1];
	v59 =	vsel vm0, v6, v5;
	v5 =	vunpack.c.0.s8.s32 v62;
	v6 =	vunpack.c.0.s8.s32 v63;
	_ =	strace $0x80000047;
	[tilespmem:$0x1FEB0] =	vst v58  }
0x42: {  	v37 =	vimm.s32 $0x3E2D1C0B;
	v45 =	vsel vm0, v13, v12;
	v12 =	vunpack.c.0.s8.s32 v48;
	[tilespmem:$0x1FEF0] =	vst v17  }
0x43: {  	v13 =	vunpack.c.0.s8.s32 v49;
	v51 =	vunpack.c.0.s8.s32 v50;
	v14 =	vsel vm0, v15, v14;
	[tilespmem:$0x1FF00] =	vst v21  }
0x44: {  	v15 =	vimm.s32 $0xEDCBA987;
	v3 =	vcombine.low v60, v59;
	v36 =	vsel vm0, v34, v9;
	[tilespmem:$0x1FFD0] =	vst v20  }
0x45: {  	v9 =	vunpack.c.0.s8.s32 v38;
	v10 =	vsel vm0, v11, v10;
	v60 =	vunpack.c.0.s8.s32 v16;
	[tilespmem:$0x1FFE0] =	vst v28  }
0x46: {  	[tilespmem:$0x1FFF0] =	vst v19;
	v5 =	vsel vm0, v6, v5;
	v6 =	vsel vm0, v26, v25;
	v53 =	vsel vm0, v13, v12  }
0x47: {  	v11 =	vsel vm0, v52, v51;
	[tilespmem:$0x1FFC0] =	vst v42;
	v35 =	vcombine.low v6, v8;
	v8 =	vunpack.c.0.s8.s32 v37  }
0x48: {  	v4 =	vcombine.low v5, v61;
	[tilespmem:$0x1FEC0] =	vst v60;
	v46 =	vand.u32 $0xFF, v3;
	v62 =	vcombine.low v11, v53  }
0x49: {  	[tilespmem:$0x1FF40] =	vst v46;
	v8 =	vsel vm0, v9, v8;
	v9 =	vsel vm0, v43, v41;
	v43 =	vand.u32 $0xFF, v0  }
0x4a: {  	v54 =	vimm.s32 $0xBAA99887;
	v59 =	vunpack.c.l.s4.s8 v15;
	v56 =	vand.u32 $0xFF, v4;
	[tilespmem:$0x1FF10] =	vst v43  }
0x4b: {  	v12 =	vunpack.c.0.s8.s32 v54;
	v13 =	vunpack.c.0.s8.s32 v55;
	v37 =	vand.u32 $0xFF, v62;
	[tilespmem:$0x1FF50] =	vst v56  }
0x4c: {  	s1 =	srdreg.scid;
	v57 =	vimm.s32 $0x6543210F;
	v0 =	vunpack.c.0.s8.s32 v59;
	v32 =	vand.u32 $0xFF, v35;
	[tilespmem:$0x1FF70] =	vst v37  }
0x4d: {  	s5 =	stileid.u32;
	s11 =	simm.s32 $0x4;
	s12 =	simm.s32 $0x5000;
	v12 =	vsel vm0, v13, v12;
	v13 =	vunpack.c.l.s4.s8 v57;
	[tilespmem:$0x1FF80] =	vst v32  }
0x4e: {  	s13 =	simm.s32 $0x1;
	s14 =	simm.s32 $0xD200;
	s15 =	simm.s32 $0x10600;
	v6 =	vcombine.low v8, v36;
	v8 =	vcombine.low v45, v44;
	v44 =	vand.u32 $0xFF, v2;
	[tilespmem:$0x1FEE0] =	vst v0  }
0x4f: {  	s16 =	simm.s32 $0x2;
	s1 =	sand.u32 $0x1, s1;
	s4 =	sshll.u32 s5, $0x1;
	v63 =	vcombine.low v14, v12;
	v61 =	vunpack.c.0.s8.s32 v13;
	v45 =	vand.u32 $0xFF, v1;
	[tilespmem:$0x1FF20] =	vst v44  }
0x50: {  	s17 =	simm.s32 $0x3;
	s7 =	smul.u32 $0x6800, s5;
	s4 =	sor.u32 s1, s4;
	v9 =	vcombine.low v10, v9;
	[tilespmem:$0x1FF30] =	vst v45  }
0x51: {  	s18 =	simm.s32 $0x0;
	s8 =	ssub.s32 $0x2, s1;
	s4 =	smul.u32 $0x3400, s4;
	v23 =	vand.u32 $0xFF, v63;
	[tilespmem:$0x1FED0] =	vst v61  }
0x52: {  	s30 =	sadd.s32 $0x600, s0;
	s1 =	smul.u32 $0x3400, s1;
	s10 =	sshrl.u32 s8, $0x1;
	v22 =	vand.u32 $0xFF, v9;
	[tilespmem:$0x1FFB0] =	vst v23  }
0x53: {  	s6 =	sadd.s32 $0x400, s0;
	s31 =	ssub.s32 s8, s10;
	s29 =	sshrl.u32 s4, $0x3;
	v57 =	vand.u32 $0xFF, v8;
	[tilespmem:$0x1FF60] =	vst v22  }
0x54: {  	s1 =	sadd.s32 s1, s7;
	s8 =	smax.u32 s31, $0x1;
	s9 =	sadd.s32 s29, s0;
	v36 =	vand.u32 $0xFF, v6;
	[tilespmem:$0x1FF90] =	vst v57  }
0x55: {  	v18 =	vlaneseq.u32;
	s7 =	sadd.s32 $0xA00, s9;
	s9 =	sor.u32 $0x30, s1;
	[dreg:$0x3] =	wrdreg s30;
	[tilespmem:$0x1FFA0] =	vst v36  }
.LBB2_1:
0x56: {  	[tilespmem:s3], [sflag:$0x1] =	stream.linear.gather [hbm4b:s7+s3], $0x3400, $0x38;
	[tilespmem:$0x13A00] =	vst v63  }
0x57: {  	s0 =	rddreg [dreg:$0x3];
	s1 =	simm.s32 $0x3400  }
0x58: {  	[tilespmem:s1], [sflag:$0x4] =	stream.linear.gather [hbm4b:s0+s3], $0x1A00, $0x38;
	[tilespmem:$0x13A00] =	vst v63  }
0x59: {  	_ =	swait.ge [sflag:s11], $0x1A00  }
0x5a: {  	[sflag:s11] =	ssyncset.done $0x0  }
0x5b: {  	s22 =	simm.s32 $0x0;
	s0 =	simm.s32 $0x4E00;
	[sflag:s11] =	ssyncadd.s32 $0xFFFFE600  }
0x5c: {  	[tilespmem:s0], [sflag:$0x4] =	stream.linear.gather [hbm4b:s6+s3], $0x200, $0x38;
	[tilespmem:$0x13A00] =	vst v63  }
0x5d: {  	v0 =	vmov s22;
	_ =	swait.ge [sflag:s11], $0x200  }
0x5e: {  	v0 =	vshrl.u32 v0, $0x7;
	[sflag:s11] =	ssyncset.done $0x0  }
0x5f: {  	v1 =	vshll.u32 v0, v17;
	[sflag:s11] =	ssyncadd.s32 $0xFFFFFE00  }
0x60: {  	s1 =	simm.s32 $0x3480;
	v0 =	vadd.s32 s3, v18;
	v3 =	vbroadcast v1, $0x0;
	v2 =	vld [tilespmem:s0+$0x0]  }
0x61: {  	v0 =	vand.u32 $0xF, v0;
	v4 =	vld [tilespmem:s1+$0xFFFFFF80]  }
0x62: {  	v3 =	vor.u32 v0, v3;
	_ =	sdelay $0x3  }
0x63: {  	v5 =	vor.u32 $0x10, v1;
	v6 =	vpack.i.f32.bf16 v4, v2  }
0x64: {  	v5 =	vbroadcast v5, $0x0;
	[tilespmem:v3+s12+$0x0] =	vst.idx.msk $0xffff, v6  }
0x65: {  	v3 =	vld [tilespmem:s1+$0xFFFFFF90]  }
0x66: {  	v5 =	vor.u32 v0, v5;
	_ =	sdelay $0x1  }
0x67: {  	v2 =	vadd.f32 v4, v2;
	_ =	sdelay $0x1  }
0x68: {  	v9 =	vor.u32 $0x20, v1;
	v10 =	vpack.i.f32.bf16 v3, v2  }
0x69: {  	v4 =	vbroadcast v9, $0x0;
	[tilespmem:v5+s12+$0x0] =	vst.idx.msk $0xffff, v10  }
0x6a: {  	v5 =	vld [tilespmem:s1+$0xFFFFFFA0]  }
0x6b: {  	v4 =	vor.u32 v0, v4;
	_ =	sdelay $0x1  }
0x6c: {  	v2 =	vadd.f32 v3, v2;
	_ =	sdelay $0x1  }
0x6d: {  	v3 =	vor.u32 $0x30, v1;
	v11 =	vpack.i.f32.bf16 v5, v2  }
0x6e: {  	v3 =	vbroadcast v3, $0x0;
	[tilespmem:v4+s12+$0x0] =	vst.idx.msk $0xffff, v11  }
0x6f: {  	v4 =	vld [tilespmem:s1+$0xFFFFFFB0]  }
0x70: {  	v3 =	vor.u32 v0, v3;
	_ =	sdelay $0x1  }
0x71: {  	v2 =	vadd.f32 v5, v2;
	_ =	sdelay $0x1  }
0x72: {  	v12 =	vor.u32 $0x40, v1;
	v13 =	vpack.i.f32.bf16 v4, v2  }
0x73: {  	v5 =	vbroadcast v12, $0x0;
	[tilespmem:v3+s12+$0x0] =	vst.idx.msk $0xffff, v13  }
0x74: {  	v3 =	vld [tilespmem:s1+$0xFFFFFFC0]  }
0x75: {  	v5 =	vor.u32 v0, v5;
	_ =	sdelay $0x1  }
0x76: {  	v2 =	vadd.f32 v4, v2;
	_ =	sdelay $0x1  }
0x77: {  	v14 =	vor.u32 $0x50, v1;
	v24 =	vpack.i.f32.bf16 v3, v2  }
0x78: {  	v4 =	vbroadcast v14, $0x0;
	[tilespmem:v5+s12+$0x0] =	vst.idx.msk $0xffff, v24  }
0x79: {  	v5 =	vld [tilespmem:s1+$0xFFFFFFD0]  }
0x7a: {  	v4 =	vor.u32 v0, v4;
	_ =	sdelay $0x1  }
0x7b: {  	v2 =	vadd.f32 v3, v2;
	_ =	sdelay $0x1  }
0x7c: {  	v3 =	vor.u32 $0x60, v1;
	v25 =	vpack.i.f32.bf16 v5, v2  }
0x7d: {  	v3 =	vbroadcast v3, $0x0;
	[tilespmem:v4+s12+$0x0] =	vst.idx.msk $0xffff, v25  }
0x7e: {  	v4 =	vld [tilespmem:s1+$0xFFFFFFE0]  }
0x7f: {  	v3 =	vor.u32 v0, v3;
	_ =	sdelay $0x1  }
0x80: {  	v2 =	vadd.f32 v5, v2;
	_ =	sdelay $0x1  }
0x81: {  	v1 =	vor.u32 $0x70, v1;
	v5 =	vpack.i.f32.bf16 v4, v2  }
0x82: {  	v1 =	vbroadcast v1, $0x0;
	[tilespmem:v3+s12+$0x0] =	vst.idx.msk $0xffff, v5  }
0x83: {  	v3 =	vld [tilespmem:s1+$0xFFFFFFF0]  }
0x84: {  	v1 =	vor.u32 v0, v1  }
0x85: {  	s10 =	simm.s32 $0x80  }
0x86: {  	v26 =	vmov s10;
	v2 =	vadd.f32 v4, v2  }
0x87: {  	v4 =	vshrl.u32 v26, $0x7  }
0x88: {  	v4 =	vshll.u32 v4, v17;
	v33 =	vpack.i.f32.bf16 v3, v2  }
0x89: {  	[tilespmem:v1+s12+$0x0] =	vst.idx.msk $0xffff, v33;
	v1 =	vbroadcast v4, $0x0  }
0x8a: {  	v34 =	vld [tilespmem:s1+$0x0]  }
0x8b: {  	s23 =	simm.s32 $0x90;
	v1 =	vor.u32 v0, v1  }
0x8c: {  	v35 =	vmov s23  }
0x8d: {  	v2 =	vadd.f32 v3, v2;
	v3 =	vshrl.u32 v35, $0x7  }
0x8e: {  	v3 =	vshll.u32 v3, v17  }
0x8f: {  	v3 =	vor.u32 $0x10, v3;
	v38 =	vpack.i.f32.bf16 v34, v2  }
0x90: {  	[tilespmem:v1+s12+$0x0] =	vst.idx.msk $0xffff, v38;
	v1 =	vbroadcast v3, $0x0  }
0x91: {  	v3 =	vld [tilespmem:s1+$0x10]  }
0x92: {  	s24 =	simm.s32 $0xA0;
	v1 =	vor.u32 v0, v1  }
0x93: {  	v39 =	vmov s24  }
0x94: {  	v40 =	vshrl.u32 v39, $0x7;
	v2 =	vadd.f32 v34, v2  }
0x95: {  	v4 =	vshll.u32 v40, v17  }
0x96: {  	v4 =	vor.u32 $0x20, v4;
	v41 =	vpack.i.f32.bf16 v3, v2  }
0x97: {  	[tilespmem:v1+s12+$0x0] =	vst.idx.msk $0xffff, v41;
	v1 =	vbroadcast v4, $0x0  }
0x98: {  	v47 =	vld [tilespmem:s1+$0x20]  }
0x99: {  	s25 =	simm.s32 $0xB0;
	v1 =	vor.u32 v0, v1  }
0x9a: {  	v48 =	vmov s25  }
0x9b: {  	v2 =	vadd.f32 v3, v2;
	v3 =	vshrl.u32 v48, $0x7  }
0x9c: {  	v3 =	vshll.u32 v3, v17  }
0x9d: {  	v3 =	vor.u32 $0x30, v3;
	v49 =	vpack.i.f32.bf16 v47, v2  }
0x9e: {  	[tilespmem:v1+s12+$0x0] =	vst.idx.msk $0xffff, v49;
	v1 =	vbroadcast v3, $0x0  }
0x9f: {  	v3 =	vld [tilespmem:s1+$0x30]  }
0xa0: {  	s26 =	simm.s32 $0xC0;
	v1 =	vor.u32 v0, v1  }
0xa1: {  	v50 =	vmov s26  }
0xa2: {  	v51 =	vshrl.u32 v50, $0x7;
	v2 =	vadd.f32 v47, v2  }
0xa3: {  	v4 =	vshll.u32 v51, v17  }
0xa4: {  	v4 =	vor.u32 $0x40, v4;
	v52 =	vpack.i.f32.bf16 v3, v2  }
0xa5: {  	[tilespmem:v1+s12+$0x0] =	vst.idx.msk $0xffff, v52;
	v1 =	vbroadcast v4, $0x0  }
0xa6: {  	v53 =	vld [tilespmem:s1+$0x40]  }
0xa7: {  	s28 =	simm.s32 $0xD0;
	v1 =	vor.u32 v0, v1  }
0xa8: {  	v54 =	vmov s28  }
0xa9: {  	v2 =	vadd.f32 v3, v2;
	v3 =	vshrl.u32 v54, $0x7  }
0xaa: {  	v3 =	vshll.u32 v3, v17  }
0xab: {  	v3 =	vor.u32 $0x50, v3;
	v55 =	vpack.i.f32.bf16 v53, v2  }
0xac: {  	[tilespmem:v1+s12+$0x0] =	vst.idx.msk $0xffff, v55;
	v1 =	vbroadcast v3, $0x0  }
0xad: {  	v3 =	vld [tilespmem:s1+$0x50]  }
0xae: {  	s29 =	simm.s32 $0xE0;
	v1 =	vor.u32 v0, v1  }
0xaf: {  	v58 =	vmov s29  }
0xb0: {  	v59 =	vshrl.u32 v58, $0x7;
	v2 =	vadd.f32 v53, v2  }
0xb1: {  	v4 =	vshll.u32 v59, v17  }
0xb2: {  	v4 =	vor.u32 $0x60, v4;
	v60 =	vpack.i.f32.bf16 v3, v2  }
0xb3: {  	[tilespmem:v1+s12+$0x0] =	vst.idx.msk $0xffff, v60;
	v1 =	vbroadcast v4, $0x0  }
0xb4: {  	v61 =	vld [tilespmem:s1+$0x60]  }
0xb5: {  	v1 =	vor.u32 v0, v1;
	_ =	sdelay $0x1  }
0xb6: {  	v2 =	vadd.f32 v3, v2  }
0xb7: {  	s30 =	simm.s32 $0xF0  }
0xb8: {  	v62 =	vmov s30;
	v3 =	vpack.i.f32.bf16 v61, v2  }
0xb9: {  	[tilespmem:v1+s12+$0x0] =	vst.idx.msk $0xffff, v3;
	v1 =	vshrl.u32 v62, $0x7  }
0xba: {  	v1 =	vshll.u32 v1, v17  }
0xbb: {  	v1 =	vor.u32 $0x70, v1  }
0xbc: {  	v3 =	vld [tilespmem:s1+$0x70];
	v1 =	vbroadcast v1, $0x0;
	_ =	sdelay $0x1  }
0xbd: {  	v0 =	vor.u32 v0, v1  }
0xbe: {  	s31 =	simm.s32 $0x100;
	v2 =	vadd.f32 v61, v2  }
0xbf: {  	v63 =	vmov s31  }
0xc0: {  	s19 =	simm.s32 $0x1F0;
	s22 =	simm.s32 $0x2F0;
	s10 =	simm.s32 $0x1;
	v1 =	vshrl.u32 v63, $0x7;
	v2 =	vpack.i.f32.bf16 v3, v2  }
.LBB2_2:
0xc1: {  	s0 =	sadd.s32 $0x10, s0  }
0xc2: {  	v3 =	vadd.s32 s10, v18;
	v1 =	vshll.u32 v1, v17;
	[tilespmem:v0+s12+$0x0] =	vst.idx.msk $0xffff, v2;
	s1 =	sadd.s32 $0x100, s1;
	s21 =	smov.u32 s22;
	s20 =	sadd.s32 $0x100, s22  }
0xc3: {  	p0 =	sne.s32 s22, $0x19F0;
	v2 =	vld [tilespmem:s0+$0x0];
	v4 =	vbroadcast v1, $0x0;
	v5 =	vor.u32 $0x10, v1;
	v6 =	vor.u32 $0x30, v1  }
0xc4: {  	v0 =	vand.u32 $0xF, v3;
	v7 =	vor.u32 $0x20, v1;
	v3 =	vld [tilespmem:s1+$0xFFFFFF80];
	v5 =	vbroadcast v5, $0x0  }
0xc5: {  	v8 =	vor.u32 $0x40, v1;
	v6 =	vbroadcast v6, $0x0;
	v4 =	vor.u32 v0, v4  }
0xc6: {  	v9 =	vor.u32 $0x50, v1;
	v10 =	vor.u32 $0x60, v1;
	v8 =	vbroadcast v8, $0x0  }
0xc7: {  	v1 =	vor.u32 $0x70, v1;
	v9 =	vbroadcast v9, $0x0;
	v10 =	vbroadcast v10, $0x0  }
0xc8: {  	v7 =	vbroadcast v7, $0x0;
	v1 =	vbroadcast v1, $0x0  }
0xc9: {  	v11 =	vpack.i.f32.bf16 v3, v2  }
0xca: {  	[tilespmem:v4+s12+$0x0] =	vst.idx.msk $0xffff, v11;
	v4 =	vor.u32 v0, v7  }
0xcb: {  	v7 =	vld [tilespmem:s1+$0xFFFFFF90]  }
0xcc: {  	v5 =	vor.u32 v0, v5;
	_ =	sdelay $0x1  }
0xcd: {  	v2 =	vadd.f32 v3, v2;
	_ =	sdelay $0x1  }
0xce: {  	v3 =	vpack.i.f32.bf16 v7, v2  }
0xcf: {  	[tilespmem:v5+s12+$0x0] =	vst.idx.msk $0xffff, v3  }
0xd0: {  	v3 =	vld [tilespmem:s1+$0xFFFFFFA0];
	_ =	sdelay $0x2  }
0xd1: {  	v2 =	vadd.f32 v7, v2;
	_ =	sdelay $0x1  }
0xd2: {  	v5 =	vpack.i.f32.bf16 v3, v2;
	v2 =	vadd.f32 v3, v2  }
0xd3: {  	[tilespmem:v4+s12+$0x0] =	vst.idx.msk $0xffff, v5  }
0xd4: {  	v3 =	vld [tilespmem:s1+$0xFFFFFFB0]  }
0xd5: {  	v4 =	vor.u32 v0, v6;
	_ =	sdelay $0x3  }
0xd6: {  	v5 =	vpack.i.f32.bf16 v3, v2;
	v2 =	vadd.f32 v3, v2  }
0xd7: {  	[tilespmem:v4+s12+$0x0] =	vst.idx.msk $0xffff, v5  }
0xd8: {  	v3 =	vld [tilespmem:s1+$0xFFFFFFC0]  }
0xd9: {  	v4 =	vor.u32 v0, v8;
	_ =	sdelay $0x3  }
0xda: {  	v5 =	vpack.i.f32.bf16 v3, v2;
	v2 =	vadd.f32 v3, v2  }
0xdb: {  	[tilespmem:v4+s12+$0x0] =	vst.idx.msk $0xffff, v5  }
0xdc: {  	v3 =	vld [tilespmem:s1+$0xFFFFFFD0]  }
0xdd: {  	v4 =	vor.u32 v0, v9;
	_ =	sdelay $0x3  }
0xde: {  	v5 =	vpack.i.f32.bf16 v3, v2;
	v2 =	vadd.f32 v3, v2  }
0xdf: {  	[tilespmem:v4+s12+$0x0] =	vst.idx.msk $0xffff, v5  }
0xe0: {  	v3 =	vld [tilespmem:s1+$0xFFFFFFE0]  }
0xe1: {  	v4 =	vor.u32 v0, v10;
	_ =	sdelay $0x3  }
0xe2: {  	v5 =	vpack.i.f32.bf16 v3, v2;
	v2 =	vadd.f32 v3, v2  }
0xe3: {  	[tilespmem:v4+s12+$0x0] =	vst.idx.msk $0xffff, v5  }
0xe4: {  	v3 =	vld [tilespmem:s1+$0xFFFFFFF0]  }
0xe5: {  	v1 =	vor.u32 v0, v1  }
0xe6: {  	s22 =	sadd.s32 $0xFFFFFF90, s19  }
0xe7: {  	v4 =	vmov s22  }
0xe8: {  	v4 =	vshrl.u32 v4, $0x7  }
0xe9: {  	v5 =	vpack.i.f32.bf16 v3, v2;
	v2 =	vadd.f32 v3, v2;
	v3 =	vshll.u32 v4, v17  }
0xea: {  	[tilespmem:v1+s12+$0x0] =	vst.idx.msk $0xffff, v5;
	v1 =	vbroadcast v3, $0x0  }
0xeb: {  	v3 =	vld [tilespmem:s1+$0x0]  }
0xec: {  	s22 =	sadd.s32 $0xFFFFFFA0, s19;
	v1 =	vor.u32 v0, v1  }
0xed: {  	v4 =	vmov s22  }
0xee: {  	v4 =	vshrl.u32 v4, $0x7  }
0xef: {  	v4 =	vshll.u32 v4, v17  }
0xf0: {  	v5 =	vpack.i.f32.bf16 v3, v2;
	v2 =	vadd.f32 v3, v2;
	v3 =	vor.u32 $0x10, v4  }
0xf1: {  	[tilespmem:v1+s12+$0x0] =	vst.idx.msk $0xffff, v5;
	v1 =	vbroadcast v3, $0x0  }
0xf2: {  	v3 =	vld [tilespmem:s1+$0x10]  }
0xf3: {  	s22 =	sadd.s32 $0xFFFFFFB0, s19;
	v1 =	vor.u32 v0, v1  }
0xf4: {  	v4 =	vmov s22  }
0xf5: {  	v4 =	vshrl.u32 v4, $0x7  }
0xf6: {  	v4 =	vshll.u32 v4, v17  }
0xf7: {  	v5 =	vpack.i.f32.bf16 v3, v2;
	v2 =	vadd.f32 v3, v2;
	v3 =	vor.u32 $0x20, v4  }
0xf8: {  	[tilespmem:v1+s12+$0x0] =	vst.idx.msk $0xffff, v5;
	v1 =	vbroadcast v3, $0x0  }
0xf9: {  	v3 =	vld [tilespmem:s1+$0x20]  }
0xfa: {  	s22 =	sadd.s32 $0xFFFFFFC0, s19;
	v1 =	vor.u32 v0, v1  }
0xfb: {  	v4 =	vmov s22  }
0xfc: {  	v4 =	vshrl.u32 v4, $0x7  }
0xfd: {  	v4 =	vshll.u32 v4, v17  }
0xfe: {  	v5 =	vpack.i.f32.bf16 v3, v2;
	v2 =	vadd.f32 v3, v2;
	v3 =	vor.u32 $0x30, v4  }
0xff: {  	[tilespmem:v1+s12+$0x0] =	vst.idx.msk $0xffff, v5;
	v1 =	vbroadcast v3, $0x0  }
0x100: {  	v3 =	vld [tilespmem:s1+$0x30]  }
0x101: {  	s22 =	sadd.s32 $0xFFFFFFD0, s19;
	v1 =	vor.u32 v0, v1  }
0x102: {  	v4 =	vmov s22  }
0x103: {  	v4 =	vshrl.u32 v4, $0x7  }
0x104: {  	v4 =	vshll.u32 v4, v17  }
0x105: {  	v5 =	vpack.i.f32.bf16 v3, v2;
	v2 =	vadd.f32 v3, v2;
	v3 =	vor.u32 $0x40, v4  }
0x106: {  	[tilespmem:v1+s12+$0x0] =	vst.idx.msk $0xffff, v5;
	v1 =	vbroadcast v3, $0x0  }
0x107: {  	v3 =	vld [tilespmem:s1+$0x40]  }
0x108: {  	s22 =	sadd.s32 $0xFFFFFFE0, s19;
	v1 =	vor.u32 v0, v1  }
0x109: {  	v4 =	vmov s22  }
0x10a: {  	v4 =	vshrl.u32 v4, $0x7  }
0x10b: {  	v4 =	vshll.u32 v4, v17  }
0x10c: {  	v5 =	vpack.i.f32.bf16 v3, v2;
	v2 =	vadd.f32 v3, v2;
	v3 =	vor.u32 $0x50, v4  }
0x10d: {  	[tilespmem:v1+s12+$0x0] =	vst.idx.msk $0xffff, v5;
	v1 =	vbroadcast v3, $0x0  }
0x10e: {  	v3 =	vld [tilespmem:s1+$0x50]  }
0x10f: {  	s22 =	sadd.s32 $0xFFFFFFF0, s19;
	v1 =	vor.u32 v0, v1  }
0x110: {  	v4 =	vmov s22  }
0x111: {  	v4 =	vshrl.u32 v4, $0x7  }
0x112: {  	v4 =	vshll.u32 v4, v17  }
0x113: {  	v5 =	vpack.i.f32.bf16 v3, v2;
	v2 =	vadd.f32 v3, v2;
	v3 =	vor.u32 $0x60, v4  }
0x114: {  	[tilespmem:v1+s12+$0x0] =	vst.idx.msk $0xffff, v5;
	v1 =	vbroadcast v3, $0x0  }
0x115: {  	v3 =	vld [tilespmem:s1+$0x60]  }
0x116: {  	v1 =	vor.u32 v0, v1  }
0x117: {  	v4 =	vmov s19;
	s19 =	smov.u32 s21  }
0x118: {  	v4 =	vshrl.u32 v4, $0x7  }
0x119: {  	v4 =	vshll.u32 v4, v17  }
0x11a: {  	v5 =	vpack.i.f32.bf16 v3, v2;
	v2 =	vadd.f32 v3, v2;
	v3 =	vor.u32 $0x70, v4  }
0x11b: {  	[tilespmem:v1+s12+$0x0] =	vst.idx.msk $0xffff, v5;
	v1 =	vbroadcast v3, $0x0  }
0x11c: {  	v3 =	vld [tilespmem:s1+$0x70]  }
.Ltmp0:
0x11d: {  	v0 =	vor.u32 v0, v1;
	(pc) =	sbr.rel @p0 .LBB2_2-.Ltmp0, $4  }
0x11e: {  	_ = 	snop  }
0x11f: {  	s21 =	sadd.s32 $0xFFFFFF10, s19  }
0x120: {  	v1 =	vmov s21  }
0x121: {  	s10 =	sadd.s32 $0x1, s10;
	s22 =	smov.u32 s20;
	v1 =	vshrl.u32 v1, $0x7;
	v2 =	vpack.i.f32.bf16 v3, v2  }
0x122: {  	_ =	sdelay $0x3  }
0x123: {  	v1 =	vshll.u32 v1, v17;
	[tilespmem:v0+s12+$0x0] =	vst.idx.msk $0xffff, v2;
	s20 =	sadd.s32 $0x10, s0;
	v14 =	vlaneseq.u32  }
0x124: {  	v0 =	vadd.s32 s10, v14;
	s10 =	sadd.s32 $0x100, s1;
	v2 =	vld [tilespmem:s20+$0x0];
	v3 =	vbroadcast v1, $0x0  }
0x125: {  	v0 =	vand.u32 $0xF, v0;
	v4 =	vld [tilespmem:s10+$0xFFFFFF80]  }
0x126: {  	v3 =	vor.u32 v0, v3;
	_ =	sdelay $0x3  }
0x127: {  	v5 =	vor.u32 $0x10, v1;
	v6 =	vpack.i.f32.bf16 v4, v2  }
0x128: {  	v5 =	vbroadcast v5, $0x0;
	[tilespmem:v3+s12+$0x0] =	vst.idx.msk $0xffff, v6  }
0x129: {  	v3 =	vld [tilespmem:s10+$0xFFFFFF90]  }
0x12a: {  	v5 =	vor.u32 v0, v5;
	_ =	sdelay $0x1  }
0x12b: {  	v2 =	vadd.f32 v4, v2;
	_ =	sdelay $0x1  }
0x12c: {  	v4 =	vor.u32 $0x20, v1;
	v6 =	vpack.i.f32.bf16 v3, v2  }
0x12d: {  	v4 =	vbroadcast v4, $0x0;
	[tilespmem:v5+s12+$0x0] =	vst.idx.msk $0xffff, v6  }
0x12e: {  	v5 =	vld [tilespmem:s10+$0xFFFFFFA0]  }
0x12f: {  	v4 =	vor.u32 v0, v4;
	_ =	sdelay $0x1  }
0x130: {  	v2 =	vadd.f32 v3, v2;
	_ =	sdelay $0x1  }
0x131: {  	v3 =	vor.u32 $0x30, v1;
	v6 =	vpack.i.f32.bf16 v5, v2  }
0x132: {  	v3 =	vbroadcast v3, $0x0;
	[tilespmem:v4+s12+$0x0] =	vst.idx.msk $0xffff, v6  }
0x133: {  	v4 =	vld [tilespmem:s10+$0xFFFFFFB0]  }
0x134: {  	v3 =	vor.u32 v0, v3;
	_ =	sdelay $0x1  }
0x135: {  	v2 =	vadd.f32 v5, v2;
	_ =	sdelay $0x1  }
0x136: {  	v5 =	vor.u32 $0x40, v1;
	v6 =	vpack.i.f32.bf16 v4, v2  }
0x137: {  	v5 =	vbroadcast v5, $0x0;
	[tilespmem:v3+s12+$0x0] =	vst.idx.msk $0xffff, v6  }
0x138: {  	v3 =	vld [tilespmem:s10+$0xFFFFFFC0]  }
0x139: {  	v5 =	vor.u32 v0, v5;
	_ =	sdelay $0x1  }
0x13a: {  	v2 =	vadd.f32 v4, v2;
	_ =	sdelay $0x1  }
0x13b: {  	v4 =	vor.u32 $0x50, v1;
	v6 =	vpack.i.f32.bf16 v3, v2  }
0x13c: {  	v4 =	vbroadcast v4, $0x0;
	[tilespmem:v5+s12+$0x0] =	vst.idx.msk $0xffff, v6  }
0x13d: {  	v5 =	vld [tilespmem:s10+$0xFFFFFFD0]  }
0x13e: {  	v4 =	vor.u32 v0, v4;
	_ =	sdelay $0x1  }
0x13f: {  	v2 =	vadd.f32 v3, v2;
	_ =	sdelay $0x1  }
0x140: {  	v3 =	vor.u32 $0x60, v1;
	v6 =	vpack.i.f32.bf16 v5, v2  }
0x141: {  	v3 =	vbroadcast v3, $0x0;
	[tilespmem:v4+s12+$0x0] =	vst.idx.msk $0xffff, v6  }
0x142: {  	v4 =	vld [tilespmem:s10+$0xFFFFFFE0]  }
0x143: {  	v3 =	vor.u32 v0, v3;
	_ =	sdelay $0x1  }
0x144: {  	v2 =	vadd.f32 v5, v2;
	_ =	sdelay $0x1  }
0x145: {  	v1 =	vor.u32 $0x70, v1;
	v5 =	vpack.i.f32.bf16 v4, v2  }
0x146: {  	v1 =	vbroadcast v1, $0x0;
	[tilespmem:v3+s12+$0x0] =	vst.idx.msk $0xffff, v5  }
0x147: {  	v3 =	vld [tilespmem:s10+$0xFFFFFFF0]  }
0x148: {  	v1 =	vor.u32 v0, v1  }
0x149: {  	s20 =	sadd.s32 $0xFFFFFF90, s19  }
0x14a: {  	v2 =	vadd.f32 v4, v2;
	v4 =	vmov s20  }
0x14b: {  	v4 =	vshrl.u32 v4, $0x7  }
0x14c: {  	v4 =	vshll.u32 v4, v17;
	v5 =	vpack.i.f32.bf16 v3, v2  }
0x14d: {  	[tilespmem:v1+s12+$0x0] =	vst.idx.msk $0xffff, v5;
	v1 =	vbroadcast v4, $0x0  }
0x14e: {  	v4 =	vld [tilespmem:s10+$0x0]  }
0x14f: {  	s21 =	sadd.s32 $0xFFFFFFA0, s19;
	v1 =	vor.u32 v0, v1  }
0x150: {  	v5 =	vmov s21  }
0x151: {  	v2 =	vadd.f32 v3, v2;
	v3 =	vshrl.u32 v5, $0x7  }
0x152: {  	v3 =	vshll.u32 v3, v17  }
0x153: {  	v3 =	vor.u32 $0x10, v3;
	v5 =	vpack.i.f32.bf16 v4, v2  }
0x154: {  	[tilespmem:v1+s12+$0x0] =	vst.idx.msk $0xffff, v5;
	v1 =	vbroadcast v3, $0x0  }
0x155: {  	v3 =	vld [tilespmem:s10+$0x10]  }
0x156: {  	s22 =	sadd.s32 $0xFFFFFFB0, s19;
	v1 =	vor.u32 v0, v1  }
0x157: {  	v5 =	vmov s22  }
0x158: {  	v2 =	vadd.f32 v4, v2;
	v4 =	vshrl.u32 v5, $0x7  }
0x159: {  	v4 =	vshll.u32 v4, v17  }
0x15a: {  	v4 =	vor.u32 $0x20, v4;
	v5 =	vpack.i.f32.bf16 v3, v2  }
0x15b: {  	[tilespmem:v1+s12+$0x0] =	vst.idx.msk $0xffff, v5;
	v1 =	vbroadcast v4, $0x0  }
0x15c: {  	v4 =	vld [tilespmem:s10+$0x20]  }
0x15d: {  	s23 =	sadd.s32 $0xFFFFFFC0, s19;
	v1 =	vor.u32 v0, v1  }
0x15e: {  	v5 =	vmov s23  }
0x15f: {  	v2 =	vadd.f32 v3, v2;
	v3 =	vshrl.u32 v5, $0x7  }
0x160: {  	v3 =	vshll.u32 v3, v17  }
0x161: {  	v3 =	vor.u32 $0x30, v3;
	v5 =	vpack.i.f32.bf16 v4, v2  }
0x162: {  	[tilespmem:v1+s12+$0x0] =	vst.idx.msk $0xffff, v5;
	v1 =	vbroadcast v3, $0x0  }
0x163: {  	v3 =	vld [tilespmem:s10+$0x30]  }
0x164: {  	s24 =	sadd.s32 $0xFFFFFFD0, s19;
	v1 =	vor.u32 v0, v1  }
0x165: {  	v5 =	vmov s24  }
0x166: {  	v2 =	vadd.f32 v4, v2;
	v4 =	vshrl.u32 v5, $0x7  }
0x167: {  	v4 =	vshll.u32 v4, v17  }
0x168: {  	v4 =	vor.u32 $0x40, v4;
	v5 =	vpack.i.f32.bf16 v3, v2  }
0x169: {  	[tilespmem:v1+s12+$0x0] =	vst.idx.msk $0xffff, v5;
	v1 =	vbroadcast v4, $0x0  }
0x16a: {  	v4 =	vld [tilespmem:s10+$0x40]  }
0x16b: {  	s25 =	sadd.s32 $0xFFFFFFE0, s19;
	v1 =	vor.u32 v0, v1  }
0x16c: {  	v5 =	vmov s25  }
0x16d: {  	v2 =	vadd.f32 v3, v2;
	v3 =	vshrl.u32 v5, $0x7  }
0x16e: {  	v3 =	vshll.u32 v3, v17  }
0x16f: {  	v3 =	vor.u32 $0x50, v3;
	v5 =	vpack.i.f32.bf16 v4, v2  }
0x170: {  	[tilespmem:v1+s12+$0x0] =	vst.idx.msk $0xffff, v5;
	v1 =	vbroadcast v3, $0x0  }
0x171: {  	v3 =	vld [tilespmem:s10+$0x50]  }
0x172: {  	s26 =	sadd.s32 $0xFFFFFFF0, s19;
	v1 =	vor.u32 v0, v1  }
0x173: {  	v5 =	vmov s26  }
0x174: {  	v2 =	vadd.f32 v4, v2;
	v4 =	vshrl.u32 v5, $0x7  }
0x175: {  	v4 =	vshll.u32 v4, v17  }
0x176: {  	v4 =	vor.u32 $0x60, v4;
	v5 =	vpack.i.f32.bf16 v3, v2  }
0x177: {  	[tilespmem:v1+s12+$0x0] =	vst.idx.msk $0xffff, v5;
	v1 =	vbroadcast v4, $0x0  }
0x178: {  	v4 =	vld [tilespmem:s10+$0x60]  }
0x179: {  	v1 =	vor.u32 v0, v1  }
0x17a: {  	v5 =	vmov s19  }
0x17b: {  	v2 =	vadd.f32 v3, v2;
	v3 =	vshrl.u32 v5, $0x7  }
0x17c: {  	v3 =	vshll.u32 v3, v17  }
0x17d: {  	v3 =	vor.u32 $0x70, v3;
	v5 =	vpack.i.f32.bf16 v4, v2  }
0x17e: {  	[tilespmem:v1+s12+$0x0] =	vst.idx.msk $0xffff, v5;
	v1 =	vbroadcast v3, $0x0  }
0x17f: {  	v3 =	vld [tilespmem:s10+$0x70]  }
0x180: {  	v0 =	vor.u32 v0, v1;
	_ =	sdelay $0x1  }
0x181: {  	v1 =	vadd.f32 v4, v2;
	_ =	sdelay $0x1  }
0x182: {  	v1 =	vpack.i.f32.bf16 v3, v1  }
0x183: {  	s31 =	sadd.s32 $0xFFFFFFF0, s9;
	[tilespmem:v0+s12+$0x0] =	vst.idx.msk $0xffff, v1  }
0x184: {  	v6 =	vor.u32 s31, v14;
	_ =	swait.ge [sflag:s13], $0x3400  }
0x185: {  	v9 =	vmulhi.u32 $0x4EC4EC4F, v6;
	[sflag:s13] =	ssyncset.done $0x0  }
0x186: {  	s28 =	simm.s32 $0x20;
	s30 =	sadd.s32 $0xFFFFFFD0, s9;
	[sflag:s13] =	ssyncadd.s32 $0xFFFFCC00  }
0x187: {  	s29 =	sadd.s32 $0xFFFFFFE0, s9;
	v9 =	vshrl.u32 v9, $0x3;
	v3 =	vor.u32 s30, v14;
	v2 =	vld [tilespmem:s28+$0x10]  }
0x188: {  	v9 =	vmul.u32 $0x1A, v9;
	v0 =	vor.u32 s29, v14;
	v7 =	vmulhi.u32 $0x4EC4EC4F, v3;
	v1 =	vld [tilespmem:s28+$0xFFFFFFF0]  }
0x189: {  	v5 =	vmulhi.u32 $0x4EC4EC4F, v0;
	v4 =	vld [tilespmem:s28+$0xFFFFFFE0]  }
0x18a: {  	v6 =	vsub.s32 v6, v9;
	v7 =	vshrl.u32 v7, $0x3;
	v8 =	vld [tilespmem:s28+$0x0]  }
0x18b: {  	v16 =	vand.u32 $0xF, v6;
	v5 =	vshrl.u32 v5, $0x3;
	v7 =	vmul.u32 $0x1A, v7  }
0x18c: {  	v6 =	vshll.u32 v6, $0x8;
	v5 =	vmul.u32 $0x1A, v5;
	v11 =	vmul.f32 $1.600000000e+01, v2  }
0x18d: {  	v14 =	vor.u32 s9, v14;
	v3 =	vsub.s32 v3, v7;
	v10 =	vmul.f32 $1.600000000e+01, v1  }
0x18e: {  	v0 =	vsub.s32 v0, v5;
	v12 =	vmul.f32 $1.600000000e+01, v4;
	v11 =	vtrunc.f32 v11  }
0x18f: {  	v59 =	vshll.u32 v3, $0x8;
	v13 =	vmul.f32 $1.600000000e+01, v8;
	v11 =	vcvt.f32.s32 v11  }
0x190: {  	v3 =	vand.u32 $0xF, v3;
	v5 =	vtrunc.f32 v10;
	v7 =	vtrunc.f32 v12  }
0x191: {  	v13 =	vtrunc.f32 v13;
	v5 =	vcvt.f32.s32 v5;
	vm0 =	vlt.s32 v11, $0xF  }
0x192: {  	v7 =	vcvt.f32.s32 v7;
	v60 =	vcvt.f32.s32 v13;
	v11 =	vnsel vm0, $0xF, v11  }
0x193: {  	v58 =	vand.u32 $0xF, v0;
	v0 =	vshll.u32 v0, $0x8;
	v61 =	vcvt.s32.f32 v11  }
0x194: {  	vm14 =	vlt.s32 v7, $0xF;
	vm1 =	vlt.s32 v5, $0xF;
	vm15 =	vlt.s32 v60, $0xF  }
0x195: {  	v5 =	vnsel vm1, $0xF, v5;
	v7 =	vnsel vm14, $0xF, v7;
	v13 =	vmul.f32 $6.250000000e-02, v61  }
0x196: {  	v9 =	vnsel vm15, $0xF, v60;
	v15 =	vcvt.s32.f32 v5;
	v5 =	vshll.u32 v5, $0x4  }
0x197: {  	v63 =	vcvt.s32.f32 v9;
	v9 =	vshll.u32 v9, $0x4;
	v2 =	vsub.f32 v2, v13  }
0x198: {  	v0 =	vadd.s32 v0, v5;
	v5 =	vmulhi.u32 $0x4EC4EC4F, v14;
	v62 =	vmul.f32 $6.250000000e-02, v15  }
0x199: {  	v10 =	vor.u32 v58, v0;
	v0 =	vmul.f32 $1.599999710e+01, v2;
	v2 =	vcvt.s32.f32 v7  }
0x19a: {  	v6 =	vadd.s32 v6, v9;
	v5 =	vshrl.u32 v5, $0x3;
	v7 =	vshll.u32 v7, $0x4  }
0x19b: {  	v1 =	vsub.f32 v1, v62;
	v7 =	vadd.s32 v59, v7;
	v2 =	vmul.f32 $6.250000000e-02, v2  }
0x19c: {  	s0 =	simm.s32 $0x6A20;
	s1 =	simm.s32 $0x9E20;
	s20 =	simm.s32 $0x6D50;
	v5 =	vmul.u32 $0x1A, v5;
	v3 =	vor.u32 v3, v7;
	v7 =	vmul.f32 $6.250000000e-02, v63  }
0x19d: {  	s22 =	simm.s32 $0x9E60;
	s23 =	sadd.s32 $0x40, s9;
	s24 =	simm.s32 $0x60;
	v6 =	vor.u32 v16, v6;
	[tilespmem:s0+$0xFFFFFFF0] =	vst v10;
	v1 =	vmul.f32 $1.599999710e+01, v1;
	v4 =	vsub.f32 v4, v2  }
0x19e: {  	s25 =	simm.s32 $0x6A60;
	s19 =	simm.s32 $0xA150;
	s10 =	simm.s32 $0x0;
	v5 =	vsub.s32 v14, v5;
	[tilespmem:s0+$0xFFFFFFE0] =	vst v3;
	v2 =	vshll.u32 v11, $0x4;
	v3 =	vsub.f32 v8, v7  }
.LBB2_4:
0x19f: {  	v4 =	vmul.f32 $1.599999710e+01, v4  }
0x1a0: {  	s21 =	sadd.s32 $0xFFFFFFD0, s23;
	v7 =	vld [tilespmem:s24+$0xFFFFFFF0];
	s26 =	sadd.s32 $0xFFFFFFE0, s23;
	s10 =	sadd.s32 $0x4, s10;
	[tilespmem:s0+$0x0] =	vst v6;
	v6 =	vshll.u32 v5, $0x8;
	v5 =	vand.u32 $0xF, v5;
	v15 =	vlaneseq.u32  }
0x1a1: {  	v8 =	vor.u32 s21, v15;
	v9 =	vor.u32 s26, v15;
	s21 =	sadd.s32 $0xFFFFFFF0, s23;
	v10 =	vld [tilespmem:s24+$0x10];
	p0 =	slt.u32 s10, $0x33C;
	[tilespmem:s1+$0xFFFFFFF0] =	vst v1;
	v1 =	vmul.f32 $1.599999710e+01, v3  }
0x1a2: {  	v2 =	vadd.s32 v6, v2;
	v3 =	vld [tilespmem:s24+$0xFFFFFFE0];
	v11 =	vmulhi.u32 $0x4EC4EC4F, v9;
	v12 =	vor.u32 s21, v15;
	[tilespmem:s1+$0xFFFFFFE0] =	vst v4  }
0x1a3: {  	v4 =	vmulhi.u32 $0x4EC4EC4F, v8;
	v6 =	vld [tilespmem:s24+$0x0];
	[tilespmem:s1+$0x0] =	vst v1;
	v1 =	vor.u32 v5, v2  }
0x1a4: {  	v5 =	vmulhi.u32 $0x4EC4EC4F, v12;
	v2 =	vshrl.u32 v11, $0x3;
	[tilespmem:s0+$0x10] =	vst v1;
	s0 =	smov.u32 s25  }
0x1a5: {  	v1 =	vshrl.u32 v4, $0x3;
	v2 =	vmul.u32 $0x1A, v2;
	v4 =	vmul.f32 $1.600000000e+01, v7;
	[tilespmem:s1+$0x10] =	vst v0;
	s1 =	smov.u32 s22  }
0x1a6: {  	v0 =	vmul.u32 $0x1A, v1;
	v1 =	vshrl.u32 v5, $0x3;
	v5 =	vmul.f32 $1.600000000e+01, v10  }
0x1a7: {  	v11 =	vmul.f32 $1.600000000e+01, v3;
	v2 =	vsub.s32 v9, v2;
	v4 =	vtrunc.f32 v4  }
0x1a8: {  	v9 =	vand.u32 $0xF, v2;
	v13 =	vmul.f32 $1.600000000e+01, v6;
	v5 =	vtrunc.f32 v5  }
0x1a9: {  	v0 =	vsub.s32 v8, v0;
	v8 =	vtrunc.f32 v11;
	v5 =	vcvt.f32.s32 v5  }
0x1aa: {  	v14 =	vand.u32 $0xF, v0;
	v11 =	vshll.u32 v0, $0x8;
	v0 =	vcvt.f32.s32 v4  }
0x1ab: {  	v1 =	vmul.u32 $0x1A, v1;
	v4 =	vtrunc.f32 v13;
	vm0 =	vlt.s32 v5, $0xF  }
0x1ac: {  	v2 =	vshll.u32 v2, $0x8;
	v8 =	vcvt.f32.s32 v8;
	v5 =	vnsel vm0, $0xF, v5  }
0x1ad: {  	v1 =	vsub.s32 v12, v1;
	v4 =	vcvt.f32.s32 v4;
	v12 =	vcvt.s32.f32 v5  }
0x1ae: {  	v13 =	vor.u32 s23, v15;
	vm1 =	vlt.s32 v0, $0xF;
	vm0 =	vlt.s32 v8, $0xF  }
0x1af: {  	v0 =	vnsel vm1, $0xF, v0;
	vm1 =	vlt.s32 v4, $0xF;
	v12 =	vmul.f32 $6.250000000e-02, v12  }
0x1b0: {  	v16 =	vand.u32 $0xF, v1;
	v15 =	vcvt.s32.f32 v0;
	v0 =	vshll.u32 v0, $0x4  }
0x1b1: {  	v0 =	vadd.s32 v2, v0;
	v2 =	vmulhi.u32 $0x4EC4EC4F, v13;
	v10 =	vsub.f32 v10, v12  }
0x1b2: {  	v0 =	vor.u32 v9, v0;
	v9 =	vshll.u32 v1, $0x8;
	v12 =	vmul.f32 $6.250000000e-02, v15  }
0x1b3: {  	v4 =	vnsel vm1, $0xF, v4;
	v1 =	vnsel vm0, $0xF, v8;
	[tilespmem:s25+$0xFFFFFFF0] =	vst v0;
	v0 =	vmul.f32 $1.599999710e+01, v10  }
0x1b4: {  	v8 =	vcvt.s32.f32 v1;
	v7 =	vsub.f32 v7, v12;
	v10 =	vcvt.s32.f32 v4  }
.Ltmp1:
0x1b5: {  	v1 =	vshll.u32 v1, $0x4;
	v2 =	vshrl.u32 v2, $0x3;
	v12 =	vshll.u32 v4, $0x4;
	(pc) =	sbr.rel @p0 .LBB2_4-.Ltmp1, $4  }
0x1b6: {  	v4 =	vmul.f32 $6.250000000e-02, v8;
	v8 =	vadd.s32 v11, v1;
	v1 =	vmul.f32 $1.599999710e+01, v7  }
0x1b7: {  	v7 =	vor.u32 v14, v8;
	v8 =	vmul.f32 $6.250000000e-02, v10;
	v10 =	vmul.u32 $0x1A, v2  }
0x1b8: {  	s21 =	simm.s32 $0x0;
	s22 =	sadd.s32 $0x40, s22;
	v4 =	vsub.f32 v3, v4;
	v2 =	vshll.u32 v5, $0x4;
	[tilespmem:s25+$0xFFFFFFE0] =	vst v7;
	v7 =	vadd.s32 v9, v12  }
0x1b9: {  	s24 =	sadd.s32 $0x40, s24;
	s23 =	sadd.s32 $0x40, s23;
	v3 =	vsub.f32 v6, v8;
	v5 =	vsub.s32 v13, v10;
	s25 =	sadd.s32 $0x40, s25;
	v6 =	vor.u32 v16, v7  }
0x1ba: {  	v4 =	vmul.f32 $1.599999710e+01, v4;
	[tilespmem:s0+$0x0] =	vst v6  }
0x1bb: {  	v60 =	vshll.u32 v5, $0x8;
	[tilespmem:s1+$0xFFFFFFF0] =	vst v1;
	v61 =	vmul.f32 $1.599999710e+01, v3  }
0x1bc: {  	v62 =	vand.u32 $0xF, v5;
	v2 =	vadd.s32 v60, v2;
	[tilespmem:s1+$0xFFFFFFE0] =	vst v4  }
0x1bd: {  	v63 =	vor.u32 v62, v2;
	[tilespmem:s1+$0x0] =	vst v61  }
0x1be: {  	[tilespmem:s0+$0x10] =	vst v63  }
0x1bf: {  	s22 =	simm.s32 $0x0;
	[tilespmem:s1+$0x10] =	vst v0  }
.LBB2_6:
0x1c0: {  	p0 =	seq.s32 s22, $0x0  }
0x1c1: {  	s1 =	sadd.s32 $0x10, s21;
	s0 =	simm.s32 @!p0 $0x2  }
0x1c2: {  	s10 =	simm.s32 $0x0;
	s23 =	sadd.s32 $0xFFFFFFF0, s1;
	_ =	swait.ge @!p0 [sflag:s0], $0x3400  }
0x1c3: {  	s10 =	sand.u32 $0x60, s10;
	s23 =	sand.u32 $0x7F80, s23;
	[sflag:s0] =	ssyncset.done @!p0 $0x0  }
0x1c4: {  	s25 =	sor.u32 s10, s23;
	[sflag:s0] =	ssyncadd.s32 @!p0 $0xFFFFCC00  }
0x1c5: {  	v0 =	vld [tilespmem:s25+$0x6A00];
	_ =	sdelay $0x4  }
0x1c6: {  	v1 =	vlaneseq.u32;
	v7 =	vand.u32 $0xF, v0  }
0x1c7: {  	v1 =	vperm.xlane v1, v7  }
0x1c8: {  	v0 =	vand.u32 $0xFFFFFFF0, v0  }
0x1c9: {  	v1 =	vadd.s32 v0, v1;
	_ =	sdelay $0x3  }
0x1ca: {  	v58 =	vld [tilespmem:$0x1FE20]  }
0x1cb: {  	v1 =	vld.idx.msk [tilespmem:v1+s12+$0x0], $0xffff  }
0x1cc: {  	v8 =	vld [tilespmem:s25+$0x9E00];
	_ =	sdelay $0x1  }
0x1cd: {  	s26 =	simm.s32 $0x10  }
0x1ce: {  	s1 =	sand.u32 $0x7F80, s1;
	s10 =	sand.u32 $0x70, s26;
	s23 =	simm.s32 $0x0;
	v3 =	vperm.xlane v58, v7  }
0x1cf: {  	s29 =	sor.u32 s10, s1;
	v4 =	vor.u32 s23, v28;
	v5 =	vunpack.i.u.bf16.f32 v1  }
0x1d0: {  	v2 =	vld [tilespmem:s29+$0x6A00];
	v3 =	vadd.s32 v0, v3;
	v5 =	vmul.f32 v5, v8  }
0x1d1: {  	v1 =	vunpack.i.l.bf16.f32 v1  }
0x1d2: {  	v1 =	vadd.f32 v5, v1;
	_ =	sdelay $0x1  }
0x1d3: {  	[tilespmem:v4+s14+$0x0] =	vst.idx.msk $0xffff, v1  }
0x1d4: {  	v6 =	vand.u32 $0xF, v2;
	v5 =	vand.u32 $0xFFFFFFF0, v2;
	v2 =	vld.idx.msk [tilespmem:v3+s12+$0x0], $0xffff  }
0x1d5: {  	v54 =	vld [tilespmem:$0x1FE30];
	_ =	sdelay $0x1  }
0x1d6: {  	v9 =	vlaneseq.u32  }
0x1d7: {  	v9 =	vperm.xlane v9, v6;
	_ =	sdelay $0x1  }
0x1d8: {  	v1 =	vadd.s32 v5, v9;
	v4 =	vor.u32 s23, v54;
	v9 =	vunpack.i.u.bf16.f32 v2  }
0x1d9: {  	v9 =	vmul.f32 v9, v8  }
0x1da: {  	v3 =	vperm.xlane v20, v7;
	v2 =	vunpack.i.l.bf16.f32 v2  }
0x1db: {  	v2 =	vadd.f32 v9, v2  }
0x1dc: {  	v47 =	vld [tilespmem:s29+$0x9E00];
	v3 =	vadd.s32 v0, v3  }
0x1dd: {  	v1 =	vld.idx.msk [tilespmem:v1+s12+$0x0], $0xffff;
	[tilespmem:v4+s14+$0x0] =	vst.idx.msk $0xffff, v2  }
0x1de: {  	v24 =	vld [tilespmem:$0x1FE40]  }
0x1df: {  	v25 =	vld [tilespmem:$0x1FE50];
	_ =	sdelay $0x1  }
0x1e0: {  	s30 =	simm.s32 $0x100;
	v9 =	vperm.xlane v58, v6;
	v3 =	vld.idx.msk [tilespmem:v3+s12+$0x0], $0xffff  }
0x1e1: {  	v10 =	vor.u32 s30, v28;
	v11 =	vunpack.i.u.bf16.f32 v1  }
0x1e2: {  	v2 =	vadd.s32 v5, v9;
	v4 =	vmul.f32 v11, v47  }
0x1e3: {  	v1 =	vunpack.i.l.bf16.f32 v1;
	v9 =	vcombine.low v25, v24  }
0x1e4: {  	v1 =	vadd.f32 v4, v1  }
0x1e5: {  	v4 =	vunpack.i.u.bf16.f32 v3;
	v26 =	vand.u32 $0xF, v9;
	v9 =	vor.u32 s23, v19  }
0x1e6: {  	[tilespmem:v10+s14+$0x0] =	vst.idx.msk $0xffff, v1;
	v4 =	vmul.f32 v4, v8  }
0x1e7: {  	v2 =	vld.idx.msk [tilespmem:v2+s12+$0x0], $0xffff;
	v3 =	vunpack.i.l.bf16.f32 v3;
	v1 =	vperm.xlane v26, v7  }
0x1e8: {  	v3 =	vadd.f32 v4, v3  }
0x1e9: {  	v1 =	vadd.s32 v0, v1  }
0x1ea: {  	[tilespmem:v9+s14+$0x0] =	vst.idx.msk $0xffff, v3  }
0x1eb: {  	v4 =	vperm.xlane v20, v6;
	v29 =	vld [tilespmem:$0x1FE60]  }
0x1ec: {  	v10 =	vor.u32 s30, v54;
	v11 =	vunpack.i.u.bf16.f32 v2;
	v27 =	vld [tilespmem:$0x1FE70]  }
0x1ed: {  	v3 =	vadd.s32 v5, v4;
	v4 =	vmul.f32 v11, v47  }
0x1ee: {  	v2 =	vunpack.i.l.bf16.f32 v2;
	v1 =	vld.idx.msk [tilespmem:v1+s12+$0x0], $0xffff  }
0x1ef: {  	v2 =	vadd.f32 v4, v2;
	_ =	sdelay $0x1  }
0x1f0: {  	[tilespmem:v10+s14+$0x0] =	vst.idx.msk $0xffff, v2;
	v9 =	vcombine.low v27, v29  }
0x1f1: {  	v3 =	vld.idx.msk [tilespmem:v3+s12+$0x0], $0xffff  }
0x1f2: {  	v63 =	vand.u32 $0xF, v9;
	v4 =	vunpack.i.u.bf16.f32 v1;
	v9 =	vor.u32 s23, v21  }
0x1f3: {  	v4 =	vmul.f32 v4, v8  }
0x1f4: {  	v1 =	vunpack.i.l.bf16.f32 v1;
	v2 =	vperm.xlane v63, v7  }
0x1f5: {  	v1 =	vadd.f32 v4, v1  }
0x1f6: {  	v10 =	vor.u32 s30, v19;
	v11 =	vunpack.i.u.bf16.f32 v3;
	v2 =	vadd.s32 v0, v2  }
0x1f7: {  	[tilespmem:v9+s14+$0x0] =	vst.idx.msk $0xffff, v1;
	v1 =	vmul.f32 v11, v47  }
0x1f8: {  	v3 =	vunpack.i.l.bf16.f32 v3  }
0x1f9: {  	v33 =	vld [tilespmem:$0x1FE90];
	v1 =	vadd.f32 v1, v3  }
0x1fa: {  	v4 =	vperm.xlane v26, v6;
	v30 =	vld [tilespmem:$0x1FEA0]  }
0x1fb: {  	v2 =	vld.idx.msk [tilespmem:v2+s12+$0x0], $0xffff;
	[tilespmem:v10+s14+$0x0] =	vst.idx.msk $0xffff, v1  }
0x1fc: {  	v4 =	vadd.s32 v5, v4;
	v62 =	vld [tilespmem:$0x1FE80];
	_ =	sdelay $0x2  }
0x1fd: {  	v9 =	vcombine.low v30, v33;
	_ =	sdelay $0x1  }
0x1fe: {  	v3 =	vld.idx.msk [tilespmem:v4+s12+$0x0], $0xffff;
	v60 =	vand.u32 $0xF, v9;
	v4 =	vunpack.i.u.bf16.f32 v2;
	v9 =	vor.u32 s23, v62  }
0x1ff: {  	v4 =	vmul.f32 v4, v8  }
0x200: {  	v2 =	vunpack.i.l.bf16.f32 v2;
	v1 =	vperm.xlane v60, v7  }
0x201: {  	v2 =	vadd.f32 v4, v2  }
0x202: {  	v1 =	vadd.s32 v0, v1  }
0x203: {  	[tilespmem:v9+s14+$0x0] =	vst.idx.msk $0xffff, v2  }
0x204: {  	v34 =	vld [tilespmem:$0x1FEB0]  }
0x205: {  	v4 =	vperm.xlane v63, v6;
	v35 =	vld [tilespmem:$0x1FEC0]  }
0x206: {  	v10 =	vor.u32 s30, v21;
	v11 =	vunpack.i.u.bf16.f32 v3  }
0x207: {  	v4 =	vadd.s32 v5, v4;
	v2 =	vmul.f32 v11, v47;
	v1 =	vld.idx.msk [tilespmem:v1+s12+$0x0], $0xffff  }
0x208: {  	v3 =	vunpack.i.l.bf16.f32 v3  }
0x209: {  	v2 =	vadd.f32 v2, v3  }
0x20a: {  	v9 =	vcombine.low v35, v34  }
0x20b: {  	[tilespmem:v10+s14+$0x0] =	vst.idx.msk $0xffff, v2  }
0x20c: {  	v3 =	vld.idx.msk [tilespmem:v4+s12+$0x0], $0xffff;
	v4 =	vunpack.i.u.bf16.f32 v1;
	v38 =	vand.u32 $0xF, v9;
	v9 =	vor.u32 s23, v43  }
0x20d: {  	s31 =	sadd.s32 $0x30, s21;
	v4 =	vmul.f32 v4, v8  }
0x20e: {  	s5 =	simm.s32 $0x20;
	s24 =	sadd.s32 $0xFFFFFFF0, s31;
	v1 =	vunpack.i.l.bf16.f32 v1  }
0x20f: {  	s24 =	sand.u32 $0x7F80, s24;
	s10 =	sand.u32 $0x60, s5;
	v1 =	vadd.f32 v4, v1  }
0x210: {  	s10 =	sor.u32 s10, s24;
	v2 =	vperm.xlane v38, v7  }
0x211: {  	v10 =	vld [tilespmem:s10+$0x6A00];
	[tilespmem:v9+s14+$0x0] =	vst.idx.msk $0xffff, v1  }
0x212: {  	v2 =	vadd.s32 v0, v2;
	v39 =	vld [tilespmem:$0x1FED0]  }
0x213: {  	v40 =	vld [tilespmem:$0x1FEE0];
	_ =	sdelay $0x1  }
0x214: {  	s25 =	simm.s32 $0x30  }
0x215: {  	s1 =	sand.u32 $0x7F80, s31;
	s24 =	sand.u32 $0x70, s25;
	v11 =	vor.u32 s30, v62;
	v4 =	vperm.xlane v60, v6;
	v12 =	vunpack.i.u.bf16.f32 v3  }
0x216: {  	v14 =	vlaneseq.u32;
	s1 =	sor.u32 s24, s1;
	v50 =	vand.u32 $0xF, v10;
	v1 =	vmul.f32 v12, v47;
	v2 =	vld.idx.msk [tilespmem:v2+s12+$0x0], $0xffff  }
0x217: {  	v3 =	vunpack.i.l.bf16.f32 v3;
	v4 =	vadd.s32 v5, v4;
	v9 =	vld [tilespmem:s1+$0x6A00];
	v12 =	vcombine.low v40, v39  }
0x218: {  	v13 =	vperm.xlane v14, v50;
	v1 =	vadd.f32 v1, v3  }
0x219: {  	v51 =	vand.u32 $0xFFFFFFF0, v10;
	v41 =	vand.u32 $0xF, v12  }
0x21a: {  	v3 =	vadd.s32 v51, v13;
	[tilespmem:v11+s14+$0x0] =	vst.idx.msk $0xffff, v1;
	v1 =	vperm.xlane v41, v7  }
0x21b: {  	v10 =	vor.u32 s23, v44;
	v11 =	vunpack.i.u.bf16.f32 v2  }
0x21c: {  	v4 =	vld.idx.msk [tilespmem:v4+s12+$0x0], $0xffff;
	v52 =	vand.u32 $0xF, v9;
	v11 =	vmul.f32 v11, v8;
	v1 =	vadd.s32 v0, v1  }
0x21d: {  	v2 =	vunpack.i.l.bf16.f32 v2;
	v12 =	vperm.xlane v14, v52  }
0x21e: {  	v53 =	vand.u32 $0xFFFFFFF0, v9;
	v2 =	vadd.f32 v11, v2  }
0x21f: {  	v3 =	vld.idx.msk [tilespmem:v3+s12+$0x0], $0xffff;
	v11 =	vadd.s32 v53, v12  }
0x220: {  	v48 =	vld [tilespmem:s10+$0x9E00];
	[tilespmem:v10+s14+$0x0] =	vst.idx.msk $0xffff, v2  }
0x221: {  	v9 =	vperm.xlane v38, v6;
	v13 =	vunpack.i.u.bf16.f32 v4;
	v12 =	vor.u32 s30, v43;
	v1 =	vld.idx.msk [tilespmem:v1+s12+$0x0], $0xffff  }
0x222: {  	v2 =	vmul.f32 v13, v47  }
0x223: {  	s24 =	simm.s32 $0x200;
	v9 =	vadd.s32 v5, v9;
	v4 =	vunpack.i.l.bf16.f32 v4;
	v10 =	vperm.xlane v58, v50  }
0x224: {  	v13 =	vunpack.i.u.bf16.f32 v3;
	v2 =	vadd.f32 v2, v4;
	v4 =	vor.u32 s24, v28;
	v11 =	vld.idx.msk [tilespmem:v11+s12+$0x0], $0xffff  }
0x225: {  	v49 =	vld [tilespmem:s1+$0x9E00];
	v13 =	vmul.f32 v13, v48;
	v10 =	vadd.s32 v51, v10  }
0x226: {  	v3 =	vunpack.i.l.bf16.f32 v3;
	[tilespmem:v12+s14+$0x0] =	vst.idx.msk $0xffff, v2;
	v12 =	vor.u32 s23, v45;
	v15 =	vunpack.i.u.bf16.f32 v1  }
0x227: {  	v3 =	vadd.f32 v13, v3;
	v15 =	vmul.f32 v15, v8  }
0x228: {  	v17 =	vperm.xlane v58, v52;
	v2 =	vperm.xlane v42, v7;
	v1 =	vunpack.i.l.bf16.f32 v1  }
0x229: {  	s26 =	simm.s32 $0x300;
	v9 =	vld.idx.msk [tilespmem:v9+s12+$0x0], $0xffff;
	[tilespmem:v4+s14+$0x0] =	vst.idx.msk $0xffff, v3;
	v4 =	vunpack.i.u.bf16.f32 v11;
	v1 =	vadd.f32 v15, v1  }
0x22a: {  	v2 =	vadd.s32 v0, v2;
	v3 =	vor.u32 s26, v28;
	v10 =	vld.idx.msk [tilespmem:v10+s12+$0x0], $0xffff;
	v4 =	vmul.f32 v4, v49  }
0x22b: {  	v11 =	vunpack.i.l.bf16.f32 v11;
	v15 =	vadd.s32 v53, v17;
	v17 =	vperm.xlane v41, v6;
	[tilespmem:v12+s14+$0x0] =	vst.idx.msk $0xffff, v1  }
0x22c: {  	v4 =	vadd.f32 v4, v11;
	v11 =	vld [tilespmem:$0x1FDE0]  }
0x22d: {  	v12 =	vadd.s32 v5, v17;
	v17 =	vld [tilespmem:$0x1FDF0];
	_ =	sdelay $0x2  }
0x22e: {  	v13 =	vor.u32 s30, v44;
	v18 =	vunpack.i.u.bf16.f32 v9;
	v2 =	vld.idx.msk [tilespmem:v2+s12+$0x0], $0xffff;
	[tilespmem:v3+s14+$0x0] =	vst.idx.msk $0xffff, v4;
	v4 =	vunpack.i.u.bf16.f32 v10  }
0x22f: {  	v61 =	vmovc v20;
	v1 =	vmul.f32 v18, v47;
	v3 =	vor.u32 s24, v54;
	v4 =	vmul.f32 v4, v48  }
0x230: {  	v9 =	vunpack.i.l.bf16.f32 v9;
	v11 =	vcombine.low v11, v17;
	v17 =	vperm.xlane v61, v50  }
0x231: {  	v20 =	vmovc v19;
	v19 =	vperm.xlane v61, v52;
	v10 =	vunpack.i.l.bf16.f32 v10;
	v1 =	vadd.f32 v1, v9;
	v9 =	vld.idx.msk [tilespmem:v15+s12+$0x0], $0xffff  }
0x232: {  	v4 =	vadd.f32 v4, v10;
	v59 =	vand.u32 $0xF, v11;
	v11 =	vadd.s32 v51, v17  }
0x233: {  	[tilespmem:v13+s14+$0x0] =	vst.idx.msk $0xffff, v1;
	v13 =	vor.u32 s23, v46;
	v17 =	vunpack.i.u.bf16.f32 v2;
	v1 =	vperm.xlane v59, v7  }
0x234: {  	v12 =	vld.idx.msk [tilespmem:v12+s12+$0x0], $0xffff;
	[tilespmem:v3+s14+$0x0] =	vst.idx.msk $0xffff, v4;
	v3 =	vor.u32 s26, v54;
	v10 =	vmul.f32 v17, v8  }
0x235: {  	v54 =	vmovc v21;
	v21 =	vadd.s32 v53, v19;
	v2 =	vunpack.i.l.bf16.f32 v2;
	v17 =	vadd.s32 v0, v1  }
0x236: {  	v19 =	vor.u32 s30, v57;
	v4 =	vunpack.i.u.bf16.f32 v9;
	v2 =	vadd.f32 v10, v2  }
0x237: {  	v4 =	vmul.f32 v4, v49;
	v11 =	vld.idx.msk [tilespmem:v11+s12+$0x0], $0xffff;
	[tilespmem:$0x1FD00] =	vst v19  }
0x238: {  	v9 =	vunpack.i.l.bf16.f32 v9;
	[tilespmem:v13+s14+$0x0] =	vst.idx.msk $0xffff, v2;
	v13 =	vor.u32 s30, v22  }
0x239: {  	v4 =	vadd.f32 v4, v9;
	v9 =	vunpack.i.l.bf16.f32 v12;
	v2 =	vunpack.i.u.bf16.f32 v12;
	[tilespmem:$0x1FD70] =	vst v13;
	v12 =	vld [tilespmem:$0x1FE00]  }
0x23a: {  	v13 =	vld.idx.msk [tilespmem:v17+s12+$0x0], $0xffff  }
0x23b: {  	v17 =	vld [tilespmem:$0x1FE10];
	_ =	sdelay $0x1  }
0x23c: {  	v14 =	vperm.xlane v42, v6  }
0x23d: {  	v16 =	vor.u32 s30, v45  }
0x23e: {  	v14 =	vadd.s32 v5, v14;
	v2 =	vmul.f32 v2, v47  }
0x23f: {  	v19 =	vor.u32 s30, v37;
	v12 =	vcombine.low v12, v17;
	v17 =	vperm.xlane v26, v50  }
0x240: {  	[tilespmem:v3+s14+$0x0] =	vst.idx.msk $0xffff, v4;
	v4 =	vor.u32 s24, v20;
	v2 =	vadd.f32 v2, v9;
	v9 =	vmovc v20;
	v3 =	vunpack.i.u.bf16.f32 v11  }
0x241: {  	v3 =	vmul.f32 v3, v48;
	v20 =	vand.u32 $0xF, v12;
	v12 =	vld.idx.msk [tilespmem:v21+s12+$0x0], $0xffff;
	v17 =	vadd.s32 v51, v17;
	[tilespmem:$0x1FDB0] =	vst v19  }
0x242: {  	v21 =	vperm.xlane v20, v7;
	[tilespmem:v16+s14+$0x0] =	vst.idx.msk $0xffff, v2;
	v2 =	vunpack.i.l.bf16.f32 v11;
	v11 =	vunpack.i.u.bf16.f32 v13  }
0x243: {  	v16 =	vor.u32 s23, v56;
	v14 =	vld.idx.msk [tilespmem:v14+s12+$0x0], $0xffff;
	v2 =	vadd.f32 v3, v2;
	v3 =	vor.u32 s30, v23  }
0x244: {  	[tilespmem:$0x1FC70] =	vst v3;
	v3 =	vmul.f32 v11, v8;
	v11 =	vadd.s32 v0, v21  }
0x245: {  	v31 =	vor.u32 s30, v32;
	v1 =	vmovc v22;
	v22 =	vperm.xlane v26, v52;
	v13 =	vunpack.i.l.bf16.f32 v13;
	[tilespmem:v4+s14+$0x0] =	vst.idx.msk $0xffff, v2  }
0x246: {  	v2 =	vor.u32 s26, v9;
	v3 =	vadd.f32 v3, v13;
	v4 =	vunpack.i.u.bf16.f32 v12;
	v13 =	vld.idx.msk [tilespmem:v17+s12+$0x0], $0xffff  }
0x247: {  	v22 =	vadd.s32 v53, v22;
	v17 =	vperm.xlane v59, v6;
	v4 =	vmul.f32 v4, v49  }
0x248: {  	v15 =	vor.u32 s30, v46;
	v12 =	vunpack.i.l.bf16.f32 v12;
	[tilespmem:v16+s14+$0x0] =	vst.idx.msk $0xffff, v3;
	v3 =	vunpack.i.u.bf16.f32 v14  }
0x249: {  	v16 =	vadd.s32 v5, v17;
	v11 =	vld.idx.msk [tilespmem:v11+s12+$0x0], $0xffff;
	v3 =	vmul.f32 v3, v47;
	v4 =	vadd.f32 v4, v12  }
0x24a: {  	v17 =	vperm.xlane v63, v50;
	v12 =	vunpack.i.l.bf16.f32 v14;
	v14 =	vcombine.low v24, v25;
	[tilespmem:$0x1FD30] =	vst v63  }
0x24b: {  	v3 =	vadd.f32 v3, v12;
	[tilespmem:v2+s14+$0x0] =	vst.idx.msk $0xffff, v4;
	v2 =	vunpack.i.u.bf16.f32 v13;
	v4 =	vor.u32 s24, v54  }
0x24c: {  	v18 =	vor.u32 s30, v56;
	v10 =	vor.u32 s30, v36;
	v12 =	vld.idx.msk [tilespmem:v22+s12+$0x0], $0xffff;
	v2 =	vmul.f32 v2, v48  }
0x24d: {  	v9 =	vmovc v63;
	v63 =	vand.u32 $0xF, v14;
	v14 =	vadd.s32 v51, v17;
	[tilespmem:v15+s14+$0x0] =	vst.idx.msk $0xffff, v3;
	v3 =	vunpack.i.l.bf16.f32 v13  }
0x24e: {  	v19 =	vmovc v32;
	v22 =	vperm.xlane v63, v7;
	v13 =	vunpack.i.u.bf16.f32 v11;
	v2 =	vadd.f32 v2, v3  }
0x24f: {  	v55 =	vmovc v23;
	v23 =	vor.u32 s26, v54;
	v15 =	vor.u32 s23, v19;
	v24 =	vld.idx.msk [tilespmem:v16+s12+$0x0], $0xffff;
	v3 =	vmul.f32 v13, v8  }
0x250: {  	v22 =	vadd.s32 v0, v22;
	v11 =	vunpack.i.l.bf16.f32 v11;
	[tilespmem:v4+s14+$0x0] =	vst.idx.msk $0xffff, v2;
	v2 =	vor.u32 s26, v45  }
0x251: {  	v25 =	vperm.xlane v9, v52;
	[tilespmem:$0x1FCD0] =	vst v2;
	v2 =	vadd.f32 v3, v11;
	v3 =	vunpack.i.u.bf16.f32 v12  }
0x252: {  	v21 =	vperm.xlane v42, v52;
	v9 =	vor.u32 s26, v46;
	v4 =	vld.idx.msk [tilespmem:v14+s12+$0x0], $0xffff;
	v3 =	vmul.f32 v3, v49  }
0x253: {  	v11 =	vperm.xlane v20, v6;
	v12 =	vunpack.i.l.bf16.f32 v12;
	v14 =	vadd.s32 v53, v25  }
0x254: {  	v25 =	vadd.s32 v53, v21;
	[tilespmem:v15+s14+$0x0] =	vst.idx.msk $0xffff, v2;
	v2 =	vunpack.i.u.bf16.f32 v24;
	v3 =	vadd.f32 v3, v12  }
0x255: {  	v17 =	vor.u32 s26, v62;
	v11 =	vadd.s32 v5, v11;
	v15 =	vld.idx.msk [tilespmem:v22+s12+$0x0], $0xffff;
	v2 =	vmul.f32 v2, v47;
	[tilespmem:$0x1FD80] =	vst v60  }
0x256: {  	v21 =	vcombine.low v29, v27;
	v12 =	vunpack.i.l.bf16.f32 v24;
	v22 =	vperm.xlane v60, v50;
	[tilespmem:v23+s14+$0x0] =	vst.idx.msk $0xffff, v3  }
0x257: {  	v2 =	vadd.f32 v2, v12;
	v3 =	vunpack.i.u.bf16.f32 v4;
	[tilespmem:$0x1FD20] =	vst v9;
	v9 =	vor.u32 s26, v56  }
0x258: {  	v27 =	vperm.xlane v60, v52;
	v12 =	vor.u32 s24, v62;
	v14 =	vld.idx.msk [tilespmem:v14+s12+$0x0], $0xffff;
	v3 =	vmul.f32 v3, v48;
	[tilespmem:$0x1FD60] =	vst v9  }
0x259: {  	v24 =	vmovc v62;
	v22 =	vadd.s32 v51, v22;
	v62 =	vand.u32 $0xF, v21;
	[tilespmem:v18+s14+$0x0] =	vst.idx.msk $0xffff, v2;
	v2 =	vunpack.i.l.bf16.f32 v4  }
0x25a: {  	v4 =	vperm.xlane v62, v7;
	v11 =	vld.idx.msk [tilespmem:v11+s12+$0x0], $0xffff;
	v2 =	vadd.f32 v3, v2;
	v3 =	vor.u32 s26, v19  }
0x25b: {  	v16 =	vmovc v28;
	v28 =	vor.u32 s26, v43;
	v18 =	vunpack.i.u.bf16.f32 v15;
	[tilespmem:$0x1FD90] =	vst v3;
	v3 =	vor.u32 s23, v36  }
0x25c: {  	v27 =	vadd.s32 v53, v27;
	v18 =	vmul.f32 v18, v8;
	v4 =	vadd.s32 v0, v4  }
0x25d: {  	[tilespmem:v12+s14+$0x0] =	vst.idx.msk $0xffff, v2;
	v2 =	vperm.xlane v63, v6;
	v12 =	vunpack.i.l.bf16.f32 v15;
	v15 =	vunpack.i.u.bf16.f32 v14  }
0x25e: {  	v9 =	vor.u32 s26, v57;
	v22 =	vld.idx.msk [tilespmem:v22+s12+$0x0], $0xffff;
	v12 =	vadd.f32 v18, v12;
	v15 =	vmul.f32 v15, v49  }
0x25f: {  	[tilespmem:$0x1FC80] =	vst v9;
	v29 =	vadd.s32 v5, v2;
	v2 =	vunpack.i.l.bf16.f32 v14;
	v14 =	vunpack.i.u.bf16.f32 v11  }
0x260: {  	v21 =	vor.u32 s26, v36;
	[tilespmem:v3+s14+$0x0] =	vst.idx.msk $0xffff, v12;
	v3 =	vmul.f32 v14, v47;
	v2 =	vadd.f32 v15, v2  }
0x261: {  	v11 =	vunpack.i.l.bf16.f32 v11;
	v12 =	vcombine.low v33, v30;
	v14 =	vperm.xlane v38, v50;
	v4 =	vld.idx.msk [tilespmem:v4+s12+$0x0], $0xffff;
	[tilespmem:$0x1FDC0] =	vst v38  }
0x262: {  	v15 =	vor.u32 s24, v43;
	v11 =	vadd.f32 v3, v11;
	[tilespmem:v17+s14+$0x0] =	vst.idx.msk $0xffff, v2;
	v3 =	vor.u32 s26, v1  }
0x263: {  	v9 =	vmovc v1;
	v30 =	vperm.xlane v62, v6;
	v2 =	vunpack.i.u.bf16.f32 v22;
	v14 =	vadd.s32 v51, v14;
	[tilespmem:$0x1FC90] =	vst v3  }
0x264: {  	v23 =	vand.u32 $0xF, v12;
	v1 =	vunpack.i.l.bf16.f32 v22;
	v17 =	vld.idx.msk [tilespmem:v27+s12+$0x0], $0xffff;
	v27 =	vmul.f32 v2, v48;
	[tilespmem:v31+s14+$0x0] =	vst.idx.msk $0xffff, v11  }
0x265: {  	v11 =	vperm.xlane v23, v7;
	v12 =	vld.idx.msk [tilespmem:v29+s12+$0x0], $0xffff;
	v29 =	vadd.s32 v5, v30;
	v30 =	vor.u32 s23, v57  }
0x266: {  	s29 =	sadd.s32 $0x50, s21;
	v22 =	vadd.f32 v27, v1;
	v1 =	vor.u32 s26, v55;
	v27 =	vunpack.i.u.bf16.f32 v4  }
0x267: {  	s25 =	sadd.s32 $0xFFFFFFF0, s29;
	s30 =	simm.s32 $0x40;
	v18 =	vlaneseq.u32;
	v2 =	vor.u32 s26, v37;
	[tilespmem:$0x1FCA0] =	vst v1;
	v27 =	vmul.f32 v27, v8  }
0x268: {  	s25 =	sand.u32 $0x7F80, s25;
	s0 =	sand.u32 $0x60, s30;
	v11 =	vadd.s32 v0, v11;
	v4 =	vunpack.i.l.bf16.f32 v4;
	[tilespmem:v15+s14+$0x0] =	vst.idx.msk $0xffff, v22;
	v15 =	vperm.xlane v38, v52  }
0x269: {  	s31 =	simm.s32 $0x50;
	s0 =	sor.u32 s0, s25;
	v3 =	vmovc v55;
	v22 =	vunpack.i.u.bf16.f32 v17;
	v55 =	vld.idx.msk [tilespmem:v14+s12+$0x0], $0xffff;
	v14 =	vperm.xlane v23, v6;
	v4 =	vadd.f32 v27, v4  }
0x26a: {  	s10 =	sand.u32 $0x7F80, s29;
	s1 =	sand.u32 $0x70, s31;
	v31 =	vld [tilespmem:s0+$0x6A00];
	v17 =	vunpack.i.l.bf16.f32 v17;
	v22 =	vmul.f32 v22, v49;
	v15 =	vadd.s32 v53, v15  }
0x26b: {  	s1 =	sor.u32 s1, s10;
	v1 =	vmovc v36;
	v36 =	vunpack.i.u.bf16.f32 v12;
	[tilespmem:v30+s14+$0x0] =	vst.idx.msk $0xffff, v4;
	v4 =	vunpack.i.l.bf16.f32 v12;
	v12 =	vcombine.low v34, v35  }
0x26c: {  	v27 =	vadd.s32 v5, v14;
	v33 =	vmul.f32 v36, v47;
	v14 =	vadd.f32 v22, v17;
	v17 =	vld [tilespmem:s1+$0x6A00]  }
0x26d: {  	v35 =	vor.u32 s23, v9;
	v22 =	vperm.xlane v41, v50;
	v30 =	vld.idx.msk [tilespmem:v11+s12+$0x0], $0xffff;
	v60 =	vand.u32 $0xF, v12  }
0x26e: {  	v33 =	vadd.f32 v33, v4;
	[tilespmem:v28+s14+$0x0] =	vst.idx.msk $0xffff, v14;
	v28 =	vor.u32 s24, v44;
	v11 =	vunpack.i.u.bf16.f32 v55  }
0x26f: {  	v14 =	vand.u32 $0xF, v31;
	v22 =	vadd.s32 v51, v22;
	v38 =	vmul.f32 v11, v48  }
0x270: {  	v37 =	vperm.xlane v18, v14;
	v12 =	vld.idx.msk [tilespmem:v15+s12+$0x0], $0xffff;
	v11 =	vand.u32 $0xFFFFFFF0, v31;
	v31 =	vunpack.i.l.bf16.f32 v55  }
0x271: {  	v4 =	vperm.xlane v60, v7;
	v15 =	vand.u32 $0xF, v17;
	v31 =	vadd.f32 v38, v31  }
0x272: {  	v32 =	vadd.s32 v11, v37;
	v55 =	vunpack.i.u.bf16.f32 v30;
	v34 =	vperm.xlane v18, v15  }
0x273: {  	v17 =	vand.u32 $0xFFFFFFF0, v17;
	[tilespmem:v28+s14+$0x0] =	vst.idx.msk $0xffff, v31;
	v28 =	vmul.f32 v55, v8  }
0x274: {  	v31 =	vadd.s32 v0, v4;
	v4 =	vunpack.i.l.bf16.f32 v30;
	v34 =	vadd.s32 v17, v34  }
0x275: {  	v22 =	vld.idx.msk [tilespmem:v22+s12+$0x0], $0xffff;
	v55 =	vunpack.i.u.bf16.f32 v12;
	v28 =	vadd.f32 v28, v4  }
0x276: {  	v36 =	vmul.f32 v55, v49;
	v55 =	vunpack.i.l.bf16.f32 v12;
	v12 =	vld [tilespmem:s0+$0x9E00]  }
0x277: {  	v32 =	vld.idx.msk [tilespmem:v32+s12+$0x0], $0xffff;
	[tilespmem:v35+s14+$0x0] =	vst.idx.msk $0xffff, v28  }
0x278: {  	v39 =	vcombine.low v39, v40;
	v13 =	vor.u32 s26, v44;
	v38 =	vperm.xlane v42, v50;
	v4 =	vld [tilespmem:s1+$0x9E00];
	[tilespmem:$0x1FCB0] =	vst v41  }
0x279: {  	v30 =	vperm.xlane v58, v15;
	v36 =	vadd.f32 v36, v55;
	v55 =	vperm.xlane v58, v14;
	v34 =	vld.idx.msk [tilespmem:v34+s12+$0x0], $0xffff  }
0x27a: {  	v38 =	vadd.s32 v51, v38;
	v35 =	vor.u32 s24, v45;
	v40 =	vunpack.i.u.bf16.f32 v22;
	v31 =	vld.idx.msk [tilespmem:v31+s12+$0x0], $0xffff;
	[tilespmem:v10+s14+$0x0] =	vst.idx.msk $0xffff, v33  }
0x27b: {  	s26 =	simm.s32 $0x400;
	v28 =	vperm.xlane v41, v52;
	v41 =	vadd.s32 v11, v55;
	v40 =	vmul.f32 v40, v48;
	v55 =	vld [tilespmem:$0x1FF70]  }
0x27c: {  	v10 =	vor.u32 s26, v16;
	v22 =	vunpack.i.l.bf16.f32 v22;
	v58 =	vunpack.i.u.bf16.f32 v32  }
0x27d: {  	v9 =	vand.u32 $0xF, v39;
	v33 =	vmul.f32 v58, v12;
	v22 =	vadd.f32 v40, v22  }
0x27e: {  	v7 =	vperm.xlane v9, v7;
	v30 =	vadd.s32 v17, v30;
	s1 =	simm.s32 $0x500;
	v32 =	vunpack.i.l.bf16.f32 v32  }
0x27f: {  	v39 =	vor.u32 s1, v16;
	v32 =	vadd.f32 v33, v32;
	v58 =	vunpack.i.u.bf16.f32 v34;
	[tilespmem:v35+s14+$0x0] =	vst.idx.msk $0xffff, v22  }
0x280: {  	[tilespmem:v13+s14+$0x0] =	vst.idx.msk $0xffff, v36;
	v22 =	vunpack.i.u.bf16.f32 v31;
	v40 =	vor.u32 s23, v55;
	v33 =	vmul.f32 v58, v4;
	v35 =	vld.idx.msk [tilespmem:v38+s12+$0x0], $0xffff  }
0x281: {  	v0 =	vadd.s32 v0, v7;
	v34 =	vunpack.i.l.bf16.f32 v34;
	v22 =	vmul.f32 v22, v8;
	[tilespmem:v10+s14+$0x0] =	vst.idx.msk $0xffff, v32  }
0x282: {  	v7 =	vunpack.i.l.bf16.f32 v31;
	v10 =	vadd.s32 v53, v28;
	v31 =	vld.idx.msk [tilespmem:v41+s12+$0x0], $0xffff;
	v28 =	vadd.f32 v33, v34  }
0x283: {  	v7 =	vadd.f32 v22, v7;
	v13 =	vld [tilespmem:$0x1FE30]  }
0x284: {  	v18 =	vld [tilespmem:$0x1FFF0];
	[tilespmem:v39+s14+$0x0] =	vst.idx.msk $0xffff, v28  }
0x285: {  	v16 =	vperm.xlane v59, v50;
	[tilespmem:v40+s14+$0x0] =	vst.idx.msk $0xffff, v7;
	v7 =	vor.u32 s24, v46;
	v30 =	vld.idx.msk [tilespmem:v30+s12+$0x0], $0xffff;
	v22 =	vunpack.i.u.bf16.f32 v35  }
0x286: {  	v37 =	vperm.xlane v61, v15;
	v22 =	vmul.f32 v22, v48  }
0x287: {  	v28 =	vperm.xlane v61, v14;
	v61 =	vadd.s32 v51, v16;
	v16 =	vunpack.i.l.bf16.f32 v35  }
0x288: {  	v40 =	vld.idx.msk [tilespmem:v0+s12+$0x0], $0xffff;
	v41 =	vor.u32 s26, v13;
	v0 =	vunpack.i.u.bf16.f32 v31;
	v22 =	vadd.f32 v22, v16  }
0x289: {  	v55 =	vadd.s32 v11, v28;
	v0 =	vmul.f32 v0, v12  }
0x28a: {  	v34 =	vor.u32 s1, v13;
	v31 =	vunpack.i.l.bf16.f32 v31;
	[tilespmem:v7+s14+$0x0] =	vst.idx.msk $0xffff, v22;
	v7 =	vunpack.i.u.bf16.f32 v30  }
0x28b: {  	v29 =	vld.idx.msk [tilespmem:v29+s12+$0x0], $0xffff;
	v32 =	vperm.xlane v42, v15;
	v31 =	vadd.f32 v0, v31;
	v7 =	vmul.f32 v7, v4  }
0x28c: {  	v10 =	vld.idx.msk [tilespmem:v10+s12+$0x0], $0xffff;
	v30 =	vunpack.i.l.bf16.f32 v30  }
0x28d: {  	v22 =	vadd.s32 v17, v32;
	v32 =	vld.idx.msk [tilespmem:v61+s12+$0x0], $0xffff;
	[tilespmem:v41+s14+$0x0] =	vst.idx.msk $0xffff, v31;
	v7 =	vadd.f32 v7, v30  }
0x28e: {  	v35 =	vld.idx.msk [tilespmem:v55+s12+$0x0], $0xffff;
	[tilespmem:$0x1FCC0] =	vst v59  }
0x28f: {  	[tilespmem:v34+s14+$0x0] =	vst.idx.msk $0xffff, v7  }
0x290: {  	v13 =	vld [tilespmem:$0x1FCD0];
	_ =	sdelay $0x2  }
0x291: {  	v61 =	vunpack.i.u.bf16.f32 v10  }
0x292: {  	v37 =	vadd.s32 v17, v37;
	v33 =	vunpack.i.u.bf16.f32 v29;
	v39 =	vmul.f32 v61, v49  }
0x293: {  	v10 =	vunpack.i.l.bf16.f32 v10;
	v31 =	vunpack.i.u.bf16.f32 v40;
	v41 =	vperm.xlane v20, v50  }
0x294: {  	v31 =	vmul.f32 v31, v8;
	v8 =	vunpack.i.l.bf16.f32 v29;
	v29 =	vadd.f32 v39, v10  }
0x295: {  	v30 =	vmul.f32 v33, v47;
	v33 =	vperm.xlane v59, v52  }
0x296: {  	v34 =	vadd.s32 v51, v41;
	[tilespmem:v13+s14+$0x0] =	vst.idx.msk $0xffff, v29;
	v13 =	vunpack.i.u.bf16.f32 v32;
	v29 =	vor.u32 s24, v56  }
0x297: {  	v41 =	vor.u32 s26, v18;
	v59 =	vunpack.i.u.bf16.f32 v35;
	v13 =	vmul.f32 v13, v48  }
0x298: {  	v39 =	vmul.f32 v59, v12;
	v32 =	vunpack.i.l.bf16.f32 v32  }
0x299: {  	v7 =	vadd.f32 v30, v8;
	v30 =	vld.idx.msk [tilespmem:v37+s12+$0x0], $0xffff;
	v61 =	vunpack.i.l.bf16.f32 v35;
	v13 =	vadd.f32 v13, v32  }
0x29a: {  	v25 =	vld.idx.msk [tilespmem:v25+s12+$0x0], $0xffff;
	[tilespmem:$0x1FCE0] =	vst v26;
	v32 =	vadd.f32 v39, v61  }
0x29b: {  	[tilespmem:v29+s14+$0x0] =	vst.idx.msk $0xffff, v13  }
0x29c: {  	[tilespmem:v41+s14+$0x0] =	vst.idx.msk $0xffff, v32  }
0x29d: {  	v36 =	vor.u32 s1, v18;
	v55 =	vperm.xlane v26, v14;
	v18 =	vld [tilespmem:$0x1FD00];
	_ =	sdelay $0x1  }
0x29e: {  	v37 =	vadd.s32 v11, v55;
	_ =	sdelay $0x1  }
0x29f: {  	v55 =	vperm.xlane v26, v15  }
0x2a0: {  	v59 =	vunpack.i.u.bf16.f32 v30  }
0x2a1: {  	v13 =	vmul.f32 v59, v4;
	v29 =	vadd.s32 v17, v55;
	v55 =	vunpack.i.l.bf16.f32 v40;
	v34 =	vld.idx.msk [tilespmem:v34+s12+$0x0], $0xffff  }
0x2a2: {  	v30 =	vunpack.i.l.bf16.f32 v30;
	v35 =	vadd.f32 v31, v55;
	v31 =	vld.idx.msk [tilespmem:v37+s12+$0x0], $0xffff;
	[tilespmem:$0x1FCF0] =	vst v20  }
0x2a3: {  	v41 =	vld [tilespmem:$0x1FF70];
	v30 =	vadd.f32 v13, v30;
	[tilespmem:v18+s14+$0x0] =	vst.idx.msk $0xffff, v7  }
0x2a4: {  	[tilespmem:$0x1FD10] =	vst v60  }
0x2a5: {  	[tilespmem:v36+s14+$0x0] =	vst.idx.msk $0xffff, v30  }
0x2a6: {  	v39 =	vor.u32 s23, v3;
	v55 =	vmov v3;
	v3 =	vld [tilespmem:$0x1FD20];
	_ =	sdelay $0x2  }
0x2a7: {  	v61 =	vunpack.i.u.bf16.f32 v25  }
0x2a8: {  	v59 =	vmul.f32 v61, v49  }
0x2a9: {  	v25 =	vunpack.i.l.bf16.f32 v25  }
0x2aa: {  	v7 =	vadd.f32 v59, v25;
	_ =	sdelay $0x1  }
0x2ab: {  	[tilespmem:v3+s14+$0x0] =	vst.idx.msk $0xffff, v7  }
0x2ac: {  	v18 =	vld [tilespmem:$0x1FD30];
	_ =	sdelay $0x1  }
0x2ad: {  	v38 =	vor.u32 s1, v54;
	v54 =	vor.u32 s26, v54;
	v61 =	vperm.xlane v20, v52  }
0x2ae: {  	v33 =	vadd.s32 v53, v33;
	v26 =	vor.u32 s24, v19;
	v20 =	vperm.xlane v60, v6;
	v29 =	vld.idx.msk [tilespmem:v29+s12+$0x0], $0xffff  }
0x2af: {  	v59 =	vperm.xlane v63, v50;
	v30 =	vadd.s32 v53, v61;
	v7 =	vunpack.i.u.bf16.f32 v34  }
0x2b0: {  	v61 =	vunpack.i.u.bf16.f32 v31;
	v7 =	vmul.f32 v7, v48;
	v60 =	vperm.xlane v18, v14  }
0x2b1: {  	v32 =	vadd.s32 v51, v59;
	v37 =	vmul.f32 v61, v12;
	v34 =	vunpack.i.l.bf16.f32 v34  }
0x2b2: {  	v31 =	vunpack.i.l.bf16.f32 v31;
	v7 =	vadd.f32 v7, v34;
	v36 =	vadd.s32 v11, v60  }
0x2b3: {  	v31 =	vadd.f32 v37, v31;
	v60 =	vunpack.i.u.bf16.f32 v29  }
0x2b4: {  	v27 =	vld.idx.msk [tilespmem:v27+s12+$0x0], $0xffff;
	[tilespmem:v26+s14+$0x0] =	vst.idx.msk $0xffff, v7;
	v26 =	vmul.f32 v60, v4  }
0x2b5: {  	v33 =	vld.idx.msk [tilespmem:v33+s12+$0x0], $0xffff;
	[tilespmem:v54+s14+$0x0] =	vst.idx.msk $0xffff, v31;
	v29 =	vunpack.i.l.bf16.f32 v29  }
0x2b6: {  	v32 =	vld.idx.msk [tilespmem:v32+s12+$0x0], $0xffff;
	[tilespmem:$0x1FD40] =	vst v63;
	v26 =	vadd.f32 v26, v29  }
0x2b7: {  	v60 =	vld.idx.msk [tilespmem:v36+s12+$0x0], $0xffff;
	[tilespmem:$0x1FD50] =	vst v9  }
0x2b8: {  	[tilespmem:v38+s14+$0x0] =	vst.idx.msk $0xffff, v26  }
0x2b9: {  	v3 =	vld [tilespmem:$0x1FD60];
	_ =	sdelay $0x2  }
0x2ba: {  	v59 =	vperm.xlane v18, v15;
	v61 =	vunpack.i.u.bf16.f32 v33  }
0x2bb: {  	v7 =	vunpack.i.u.bf16.f32 v27;
	v54 =	vmul.f32 v61, v49  }
0x2bc: {  	v31 =	vadd.s32 v17, v59;
	v59 =	vmul.f32 v7, v47;
	v7 =	vunpack.i.l.bf16.f32 v33  }
0x2bd: {  	v34 =	vadd.f32 v54, v7;
	_ =	sdelay $0x1  }
0x2be: {  	[tilespmem:v3+s14+$0x0] =	vst.idx.msk $0xffff, v34  }
0x2bf: {  	v61 =	vperm.xlane v9, v6;
	v9 =	vld [tilespmem:$0x1FD70];
	_ =	sdelay $0x2  }
0x2c0: {  	v28 =	vor.u32 s1, v24;
	v20 =	vadd.s32 v5, v20;
	v36 =	vadd.s32 v5, v61;
	v5 =	vld.idx.msk [tilespmem:v31+s12+$0x0], $0xffff  }
0x2c1: {  	v58 =	vmovc v24;
	v24 =	vor.u32 s24, v1;
	v25 =	vor.u32 s1, v19;
	v19 =	vunpack.i.u.bf16.f32 v32  }
0x2c2: {  	v27 =	vunpack.i.l.bf16.f32 v27;
	v19 =	vmul.f32 v19, v48  }
0x2c3: {  	v29 =	vperm.xlane v63, v52;
	v32 =	vunpack.i.l.bf16.f32 v32;
	v26 =	vadd.f32 v59, v27  }
0x2c4: {  	v63 =	vor.u32 s26, v58;
	v19 =	vadd.f32 v19, v32;
	v31 =	vunpack.i.u.bf16.f32 v60  }
0x2c5: {  	v31 =	vmul.f32 v31, v12;
	v54 =	vunpack.i.u.bf16.f32 v5;
	[tilespmem:v9+s14+$0x0] =	vst.idx.msk $0xffff, v26  }
0x2c6: {  	v7 =	vor.u32 s1, v1;
	v38 =	vunpack.i.l.bf16.f32 v60;
	v1 =	vld [tilespmem:$0x1FD80];
	[tilespmem:v24+s14+$0x0] =	vst.idx.msk $0xffff, v19;
	v19 =	vmul.f32 v54, v4  }
0x2c7: {  	v5 =	vunpack.i.l.bf16.f32 v5;
	v31 =	vadd.f32 v31, v38  }
0x2c8: {  	v5 =	vadd.f32 v19, v5  }
0x2c9: {  	v26 =	vld.idx.msk [tilespmem:v30+s12+$0x0], $0xffff;
	[tilespmem:v63+s14+$0x0] =	vst.idx.msk $0xffff, v31  }
0x2ca: {  	v60 =	vld [tilespmem:$0x1FF60];
	[tilespmem:v28+s14+$0x0] =	vst.idx.msk $0xffff, v5  }
0x2cb: {  	v30 =	vperm.xlane v1, v14;
	v40 =	vperm.xlane v1, v15;
	v1 =	vld [tilespmem:$0x1FD90];
	_ =	sdelay $0x2  }
0x2cc: {  	v24 =	vunpack.i.u.bf16.f32 v26  }
0x2cd: {  	v24 =	vmul.f32 v24, v49  }
0x2ce: {  	v27 =	vadd.s32 v53, v29;
	v29 =	vperm.xlane v62, v50;
	v26 =	vunpack.i.l.bf16.f32 v26  }
0x2cf: {  	v26 =	vadd.f32 v24, v26  }
0x2d0: {  	v29 =	vadd.s32 v51, v29;
	v20 =	vld.idx.msk [tilespmem:v20+s12+$0x0], $0xffff  }
0x2d1: {  	[tilespmem:v1+s14+$0x0] =	vst.idx.msk $0xffff, v26  }
0x2d2: {  	v1 =	vld [tilespmem:$0x1FDB0]  }
0x2d3: {  	v30 =	vadd.s32 v11, v30  }
0x2d4: {  	v58 =	vadd.s32 v17, v40  }
0x2d5: {  	v59 =	vld.idx.msk [tilespmem:v29+s12+$0x0], $0xffff;
	v29 =	vunpack.i.u.bf16.f32 v20  }
0x2d6: {  	v19 =	vmul.f32 v29, v47  }
0x2d7: {  	v20 =	vunpack.i.l.bf16.f32 v20  }
0x2d8: {  	v28 =	vadd.f32 v19, v20;
	v31 =	vld.idx.msk [tilespmem:v30+s12+$0x0], $0xffff  }
0x2d9: {  	v32 =	vld.idx.msk [tilespmem:v58+s12+$0x0], $0xffff;
	[tilespmem:$0x1FDA0] =	vst v23  }
0x2da: {  	v16 =	vor.u32 s1, v43;
	v0 =	vor.u32 s1, v44;
	v10 =	vor.u32 s1, v45;
	[tilespmem:v1+s14+$0x0] =	vst.idx.msk $0xffff, v28  }
0x2db: {  	v8 =	vor.u32 s1, v46;
	v13 =	vor.u32 s1, v56;
	v29 =	vperm.xlane v62, v52;
	v1 =	vld [tilespmem:$0x1FDC0]  }
0x2dc: {  	v6 =	vor.u32 s1, v57;
	v33 =	vor.u32 s26, v43;
	v5 =	vor.u32 s1, v41  }
0x2dd: {  	v20 =	vadd.s32 v53, v29;
	v29 =	vunpack.i.u.bf16.f32 v59;
	v30 =	vperm.xlane v23, v50  }
0x2de: {  	v24 =	vor.u32 s1, v60;
	v29 =	vmul.f32 v29, v48;
	v26 =	vperm.xlane v23, v52  }
0x2df: {  	s28 =	simm.s32 $0x70;
	v19 =	vor.u32 s1, v55;
	v23 =	vor.u32 s24, v57;
	v28 =	vld.idx.msk [tilespmem:v27+s12+$0x0], $0xffff;
	v27 =	vadd.s32 v51, v30;
	[tilespmem:v39+s14+$0x0] =	vst.idx.msk $0xffff, v35  }
0x2e0: {  	s25 =	simm.s32 $0x0;
	s0 =	simm.s32 $0x4;
	s23 =	smul.u32 $0x680, s22;
	v30 =	vunpack.i.l.bf16.f32 v59;
	v9 =	vld.idx.msk [tilespmem:v36+s12+$0x0], $0xffff;
	v35 =	vunpack.i.u.bf16.f32 v31;
	[tilespmem:$0x1FDD0] =	vst v62;
	v34 =	vperm.xlane v1, v14  }
.LBB2_7:
0x2e1: {  	v59 =	vld [tilespmem:$0x1FDC0];
	_ =	sdelay $0x3  }
0x2e2: {  	s10 =	sadd.s32 s28, s21;
	v35 =	vmul.f32 v35, v12;
	v29 =	vadd.f32 v29, v30  }
0x2e3: {  	s30 =	sadd.s32 $0xFFFFFFF0, s28;
	s31 =	sadd.s32 $0xFFFFFFF0, s10;
	v30 =	vunpack.i.l.bf16.f32 v31;
	v31 =	vperm.xlane v59, v15  }
0x2e4: {  	s30 =	sand.u32 $0x60, s30;
	s31 =	sand.u32 $0x7F80, s31;
	v30 =	vadd.f32 v35, v30;
	v57 =	vunpack.i.u.bf16.f32 v32;
	[tilespmem:v23+s14+$0x0] =	vst.idx.msk $0xffff, v29  }
0x2e5: {  	s5 =	sand.u32 $0x7F80, s10;
	s10 =	sor.u32 s30, s31;
	v23 =	vmul.f32 v57, v4;
	v27 =	vld.idx.msk [tilespmem:v27+s12+$0x0], $0xffff;
	v29 =	vadd.s32 v17, v31;
	v31 =	vunpack.i.u.bf16.f32 v28  }
0x2e6: {  	s29 =	sand.u32 $0x70, s28;
	v58 =	vunpack.i.l.bf16.f32 v32;
	v61 =	vld [tilespmem:s10+$0x6A00];
	[tilespmem:v33+s14+$0x0] =	vst.idx.msk $0xffff, v30;
	v30 =	vmul.f32 v31, v49  }
0x2e7: {  	s5 =	sor.u32 s29, s5;
	v23 =	vadd.f32 v23, v58;
	v28 =	vunpack.i.l.bf16.f32 v28  }
0x2e8: {  	v62 =	vld [tilespmem:s5+$0x6A00];
	v31 =	vunpack.i.u.bf16.f32 v9;
	v28 =	vadd.f32 v30, v28  }
0x2e9: {  	v31 =	vmul.f32 v31, v47;
	v47 =	vmov v49;
	v49 =	vmov v4;
	v4 =	vld [tilespmem:s5+$0x9E00];
	[tilespmem:v16+s14+$0x0] =	vst.idx.msk $0xffff, v23  }
0x2ea: {  	v23 =	vld.idx.msk [tilespmem:v29+s12+$0x0], $0xffff;
	[tilespmem:v21+s14+$0x0] =	vst.idx.msk $0xffff, v28  }
0x2eb: {  	v34 =	vadd.s32 v11, v34;
	v30 =	vld.idx.msk [tilespmem:v20+s12+$0x0], $0xffff  }
0x2ec: {  	v20 =	vld [tilespmem:$0x1FC70]  }
0x2ed: {  	v54 =	vmov v56;
	v56 =	vld [tilespmem:$0x1FD10]  }
0x2ee: {  	v36 =	vld [tilespmem:$0x1FCB0]  }
0x2ef: {  	v1 =	vld [tilespmem:$0x1FCA0]  }
0x2f0: {  	v33 =	vld.idx.msk [tilespmem:v34+s12+$0x0], $0xffff  }
0x2f1: {  	v9 =	vunpack.i.l.bf16.f32 v9  }
0x2f2: {  	v9 =	vadd.f32 v31, v9  }
0x2f3: {  	v16 =	vor.u32 s26, v44;
	v63 =	vunpack.i.u.bf16.f32 v27;
	v31 =	vperm.xlane v56, v50  }
0x2f4: {  	v29 =	vor.u32 s24, v60;
	v21 =	vmovc v7;
	v7 =	vperm.xlane v36, v14;
	[tilespmem:v20+s14+$0x0] =	vst.idx.msk $0xffff, v9;
	v20 =	vmov v1  }
0x2f5: {  	v31 =	vadd.s32 v51, v31;
	v9 =	vmul.f32 v63, v48;
	[tilespmem:$0x1FC70] =	vst v20;
	v20 =	vunpack.i.u.bf16.f32 v33  }
0x2f6: {  	v27 =	vunpack.i.l.bf16.f32 v27;
	v7 =	vadd.s32 v11, v7;
	v1 =	vmovc v19;
	v19 =	vmul.f32 v20, v12  }
0x2f7: {  	v37 =	vlaneseq.u32;
	v33 =	vunpack.i.l.bf16.f32 v33;
	v27 =	vadd.f32 v9, v27  }
0x2f8: {  	v57 =	vld [tilespmem:$0x1FE20];
	v35 =	vand.u32 $0xFFFFFFF0, v61;
	v28 =	vand.u32 $0xF, v61;
	v19 =	vadd.f32 v19, v33  }
0x2f9: {  	v39 =	vperm.xlane v37, v28;
	v40 =	vunpack.i.u.bf16.f32 v23;
	v63 =	vld [tilespmem:$0x1FD50];
	v20 =	vand.u32 $0xF, v62;
	[tilespmem:v29+s14+$0x0] =	vst.idx.msk $0xffff, v27  }
0x2fa: {  	v27 =	vperm.xlane v37, v20;
	v33 =	vld.idx.msk [tilespmem:v31+s12+$0x0], $0xffff;
	[tilespmem:v16+s14+$0x0] =	vst.idx.msk $0xffff, v19;
	v19 =	vmul.f32 v40, v49  }
0x2fb: {  	v34 =	vadd.s32 v35, v39;
	v9 =	vand.u32 $0xFFFFFFF0, v62;
	v16 =	vunpack.i.l.bf16.f32 v23;
	v7 =	vld.idx.msk [tilespmem:v7+s12+$0x0], $0xffff  }
0x2fc: {  	v23 =	vadd.s32 v9, v27;
	v16 =	vadd.f32 v19, v16  }
0x2fd: {  	v39 =	vor.u32 s26, v45;
	[tilespmem:$0x1FCA0] =	vst v1;
	v32 =	vperm.xlane v42, v20  }
0x2fe: {  	v1 =	vld [tilespmem:$0x1FFE0];
	v29 =	vperm.xlane v57, v20;
	[tilespmem:v0+s14+$0x0] =	vst.idx.msk $0xffff, v16;
	v16 =	vperm.xlane v63, v50;
	v50 =	vmov v14  }
0x2ff: {  	v37 =	vld [tilespmem:s10+$0x9E00];
	v0 =	vor.u32 s24, v41;
	v40 =	vunpack.i.u.bf16.f32 v33;
	v14 =	vmovc v28;
	v28 =	vperm.xlane v42, v50  }
0x300: {  	v19 =	vld.idx.msk [tilespmem:v34+s12+$0x0], $0xffff;
	v40 =	vmul.f32 v40, v48;
	v16 =	vadd.s32 v51, v16;
	v58 =	vunpack.i.u.bf16.f32 v7;
	v51 =	vmovc v11  }
0x301: {  	v62 =	vmovc v42;
	v33 =	vunpack.i.l.bf16.f32 v33;
	v23 =	vld.idx.msk [tilespmem:v23+s12+$0x0], $0xffff;
	v60 =	vmul.f32 v58, v12;
	v42 =	vadd.s32 v51, v28  }
0x302: {  	v7 =	vunpack.i.l.bf16.f32 v7;
	v28 =	vadd.f32 v40, v33  }
0x303: {  	v55 =	vld [tilespmem:$0x1FFD0];
	s1 =	sadd.s32 $0x200, s1;
	v27 =	vadd.s32 v9, v29;
	v7 =	vadd.f32 v60, v7  }
0x304: {  	s31 =	sadd.s32 $0xFFFFFF00, s1;
	v29 =	vperm.xlane v36, v15;
	v57 =	vperm.xlane v57, v14;
	v58 =	vld [tilespmem:$0x1FE30];
	[tilespmem:v0+s14+$0x0] =	vst.idx.msk $0xffff, v28  }
0x305: {  	v36 =	vor.u32 s1, v1;
	v38 =	vor.u32 s31, v1;
	v11 =	vmovc v35;
	v61 =	vunpack.i.u.bf16.f32 v19;
	v35 =	vld.idx.msk [tilespmem:v16+s12+$0x0], $0xffff;
	[tilespmem:v39+s14+$0x0] =	vst.idx.msk $0xffff, v7  }
0x306: {  	v40 =	vadd.s32 v11, v57;
	v33 =	vmul.f32 v61, v37;
	v16 =	vunpack.i.u.bf16.f32 v23;
	v39 =	vld.idx.msk [tilespmem:v42+s12+$0x0], $0xffff  }
0x307: {  	v7 =	vmul.f32 v16, v4;
	v42 =	vadd.s32 v17, v29;
	v29 =	vor.u32 s1, v54;
	v54 =	vld [tilespmem:$0x1FFB0]  }
0x308: {  	v0 =	vunpack.i.l.bf16.f32 v19;
	v57 =	vunpack.i.l.bf16.f32 v23  }
0x309: {  	v0 =	vadd.f32 v33, v0;
	v7 =	vadd.f32 v7, v57;
	v57 =	vld [tilespmem:$0x1FCC0]  }
0x30a: {  	v31 =	vperm.xlane v55, v20;
	v33 =	vadd.s32 v9, v32;
	v32 =	vor.u32 s1, v46  }
0x30b: {  	v41 =	vor.u32 s1, v58;
	v16 =	vor.u32 s1, v43;
	[tilespmem:v38+s14+$0x0] =	vst.idx.msk $0xffff, v0;
	v0 =	vor.u32 s1, v44  }
0x30c: {  	v38 =	vor.u32 s1, v45;
	v40 =	vld.idx.msk [tilespmem:v40+s12+$0x0], $0xffff;
	[tilespmem:v36+s14+$0x0] =	vst.idx.msk $0xffff, v7;
	v7 =	vunpack.i.u.bf16.f32 v35;
	v43 =	vor.u32 s24, v54;
	s24 =	smov.u32 s26;
	s26 =	smov.u32 s31  }
0x30d: {  	v45 =	vld.idx.msk [tilespmem:v27+s12+$0x0], $0xffff;
	v7 =	vmul.f32 v7, v48;
	v36 =	vor.u32 s24, v46;
	v44 =	vor.u32 s26, v58  }
0x30e: {  	v48 =	vmovc v12;
	v46 =	vperm.xlane v55, v14;
	v58 =	vunpack.i.u.bf16.f32 v39;
	v27 =	vperm.xlane v57, v50  }
0x30f: {  	v35 =	vunpack.i.l.bf16.f32 v35;
	v12 =	vmovc v37;
	v39 =	vunpack.i.l.bf16.f32 v39;
	v37 =	vmul.f32 v58, v48  }
0x310: {  	v42 =	vld.idx.msk [tilespmem:v42+s12+$0x0], $0xffff;
	v7 =	vadd.f32 v7, v35;
	v35 =	vadd.s32 v11, v46;
	v55 =	vadd.s32 v51, v27  }
0x311: {  	v27 =	vunpack.i.u.bf16.f32 v40;
	v37 =	vadd.f32 v37, v39;
	v39 =	vunpack.i.l.bf16.f32 v40  }
0x312: {  	v40 =	vperm.xlane v57, v15;
	v46 =	vmul.f32 v27, v12;
	[tilespmem:v43+s14+$0x0] =	vst.idx.msk $0xffff, v7;
	v57 =	vunpack.i.u.bf16.f32 v45  }
0x313: {  	v31 =	vadd.s32 v9, v31;
	[tilespmem:v36+s14+$0x0] =	vst.idx.msk $0xffff, v37;
	v36 =	vmul.f32 v57, v4  }
0x314: {  	v45 =	vunpack.i.l.bf16.f32 v45;
	v39 =	vadd.f32 v46, v39  }
0x315: {  	v36 =	vadd.f32 v36, v45;
	v37 =	vld.idx.msk [tilespmem:v55+s12+$0x0], $0xffff;
	v55 =	vunpack.i.u.bf16.f32 v42  }
0x316: {  	[tilespmem:v44+s14+$0x0] =	vst.idx.msk $0xffff, v39;
	v39 =	vmul.f32 v55, v49  }
0x317: {  	v57 =	vld [tilespmem:$0x1FF50];
	v42 =	vunpack.i.l.bf16.f32 v42;
	[tilespmem:v41+s14+$0x0] =	vst.idx.msk $0xffff, v36  }
0x318: {  	v31 =	vld.idx.msk [tilespmem:v31+s12+$0x0], $0xffff;
	v39 =	vadd.f32 v39, v42  }
0x319: {  	v42 =	vperm.xlane v56, v52;
	v56 =	vld [tilespmem:$0x1FCF0]  }
0x31a: {  	[tilespmem:v10+s14+$0x0] =	vst.idx.msk $0xffff, v39;
	v10 =	vld [tilespmem:$0x1FC80]  }
0x31b: {  	v34 =	vunpack.i.u.bf16.f32 v30  }
0x31c: {  	v34 =	vmul.f32 v34, v47  }
0x31d: {  	v3 =	vmov v2;
	v2 =	vld [tilespmem:$0x1FFF0];
	v30 =	vunpack.i.l.bf16.f32 v30  }
0x31e: {  	v26 =	vadd.s32 v53, v26;
	v30 =	vadd.f32 v34, v30;
	v35 =	vld.idx.msk [tilespmem:v35+s12+$0x0], $0xffff  }
0x31f: {  	v41 =	vor.u32 s24, v57;
	v34 =	vperm.xlane v56, v50;
	v36 =	vperm.xlane v56, v15;
	v56 =	vmovc v57;
	v57 =	vld [tilespmem:$0x1FCE0];
	_ =	sdelay $0x2  }
0x320: {  	v19 =	vor.u32 s1, v2;
	v39 =	vunpack.i.u.bf16.f32 v37;
	v44 =	vld.idx.msk [tilespmem:v22+s12+$0x0], $0xffff;
	[tilespmem:v10+s14+$0x0] =	vst.idx.msk $0xffff, v30  }
0x321: {  	v45 =	vor.u32 s26, v2;
	v37 =	vunpack.i.l.bf16.f32 v37;
	v10 =	vmovc v38;
	v38 =	vmul.f32 v39, v48;
	v26 =	vld.idx.msk [tilespmem:v26+s12+$0x0], $0xffff  }
0x322: {  	v34 =	vadd.s32 v51, v34;
	v30 =	vperm.xlane v57, v14;
	v39 =	vunpack.i.u.bf16.f32 v35  }
0x323: {  	v22 =	vmovc v33;
	v35 =	vunpack.i.l.bf16.f32 v35;
	v33 =	vmul.f32 v39, v12;
	v37 =	vadd.f32 v38, v37  }
0x324: {  	v38 =	vperm.xlane v57, v20;
	v57 =	vunpack.i.u.bf16.f32 v31;
	v31 =	vunpack.i.l.bf16.f32 v31  }
0x325: {  	v33 =	vadd.f32 v33, v35;
	v35 =	vmul.f32 v57, v4;
	v57 =	vunpack.i.u.bf16.f32 v44  }
0x326: {  	v18 =	vld [tilespmem:$0x1FF00];
	[tilespmem:v41+s14+$0x0] =	vst.idx.msk $0xffff, v37;
	v37 =	vadd.s32 v9, v38;
	v38 =	vmul.f32 v57, v49;
	v57 =	vunpack.i.u.bf16.f32 v26  }
0x327: {  	v60 =	vld [tilespmem:$0x1FF60];
	v30 =	vadd.s32 v11, v30;
	v31 =	vadd.f32 v35, v31;
	v57 =	vmul.f32 v57, v47  }
0x328: {  	v58 =	vld [tilespmem:$0x1FF80];
	v26 =	vunpack.i.l.bf16.f32 v26  }
0x329: {  	v2 =	vmov v6;
	[tilespmem:v19+s14+$0x0] =	vst.idx.msk $0xffff, v31;
	v19 =	vadd.f32 v57, v26;
	v57 =	vld [tilespmem:$0x1FD40]  }
0x32a: {  	[tilespmem:$0x1FC80] =	vst v2;
	v2 =	vld [tilespmem:$0x1FC90]  }
0x32b: {  	v34 =	vld.idx.msk [tilespmem:v34+s12+$0x0], $0xffff;
	[tilespmem:v45+s14+$0x0] =	vst.idx.msk $0xffff, v33;
	v33 =	vunpack.i.l.bf16.f32 v44  }
0x32c: {  	v40 =	vadd.s32 v17, v40;
	v33 =	vadd.f32 v38, v33;
	v30 =	vld.idx.msk [tilespmem:v30+s12+$0x0], $0xffff  }
0x32d: {  	v26 =	vld.idx.msk [tilespmem:v37+s12+$0x0], $0xffff  }
0x32e: {  	[tilespmem:v8+s14+$0x0] =	vst.idx.msk $0xffff, v33;
	v31 =	vperm.xlane v57, v50;
	v33 =	vperm.xlane v57, v15;
	v57 =	vld [tilespmem:$0x1FD30];
	_ =	sdelay $0x1  }
0x32f: {  	v28 =	vor.u32 s1, v18;
	v27 =	vor.u32 s1, v58;
	v39 =	vor.u32 s1, v60  }
0x330: {  	v37 =	vor.u32 s24, v58;
	v35 =	vunpack.i.u.bf16.f32 v34;
	v38 =	vld.idx.msk [tilespmem:v40+s12+$0x0], $0xffff;
	v40 =	vor.u32 s26, v18  }
0x331: {  	v8 =	vmovc v32;
	v34 =	vunpack.i.l.bf16.f32 v34;
	[tilespmem:v2+s14+$0x0] =	vst.idx.msk $0xffff, v19;
	v32 =	vmul.f32 v35, v48;
	v58 =	vunpack.i.u.bf16.f32 v30  }
0x332: {  	v35 =	vmul.f32 v58, v12;
	v31 =	vadd.s32 v51, v31;
	v19 =	vperm.xlane v57, v14  }
0x333: {  	v2 =	vmovc v24;
	v24 =	vmovc v39;
	v30 =	vunpack.i.l.bf16.f32 v30;
	v32 =	vadd.f32 v32, v34;
	v39 =	vperm.xlane v57, v20  }
0x334: {  	v1 =	vld [tilespmem:$0x1FFA0];
	v30 =	vadd.f32 v35, v30;
	v57 =	vunpack.i.u.bf16.f32 v26;
	v19 =	vadd.s32 v11, v19  }
0x335: {  	v61 =	vld [tilespmem:$0x1FE80];
	[tilespmem:v37+s14+$0x0] =	vst.idx.msk $0xffff, v32;
	v58 =	vmul.f32 v57, v4;
	v34 =	vadd.s32 v9, v39;
	v39 =	vunpack.i.u.bf16.f32 v38  }
0x336: {  	v37 =	vadd.s32 v53, v42;
	v42 =	vmovc v62;
	v62 =	vld [tilespmem:$0x1FDD0];
	v57 =	vperm.xlane v63, v52;
	v35 =	vmul.f32 v39, v49  }
0x337: {  	v31 =	vld.idx.msk [tilespmem:v31+s12+$0x0], $0xffff;
	[tilespmem:v40+s14+$0x0] =	vst.idx.msk $0xffff, v30;
	v30 =	vunpack.i.l.bf16.f32 v38  }
0x338: {  	v26 =	vunpack.i.l.bf16.f32 v26;
	v30 =	vadd.f32 v35, v30;
	v35 =	vadd.s32 v53, v57;
	v57 =	vld [tilespmem:$0x1FD80]  }
0x339: {  	v36 =	vadd.s32 v17, v36;
	v26 =	vadd.f32 v58, v26;
	v38 =	vld.idx.msk [tilespmem:v19+s12+$0x0], $0xffff  }
0x33a: {  	[tilespmem:$0x1FC90] =	vst v2  }
0x33b: {  	v23 =	vor.u32 s1, v61;
	v33 =	vadd.s32 v17, v33;
	v52 =	vmovc v15;
	v15 =	vmov v20;
	[tilespmem:v28+s14+$0x0] =	vst.idx.msk $0xffff, v26  }
0x33c: {  	v20 =	vperm.xlane v62, v50;
	v63 =	vor.u32 s26, v61;
	v28 =	vperm.xlane v62, v52;
	v53 =	vmovc v17;
	v26 =	vld.idx.msk [tilespmem:v34+s12+$0x0], $0xffff  }
0x33d: {  	v17 =	vmovc v9;
	[tilespmem:v13+s14+$0x0] =	vst.idx.msk $0xffff, v30;
	v2 =	vunpack.i.u.bf16.f32 v31;
	v30 =	vor.u32 s24, v1;
	v9 =	vperm.xlane v57, v14  }
0x33e: {  	v32 =	vld.idx.msk [tilespmem:v36+s12+$0x0], $0xffff;
	v58 =	vmul.f32 v2, v48;
	v36 =	vadd.s32 v51, v20;
	v20 =	vunpack.i.u.bf16.f32 v38  }
0x33f: {  	v31 =	vunpack.i.l.bf16.f32 v31;
	v13 =	vmovc v29;
	v9 =	vadd.s32 v11, v9;
	v29 =	vmul.f32 v20, v12  }
0x340: {  	v55 =	vld [tilespmem:$0x1FF90];
	v19 =	vor.u32 s1, v54;
	v31 =	vadd.f32 v58, v31;
	v54 =	vunpack.i.l.bf16.f32 v38  }
0x341: {  	v37 =	vld.idx.msk [tilespmem:v37+s12+$0x0], $0xffff;
	v20 =	vadd.s32 v53, v28;
	v28 =	vadd.f32 v29, v54;
	v29 =	vunpack.i.u.bf16.f32 v26  }
0x342: {  	[tilespmem:v30+s14+$0x0] =	vst.idx.msk $0xffff, v31;
	v29 =	vmul.f32 v29, v4  }
0x343: {  	v58 =	vperm.xlane v57, v15;
	v36 =	vld.idx.msk [tilespmem:v36+s12+$0x0], $0xffff;
	v31 =	vunpack.i.u.bf16.f32 v32;
	v26 =	vunpack.i.l.bf16.f32 v26;
	[tilespmem:v63+s14+$0x0] =	vst.idx.msk $0xffff, v28  }
0x344: {  	v61 =	vmul.f32 v31, v49;
	v31 =	vld.idx.msk [tilespmem:v9+s12+$0x0], $0xffff;
	v9 =	vadd.f32 v29, v26  }
0x345: {  	v41 =	vld [tilespmem:$0x1FF70];
	v30 =	vadd.s32 v17, v58  }
0x346: {  	v43 =	vor.u32 s1, v55;
	v63 =	vunpack.i.u.bf16.f32 v37;
	[tilespmem:v23+s14+$0x0] =	vst.idx.msk $0xffff, v9;
	v23 =	vld [tilespmem:$0x1FDA0]  }
0x347: {  	s0 =	sadd.s32 $0x2, s0;
	v6 =	vmov v43;
	v43 =	vld [tilespmem:$0x1FF10];
	v28 =	vunpack.i.l.bf16.f32 v32;
	v26 =	vmul.f32 v63, v47  }
0x348: {  	p1 =	slt.u32 s0, $0x32;
	v46 =	vld [tilespmem:$0x1FF40];
	v28 =	vadd.f32 v61, v28;
	v29 =	vunpack.i.l.bf16.f32 v37  }
.Ltmp2:
0x349: {  	v7 =	vor.u32 s1, v1;
	v45 =	vld [tilespmem:$0x1FF30];
	v9 =	vadd.f32 v26, v29;
	(pc) =	sbr.rel @p1 .LBB2_7-.Ltmp2, $4  }
0x34a: {  	v39 =	vor.u32 s1, v41;
	v34 =	vperm.xlane v59, v14;
	v29 =	vunpack.i.u.bf16.f32 v36;
	v32 =	vld.idx.msk [tilespmem:v30+s12+$0x0], $0xffff;
	[tilespmem:v25+s14+$0x0] =	vst.idx.msk $0xffff, v28  }
0x34b: {  	v29 =	vmul.f32 v29, v48;
	v28 =	vld.idx.msk [tilespmem:v33+s12+$0x0], $0xffff;
	[tilespmem:v3+s14+$0x0] =	vst.idx.msk $0xffff, v9;
	v30 =	vperm.xlane v23, v50  }
0x34c: {  	v2 =	vmovc v5;
	v33 =	vor.u32 s26, v43;
	v9 =	vld.idx.msk [tilespmem:v35+s12+$0x0], $0xffff;
	v35 =	vunpack.i.u.bf16.f32 v31;
	v26 =	vperm.xlane v23, v52  }
0x34d: {  	s28 =	sadd.s32 $0x20, s28;
	v44 =	vld [tilespmem:$0x1FF20];
	v5 =	vmovc v39;
	v25 =	vmovc v27;
	v23 =	vor.u32 s24, v55;
	v27 =	vadd.s32 v51, v30;
	v30 =	vunpack.i.l.bf16.f32 v36  }
0x34e: {  	v38 =	vld [tilespmem:$0x1FDC0];
	_ =	sdelay $0x3  }
0x34f: {  	v35 =	vmul.f32 v35, v12;
	v37 =	vunpack.i.u.bf16.f32 v32  }
0x350: {  	v31 =	vunpack.i.l.bf16.f32 v31;
	v37 =	vmul.f32 v37, v4;
	v36 =	vperm.xlane v38, v15  }
0x351: {  	v34 =	vadd.s32 v11, v34;
	v40 =	vunpack.i.l.bf16.f32 v32;
	v31 =	vadd.f32 v35, v31  }
0x352: {  	v54 =	vld [tilespmem:$0x1FFE0];
	v32 =	vadd.f32 v37, v40;
	v36 =	vadd.s32 v17, v36  }
0x353: {  	v63 =	vld [tilespmem:$0x1FFF0];
	[tilespmem:v33+s14+$0x0] =	vst.idx.msk $0xffff, v31  }
0x354: {  	[tilespmem:v16+s14+$0x0] =	vst.idx.msk $0xffff, v32  }
0x355: {  	v37 =	vld [tilespmem:$0x1FCB0]  }
0x356: {  	v31 =	vld.idx.msk [tilespmem:v34+s12+$0x0], $0xffff  }
0x357: {  	v16 =	vld.idx.msk [tilespmem:v36+s12+$0x0], $0xffff;
	_ =	sdelay $0x2  }
0x358: {  	v55 =	vperm.xlane v37, v14  }
0x359: {  	v57 =	vor.u32 s26, v44;
	v34 =	vunpack.i.u.bf16.f32 v31;
	v58 =	vperm.xlane v37, v15  }
0x35a: {  	v34 =	vmul.f32 v34, v12;
	v32 =	vadd.s32 v11, v55;
	v36 =	vunpack.i.u.bf16.f32 v16  }
0x35b: {  	v31 =	vunpack.i.l.bf16.f32 v31;
	v35 =	vadd.s32 v17, v58;
	v36 =	vmul.f32 v36, v4  }
0x35c: {  	v31 =	vadd.f32 v34, v31;
	v16 =	vunpack.i.l.bf16.f32 v16  }
0x35d: {  	v16 =	vadd.f32 v36, v16  }
0x35e: {  	[tilespmem:v57+s14+$0x0] =	vst.idx.msk $0xffff, v31  }
0x35f: {  	v31 =	vld.idx.msk [tilespmem:v32+s12+$0x0], $0xffff;
	[tilespmem:v0+s14+$0x0] =	vst.idx.msk $0xffff, v16  }
0x360: {  	v0 =	vld.idx.msk [tilespmem:v35+s12+$0x0], $0xffff;
	_ =	sdelay $0x2  }
0x361: {  	v59 =	vperm.xlane v42, v14  }
0x362: {  	v61 =	vor.u32 s26, v45;
	v18 =	vunpack.i.u.bf16.f32 v31  }
0x363: {  	v16 =	vadd.s32 v11, v59;
	v33 =	vmul.f32 v18, v12;
	v36 =	vunpack.i.u.bf16.f32 v0  }
0x364: {  	v31 =	vunpack.i.l.bf16.f32 v31;
	v34 =	vmul.f32 v36, v4  }
0x365: {  	v31 =	vadd.f32 v33, v31;
	v0 =	vunpack.i.l.bf16.f32 v0  }
0x366: {  	v0 =	vadd.f32 v34, v0  }
0x367: {  	[tilespmem:v61+s14+$0x0] =	vst.idx.msk $0xffff, v31  }
0x368: {  	v16 =	vld.idx.msk [tilespmem:v16+s12+$0x0], $0xffff;
	[tilespmem:v10+s14+$0x0] =	vst.idx.msk $0xffff, v0  }
0x369: {  	v0 =	vld.idx.msk [tilespmem:v22+s12+$0x0], $0xffff  }
0x36a: {  	v35 =	vld [tilespmem:$0x1FCC0];
	_ =	sdelay $0x3  }
0x36b: {  	v40 =	vor.u32 s26, v46;
	v31 =	vunpack.i.u.bf16.f32 v16  }
0x36c: {  	v31 =	vmul.f32 v31, v12;
	v39 =	vperm.xlane v35, v14;
	v57 =	vunpack.i.u.bf16.f32 v0  }
0x36d: {  	v16 =	vunpack.i.l.bf16.f32 v16;
	v55 =	vperm.xlane v35, v15;
	v33 =	vmul.f32 v57, v4  }
0x36e: {  	v16 =	vadd.f32 v31, v16;
	v0 =	vunpack.i.l.bf16.f32 v0;
	v10 =	vadd.s32 v11, v39  }
0x36f: {  	v32 =	vadd.s32 v17, v55;
	v0 =	vadd.f32 v33, v0  }
0x370: {  	[tilespmem:v40+s14+$0x0] =	vst.idx.msk $0xffff, v16  }
0x371: {  	[tilespmem:v8+s14+$0x0] =	vst.idx.msk $0xffff, v0  }
0x372: {  	v33 =	vld [tilespmem:$0x1FCF0]  }
0x373: {  	v10 =	vld.idx.msk [tilespmem:v10+s12+$0x0], $0xffff  }
0x374: {  	v0 =	vld.idx.msk [tilespmem:v32+s12+$0x0], $0xffff;
	_ =	sdelay $0x2  }
0x375: {  	v8 =	vperm.xlane v33, v14  }
0x376: {  	v31 =	vor.u32 s26, v56;
	v58 =	vperm.xlane v33, v15;
	v59 =	vunpack.i.u.bf16.f32 v10  }
0x377: {  	v32 =	vunpack.i.u.bf16.f32 v0;
	v22 =	vmul.f32 v59, v12;
	v8 =	vadd.s32 v11, v8  }
0x378: {  	v10 =	vunpack.i.l.bf16.f32 v10;
	v32 =	vmul.f32 v32, v4  }
0x379: {  	v0 =	vunpack.i.l.bf16.f32 v0;
	v16 =	vadd.s32 v17, v58;
	v10 =	vadd.f32 v22, v10  }
0x37a: {  	v0 =	vadd.f32 v32, v0  }
0x37b: {  	[tilespmem:v31+s14+$0x0] =	vst.idx.msk $0xffff, v10  }
0x37c: {  	[tilespmem:v13+s14+$0x0] =	vst.idx.msk $0xffff, v0;
	v8 =	vld.idx.msk [tilespmem:v8+s12+$0x0], $0xffff  }
0x37d: {  	v36 =	vld [tilespmem:$0x1FF80]  }
0x37e: {  	v0 =	vld.idx.msk [tilespmem:v16+s12+$0x0], $0xffff  }
0x37f: {  	v32 =	vld [tilespmem:$0x1FD40];
	_ =	sdelay $0x2  }
0x380: {  	v40 =	vunpack.i.u.bf16.f32 v8;
	v55 =	vor.u32 s26, v36  }
0x381: {  	v31 =	vunpack.i.u.bf16.f32 v0;
	v16 =	vmul.f32 v40, v12  }
0x382: {  	v61 =	vperm.xlane v32, v14;
	v8 =	vunpack.i.l.bf16.f32 v8;
	v31 =	vmul.f32 v31, v4  }
0x383: {  	v34 =	vperm.xlane v32, v15;
	v0 =	vunpack.i.l.bf16.f32 v0;
	v8 =	vadd.f32 v16, v8  }
0x384: {  	v10 =	vadd.s32 v11, v61;
	v0 =	vadd.f32 v31, v0  }
0x385: {  	v13 =	vadd.s32 v17, v34;
	[tilespmem:v55+s14+$0x0] =	vst.idx.msk $0xffff, v8;
	v8 =	vunpack.i.u.bf16.f32 v28  }
0x386: {  	[tilespmem:v25+s14+$0x0] =	vst.idx.msk $0xffff, v0;
	v0 =	vmul.f32 v8, v49  }
0x387: {  	v57 =	vunpack.i.l.bf16.f32 v28  }
0x388: {  	v0 =	vadd.f32 v0, v57  }
0x389: {  	v10 =	vld.idx.msk [tilespmem:v10+s12+$0x0], $0xffff  }
0x38a: {  	v8 =	vld.idx.msk [tilespmem:v13+s12+$0x0], $0xffff;
	[tilespmem:v21+s14+$0x0] =	vst.idx.msk $0xffff, v0  }
0x38b: {  	v25 =	vld [tilespmem:$0x1FFA0];
	_ =	sdelay $0x3  }
0x38c: {  	v18 =	vunpack.i.u.bf16.f32 v8  }
0x38d: {  	v59 =	vunpack.i.u.bf16.f32 v10;
	v22 =	vmul.f32 v18, v4;
	v61 =	vor.u32 s26, v25  }
0x38e: {  	v34 =	vadd.f32 v29, v30;
	v8 =	vunpack.i.l.bf16.f32 v8;
	v16 =	vmul.f32 v59, v12  }
0x38f: {  	v10 =	vunpack.i.l.bf16.f32 v10;
	v8 =	vadd.f32 v22, v8  }
0x390: {  	[tilespmem:v23+s14+$0x0] =	vst.idx.msk $0xffff, v34;
	v10 =	vadd.f32 v16, v10  }
0x391: {  	v20 =	vld.idx.msk [tilespmem:v20+s12+$0x0], $0xffff;
	[tilespmem:v7+s14+$0x0] =	vst.idx.msk $0xffff, v8  }
0x392: {  	[tilespmem:v61+s14+$0x0] =	vst.idx.msk $0xffff, v10  }
0x393: {  	v58 =	vperm.xlane v62, v14;
	v1 =	vld [tilespmem:$0x1FC80];
	_ =	sdelay $0x1  }
0x394: {  	v13 =	vadd.s32 v11, v58  }
0x395: {  	v7 =	vunpack.i.u.bf16.f32 v20  }
0x396: {  	v7 =	vmul.f32 v7, v49  }
0x397: {  	v40 =	vunpack.i.l.bf16.f32 v20  }
0x398: {  	v0 =	vperm.xlane v62, v15;
	v7 =	vadd.f32 v7, v40  }
0x399: {  	v8 =	vld.idx.msk [tilespmem:v13+s12+$0x0], $0xffff  }
0x39a: {  	v0 =	vadd.s32 v17, v0;
	v22 =	vld [tilespmem:$0x1FDA0];
	[tilespmem:v1+s14+$0x0] =	vst.idx.msk $0xffff, v7  }
0x39b: {  	v1 =	vld [tilespmem:$0x1FF90];
	_ =	sdelay $0x3  }
0x39c: {  	v0 =	vld.idx.msk [tilespmem:v0+s12+$0x0], $0xffff  }
0x39d: {  	v10 =	vld.idx.msk [tilespmem:v27+s12+$0x0], $0xffff;
	v18 =	vunpack.i.u.bf16.f32 v8;
	v57 =	vor.u32 s26, v1  }
0x39e: {  	v18 =	vmul.f32 v18, v12  }
0x39f: {  	v8 =	vunpack.i.l.bf16.f32 v8  }
0x3a0: {  	v39 =	vadd.s32 v53, v26;
	v8 =	vadd.f32 v18, v8  }
0x3a1: {  	v58 =	vunpack.i.u.bf16.f32 v0  }
0x3a2: {  	v21 =	vmul.f32 v58, v4;
	v59 =	vunpack.i.u.bf16.f32 v10;
	[tilespmem:v57+s14+$0x0] =	vst.idx.msk $0xffff, v8;
	v8 =	vor.u32 s24, v60  }
0x3a3: {  	v0 =	vunpack.i.l.bf16.f32 v0;
	v18 =	vmul.f32 v59, v48  }
0x3a4: {  	v0 =	vadd.f32 v21, v0;
	v10 =	vunpack.i.l.bf16.f32 v10;
	v55 =	vperm.xlane v22, v14  }
0x3a5: {  	v13 =	vld.idx.msk [tilespmem:v39+s12+$0x0], $0xffff;
	v10 =	vadd.f32 v18, v10  }
0x3a6: {  	v16 =	vadd.s32 v11, v55;
	v21 =	vld [tilespmem:$0x1FD10];
	[tilespmem:v6+s14+$0x0] =	vst.idx.msk $0xffff, v0  }
0x3a7: {  	[tilespmem:v8+s14+$0x0] =	vst.idx.msk $0xffff, v10  }
0x3a8: {  	v7 =	vperm.xlane v22, v15;
	v34 =	vmov v1;
	v1 =	vld [tilespmem:$0x1FC90];
	_ =	sdelay $0x1  }
0x3a9: {  	v7 =	vadd.s32 v17, v7  }
0x3aa: {  	v6 =	vunpack.i.u.bf16.f32 v13;
	v16 =	vld.idx.msk [tilespmem:v16+s12+$0x0], $0xffff  }
0x3ab: {  	v6 =	vmul.f32 v6, v49  }
0x3ac: {  	v13 =	vunpack.i.l.bf16.f32 v13;
	v61 =	vperm.xlane v21, v50  }
0x3ad: {  	v6 =	vadd.f32 v6, v13  }
0x3ae: {  	v7 =	vld.idx.msk [tilespmem:v7+s12+$0x0], $0xffff;
	v20 =	vadd.s32 v51, v61  }
0x3af: {  	v3 =	vor.u32 s26, v60;
	[tilespmem:v1+s14+$0x0] =	vst.idx.msk $0xffff, v6;
	v6 =	vunpack.i.u.bf16.f32 v16  }
0x3b0: {  	v0 =	vperm.xlane v21, v52;
	v6 =	vmul.f32 v6, v12  }
0x3b1: {  	v8 =	vperm.xlane v21, v14;
	v16 =	vunpack.i.l.bf16.f32 v16  }
0x3b2: {  	v26 =	vperm.xlane v21, v15;
	v0 =	vadd.s32 v53, v0;
	v6 =	vadd.f32 v6, v16  }
0x3b3: {  	v40 =	vunpack.i.u.bf16.f32 v7;
	v8 =	vadd.s32 v11, v8;
	v39 =	vld.idx.msk [tilespmem:v20+s12+$0x0], $0xffff  }
0x3b4: {  	v18 =	vmul.f32 v40, v4;
	v10 =	vadd.s32 v17, v26;
	[tilespmem:v3+s14+$0x0] =	vst.idx.msk $0xffff, v6  }
0x3b5: {  	v7 =	vunpack.i.l.bf16.f32 v7;
	v20 =	vld [tilespmem:$0x1FD50]  }
0x3b6: {  	v7 =	vadd.f32 v18, v7  }
0x3b7: {  	v0 =	vld.idx.msk [tilespmem:v0+s12+$0x0], $0xffff  }
0x3b8: {  	[tilespmem:v24+s14+$0x0] =	vst.idx.msk $0xffff, v7;
	v7 =	vunpack.i.u.bf16.f32 v39;
	v8 =	vld.idx.msk [tilespmem:v8+s12+$0x0], $0xffff  }
0x3b9: {  	v6 =	vor.u32 s24, v41;
	v7 =	vmul.f32 v7, v48;
	v10 =	vld.idx.msk [tilespmem:v10+s12+$0x0], $0xffff  }
0x3ba: {  	v13 =	vunpack.i.l.bf16.f32 v39;
	v3 =	vperm.xlane v20, v50  }
0x3bb: {  	v59 =	vor.u32 s26, v41;
	v7 =	vadd.f32 v7, v13  }
0x3bc: {  	v57 =	vperm.xlane v20, v14;
	v3 =	vadd.s32 v51, v3;
	v51 =	vunpack.i.u.bf16.f32 v0  }
0x3bd: {  	v58 =	vmovc v60;
	v60 =	vunpack.i.u.bf16.f32 v8;
	v8 =	vunpack.i.l.bf16.f32 v8;
	v16 =	vmul.f32 v51, v49  }
0x3be: {  	[tilespmem:v6+s14+$0x0] =	vst.idx.msk $0xffff, v7;
	v6 =	vmul.f32 v60, v12;
	v18 =	vunpack.i.u.bf16.f32 v10;
	v0 =	vunpack.i.l.bf16.f32 v0  }
0x3bf: {  	v7 =	vadd.s32 v11, v57;
	v11 =	vmul.f32 v18, v4;
	v0 =	vadd.f32 v16, v0  }
0x3c0: {  	v6 =	vadd.f32 v6, v8;
	v8 =	vunpack.i.l.bf16.f32 v10  }
0x3c1: {  	v3 =	vld.idx.msk [tilespmem:v3+s12+$0x0], $0xffff;
	[tilespmem:v2+s14+$0x0] =	vst.idx.msk $0xffff, v0;
	v0 =	vadd.f32 v11, v8  }
0x3c2: {  	[tilespmem:v59+s14+$0x0] =	vst.idx.msk $0xffff, v6  }
0x3c3: {  	[tilespmem:v5+s14+$0x0] =	vst.idx.msk $0xffff, v0  }
0x3c4: {  	v24 =	vld [tilespmem:$0x1FFB0];
	_ =	sdelay $0x1  }
0x3c5: {  	v5 =	vunpack.i.u.bf16.f32 v3  }
0x3c6: {  	v52 =	vperm.xlane v20, v52;
	v5 =	vmul.f32 v5, v48;
	v48 =	vld [tilespmem:$0x1FC70]  }
0x3c7: {  	v61 =	vperm.xlane v20, v15  }
0x3c8: {  	v55 =	vadd.s32 v53, v52;
	v26 =	vor.u32 s24, v24  }
0x3c9: {  	v23 =	vadd.s32 v17, v61;
	v0 =	vunpack.i.u.bf16.f32 v9  }
0x3ca: {  	v0 =	vmul.f32 v0, v47;
	v3 =	vunpack.i.l.bf16.f32 v3  }
0x3cb: {  	v8 =	vunpack.i.l.bf16.f32 v9;
	v3 =	vadd.f32 v5, v3  }
0x3cc: {  	v6 =	vld.idx.msk [tilespmem:v7+s12+$0x0], $0xffff;
	v0 =	vadd.f32 v0, v8  }
0x3cd: {  	v2 =	vld.idx.msk [tilespmem:v55+s12+$0x0], $0xffff;
	[tilespmem:v26+s14+$0x0] =	vst.idx.msk $0xffff, v3  }
0x3ce: {  	v7 =	vld.idx.msk [tilespmem:v23+s12+$0x0], $0xffff;
	[tilespmem:v48+s14+$0x0] =	vst.idx.msk $0xffff, v0  }
0x3cf: {  	v1 =	vld [tilespmem:$0x1FCA0];
	_ =	sdelay $0x2  }
0x3d0: {  	v5 =	vunpack.i.u.bf16.f32 v2  }
0x3d1: {  	v40 =	vunpack.i.u.bf16.f32 v6;
	v8 =	vor.u32 s26, v24;
	v5 =	vmul.f32 v5, v49  }
0x3d2: {  	v10 =	vmul.f32 v40, v12;
	v2 =	vunpack.i.l.bf16.f32 v2;
	v47 =	vunpack.i.u.bf16.f32 v7  }
0x3d3: {  	v4 =	vmul.f32 v47, v4;
	v0 =	vadd.f32 v5, v2;
	v2 =	vunpack.i.l.bf16.f32 v6  }
0x3d4: {  	v3 =	vunpack.i.l.bf16.f32 v7;
	v2 =	vadd.f32 v10, v2  }
0x3d5: {  	[tilespmem:v1+s14+$0x0] =	vst.idx.msk $0xffff, v0;
	v0 =	vadd.f32 v4, v3  }
0x3d6: {  	[tilespmem:v8+s14+$0x0] =	vst.idx.msk $0xffff, v2  }
0x3d7: {  	s0 =	simm.s32 $0xD300;
	[tilespmem:v19+s14+$0x0] =	vst.idx.msk $0xffff, v0  }
0x3d8: {  	v0 =	vld [tilespmem:s0+$0xFFFFFF10]  }
0x3d9: {  	v1 =	vld [tilespmem:s0+$0xFFFFFF20]  }
0x3da: {  	v49 =	vld [tilespmem:$0x1FE20]  }
0x3db: {  	v28 =	vld [tilespmem:$0x1FFD0];
	_ =	sdelay $0x3  }
0x3dc: {  	v2 =	vld [tilespmem:s0+$0xFFFFFF30];
	v0 =	vperm.xlane v0, v49  }
0x3dd: {  	v3 =	vld [tilespmem:s0+$0xFFFFFF40];
	v1 =	vperm.xlane v1, v28  }
0x3de: {  	v4 =	vld [tilespmem:s0+$0xFFFFFF50];
	[tilespmem:s0+$0xFFFFFF10] =	vst v0  }
0x3df: {  	v50 =	vld [tilespmem:$0x1FCE0];
	[tilespmem:s0+$0xFFFFFF20] =	vst v1  }
0x3e0: {  	v51 =	vld [tilespmem:$0x1FD30]  }
0x3e1: {  	v5 =	vld [tilespmem:s0+$0xFFFFFF60]  }
0x3e2: {  	v6 =	vld [tilespmem:s0+$0xFFFFFF70]  }
0x3e3: {  	v0 =	vld [tilespmem:s0+$0xFFFFFF80]  }
0x3e4: {  	v8 =	vld [tilespmem:s0+$0x10];
	v2 =	vperm.xlane v2, v50  }
0x3e5: {  	v1 =	vld [tilespmem:s0+$0xFFFFFF90];
	v3 =	vperm.xlane v3, v51  }
0x3e6: {  	v9 =	vld [tilespmem:s0+$0x20];
	v5 =	vperm.xlane v5, v38;
	[tilespmem:s0+$0xFFFFFF30] =	vst v2  }
0x3e7: {  	v6 =	vperm.xlane v6, v37;
	v16 =	vld [tilespmem:$0x1FD80];
	[tilespmem:s0+$0xFFFFFF40] =	vst v3  }
0x3e8: {  	v52 =	vld [tilespmem:s0+$0x30];
	v0 =	vperm.xlane v0, v42;
	[tilespmem:s0+$0xFFFFFF60] =	vst v5  }
0x3e9: {  	v7 =	vld [tilespmem:s0+$0xF0];
	v8 =	vperm.xlane v8, v49;
	[tilespmem:s0+$0xFFFFFF70] =	vst v6  }
0x3ea: {  	v1 =	vperm.xlane v1, v35;
	v2 =	vld [tilespmem:s0+$0xFFFFFFA0];
	[tilespmem:s0+$0xFFFFFF80] =	vst v0  }
0x3eb: {  	v5 =	vld [tilespmem:s0+$0x0];
	[tilespmem:s0+$0x10] =	vst v8;
	v0 =	vperm.xlane v9, v28  }
0x3ec: {  	v3 =	vld [tilespmem:s0+$0xFFFFFFB0];
	[tilespmem:s0+$0xFFFFFF90] =	vst v1;
	v4 =	vperm.xlane v4, v16  }
0x3ed: {  	v53 =	vld [tilespmem:s0+$0x40];
	[tilespmem:s0+$0x20] =	vst v0;
	v0 =	vperm.xlane v52, v50  }
0x3ee: {  	v57 =	vld [tilespmem:s0+$0x50];
	[tilespmem:s0+$0xFFFFFF50] =	vst v4;
	v4 =	vperm.xlane v7, v20  }
0x3ef: {  	v55 =	vlaneseq.u32;
	v2 =	vperm.xlane v2, v33;
	[tilespmem:s0+$0x30] =	vst v0;
	v7 =	vld [tilespmem:s0+$0xFFFFFFC0]  }
0x3f0: {  	v5 =	vperm.xlane v5, v55;
	[tilespmem:s0+$0xF0] =	vst v4;
	v4 =	vld [tilespmem:s0+$0xFFFFFFD0]  }
0x3f1: {  	v6 =	vld [tilespmem:s0+$0x60];
	v1 =	vperm.xlane v3, v32;
	[tilespmem:s0+$0xFFFFFFA0] =	vst v2  }
0x3f2: {  	v0 =	vperm.xlane v53, v51;
	[tilespmem:s0+$0x0] =	vst v5;
	v5 =	vld [tilespmem:s0+$0xFFFFFFE0]  }
0x3f3: {  	v8 =	vld [tilespmem:s0+$0xFFFFFFF0];
	[tilespmem:s0+$0xFFFFFFB0] =	vst v1;
	v1 =	vperm.xlane v57, v16  }
0x3f4: {  	v59 =	vld [tilespmem:s0+$0x70];
	[tilespmem:s0+$0x40] =	vst v0;
	v2 =	vperm.xlane v7, v62  }
0x3f5: {  	v60 =	vld [tilespmem:s0+$0x80];
	[tilespmem:s0+$0x50] =	vst v1;
	v3 =	vperm.xlane v4, v22  }
0x3f6: {  	v61 =	vld [tilespmem:s0+$0x90];
	[tilespmem:s0+$0xFFFFFFC0] =	vst v2;
	v2 =	vperm.xlane v6, v38  }
0x3f7: {  	v7 =	vld [tilespmem:s0+$0xA0];
	v4 =	vperm.xlane v5, v21;
	[tilespmem:s0+$0xFFFFFFD0] =	vst v3  }
0x3f8: {  	v0 =	vld [tilespmem:s0+$0xB0];
	v5 =	vperm.xlane v8, v20;
	[tilespmem:s0+$0x60] =	vst v2  }
0x3f9: {  	v1 =	vld [tilespmem:s0+$0xC0];
	v3 =	vperm.xlane v59, v37;
	[tilespmem:s0+$0xFFFFFFE0] =	vst v4  }
0x3fa: {  	v2 =	vld [tilespmem:s0+$0xD0];
	v4 =	vperm.xlane v60, v42;
	[tilespmem:s0+$0xFFFFFFF0] =	vst v5  }
0x3fb: {  	v39 =	vmov v24;
	[tilespmem:s0+$0x70] =	vst v3;
	v3 =	vld [tilespmem:s0+$0xE0]  }
0x3fc: {  	s1 =	simm.s32 $0xD500;
	v32 =	vmovc v36;
	v5 =	vperm.xlane v61, v35;
	v6 =	vperm.xlane v7, v33;
	v33 =	vmov v25;
	[tilespmem:s0+$0x80] =	vst v4;
	v4 =	vld [tilespmem:s0+$0xFFFFFF00]  }
.LBB2_9:
0x3fd: {  	v7 =	vld [tilespmem:s1+$0xF0]  }
0x3fe: {  	v15 =	vld [tilespmem:$0x1FD40]  }
0x3ff: {  	v16 =	vld [tilespmem:$0x1FDA0]  }
0x400: {  	v17 =	vld [tilespmem:$0x1FD10]  }
0x401: {  	v18 =	vld [tilespmem:$0x1FD50]  }
0x402: {  	v19 =	vld [tilespmem:$0x1FE20]  }
0x403: {  	v8 =	vld [tilespmem:$0x1FD30]  }
0x404: {  	v9 =	vld [tilespmem:$0x1FD80]  }
0x405: {  	v10 =	vld [tilespmem:$0x1FDC0]  }
0x406: {  	v11 =	vld [tilespmem:$0x1FCB0];
	[tilespmem:s0+$0x90] =	vst v5;
	v1 =	vperm.xlane v1, v62  }
0x407: {  	v12 =	vld [tilespmem:$0x1FCC0];
	[tilespmem:s0+$0xA0] =	vst v6;
	v0 =	vperm.xlane v0, v15  }
0x408: {  	v13 =	vld [tilespmem:$0x1FCF0];
	[tilespmem:s0+$0xC0] =	vst v1;
	v1 =	vperm.xlane v3, v17  }
0x409: {  	v5 =	vld [tilespmem:s1+$0xFFFFFF10];
	[tilespmem:s0+$0xB0] =	vst v0;
	v0 =	vperm.xlane v2, v16  }
0x40a: {  	v6 =	vld [tilespmem:s1+$0xFFFFFF20];
	v7 =	vperm.xlane v7, v18;
	[tilespmem:s0+$0xE0] =	vst v1  }
0x40b: {  	v2 =	vld [tilespmem:s1+$0xFFFFFF30];
	[tilespmem:s0+$0xD0] =	vst v0  }
0x40c: {  	[tilespmem:s1+$0xF0] =	vst v7;
	v7 =	vld [tilespmem:$0x1FCE0]  }
0x40d: {  	v14 =	vlaneseq.u32;
	v3 =	vld [tilespmem:s1+$0xFFFFFF40]  }
0x40e: {  	v4 =	vperm.xlane v4, v14;
	v0 =	vld [tilespmem:s1+$0xFFFFFF50]  }
0x40f: {  	v1 =	vperm.xlane v5, v19;
	v5 =	vld [tilespmem:s1+$0xFFFFFF60]  }
0x410: {  	[tilespmem:s0+$0xFFFFFF00] =	vst v4;
	v4 =	vperm.xlane v6, v28;
	v6 =	vld [tilespmem:s1+$0xFFFFFF70]  }
0x411: {  	[tilespmem:s1+$0xFFFFFF10] =	vst v1;
	v1 =	vperm.xlane v2, v7;
	v2 =	vld [tilespmem:s1+$0xFFFFFF80]  }
0x412: {  	[tilespmem:s1+$0xFFFFFF20] =	vst v4;
	v4 =	vld [tilespmem:s1+$0xFFFFFF90];
	v3 =	vperm.xlane v3, v8  }
0x413: {  	v0 =	vperm.xlane v0, v9;
	[tilespmem:s1+$0xFFFFFF30] =	vst v1;
	v1 =	vld [tilespmem:s1+$0xFFFFFFA0]  }
0x414: {  	[tilespmem:s1+$0xFFFFFF40] =	vst v3;
	v3 =	vperm.xlane v5, v10;
	v5 =	vld [tilespmem:s1+$0xFFFFFFB0]  }
0x415: {  	[tilespmem:s1+$0xFFFFFF50] =	vst v0;
	v0 =	vperm.xlane v6, v11;
	v6 =	vld [tilespmem:s1+$0xFFFFFFC0]  }
0x416: {  	[tilespmem:s1+$0xFFFFFF60] =	vst v3;
	v3 =	vld [tilespmem:s1+$0xFFFFFFD0];
	v2 =	vperm.xlane v2, v42  }
0x417: {  	[tilespmem:s1+$0xFFFFFF70] =	vst v0;
	v0 =	vperm.xlane v4, v12;
	v4 =	vld [tilespmem:s1+$0xFFFFFFE0]  }
0x418: {  	[tilespmem:s1+$0xFFFFFF80] =	vst v2;
	v1 =	vperm.xlane v1, v13;
	v2 =	vld [tilespmem:s1+$0xFFFFFFF0]  }
0x419: {  	[tilespmem:s1+$0xFFFFFF90] =	vst v0;
	v0 =	vperm.xlane v5, v15;
	v5 =	vld [tilespmem:s1+$0x0]  }
0x41a: {  	[tilespmem:s1+$0xFFFFFFA0] =	vst v1;
	v1 =	vperm.xlane v6, v62;
	v6 =	vld [tilespmem:s1+$0x10]  }
0x41b: {  	[tilespmem:s1+$0xFFFFFFB0] =	vst v0;
	v0 =	vperm.xlane v3, v16;
	v3 =	vld [tilespmem:s1+$0x20]  }
0x41c: {  	[tilespmem:s1+$0xFFFFFFC0] =	vst v1;
	v1 =	vperm.xlane v4, v17;
	v4 =	vld [tilespmem:s1+$0x30]  }
0x41d: {  	[tilespmem:s1+$0xFFFFFFD0] =	vst v0;
	v0 =	vperm.xlane v2, v18;
	v2 =	vld [tilespmem:s1+$0x40]  }
0x41e: {  	[tilespmem:s1+$0xFFFFFFE0] =	vst v1;
	v1 =	vperm.xlane v5, v14;
	v5 =	vld [tilespmem:s1+$0x50]  }
0x41f: {  	[tilespmem:s1+$0xFFFFFFF0] =	vst v0;
	v0 =	vperm.xlane v6, v19;
	v6 =	vld [tilespmem:s1+$0x60]  }
0x420: {  	[tilespmem:s1+$0x0] =	vst v1;
	v1 =	vperm.xlane v3, v28;
	v3 =	vld [tilespmem:s1+$0x70]  }
0x421: {  	[tilespmem:s1+$0x10] =	vst v0;
	v0 =	vperm.xlane v4, v7;
	v4 =	vld [tilespmem:s1+$0x80]  }
0x422: {  	s25 =	sadd.s32 $0x2, s25;
	v7 =	vld [tilespmem:s1+$0x90];
	[tilespmem:s1+$0x20] =	vst v1;
	v1 =	vperm.xlane v2, v8  }
0x423: {  	p1 =	slt.u32 s25, $0x32;
	v8 =	vld [tilespmem:s1+$0xA0];
	[tilespmem:s1+$0x30] =	vst v0;
	v2 =	vperm.xlane v5, v9  }
.Ltmp3:
0x424: {  	v0 =	vld [tilespmem:s1+$0xB0];
	[tilespmem:s1+$0x40] =	vst v1;
	v5 =	vperm.xlane v6, v10;
	(pc) =	sbr.rel @p1 .LBB2_9-.Ltmp3, $4  }
0x425: {  	v1 =	vld [tilespmem:s1+$0xC0];
	[tilespmem:s1+$0x50] =	vst v2;
	v3 =	vperm.xlane v3, v11  }
0x426: {  	s0 =	smov.u32 s1;
	v2 =	vld [tilespmem:s1+$0xD0];
	[tilespmem:s1+$0x60] =	vst v5;
	v6 =	vperm.xlane v4, v42  }
0x427: {  	v4 =	vld [tilespmem:s0+$0xFFFFFF00];
	[tilespmem:s1+$0x70] =	vst v3  }
0x428: {  	v5 =	vperm.xlane v7, v12;
	v3 =	vld [tilespmem:s1+$0xE0];
	s1 =	sadd.s32 $0x200, s1;
	[tilespmem:s0+$0x80] =	vst v6;
	v6 =	vperm.xlane v8, v13  }
0x429: {  	_ = 	snop  }
0x42a: {  	[tilespmem:s0+$0x90] =	vst v5  }
0x42b: {  	v25 =	vld [tilespmem:$0x1FD40];
	_ =	sdelay $0x4  }
0x42c: {  	v0 =	vperm.xlane v0, v25  }
0x42d: {  	v1 =	vperm.xlane v1, v62;
	[tilespmem:s0+$0xA0] =	vst v6  }
0x42e: {  	[tilespmem:s0+$0xB0] =	vst v0  }
0x42f: {  	v38 =	vld [tilespmem:$0x1FDA0];
	[tilespmem:s0+$0xC0] =	vst v1  }
0x430: {  	v37 =	vld [tilespmem:$0x1FD10];
	_ =	sdelay $0x3  }
0x431: {  	v0 =	vperm.xlane v2, v38  }
0x432: {  	v2 =	vlaneseq.u32;
	v1 =	vperm.xlane v3, v37  }
0x433: {  	s1 =	sadd.s32 s4, s23;
	v2 =	vperm.xlane v4, v2;
	[tilespmem:s0+$0xD0] =	vst v0  }
0x434: {  	s1 =	sshll.u32 s1, $0x1;
	[tilespmem:s0+$0xE0] =	vst v1  }
0x435: {  	s25 =	sadd.s32 s2, s1;
	[tilespmem:s0+$0xFFFFFF00] =	vst v2;
	s0 =	simm.s32 @!p0 $0x3  }
0x436: {  	[hbm4b:s25+s3] =	stream.linear.scatter [tilespmem:s14], [sflag:$0x2], $0x3400, $0x38;
	[tilespmem:$0x13A00] =	vst v63  }
0x437: {  	_ =	swait.ge @!p0 [sflag:s0], $0x3400  }
0x438: {  	[sflag:s0] =	ssyncset.done @!p0 $0x0  }
0x439: {  	[sflag:s0] =	ssyncadd.s32 @!p0 $0xFFFFCC00  }
0x43a: {  	v0 =	vld [tilespmem:s20+$0x0];
	_ =	sdelay $0x4  }
0x43b: {  	v35 =	vlaneseq.u32;
	v20 =	vand.u32 $0xF, v0  }
0x43c: {  	v1 =	vperm.xlane v35, v20  }
0x43d: {  	v13 =	vand.u32 $0xFFFFFFF0, v0  }
0x43e: {  	v0 =	vadd.s32 v13, v1;
	_ =	sdelay $0x3  }
0x43f: {  	v57 =	vld [tilespmem:$0x1FE20]  }
0x440: {  	v0 =	vld.idx.msk [tilespmem:v0+s12+$0x0], $0xffff  }
0x441: {  	v10 =	vld [tilespmem:s19+$0x0];
	_ =	sdelay $0x2  }
0x442: {  	s1 =	simm.s32 $0x100;
	v1 =	vperm.xlane v57, v20  }
0x443: {  	v3 =	vor.u32 s1, v54;
	v2 =	vunpack.i.u.bf16.f32 v0  }
0x444: {  	v1 =	vadd.s32 v13, v1;
	v2 =	vmul.f32 v2, v10  }
0x445: {  	v0 =	vunpack.i.l.bf16.f32 v0  }
0x446: {  	v0 =	vadd.f32 v2, v0;
	_ =	sdelay $0x1  }
0x447: {  	[tilespmem:v3+s15+$0x0] =	vst.idx.msk $0xffff, v0  }
0x448: {  	v0 =	vld.idx.msk [tilespmem:v1+s12+$0x0], $0xffff  }
0x449: {  	v61 =	vld [tilespmem:$0x1FE30];
	_ =	sdelay $0x2  }
0x44a: {  	v1 =	vld [tilespmem:s20+$0xFFFFFFF0]  }
0x44b: {  	v2 =	vperm.xlane v28, v20  }
0x44c: {  	v3 =	vunpack.i.u.bf16.f32 v0;
	v4 =	vor.u32 s1, v61  }
0x44d: {  	v5 =	vadd.s32 v13, v2;
	v3 =	vmul.f32 v3, v10  }
0x44e: {  	v0 =	vunpack.i.l.bf16.f32 v0  }
0x44f: {  	v2 =	vand.u32 $0xF, v1;
	v0 =	vadd.f32 v3, v0  }
0x450: {  	v3 =	vperm.xlane v35, v2  }
0x451: {  	[tilespmem:v4+s15+$0x0] =	vst.idx.msk $0xffff, v0;
	v0 =	vand.u32 $0xFFFFFFF0, v1  }
0x452: {  	v1 =	vld.idx.msk [tilespmem:v5+s12+$0x0], $0xffff;
	v3 =	vadd.s32 v0, v3;
	_ =	sdelay $0x2  }
0x453: {  	v50 =	vld [tilespmem:$0x1FCE0];
	_ =	sdelay $0x1  }
0x454: {  	v6 =	vor.u32 s1, v63;
	v5 =	vunpack.i.u.bf16.f32 v1;
	v3 =	vld.idx.msk [tilespmem:v3+s12+$0x0], $0xffff  }
0x455: {  	v59 =	vld [tilespmem:s19+$0xFFFFFFF0];
	v5 =	vmul.f32 v5, v10  }
0x456: {  	v1 =	vunpack.i.l.bf16.f32 v1  }
0x457: {  	v4 =	vperm.xlane v50, v20;
	v1 =	vadd.f32 v5, v1  }
0x458: {  	s24 =	simm.s32 $0x0  }
0x459: {  	v4 =	vadd.s32 v13, v4;
	[tilespmem:v6+s15+$0x0] =	vst.idx.msk $0xffff, v1;
	v1 =	vunpack.i.u.bf16.f32 v3;
	v6 =	vor.u32 s24, v54  }
0x45a: {  	v1 =	vmul.f32 v1, v59  }
0x45b: {  	v3 =	vunpack.i.l.bf16.f32 v3  }
0x45c: {  	v1 =	vadd.f32 v1, v3  }
0x45d: {  	v5 =	vperm.xlane v57, v2;
	v47 =	vld [tilespmem:$0x1FD30]  }
0x45e: {  	v4 =	vld.idx.msk [tilespmem:v4+s12+$0x0], $0xffff;
	[tilespmem:v6+s15+$0x0] =	vst.idx.msk $0xffff, v1  }
0x45f: {  	v29 =	vmov v54;
	v5 =	vadd.s32 v0, v5;
	v54 =	vld [tilespmem:$0x1FF00];
	_ =	sdelay $0x4  }
0x460: {  	v5 =	vld.idx.msk [tilespmem:v5+s12+$0x0], $0xffff;
	v1 =	vunpack.i.u.bf16.f32 v4;
	v6 =	vor.u32 s1, v54  }
0x461: {  	v1 =	vmul.f32 v1, v10  }
0x462: {  	v3 =	vperm.xlane v47, v20;
	v4 =	vunpack.i.l.bf16.f32 v4  }
0x463: {  	v1 =	vadd.f32 v1, v4  }
0x464: {  	v3 =	vadd.s32 v13, v3  }
0x465: {  	[tilespmem:v6+s15+$0x0] =	vst.idx.msk $0xffff, v1;
	v1 =	vor.u32 s24, v61;
	v6 =	vunpack.i.u.bf16.f32 v5  }
0x466: {  	v6 =	vmul.f32 v6, v59  }
0x467: {  	v5 =	vunpack.i.l.bf16.f32 v5  }
0x468: {  	v5 =	vadd.f32 v6, v5  }
0x469: {  	v4 =	vperm.xlane v28, v2;
	v3 =	vld.idx.msk [tilespmem:v3+s12+$0x0], $0xffff  }
0x46a: {  	v40 =	vld [tilespmem:$0x1FD80];
	[tilespmem:v1+s15+$0x0] =	vst.idx.msk $0xffff, v5  }
0x46b: {  	v4 =	vadd.s32 v0, v4;
	v60 =	vld [tilespmem:$0x1FE80];
	_ =	sdelay $0x4  }
0x46c: {  	v1 =	vunpack.i.u.bf16.f32 v3;
	v4 =	vld.idx.msk [tilespmem:v4+s12+$0x0], $0xffff;
	v5 =	vor.u32 s1, v60  }
0x46d: {  	v1 =	vmul.f32 v1, v10  }
0x46e: {  	v3 =	vunpack.i.l.bf16.f32 v3  }
0x46f: {  	v6 =	vperm.xlane v40, v20;
	v1 =	vadd.f32 v1, v3;
	_ =	sdelay $0x1  }
0x470: {  	v6 =	vadd.s32 v13, v6;
	[tilespmem:v5+s15+$0x0] =	vst.idx.msk $0xffff, v1;
	v1 =	vor.u32 s24, v63;
	v5 =	vunpack.i.u.bf16.f32 v4  }
0x471: {  	v5 =	vmul.f32 v5, v59  }
0x472: {  	v4 =	vunpack.i.l.bf16.f32 v4  }
0x473: {  	v3 =	vperm.xlane v50, v2;
	v4 =	vadd.f32 v5, v4;
	_ =	sdelay $0x1  }
0x474: {  	v3 =	vadd.s32 v0, v3;
	v6 =	vld.idx.msk [tilespmem:v6+s12+$0x0], $0xffff;
	[tilespmem:v1+s15+$0x0] =	vst.idx.msk $0xffff, v4  }
0x475: {  	v52 =	vld [tilespmem:$0x1FDC0];
	_ =	sdelay $0x1  }
0x476: {  	s26 =	sadd.s32 $0x20, s20  }
0x477: {  	v7 =	vld [tilespmem:s26+$0x0]  }
0x478: {  	v3 =	vld.idx.msk [tilespmem:v3+s12+$0x0], $0xffff  }
0x479: {  	v11 =	vor.u32 s1, v43;
	v4 =	vunpack.i.u.bf16.f32 v6;
	v21 =	vld [tilespmem:$0x1FCB0];
	v1 =	vperm.xlane v52, v20  }
0x47a: {  	v4 =	vmul.f32 v4, v10  }
0x47b: {  	v8 =	vperm.xlane v47, v2;
	v15 =	vunpack.i.l.bf16.f32 v6;
	v1 =	vadd.s32 v13, v1  }
0x47c: {  	v4 =	vadd.f32 v4, v15  }
0x47d: {  	v9 =	vadd.s32 v0, v8;
	v8 =	vand.u32 $0xF, v7;
	v5 =	vperm.xlane v40, v2  }
0x47e: {  	v12 =	vperm.xlane v35, v8;
	v6 =	vand.u32 $0xFFFFFFF0, v7;
	v7 =	vperm.xlane v21, v2;
	[tilespmem:v11+s15+$0x0] =	vst.idx.msk $0xffff, v4  }
0x47f: {  	v18 =	vadd.s32 v0, v5;
	v4 =	vld [tilespmem:$0x1FCC0]  }
0x480: {  	v5 =	vadd.s32 v6, v12;
	v16 =	vadd.s32 v0, v7;
	v7 =	vor.u32 s24, v45;
	v1 =	vld.idx.msk [tilespmem:v1+s12+$0x0], $0xffff  }
0x481: {  	[tilespmem:$0x1F760] =	vst v7;
	v7 =	vld [tilespmem:$0x1FCF0]  }
0x482: {  	v12 =	vperm.xlane v42, v2  }
0x483: {  	v14 =	vperm.xlane v52, v2  }
0x484: {  	v15 =	vor.u32 s24, v54;
	v12 =	vadd.s32 v0, v12;
	v17 =	vperm.xlane v4, v2  }
0x485: {  	v22 =	vadd.s32 v0, v14;
	v14 =	vunpack.i.u.bf16.f32 v3;
	v5 =	vld.idx.msk [tilespmem:v5+s12+$0x0], $0xffff;
	[tilespmem:$0x1F770] =	vst v12;
	v12 =	vor.u32 s24, v46  }
0x486: {  	v14 =	vmul.f32 v14, v59;
	[tilespmem:$0x1F780] =	vst v12;
	v12 =	vadd.s32 v0, v17;
	v19 =	vperm.xlane v7, v2  }
0x487: {  	s10 =	sadd.s32 $0x20, s19;
	v3 =	vunpack.i.l.bf16.f32 v3;
	v17 =	vor.u32 s24, v56;
	[tilespmem:$0x1F790] =	vst v12  }
0x488: {  	v3 =	vadd.f32 v14, v3;
	v24 =	vld [tilespmem:s10+$0x0];
	[tilespmem:$0x1F7C0] =	vst v17;
	v17 =	vadd.s32 v0, v19  }
0x489: {  	[tilespmem:$0x1F7D0] =	vst v17  }
0x48a: {  	[tilespmem:v15+s15+$0x0] =	vst.idx.msk $0xffff, v3  }
0x48b: {  	v17 =	vperm.xlane v25, v2;
	v19 =	vld.idx.msk [tilespmem:v9+s12+$0x0], $0xffff;
	v9 =	vunpack.i.u.bf16.f32 v1  }
0x48c: {  	s25 =	simm.s32 $0x300;
	v12 =	vmovc v25;
	v25 =	vor.u32 s1, v44;
	v15 =	vperm.xlane v21, v20;
	v9 =	vmul.f32 v9, v10  }
0x48d: {  	v55 =	vmovc v56;
	v30 =	vor.u32 s25, v29;
	v56 =	vmovc v21;
	v21 =	vperm.xlane v57, v8;
	v1 =	vunpack.i.l.bf16.f32 v1  }
0x48e: {  	v27 =	vunpack.i.u.bf16.f32 v5;
	v3 =	vld [tilespmem:s26+$0xFFFFFFF0];
	v15 =	vadd.s32 v13, v15;
	v1 =	vadd.f32 v9, v1  }
0x48f: {  	v9 =	vmul.f32 v27, v24;
	v27 =	vadd.s32 v6, v21;
	v21 =	vor.u32 s24, v32  }
0x490: {  	v5 =	vunpack.i.l.bf16.f32 v5;
	[tilespmem:$0x1F800] =	vst v21  }
0x491: {  	[tilespmem:v25+s15+$0x0] =	vst.idx.msk $0xffff, v1;
	v1 =	vadd.f32 v9, v5;
	v5 =	vor.u32 s24, v33  }
0x492: {  	[tilespmem:$0x1F840] =	vst v5  }
0x493: {  	v36 =	vand.u32 $0xF, v3;
	v5 =	vand.u32 $0xFFFFFFF0, v3;
	v3 =	vld.idx.msk [tilespmem:v15+s12+$0x0], $0xffff;
	v15 =	vperm.xlane v62, v2  }
0x494: {  	v23 =	vor.u32 s24, v60;
	v31 =	vunpack.i.u.bf16.f32 v19;
	[tilespmem:v30+s15+$0x0] =	vst.idx.msk $0xffff, v1;
	v1 =	vadd.s32 v0, v17  }
0x495: {  	v53 =	vperm.xlane v35, v36;
	[tilespmem:$0x1F810] =	vst v1;
	v1 =	vperm.xlane v38, v2;
	v9 =	vadd.s32 v0, v15  }
0x496: {  	v31 =	vmul.f32 v31, v59;
	v27 =	vld.idx.msk [tilespmem:v27+s12+$0x0], $0xffff;
	[tilespmem:$0x1F850] =	vst v9;
	v9 =	vor.u32 s24, v34  }
0x497: {  	v51 =	vmovc v32;
	v19 =	vunpack.i.l.bf16.f32 v19;
	v32 =	vadd.s32 v5, v53;
	v1 =	vadd.s32 v0, v1;
	[tilespmem:$0x1F8D0] =	vst v9  }
0x498: {  	v30 =	vadd.f32 v31, v19;
	v31 =	vperm.xlane v37, v2;
	[tilespmem:$0x1F8F0] =	vst v1;
	v1 =	vor.u32 s24, v58  }
0x499: {  	[tilespmem:$0x1F950] =	vst v1  }
0x49a: {  	v1 =	vadd.s32 v0, v31;
	[tilespmem:v23+s15+$0x0] =	vst.idx.msk $0xffff, v30  }
0x49b: {  	v48 =	vmov v34;
	v34 =	vperm.xlane v57, v36;
	[tilespmem:$0x1F960] =	vst v1;
	v15 =	vld [tilespmem:$0x1FD50]  }
0x49c: {  	v31 =	vor.u32 s1, v45;
	v23 =	vperm.xlane v42, v20;
	v30 =	vunpack.i.u.bf16.f32 v3;
	v18 =	vld.idx.msk [tilespmem:v18+s12+$0x0], $0xffff  }
0x49d: {  	v35 =	vor.u32 s25, v61;
	v9 =	vmovc v37;
	v37 =	vperm.xlane v28, v8;
	v30 =	vmul.f32 v30, v10;
	v32 =	vld.idx.msk [tilespmem:v32+s12+$0x0], $0xffff  }
0x49e: {  	v14 =	vmovc v38;
	v3 =	vunpack.i.l.bf16.f32 v3;
	v38 =	vunpack.i.u.bf16.f32 v27;
	v23 =	vadd.s32 v13, v23;
	v53 =	vld [tilespmem:s10+$0xFFFFFFF0]  }
0x49f: {  	v26 =	vor.u32 s24, v43;
	v3 =	vadd.f32 v30, v3;
	v30 =	vmul.f32 v38, v24  }
0x4a0: {  	v49 =	vmovc v33;
	v34 =	vadd.s32 v5, v34;
	v27 =	vunpack.i.l.bf16.f32 v27;
	v33 =	vadd.s32 v6, v37  }
0x4a1: {  	v1 =	vor.u32 s24, v41;
	[tilespmem:v31+s15+$0x0] =	vst.idx.msk $0xffff, v3;
	v3 =	vadd.f32 v30, v27;
	v38 =	vunpack.i.u.bf16.f32 v18  }
0x4a2: {  	s28 =	simm.s32 $0x200;
	v2 =	vperm.xlane v15, v2;
	v30 =	vunpack.i.u.bf16.f32 v32;
	v27 =	vmul.f32 v38, v59  }
0x4a3: {  	v31 =	vor.u32 s28, v29;
	v23 =	vld.idx.msk [tilespmem:v23+s12+$0x0], $0xffff;
	v18 =	vunpack.i.l.bf16.f32 v18;
	[tilespmem:v35+s15+$0x0] =	vst.idx.msk $0xffff, v3;
	v30 =	vmul.f32 v30, v53  }
0x4a4: {  	[tilespmem:$0x1FA40] =	vst v1;
	v0 =	vadd.s32 v0, v2;
	v18 =	vadd.f32 v27, v18;
	v27 =	vunpack.i.l.bf16.f32 v32  }
0x4a5: {  	v37 =	vperm.xlane v28, v36;
	v32 =	vld.idx.msk [tilespmem:v33+s12+$0x0], $0xffff;
	[tilespmem:$0x1FA50] =	vst v0;
	v27 =	vadd.f32 v30, v27;
	v30 =	vor.u32 s24, v39  }
0x4a6: {  	v11 =	vor.u32 s24, v44;
	[tilespmem:$0x1F750] =	vst v30  }
0x4a7: {  	v17 =	vmov v50;
	v0 =	vadd.s32 v5, v37;
	[tilespmem:v26+s15+$0x0] =	vst.idx.msk $0xffff, v18;
	v18 =	vperm.xlane v4, v20  }
0x4a8: {  	v30 =	vperm.xlane v50, v36;
	[tilespmem:v31+s15+$0x0] =	vst.idx.msk $0xffff, v27;
	v27 =	vunpack.i.u.bf16.f32 v23;
	v31 =	vor.u32 s1, v46;
	v22 =	vld.idx.msk [tilespmem:v22+s12+$0x0], $0xffff  }
0x4a9: {  	v50 =	vperm.xlane v50, v8;
	v33 =	vld.idx.msk [tilespmem:v34+s12+$0x0], $0xffff;
	v27 =	vmul.f32 v27, v10;
	v18 =	vadd.s32 v13, v18  }
0x4aa: {  	v38 =	vmovc v47;
	v26 =	vperm.xlane v47, v36;
	v23 =	vunpack.i.l.bf16.f32 v23;
	v47 =	vunpack.i.u.bf16.f32 v32  }
0x4ab: {  	v37 =	vor.u32 s25, v63;
	v23 =	vadd.f32 v27, v23;
	v27 =	vmul.f32 v47, v24  }
0x4ac: {  	v1 =	vmovc v41;
	v34 =	vadd.s32 v6, v50;
	v39 =	vadd.s32 v5, v30;
	v30 =	vunpack.i.l.bf16.f32 v32  }
0x4ad: {  	v41 =	vadd.s32 v5, v26;
	[tilespmem:v31+s15+$0x0] =	vst.idx.msk $0xffff, v23;
	v23 =	vadd.f32 v27, v30;
	v26 =	vunpack.i.u.bf16.f32 v22  }
0x4ae: {  	v27 =	vor.u32 s28, v61;
	v30 =	vunpack.i.u.bf16.f32 v33;
	v26 =	vmul.f32 v26, v59;
	v18 =	vld.idx.msk [tilespmem:v18+s12+$0x0], $0xffff  }
0x4af: {  	v22 =	vunpack.i.l.bf16.f32 v22;
	v30 =	vmul.f32 v30, v53  }
0x4b0: {  	[tilespmem:v37+s15+$0x0] =	vst.idx.msk $0xffff, v23;
	v23 =	vperm.xlane v52, v36;
	v22 =	vadd.f32 v26, v22;
	v26 =	vunpack.i.l.bf16.f32 v33  }
0x4b1: {  	v31 =	vld.idx.msk [tilespmem:v34+s12+$0x0], $0xffff;
	v26 =	vadd.f32 v30, v26  }
0x4b2: {  	v50 =	vperm.xlane v40, v36;
	v37 =	vadd.s32 v5, v23;
	[tilespmem:v11+s15+$0x0] =	vst.idx.msk $0xffff, v22  }
0x4b3: {  	v11 =	vperm.xlane v7, v20;
	[tilespmem:v27+s15+$0x0] =	vst.idx.msk $0xffff, v26;
	v23 =	vunpack.i.u.bf16.f32 v18;
	v26 =	vor.u32 s1, v55  }
0x4b4: {  	v47 =	vmovc v40;
	v40 =	vadd.s32 v5, v50;
	v50 =	vor.u32 s25, v54;
	v23 =	vmul.f32 v23, v10  }
0x4b5: {  	v33 =	vperm.xlane v56, v36;
	v18 =	vunpack.i.l.bf16.f32 v18;
	v11 =	vadd.s32 v13, v11  }
0x4b6: {  	v27 =	vperm.xlane v38, v8;
	v30 =	vunpack.i.u.bf16.f32 v31;
	v18 =	vadd.f32 v23, v18  }
0x4b7: {  	v3 =	vadd.s32 v5, v33;
	v23 =	vmul.f32 v30, v24  }
0x4b8: {  	v16 =	vld.idx.msk [tilespmem:v16+s12+$0x0], $0xffff;
	v27 =	vadd.s32 v6, v27;
	v30 =	vunpack.i.l.bf16.f32 v31;
	[tilespmem:v26+s15+$0x0] =	vst.idx.msk $0xffff, v18  }
0x4b9: {  	v35 =	vperm.xlane v42, v36;
	v0 =	vld.idx.msk [tilespmem:v0+s12+$0x0], $0xffff;
	v18 =	vadd.f32 v23, v30;
	[tilespmem:$0x1F7B0] =	vst v3;
	v3 =	vor.u32 s28, v45  }
0x4ba: {  	v11 =	vld.idx.msk [tilespmem:v11+s12+$0x0], $0xffff;
	[tilespmem:$0x1F7E0] =	vst v3  }
0x4bb: {  	v3 =	vadd.s32 v5, v35;
	[tilespmem:v50+s15+$0x0] =	vst.idx.msk $0xffff, v18  }
0x4bc: {  	[tilespmem:$0x1F7F0] =	vst v3;
	v3 =	vor.u32 s28, v46  }
0x4bd: {  	v18 =	vld.idx.msk [tilespmem:v27+s12+$0x0], $0xffff;
	[tilespmem:$0x1F820] =	vst v3;
	v3 =	vor.u32 s28, v55  }
0x4be: {  	[tilespmem:$0x1F890] =	vst v3;
	v3 =	vld [tilespmem:$0x1F760];
	_ =	sdelay $0x2  }
0x4bf: {  	v22 =	vor.u32 s28, v54;
	v54 =	vunpack.i.u.bf16.f32 v16  }
0x4c0: {  	v23 =	vmul.f32 v54, v59  }
0x4c1: {  	v32 =	vmovc v42;
	v42 =	vor.u32 s28, v63;
	v16 =	vunpack.i.l.bf16.f32 v16;
	v26 =	vunpack.i.u.bf16.f32 v0  }
0x4c2: {  	v26 =	vmul.f32 v26, v53;
	v16 =	vadd.f32 v23, v16;
	v27 =	vperm.xlane v4, v36  }
0x4c3: {  	v0 =	vunpack.i.l.bf16.f32 v0  }
0x4c4: {  	v0 =	vadd.f32 v26, v0;
	[tilespmem:v3+s15+$0x0] =	vst.idx.msk $0xffff, v16;
	v3 =	vadd.s32 v5, v27  }
0x4c5: {  	[tilespmem:$0x1F830] =	vst v3  }
0x4c6: {  	[tilespmem:v42+s15+$0x0] =	vst.idx.msk $0xffff, v0  }
0x4c7: {  	v0 =	vld [tilespmem:$0x1F770];
	_ =	sdelay $0x6  }
0x4c8: {  	v26 =	vperm.xlane v7, v36  }
0x4c9: {  	v30 =	vmovc v4;
	v4 =	vperm.xlane v12, v20;
	v27 =	vor.u32 s1, v51;
	v16 =	vld.idx.msk [tilespmem:v0+s12+$0x0], $0xffff;
	v0 =	vunpack.i.u.bf16.f32 v11  }
0x4ca: {  	v2 =	vmovc v43;
	v43 =	vor.u32 s25, v60;
	v34 =	vmovc v7;
	v7 =	vperm.xlane v47, v8;
	v0 =	vmul.f32 v0, v10  }
0x4cb: {  	v4 =	vadd.s32 v13, v4;
	v3 =	vadd.s32 v5, v26;
	v11 =	vunpack.i.l.bf16.f32 v11  }
0x4cc: {  	v23 =	vmovc v47;
	v47 =	vunpack.i.u.bf16.f32 v18;
	v39 =	vld.idx.msk [tilespmem:v39+s12+$0x0], $0xffff;
	[tilespmem:$0x1F8A0] =	vst v3;
	v3 =	vor.u32 s28, v51;
	v0 =	vadd.f32 v0, v11  }
0x4cd: {  	v42 =	vadd.s32 v6, v7;
	[tilespmem:$0x1F8C0] =	vst v3;
	v11 =	vmul.f32 v47, v24  }
0x4ce: {  	v18 =	vunpack.i.l.bf16.f32 v18;
	[tilespmem:v27+s15+$0x0] =	vst.idx.msk $0xffff, v0;
	v0 =	vor.u32 s28, v49  }
0x4cf: {  	v50 =	vperm.xlane v12, v36;
	v11 =	vadd.f32 v11, v18;
	[tilespmem:$0x1F920] =	vst v0  }
0x4d0: {  	v19 =	vmov v44;
	v44 =	vor.u32 s28, v60;
	v60 =	vld.idx.msk [tilespmem:v4+s12+$0x0], $0xffff;
	v4 =	vperm.xlane v62, v36  }
0x4d1: {  	v0 =	vadd.s32 v5, v50;
	[tilespmem:v43+s15+$0x0] =	vst.idx.msk $0xffff, v11  }
0x4d2: {  	v51 =	vperm.xlane v14, v36;
	v42 =	vld.idx.msk [tilespmem:v42+s12+$0x0], $0xffff;
	[tilespmem:$0x1F8E0] =	vst v0;
	v0 =	vadd.s32 v5, v4  }
0x4d3: {  	s0 =	sadd.s32 $0x20, s26;
	[tilespmem:$0x1F940] =	vst v0;
	v0 =	vor.u32 s28, v48  }
0x4d4: {  	v7 =	vmov v45;
	v45 =	vld [tilespmem:s0+$0x0];
	[tilespmem:$0x1F9B0] =	vst v0;
	v0 =	vadd.s32 v5, v51  }
0x4d5: {  	[tilespmem:$0x1F9E0] =	vst v0;
	v0 =	vld [tilespmem:$0x1F780];
	_ =	sdelay $0x1  }
0x4d6: {  	v18 =	vunpack.i.u.bf16.f32 v39  }
0x4d7: {  	v54 =	vunpack.i.u.bf16.f32 v16;
	v18 =	vmul.f32 v18, v53  }
0x4d8: {  	v27 =	vmul.f32 v54, v59;
	v11 =	vunpack.i.l.bf16.f32 v39  }
0x4d9: {  	v16 =	vunpack.i.l.bf16.f32 v16;
	v18 =	vadd.f32 v18, v11  }
0x4da: {  	v54 =	vadd.f32 v27, v16  }
0x4db: {  	[tilespmem:v22+s15+$0x0] =	vst.idx.msk $0xffff, v18  }
0x4dc: {  	[tilespmem:v0+s15+$0x0] =	vst.idx.msk $0xffff, v54  }
0x4dd: {  	v0 =	vld [tilespmem:$0x1F790];
	_ =	sdelay $0x2  }
0x4de: {  	v33 =	vmov v14;
	v14 =	vperm.xlane v62, v20;
	_ =	sdelay $0x1  }
0x4df: {  	v21 =	vmovc v46;
	v46 =	vor.u32 s25, v2;
	v4 =	vmovc v48;
	v48 =	vadd.s32 v13, v14;
	v14 =	vperm.xlane v52, v8  }
0x4e0: {  	v3 =	vlaneseq.u32;
	v39 =	vperm.xlane v9, v36;
	v43 =	vor.u32 s1, v49  }
0x4e1: {  	v18 =	vunpack.i.u.bf16.f32 v60;
	v22 =	vunpack.i.l.bf16.f32 v60;
	v50 =	vadd.s32 v6, v14;
	v41 =	vld.idx.msk [tilespmem:v41+s12+$0x0], $0xffff  }
0x4e2: {  	v35 =	vmovc v12;
	v12 =	vmul.f32 v18, v10;
	v18 =	vunpack.i.u.bf16.f32 v42;
	v47 =	vld.idx.msk [tilespmem:v0+s12+$0x0], $0xffff;
	v0 =	vor.u32 s28, v58  }
0x4e3: {  	v49 =	vmul.f32 v18, v24;
	v18 =	vand.u32 $0xF, v45;
	v54 =	vld [tilespmem:s0+$0xFFFFFFF0];
	[tilespmem:$0x1FAC0] =	vst v0;
	v0 =	vadd.s32 v5, v39  }
0x4e4: {  	v51 =	vadd.f32 v12, v22;
	v12 =	vunpack.i.l.bf16.f32 v42;
	[tilespmem:$0x1FAD0] =	vst v0;
	v0 =	vor.u32 s28, v1  }
0x4e5: {  	v60 =	vperm.xlane v3, v18;
	v49 =	vadd.f32 v49, v12;
	[tilespmem:$0x1FB90] =	vst v0  }
0x4e6: {  	v22 =	vand.u32 $0xFFFFFFF0, v45;
	[tilespmem:v43+s15+$0x0] =	vst.idx.msk $0xffff, v51  }
0x4e7: {  	v36 =	vperm.xlane v15, v36;
	v42 =	vadd.s32 v22, v60;
	[tilespmem:v46+s15+$0x0] =	vst.idx.msk $0xffff, v49;
	v48 =	vld.idx.msk [tilespmem:v48+s12+$0x0], $0xffff  }
0x4e8: {  	v11 =	vmovc v9;
	v9 =	vmovc v52;
	v60 =	vunpack.i.u.bf16.f32 v41;
	v52 =	vunpack.i.u.bf16.f32 v47;
	v51 =	vunpack.i.l.bf16.f32 v47;
	v47 =	vld.idx.msk [tilespmem:v50+s12+$0x0], $0xffff  }
0x4e9: {  	v43 =	vmul.f32 v60, v53  }
0x4ea: {  	v41 =	vunpack.i.l.bf16.f32 v41;
	v0 =	vadd.s32 v5, v36;
	v52 =	vmul.f32 v52, v59  }
0x4eb: {  	v60 =	vperm.xlane v56, v8;
	v41 =	vadd.f32 v43, v41  }
0x4ec: {  	[tilespmem:$0x1FBA0] =	vst v0;
	v45 =	vadd.f32 v52, v51;
	v51 =	vor.u32 s1, v4;
	v50 =	vunpack.i.u.bf16.f32 v48  }
0x4ed: {  	v0 =	vmovc v56;
	[tilespmem:v44+s15+$0x0] =	vst.idx.msk $0xffff, v41;
	v56 =	vunpack.i.u.bf16.f32 v47;
	v41 =	vmul.f32 v50, v10;
	v50 =	vor.u32 s25, v19  }
0x4ee: {  	v48 =	vunpack.i.l.bf16.f32 v48;
	v44 =	vmul.f32 v56, v24  }
0x4ef: {  	v47 =	vunpack.i.l.bf16.f32 v47;
	v41 =	vadd.f32 v41, v48  }
0x4f0: {  	s29 =	sadd.s32 $0x20, s10;
	v42 =	vld.idx.msk [tilespmem:v42+s12+$0x0], $0xffff;
	v44 =	vadd.f32 v44, v47  }
0x4f1: {  	v5 =	vld [tilespmem:s29+$0x0];
	[tilespmem:v51+s15+$0x0] =	vst.idx.msk $0xffff, v41  }
0x4f2: {  	v39 =	vand.u32 $0xF, v54;
	v49 =	vperm.xlane v33, v20;
	v40 =	vld.idx.msk [tilespmem:v40+s12+$0x0], $0xffff;
	[tilespmem:v50+s15+$0x0] =	vst.idx.msk $0xffff, v44  }
0x4f3: {  	v14 =	vmovc v17;
	v36 =	vand.u32 $0xFFFFFFF0, v54;
	v54 =	vadd.s32 v6, v60;
	v44 =	vperm.xlane v17, v39;
	v17 =	vld [tilespmem:$0x1FFB0]  }
0x4f4: {  	s26 =	simm.s32 $0x500;
	v49 =	vadd.s32 v13, v49;
	v60 =	vperm.xlane v57, v18  }
0x4f5: {  	v52 =	vunpack.i.u.bf16.f32 v42;
	v56 =	vor.u32 s26, v29  }
0x4f6: {  	v25 =	vor.u32 s28, v2;
	v47 =	vmul.f32 v52, v5;
	v48 =	vadd.s32 v22, v60  }
0x4f7: {  	v46 =	vperm.xlane v57, v39;
	v43 =	vperm.xlane v3, v39;
	v42 =	vunpack.i.l.bf16.f32 v42  }
0x4f8: {  	v57 =	vunpack.i.u.bf16.f32 v40;
	v42 =	vadd.f32 v47, v42;
	v41 =	vld.idx.msk [tilespmem:v54+s12+$0x0], $0xffff;
	v60 =	vor.u32 s28, v17  }
0x4f9: {  	v3 =	vmov v38;
	v43 =	vadd.s32 v36, v43;
	v57 =	vmul.f32 v57, v53;
	v49 =	vld.idx.msk [tilespmem:v49+s12+$0x0], $0xffff;
	[tilespmem:$0x1F7A0] =	vst v60  }
0x4fa: {  	v40 =	vunpack.i.l.bf16.f32 v40;
	v50 =	vperm.xlane v38, v39;
	v38 =	vperm.xlane v23, v39;
	[tilespmem:v56+s15+$0x0] =	vst.idx.msk $0xffff, v42  }
0x4fb: {  	v16 =	vmovc v58;
	v27 =	vmov v2;
	v58 =	vperm.xlane v28, v18;
	v40 =	vadd.f32 v57, v40;
	v48 =	vld.idx.msk [tilespmem:v48+s12+$0x0], $0xffff  }
0x4fc: {  	v2 =	vmovc v1;
	v47 =	vadd.s32 v36, v44;
	v44 =	vadd.s32 v36, v50;
	v1 =	vadd.s32 v36, v38  }
0x4fd: {  	v50 =	vperm.xlane v11, v20;
	v38 =	vunpack.i.u.bf16.f32 v41;
	v60 =	vperm.xlane v32, v8  }
0x4fe: {  	v57 =	vor.u32 s25, v7;
	v20 =	vperm.xlane v15, v20;
	v54 =	vmul.f32 v38, v24;
	[tilespmem:$0x1F870] =	vst v1  }
0x4ff: {  	v41 =	vunpack.i.l.bf16.f32 v41;
	v56 =	vunpack.i.u.bf16.f32 v49;
	v51 =	vadd.s32 v6, v60;
	v43 =	vld.idx.msk [tilespmem:v43+s12+$0x0], $0xffff  }
0x500: {  	v38 =	vadd.f32 v54, v41;
	v41 =	vor.u32 s26, v61;
	v52 =	vld [tilespmem:s29+$0xFFFFFFF0];
	v60 =	vunpack.i.u.bf16.f32 v48  }
0x501: {  	v54 =	vmul.f32 v56, v10;
	[tilespmem:v25+s15+$0x0] =	vst.idx.msk $0xffff, v40;
	v40 =	vmul.f32 v60, v5  }
0x502: {  	v56 =	vadd.s32 v22, v58;
	v58 =	vperm.xlane v9, v39;
	v48 =	vunpack.i.l.bf16.f32 v48  }
0x503: {  	v31 =	vor.u32 s28, v19;
	s28 =	simm.s32 $0x400;
	v37 =	vld.idx.msk [tilespmem:v37+s12+$0x0], $0xffff;
	[tilespmem:v57+s15+$0x0] =	vst.idx.msk $0xffff, v38;
	v60 =	vor.u32 s1, v16;
	v40 =	vadd.f32 v40, v48  }
0x504: {  	v38 =	vadd.s32 v13, v50;
	v50 =	vld.idx.msk [tilespmem:v51+s12+$0x0], $0xffff;
	v51 =	vor.u32 s28, v29;
	v57 =	vunpack.i.u.bf16.f32 v43  }
0x505: {  	v49 =	vunpack.i.l.bf16.f32 v49;
	v48 =	vmul.f32 v57, v52;
	v57 =	vperm.xlane v0, v39;
	[tilespmem:v41+s15+$0x0] =	vst.idx.msk $0xffff, v40  }
0x506: {  	v41 =	vmovc v0;
	v40 =	vunpack.i.l.bf16.f32 v43;
	v43 =	vadd.f32 v54, v49;
	v0 =	vadd.s32 v36, v58  }
0x507: {  	[tilespmem:$0x1F880] =	vst v0;
	v40 =	vadd.f32 v48, v40  }
0x508: {  	v46 =	vadd.s32 v36, v46;
	v13 =	vadd.s32 v13, v20;
	[tilespmem:v60+s15+$0x0] =	vst.idx.msk $0xffff, v43;
	v60 =	vunpack.i.u.bf16.f32 v37  }
0x509: {  	v20 =	vunpack.i.u.bf16.f32 v50;
	v43 =	vmul.f32 v60, v53;
	[tilespmem:v51+s15+$0x0] =	vst.idx.msk $0xffff, v40;
	v40 =	vor.u32 s25, v21  }
0x50a: {  	v20 =	vmul.f32 v20, v24;
	v37 =	vunpack.i.l.bf16.f32 v37  }
0x50b: {  	v49 =	vperm.xlane v32, v39;
	v32 =	vunpack.i.l.bf16.f32 v50;
	v48 =	vld.idx.msk [tilespmem:v56+s12+$0x0], $0xffff;
	v37 =	vadd.f32 v43, v37  }
0x50c: {  	v54 =	vor.u32 s28, v61;
	v61 =	vperm.xlane v30, v8;
	v20 =	vadd.f32 v20, v32  }
0x50d: {  	v38 =	vld.idx.msk [tilespmem:v38+s12+$0x0], $0xffff;
	[tilespmem:v31+s15+$0x0] =	vst.idx.msk $0xffff, v37  }
0x50e: {  	v51 =	vld.idx.msk [tilespmem:v46+s12+$0x0], $0xffff;
	v43 =	vadd.s32 v6, v61;
	[tilespmem:v40+s15+$0x0] =	vst.idx.msk $0xffff, v20  }
0x50f: {  	v60 =	vperm.xlane v14, v18;
	v1 =	vld [tilespmem:$0x1F7B0]  }
0x510: {  	v58 =	vor.u32 s26, v63;
	v61 =	vunpack.i.u.bf16.f32 v48  }
0x511: {  	v50 =	vadd.s32 v22, v60;
	v46 =	vmul.f32 v61, v5;
	v31 =	vld [tilespmem:$0x1FE80]  }
0x512: {  	v60 =	vor.u32 s1, v2;
	v32 =	vunpack.i.u.bf16.f32 v38;
	v61 =	vunpack.i.l.bf16.f32 v48  }
0x513: {  	v20 =	vmul.f32 v32, v10;
	v56 =	vld.idx.msk [tilespmem:v43+s12+$0x0], $0xffff;
	v43 =	vadd.f32 v46, v61  }
0x514: {  	v32 =	vunpack.i.l.bf16.f32 v38;
	v37 =	vunpack.i.u.bf16.f32 v51  }
0x515: {  	v4 =	vmov v7;
	v7 =	vld [tilespmem:$0x1FF00];
	v20 =	vadd.f32 v20, v32;
	v32 =	vmul.f32 v37, v52;
	[tilespmem:v58+s15+$0x0] =	vst.idx.msk $0xffff, v43  }
0x516: {  	v0 =	vadd.s32 v36, v49;
	v50 =	vld.idx.msk [tilespmem:v50+s12+$0x0], $0xffff;
	v46 =	vor.u32 s28, v31;
	v31 =	vunpack.i.l.bf16.f32 v51  }
0x517: {  	[tilespmem:v60+s15+$0x0] =	vst.idx.msk $0xffff, v20;
	v20 =	vadd.f32 v32, v31;
	v31 =	vperm.xlane v30, v39;
	v37 =	vld.idx.msk [tilespmem:v1+s12+$0x0], $0xffff  }
0x518: {  	v43 =	vor.u32 s28, v27;
	v1 =	vmov v27;
	v27 =	vld [tilespmem:$0x1FE80];
	[tilespmem:$0x1F8B0] =	vst v0  }
0x519: {  	v0 =	vadd.s32 v36, v31;
	v13 =	vld.idx.msk [tilespmem:v13+s12+$0x0], $0xffff;
	[tilespmem:v54+s15+$0x0] =	vst.idx.msk $0xffff, v20  }
0x51a: {  	[tilespmem:$0x1F900] =	vst v0;
	v0 =	vld [tilespmem:$0x1F7C0];
	_ =	sdelay $0x7  }
0x51b: {  	v12 =	vmov v55;
	v55 =	vperm.xlane v28, v39;
	[tilespmem:v0+s15+$0x0] =	vst.idx.msk $0xffff, v45  }
0x51c: {  	v0 =	vld [tilespmem:$0x1F7D0]  }
0x51d: {  	v55 =	vadd.s32 v36, v55;
	v38 =	vadd.s32 v36, v57  }
0x51e: {  	v51 =	vor.u32 s25, v12;
	v20 =	vperm.xlane v34, v8;
	v54 =	vunpack.i.u.bf16.f32 v56  }
0x51f: {  	v58 =	vunpack.i.l.bf16.f32 v56;
	v56 =	vor.u32 s26, v7;
	v49 =	vmul.f32 v54, v24  }
0x520: {  	v54 =	vunpack.i.u.bf16.f32 v50;
	v50 =	vunpack.i.l.bf16.f32 v50;
	v20 =	vadd.s32 v6, v20  }
0x521: {  	v54 =	vmul.f32 v54, v5;
	v49 =	vadd.f32 v49, v58;
	v57 =	vunpack.i.u.bf16.f32 v37  }
0x522: {  	v45 =	vmul.f32 v57, v53;
	v57 =	vperm.xlane v34, v39;
	v34 =	vunpack.i.u.bf16.f32 v13  }
0x523: {  	v26 =	vmov v29;
	v29 =	vld.idx.msk [tilespmem:v55+s12+$0x0], $0xffff;
	v50 =	vadd.f32 v54, v50;
	v10 =	vmul.f32 v34, v10  }
0x524: {  	v13 =	vunpack.i.l.bf16.f32 v13;
	[tilespmem:v51+s15+$0x0] =	vst.idx.msk $0xffff, v49;
	v28 =	vld.idx.msk [tilespmem:v0+s12+$0x0], $0xffff;
	v0 =	vadd.s32 v36, v57  }
0x525: {  	v54 =	vld.idx.msk [tilespmem:v20+s12+$0x0], $0xffff;
	[tilespmem:$0x1F990] =	vst v0;
	v0 =	vadd.f32 v10, v13  }
0x526: {  	[tilespmem:v56+s15+$0x0] =	vst.idx.msk $0xffff, v50  }
0x527: {  	[tilespmem:$0x1FBF0] =	vst v0;
	v0 =	vld [tilespmem:$0x1F7E0];
	_ =	sdelay $0x1  }
0x528: {  	v48 =	vor.u32 s28, v63;
	v58 =	vunpack.i.u.bf16.f32 v29  }
0x529: {  	v49 =	vmul.f32 v58, v52  }
0x52a: {  	v29 =	vunpack.i.l.bf16.f32 v29  }
0x52b: {  	v37 =	vunpack.i.l.bf16.f32 v37;
	v29 =	vadd.f32 v49, v29  }
0x52c: {  	v45 =	vadd.f32 v45, v37  }
0x52d: {  	v56 =	vld [tilespmem:$0x1FE20];
	[tilespmem:v48+s15+$0x0] =	vst.idx.msk $0xffff, v29  }
0x52e: {  	v55 =	vperm.xlane v3, v18;
	[tilespmem:v0+s15+$0x0] =	vst.idx.msk $0xffff, v45  }
0x52f: {  	v0 =	vld [tilespmem:$0x1F7F0]  }
0x530: {  	v55 =	vadd.s32 v22, v55;
	_ =	sdelay $0x4  }
0x531: {  	v13 =	vperm.xlane v35, v39;
	v34 =	vunpack.i.u.bf16.f32 v28;
	v10 =	vunpack.i.l.bf16.f32 v28;
	v28 =	vld.idx.msk [tilespmem:v55+s12+$0x0], $0xffff  }
0x532: {  	v57 =	vmov v35;
	v50 =	vperm.xlane v35, v8;
	v35 =	vld.idx.msk [tilespmem:v47+s12+$0x0], $0xffff  }
0x533: {  	v29 =	vld.idx.msk [tilespmem:v0+s12+$0x0], $0xffff;
	v0 =	vadd.s32 v36, v13  }
0x534: {  	[tilespmem:$0x1FA30] =	vst v0;
	v0 =	vld [tilespmem:$0x1F800];
	_ =	sdelay $0x3  }
0x535: {  	v51 =	vmul.f32 v34, v59;
	_ =	sdelay $0x1  }
0x536: {  	v61 =	vor.u32 s28, v7;
	v10 =	vadd.f32 v51, v10;
	v7 =	vld [tilespmem:$0x1FF80];
	_ =	sdelay $0x1  }
0x537: {  	[tilespmem:v0+s15+$0x0] =	vst.idx.msk $0xffff, v10  }
0x538: {  	v0 =	vld [tilespmem:$0x1F810];
	_ =	sdelay $0x1  }
0x539: {  	v55 =	vunpack.i.u.bf16.f32 v54;
	v47 =	vor.u32 s25, v7  }
0x53a: {  	v45 =	vmul.f32 v55, v24  }
0x53b: {  	v58 =	vunpack.i.l.bf16.f32 v54;
	v34 =	vadd.s32 v6, v50  }
0x53c: {  	v42 =	vmovc v9;
	v9 =	vmovc v21;
	v21 =	vunpack.i.u.bf16.f32 v28;
	v10 =	vadd.f32 v45, v58;
	v45 =	vor.u32 s26, v27  }
0x53d: {  	v48 =	vperm.xlane v62, v39;
	v21 =	vmul.f32 v21, v5  }
0x53e: {  	[tilespmem:v47+s15+$0x0] =	vst.idx.msk $0xffff, v10;
	v10 =	vunpack.i.l.bf16.f32 v28  }
0x53f: {  	v21 =	vadd.f32 v21, v10;
	v49 =	vld.idx.msk [tilespmem:v0+s12+$0x0], $0xffff;
	v0 =	vadd.s32 v36, v48  }
0x540: {  	v51 =	vperm.xlane v33, v39;
	v34 =	vld.idx.msk [tilespmem:v34+s12+$0x0], $0xffff;
	[tilespmem:$0x1FA90] =	vst v0  }
0x541: {  	v0 =	vor.u32 s28, v12;
	[tilespmem:v45+s15+$0x0] =	vst.idx.msk $0xffff, v21  }
0x542: {  	[tilespmem:$0x1F980] =	vst v0;
	v0 =	vadd.s32 v36, v51  }
0x543: {  	[tilespmem:$0x1FB50] =	vst v0;
	v0 =	vld [tilespmem:$0x1F820];
	_ =	sdelay $0x1  }
0x544: {  	v55 =	vunpack.i.u.bf16.f32 v35  }
0x545: {  	v25 =	vunpack.i.u.bf16.f32 v29;
	v47 =	vmul.f32 v55, v52  }
0x546: {  	v35 =	vunpack.i.l.bf16.f32 v35;
	v25 =	vmul.f32 v25, v53  }
0x547: {  	v28 =	vunpack.i.l.bf16.f32 v29;
	v35 =	vadd.f32 v47, v35  }
0x548: {  	v58 =	vadd.f32 v25, v28  }
0x549: {  	[tilespmem:v61+s15+$0x0] =	vst.idx.msk $0xffff, v35  }
0x54a: {  	[tilespmem:v0+s15+$0x0] =	vst.idx.msk $0xffff, v58  }
0x54b: {  	v0 =	vld [tilespmem:$0x1F830];
	_ =	sdelay $0x6  }
0x54c: {  	v54 =	vperm.xlane v23, v18  }
0x54d: {  	v55 =	vmov v33;
	v33 =	vld.idx.msk [tilespmem:v0+s12+$0x0], $0xffff  }
0x54e: {  	v50 =	vadd.s32 v22, v54;
	v54 =	vunpack.i.u.bf16.f32 v34;
	v0 =	vld [tilespmem:$0x1F840]  }
0x54f: {  	v58 =	vmul.f32 v54, v24;
	v54 =	vld [tilespmem:$0x1FD10];
	_ =	sdelay $0x1  }
0x550: {  	v11 =	vmovc v15;
	v15 =	vmov v4;
	v37 =	vor.u32 s28, v4;
	v21 =	vunpack.i.u.bf16.f32 v49;
	v4 =	vld [tilespmem:$0x1FFA0]  }
0x551: {  	v61 =	vperm.xlane v62, v8;
	v21 =	vmul.f32 v21, v59  }
0x552: {  	v32 =	vmov v30;
	v62 =	vunpack.i.l.bf16.f32 v49  }
0x553: {  	s5 =	sadd.s32 $0x20, s0;
	v30 =	vld.idx.msk [tilespmem:v50+s12+$0x0], $0xffff;
	v35 =	vadd.s32 v6, v61;
	v21 =	vadd.f32 v21, v62;
	v61 =	vperm.xlane v54, v39  }
0x554: {  	v47 =	vld [tilespmem:s5+$0x0]  }
0x555: {  	v44 =	vld.idx.msk [tilespmem:v44+s12+$0x0], $0xffff;
	v48 =	vor.u32 s25, v4;
	[tilespmem:v0+s15+$0x0] =	vst.idx.msk $0xffff, v21;
	v0 =	vadd.s32 v36, v61  }
0x556: {  	[tilespmem:$0x1FC60] =	vst v0;
	v0 =	vld [tilespmem:$0x1F850]  }
0x557: {  	v29 =	vor.u32 s28, v9;
	v34 =	vunpack.i.l.bf16.f32 v34  }
0x558: {  	v13 =	vmovc v9;
	v9 =	vadd.f32 v58, v34;
	v34 =	vor.u32 s26, v1;
	v21 =	vunpack.i.u.bf16.f32 v30  }
0x559: {  	v21 =	vmul.f32 v21, v5  }
0x55a: {  	[tilespmem:v48+s15+$0x0] =	vst.idx.msk $0xffff, v9;
	v9 =	vunpack.i.l.bf16.f32 v30  }
0x55b: {  	v39 =	vperm.xlane v11, v39;
	v30 =	vunpack.i.u.bf16.f32 v44;
	v9 =	vadd.f32 v21, v9  }
0x55c: {  	v50 =	vld [tilespmem:s5+$0xFFFFFFF0];
	v30 =	vmul.f32 v30, v52  }
0x55d: {  	v48 =	vld.idx.msk [tilespmem:v35+s12+$0x0], $0xffff;
	v35 =	vunpack.i.l.bf16.f32 v44;
	[tilespmem:v34+s15+$0x0] =	vst.idx.msk $0xffff, v9;
	v9 =	vadd.s32 v36, v39  }
0x55e: {  	v40 =	vor.u32 s28, v19;
	v60 =	vmov v19;
	v19 =	vld.idx.msk [tilespmem:v0+s12+$0x0], $0xffff;
	[tilespmem:$0x1F860] =	vst v9;
	v9 =	vadd.f32 v30, v35  }
0x55f: {  	v62 =	vperm.xlane v42, v18  }
0x560: {  	[tilespmem:v46+s15+$0x0] =	vst.idx.msk $0xffff, v9  }
0x561: {  	v14 =	vmov v2;
	v45 =	vadd.s32 v22, v62;
	v2 =	vld [tilespmem:$0x1F870];
	_ =	sdelay $0x1  }
0x562: {  	v61 =	vand.u32 $0xF, v47;
	v0 =	vlaneseq.u32  }
0x563: {  	v31 =	vmovc v3;
	v3 =	vmovc v42;
	v42 =	vunpack.i.u.bf16.f32 v33;
	v21 =	vunpack.i.l.bf16.f32 v33;
	v33 =	vperm.xlane v0, v61  }
0x564: {  	v62 =	vand.u32 $0xFFFFFFF0, v47;
	v28 =	vld [tilespmem:$0x1FF90]  }
0x565: {  	v34 =	vld.idx.msk [tilespmem:v45+s12+$0x0], $0xffff;
	v30 =	vadd.s32 v62, v33  }
0x566: {  	v49 =	vor.u32 s26, v60;
	v51 =	vmul.f32 v42, v53;
	v35 =	vand.u32 $0xF, v50  }
0x567: {  	v45 =	vperm.xlane v0, v35;
	v9 =	vunpack.i.u.bf16.f32 v48;
	v46 =	vperm.xlane v41, v18  }
0x568: {  	v33 =	vadd.f32 v51, v21;
	v21 =	vperm.xlane v55, v8;
	v9 =	vmul.f32 v9, v24;
	v42 =	vld.idx.msk [tilespmem:v2+s12+$0x0], $0xffff  }
0x569: {  	v46 =	vadd.s32 v22, v46;
	v36 =	vunpack.i.u.bf16.f32 v19;
	v39 =	vor.u32 s25, v28  }
0x56a: {  	s24 =	sadd.s32 $0x20, s29;
	v25 =	vmovc v41;
	v44 =	vadd.s32 v6, v21;
	v21 =	vunpack.i.l.bf16.f32 v48;
	v41 =	vunpack.i.u.bf16.f32 v34;
	v30 =	vld.idx.msk [tilespmem:v30+s12+$0x0], $0xffff  }
0x56b: {  	v19 =	vunpack.i.l.bf16.f32 v19;
	v47 =	vadd.f32 v9, v21;
	v21 =	vld [tilespmem:s24+$0x0];
	v48 =	vmul.f32 v41, v5  }
0x56c: {  	v9 =	vand.u32 $0xFFFFFFF0, v50;
	v36 =	vmul.f32 v36, v59;
	v34 =	vunpack.i.l.bf16.f32 v34  }
0x56d: {  	v45 =	vadd.s32 v9, v45;
	v34 =	vadd.f32 v48, v34;
	v60 =	vunpack.i.u.bf16.f32 v42  }
0x56e: {  	s29 =	simm.s32 $0x700;
	[tilespmem:v39+s15+$0x0] =	vst.idx.msk $0xffff, v47;
	v39 =	vadd.f32 v36, v19;
	v19 =	vmul.f32 v60, v52  }
0x56f: {  	v50 =	vor.u32 s29, v26;
	v41 =	vunpack.i.u.bf16.f32 v30;
	v44 =	vld.idx.msk [tilespmem:v44+s12+$0x0], $0xffff;
	v42 =	vunpack.i.l.bf16.f32 v42  }
0x570: {  	v51 =	vld [tilespmem:s24+$0xFFFFFFF0];
	[tilespmem:v49+s15+$0x0] =	vst.idx.msk $0xffff, v34;
	v34 =	vmul.f32 v41, v21;
	v19 =	vadd.f32 v19, v42  }
0x571: {  	v30 =	vunpack.i.l.bf16.f32 v30;
	v42 =	vld.idx.msk [tilespmem:v46+s12+$0x0], $0xffff  }
0x572: {  	v0 =	vor.u32 s1, v17;
	v20 =	vld [tilespmem:$0x1FFD0];
	v30 =	vadd.f32 v34, v30;
	v60 =	vperm.xlane v56, v61;
	[tilespmem:v43+s15+$0x0] =	vst.idx.msk $0xffff, v19  }
0x573: {  	v48 =	vor.u32 s26, v15;
	v45 =	vld.idx.msk [tilespmem:v45+s12+$0x0], $0xffff;
	v47 =	vperm.xlane v56, v35;
	[tilespmem:$0x1FC00] =	vst v0  }
0x574: {  	v36 =	vadd.s32 v62, v60;
	v60 =	vperm.xlane v54, v8;
	v19 =	vunpack.i.u.bf16.f32 v44;
	v0 =	vld [tilespmem:$0x1F880];
	[tilespmem:v50+s15+$0x0] =	vst.idx.msk $0xffff, v30  }
0x575: {  	v58 =	vmovc v1;
	v1 =	vmovc v11;
	v34 =	vadd.s32 v9, v47;
	v43 =	vor.u32 s25, v16;
	v19 =	vmul.f32 v19, v24;
	v11 =	vld [tilespmem:$0x1FFC0]  }
0x576: {  	v47 =	vadd.s32 v6, v60;
	v44 =	vunpack.i.l.bf16.f32 v44;
	v60 =	vunpack.i.u.bf16.f32 v42  }
0x577: {  	v19 =	vadd.f32 v19, v44;
	v44 =	vmul.f32 v60, v5  }
0x578: {  	v42 =	vunpack.i.l.bf16.f32 v42  }
0x579: {  	v60 =	vunpack.i.u.bf16.f32 v45;
	v42 =	vadd.f32 v44, v42  }
0x57a: {  	[tilespmem:v43+s15+$0x0] =	vst.idx.msk $0xffff, v19;
	v19 =	vmul.f32 v60, v51;
	v30 =	vperm.xlane v11, v18  }
0x57b: {  	v46 =	vperm.xlane v20, v35;
	v36 =	vld.idx.msk [tilespmem:v36+s12+$0x0], $0xffff;
	v45 =	vunpack.i.l.bf16.f32 v45;
	[tilespmem:v48+s15+$0x0] =	vst.idx.msk $0xffff, v42  }
0x57c: {  	v44 =	vadd.f32 v19, v45;
	v19 =	vperm.xlane v20, v61;
	v48 =	vld [tilespmem:$0x1FE30];
	v30 =	vadd.s32 v22, v30  }
0x57d: {  	s1 =	simm.s32 $0x600;
	v41 =	vld.idx.msk [tilespmem:v0+s12+$0x0], $0xffff  }
0x57e: {  	v8 =	vperm.xlane v1, v8;
	v43 =	vadd.s32 v9, v46;
	v46 =	vor.u32 s1, v26;
	v47 =	vld.idx.msk [tilespmem:v47+s12+$0x0], $0xffff;
	_ =	sdelay $0x1  }
0x57f: {  	v6 =	vadd.s32 v6, v8;
	v49 =	vadd.s32 v62, v19;
	v19 =	vmovc v1;
	v1 =	vor.u32 s28, v7  }
0x580: {  	v60 =	vunpack.i.u.bf16.f32 v36;
	v48 =	vor.u32 s29, v48;
	v50 =	vld.idx.msk [tilespmem:v30+s12+$0x0], $0xffff;
	[tilespmem:$0x1FA20] =	vst v1;
	v1 =	vor.u32 s28, v4  }
0x581: {  	v8 =	vor.u32 s25, v14;
	v42 =	vmul.f32 v60, v21;
	v45 =	vunpack.i.u.bf16.f32 v41;
	[tilespmem:$0x1FA80] =	vst v1  }
0x582: {  	v36 =	vunpack.i.l.bf16.f32 v36;
	v60 =	vmul.f32 v45, v52;
	[tilespmem:v46+s15+$0x0] =	vst.idx.msk $0xffff, v44;
	v46 =	vunpack.i.u.bf16.f32 v47  }
0x583: {  	v36 =	vadd.f32 v42, v36;
	v41 =	vunpack.i.l.bf16.f32 v41;
	v42 =	vmul.f32 v46, v24  }
0x584: {  	v41 =	vadd.f32 v60, v41;
	v60 =	vunpack.i.l.bf16.f32 v47  }
0x585: {  	v34 =	vld.idx.msk [tilespmem:v34+s12+$0x0], $0xffff;
	[tilespmem:v48+s15+$0x0] =	vst.idx.msk $0xffff, v36;
	v42 =	vadd.f32 v42, v60  }
0x586: {  	v30 =	vld [tilespmem:$0x1FCE0];
	[tilespmem:v40+s15+$0x0] =	vst.idx.msk $0xffff, v41  }
0x587: {  	v46 =	vor.u32 s26, v13;
	v44 =	vld.idx.msk [tilespmem:v49+s12+$0x0], $0xffff;
	v49 =	vunpack.i.u.bf16.f32 v50;
	[tilespmem:v8+s15+$0x0] =	vst.idx.msk $0xffff, v42  }
0x588: {  	v45 =	vmul.f32 v49, v5;
	v40 =	vld [tilespmem:$0x1FE30]  }
0x589: {  	v48 =	vperm.xlane v32, v18;
	v60 =	vunpack.i.l.bf16.f32 v50  }
0x58a: {  	v42 =	vadd.f32 v45, v60  }
0x58b: {  	v36 =	vadd.s32 v22, v48;
	v48 =	vunpack.i.u.bf16.f32 v34  }
0x58c: {  	v60 =	vmul.f32 v48, v51;
	[tilespmem:v46+s15+$0x0] =	vst.idx.msk $0xffff, v42;
	v48 =	vunpack.i.u.bf16.f32 v44;
	v46 =	vor.u32 s29, v63  }
0x58d: {  	v41 =	vmul.f32 v48, v21;
	v40 =	vor.u32 s1, v40  }
0x58e: {  	v44 =	vunpack.i.l.bf16.f32 v44  }
0x58f: {  	v34 =	vunpack.i.l.bf16.f32 v34;
	v41 =	vadd.f32 v41, v44  }
0x590: {  	v34 =	vadd.f32 v60, v34  }
0x591: {  	[tilespmem:v46+s15+$0x0] =	vst.idx.msk $0xffff, v41  }
0x592: {  	[tilespmem:v40+s15+$0x0] =	vst.idx.msk $0xffff, v34  }
0x593: {  	v0 =	vmov v7;
	v7 =	vld [tilespmem:$0x1F890];
	_ =	sdelay $0x5  }
0x594: {  	v6 =	vld.idx.msk [tilespmem:v6+s12+$0x0], $0xffff  }
0x595: {  	v50 =	vperm.xlane v23, v35;
	v45 =	vld.idx.msk [tilespmem:v38+s12+$0x0], $0xffff  }
0x596: {  	v15 =	vmov v31;
	v49 =	vperm.xlane v31, v35;
	v47 =	vperm.xlane v30, v35;
	v31 =	vld [tilespmem:$0x1FCF0];
	[tilespmem:v7+s15+$0x0] =	vst.idx.msk $0xffff, v33  }
0x597: {  	v1 =	vmov v3;
	v38 =	vperm.xlane v30, v61;
	v60 =	vperm.xlane v3, v35;
	v3 =	vld [tilespmem:$0x1F8A0]  }
0x598: {  	v8 =	vadd.s32 v9, v47;
	v47 =	vadd.s32 v9, v49;
	v49 =	vld.idx.msk [tilespmem:v36+s12+$0x0], $0xffff  }
0x599: {  	v48 =	vadd.s32 v62, v38;
	v38 =	vadd.s32 v9, v50  }
0x59a: {  	v44 =	vperm.xlane v25, v35;
	v36 =	vadd.s32 v9, v60;
	v60 =	vunpack.i.u.bf16.f32 v6  }
0x59b: {  	v50 =	vunpack.i.u.bf16.f32 v45;
	v41 =	vor.u32 s1, v63;
	v46 =	vmul.f32 v60, v24;
	v42 =	vld.idx.msk [tilespmem:v43+s12+$0x0], $0xffff  }
0x59c: {  	v60 =	vadd.s32 v9, v44;
	v24 =	vperm.xlane v32, v35;
	v43 =	vmul.f32 v50, v52  }
0x59d: {  	v10 =	vmovc v12;
	v44 =	vunpack.i.l.bf16.f32 v45;
	v40 =	vperm.xlane v11, v35;
	v34 =	vmovc v32;
	v32 =	vunpack.i.u.bf16.f32 v49  }
0x59e: {  	v2 =	vmovc v23;
	v45 =	vld.idx.msk [tilespmem:v48+s12+$0x0], $0xffff;
	v23 =	vadd.f32 v43, v44;
	v43 =	vor.u32 s26, v10;
	v33 =	vmul.f32 v32, v5  }
0x59f: {  	v48 =	vperm.xlane v31, v18;
	v32 =	vunpack.i.l.bf16.f32 v49;
	v7 =	vld.idx.msk [tilespmem:v3+s12+$0x0], $0xffff;
	v3 =	vadd.s32 v9, v40  }
0x5a0: {  	v44 =	vadd.f32 v33, v32;
	v33 =	vunpack.i.u.bf16.f32 v42;
	[tilespmem:$0x1F9D0] =	vst v3;
	v3 =	vadd.s32 v9, v24  }
0x5a1: {  	v40 =	vadd.s32 v22, v48;
	v48 =	vmul.f32 v33, v51;
	[tilespmem:$0x1FA60] =	vst v3;
	v3 =	vld [tilespmem:$0x1FF00]  }
0x5a2: {  	[tilespmem:v37+s15+$0x0] =	vst.idx.msk $0xffff, v23;
	v23 =	vunpack.i.l.bf16.f32 v42  }
0x5a3: {  	v23 =	vadd.f32 v48, v23  }
0x5a4: {  	[tilespmem:v43+s15+$0x0] =	vst.idx.msk $0xffff, v44  }
0x5a5: {  	[tilespmem:v41+s15+$0x0] =	vst.idx.msk $0xffff, v23  }
0x5a6: {  	v49 =	vor.u32 s1, v3;
	v43 =	vor.u32 s29, v3;
	v3 =	vld [tilespmem:$0x1F8B0];
	_ =	sdelay $0x4  }
0x5a7: {  	v32 =	vperm.xlane v15, v61  }
0x5a8: {  	v44 =	vperm.xlane v31, v35  }
0x5a9: {  	v37 =	vadd.s32 v62, v32;
	v32 =	vunpack.i.u.bf16.f32 v7  }
0x5aa: {  	v6 =	vunpack.i.l.bf16.f32 v6;
	v41 =	vmul.f32 v32, v53;
	v32 =	vld.idx.msk [tilespmem:v3+s12+$0x0], $0xffff;
	v3 =	vadd.s32 v9, v44  }
0x5ab: {  	v33 =	vunpack.i.u.bf16.f32 v45;
	v40 =	vld.idx.msk [tilespmem:v40+s12+$0x0], $0xffff;
	[tilespmem:$0x1FB00] =	vst v3;
	v3 =	vadd.f32 v46, v6  }
0x5ac: {  	v42 =	vmul.f32 v33, v21;
	v48 =	vperm.xlane v57, v35  }
0x5ad: {  	v7 =	vunpack.i.l.bf16.f32 v7;
	v23 =	vunpack.i.l.bf16.f32 v45;
	[tilespmem:$0x1FC10] =	vst v3  }
0x5ae: {  	v42 =	vadd.f32 v42, v23;
	v6 =	vadd.f32 v41, v7;
	v41 =	vld.idx.msk [tilespmem:v8+s12+$0x0], $0xffff;
	v8 =	vadd.s32 v9, v48  }
0x5af: {  	[tilespmem:$0x1FB70] =	vst v8  }
0x5b0: {  	v48 =	vld [tilespmem:$0x1FDD0];
	[tilespmem:v43+s15+$0x0] =	vst.idx.msk $0xffff, v42  }
0x5b1: {  	v8 =	vld [tilespmem:$0x1F8C0];
	_ =	sdelay $0x5  }
0x5b2: {  	v44 =	vperm.xlane v48, v35;
	_ =	sdelay $0x1  }
0x5b3: {  	v43 =	vor.u32 s26, v0;
	v26 =	vld.idx.msk [tilespmem:v37+s12+$0x0], $0xffff;
	v0 =	vadd.s32 v9, v44;
	[tilespmem:v8+s15+$0x0] =	vst.idx.msk $0xffff, v6  }
0x5b4: {  	[tilespmem:$0x1FBE0] =	vst v0;
	v0 =	vld [tilespmem:$0x1F8D0];
	_ =	sdelay $0x7  }
0x5b5: {  	[tilespmem:v0+s15+$0x0] =	vst.idx.msk $0xffff, v39  }
0x5b6: {  	v0 =	vld [tilespmem:$0x1F8E0];
	_ =	sdelay $0x7  }
0x5b7: {  	v50 =	vor.u32 s1, v27;
	v10 =	vmov v27;
	v27 =	vld.idx.msk [tilespmem:v0+s12+$0x0], $0xffff  }
0x5b8: {  	v0 =	vld [tilespmem:$0x1F8F0]  }
0x5b9: {  	v48 =	vunpack.i.u.bf16.f32 v40  }
0x5ba: {  	v37 =	vperm.xlane v57, v18;
	v57 =	vunpack.i.u.bf16.f32 v32;
	v42 =	vmul.f32 v48, v5  }
0x5bb: {  	v40 =	vunpack.i.l.bf16.f32 v40;
	v48 =	vunpack.i.u.bf16.f32 v41;
	v39 =	vmul.f32 v57, v52  }
0x5bc: {  	v32 =	vunpack.i.l.bf16.f32 v32;
	v44 =	vmul.f32 v48, v51;
	v40 =	vadd.f32 v42, v40  }
0x5bd: {  	v41 =	vunpack.i.l.bf16.f32 v41;
	v32 =	vadd.f32 v39, v32  }
0x5be: {  	v41 =	vadd.f32 v44, v41;
	[tilespmem:v43+s15+$0x0] =	vst.idx.msk $0xffff, v40  }
0x5bf: {  	[tilespmem:v29+s15+$0x0] =	vst.idx.msk $0xffff, v32  }
0x5c0: {  	[tilespmem:v49+s15+$0x0] =	vst.idx.msk $0xffff, v41;
	v17 =	vld.idx.msk [tilespmem:v0+s12+$0x0], $0xffff  }
0x5c1: {  	v0 =	vld [tilespmem:$0x1F900]  }
0x5c2: {  	v37 =	vadd.s32 v22, v37;
	_ =	sdelay $0x1  }
0x5c3: {  	v46 =	vunpack.i.u.bf16.f32 v26;
	v43 =	vor.u32 s29, v10  }
0x5c4: {  	v39 =	vmul.f32 v46, v21  }
0x5c5: {  	v26 =	vunpack.i.l.bf16.f32 v26  }
0x5c6: {  	v45 =	vperm.xlane v55, v35;
	v26 =	vadd.f32 v39, v26;
	v37 =	vld.idx.msk [tilespmem:v37+s12+$0x0], $0xffff  }
0x5c7: {  	v39 =	vld.idx.msk [tilespmem:v47+s12+$0x0], $0xffff  }
0x5c8: {  	v33 =	vmov v31;
	[tilespmem:v43+s15+$0x0] =	vst.idx.msk $0xffff, v26;
	v31 =	vld.idx.msk [tilespmem:v0+s12+$0x0], $0xffff;
	v0 =	vadd.s32 v9, v45  }
0x5c9: {  	[tilespmem:$0x1F910] =	vst v0;
	v0 =	vld [tilespmem:$0x1F920];
	_ =	sdelay $0x2  }
0x5ca: {  	v48 =	vunpack.i.u.bf16.f32 v27  }
0x5cb: {  	v29 =	vmul.f32 v48, v53  }
0x5cc: {  	v27 =	vunpack.i.l.bf16.f32 v27  }
0x5cd: {  	v27 =	vadd.f32 v29, v27;
	_ =	sdelay $0x1  }
0x5ce: {  	v12 =	vmov v25;
	v25 =	vmov v15;
	v15 =	vld [tilespmem:$0x1FDD0];
	[tilespmem:v0+s15+$0x0] =	vst.idx.msk $0xffff, v27  }
0x5cf: {  	v6 =	vmov v2;
	v57 =	vperm.xlane v2, v61;
	v2 =	vld [tilespmem:$0x1F940];
	_ =	sdelay $0x1  }
0x5d0: {  	v40 =	vadd.s32 v62, v57;
	_ =	sdelay $0x1  }
0x5d1: {  	v29 =	vperm.xlane v54, v35;
	_ =	sdelay $0x1  }
0x5d2: {  	v0 =	vadd.s32 v9, v29  }
0x5d3: {  	v26 =	vld.idx.msk [tilespmem:v40+s12+$0x0], $0xffff;
	[tilespmem:$0x1F930] =	vst v0  }
0x5d4: {  	v16 =	vld.idx.msk [tilespmem:v2+s12+$0x0], $0xffff  }
0x5d5: {  	v2 =	vld [tilespmem:$0x1F950];
	_ =	sdelay $0x2  }
0x5d6: {  	v57 =	vunpack.i.u.bf16.f32 v17  }
0x5d7: {  	v48 =	vmul.f32 v57, v59  }
0x5d8: {  	v17 =	vunpack.i.l.bf16.f32 v17  }
0x5d9: {  	v17 =	vadd.f32 v48, v17  }
0x5da: {  	v49 =	vperm.xlane v15, v18  }
0x5db: {  	v27 =	vor.u32 s26, v4;
	v0 =	vunpack.i.u.bf16.f32 v37;
	[tilespmem:v2+s15+$0x0] =	vst.idx.msk $0xffff, v17  }
0x5dc: {  	v47 =	vmovc v1;
	v32 =	vadd.s32 v22, v49;
	v0 =	vmul.f32 v0, v5;
	v17 =	vperm.xlane v1, v61;
	v1 =	vld [tilespmem:$0x1F960]  }
0x5dd: {  	v37 =	vunpack.i.l.bf16.f32 v37  }
0x5de: {  	s10 =	sadd.s32 $0x20, s5;
	v0 =	vadd.f32 v0, v37  }
0x5df: {  	v15 =	vunpack.i.u.bf16.f32 v39;
	v29 =	vperm.xlane v19, v35;
	v35 =	vld [tilespmem:s10+$0x0]  }
0x5e0: {  	v15 =	vmul.f32 v15, v51;
	v48 =	vor.u32 s29, v58;
	v46 =	vunpack.i.u.bf16.f32 v26;
	[tilespmem:v27+s15+$0x0] =	vst.idx.msk $0xffff, v0  }
0x5e1: {  	v7 =	vor.u32 s1, v58;
	v39 =	vunpack.i.l.bf16.f32 v39;
	v0 =	vmul.f32 v46, v21;
	v32 =	vld.idx.msk [tilespmem:v32+s12+$0x0], $0xffff  }
0x5e2: {  	v15 =	vadd.f32 v15, v39;
	v26 =	vunpack.i.l.bf16.f32 v26;
	v17 =	vadd.s32 v62, v17  }
0x5e3: {  	v57 =	vunpack.i.u.bf16.f32 v31;
	v49 =	vld [tilespmem:s10+$0xFFFFFFF0];
	v9 =	vadd.s32 v9, v29;
	v0 =	vadd.f32 v0, v26  }
0x5e4: {  	v24 =	vmovc v58;
	v58 =	vand.u32 $0xF, v35;
	v2 =	vlaneseq.u32;
	v37 =	vld.idx.msk [tilespmem:v1+s12+$0x0], $0xffff;
	v1 =	vmul.f32 v57, v52;
	[tilespmem:$0x1F970] =	vst v9  }
0x5e5: {  	v31 =	vunpack.i.l.bf16.f32 v31;
	v9 =	vperm.xlane v2, v58;
	[tilespmem:v48+s15+$0x0] =	vst.idx.msk $0xffff, v0  }
0x5e6: {  	v57 =	vand.u32 $0xFFFFFFF0, v35;
	[tilespmem:v50+s15+$0x0] =	vst.idx.msk $0xffff, v15;
	v15 =	vunpack.i.u.bf16.f32 v32;
	v3 =	vadd.f32 v1, v31  }
0x5e7: {  	v0 =	vadd.s32 v57, v9;
	v29 =	vld.idx.msk [tilespmem:v17+s12+$0x0], $0xffff;
	v17 =	vperm.xlane v55, v18;
	v31 =	vor.u32 s26, v28  }
0x5e8: {  	v27 =	vand.u32 $0xF, v49;
	v45 =	vmul.f32 v15, v5  }
0x5e9: {  	v44 =	vperm.xlane v2, v27;
	v2 =	vld [tilespmem:$0x1FF20];
	v46 =	vadd.s32 v22, v17;
	v17 =	vunpack.i.l.bf16.f32 v32  }
0x5ea: {  	v32 =	vadd.f32 v45, v17  }
0x5eb: {  	v26 =	vunpack.i.u.bf16.f32 v16;
	v38 =	vld.idx.msk [tilespmem:v38+s12+$0x0], $0xffff  }
0x5ec: {  	v9 =	vmul.f32 v26, v53;
	v15 =	vand.u32 $0xFFFFFFF0, v49;
	v0 =	vld.idx.msk [tilespmem:v0+s12+$0x0], $0xffff;
	[tilespmem:v31+s15+$0x0] =	vst.idx.msk $0xffff, v32  }
0x5ed: {  	s30 =	sadd.s32 $0x20, s24;
	v16 =	vunpack.i.l.bf16.f32 v16;
	v48 =	vperm.xlane v12, v61;
	v35 =	vadd.s32 v15, v44;
	v8 =	vld [tilespmem:$0x1FFE0]  }
0x5ee: {  	v23 =	vmovc v55;
	v55 =	vld [tilespmem:s30+$0x0];
	v17 =	vadd.f32 v9, v16;
	v9 =	vunpack.i.u.bf16.f32 v29;
	v16 =	vor.u32 s29, v2  }
0x5ef: {  	v26 =	vunpack.i.u.bf16.f32 v37;
	v37 =	vunpack.i.l.bf16.f32 v37;
	v9 =	vmul.f32 v9, v21  }
0x5f0: {  	v26 =	vmul.f32 v26, v59;
	v31 =	vadd.s32 v62, v48;
	v29 =	vunpack.i.l.bf16.f32 v29  }
0x5f1: {  	s24 =	simm.s32 $0x900;
	v50 =	vunpack.i.u.bf16.f32 v38;
	v9 =	vadd.f32 v9, v29;
	v29 =	vperm.xlane v56, v58  }
0x5f2: {  	v35 =	vld.idx.msk [tilespmem:v35+s12+$0x0], $0xffff;
	v45 =	vmul.f32 v50, v51;
	v49 =	vunpack.i.u.bf16.f32 v0;
	v41 =	vor.u32 s24, v8  }
0x5f3: {  	[tilespmem:v16+s15+$0x0] =	vst.idx.msk $0xffff, v9;
	v16 =	vadd.s32 v57, v29;
	v29 =	vunpack.i.l.bf16.f32 v38;
	v9 =	vmul.f32 v49, v55  }
0x5f4: {  	v32 =	vadd.f32 v26, v37;
	v37 =	vld.idx.msk [tilespmem:v46+s12+$0x0], $0xffff;
	v0 =	vunpack.i.l.bf16.f32 v0;
	v29 =	vadd.f32 v45, v29  }
0x5f5: {  	v48 =	vld [tilespmem:$0x1FF60];
	v0 =	vadd.f32 v9, v0  }
0x5f6: {  	v44 =	vld [tilespmem:s30+$0xFFFFFFF0];
	[tilespmem:v7+s15+$0x0] =	vst.idx.msk $0xffff, v29  }
0x5f7: {  	v31 =	vld.idx.msk [tilespmem:v31+s12+$0x0], $0xffff;
	[tilespmem:v41+s15+$0x0] =	vst.idx.msk $0xffff, v0  }
0x5f8: {  	v45 =	vld [tilespmem:$0x1FF30]  }
0x5f9: {  	v9 =	vunpack.i.u.bf16.f32 v37  }
0x5fa: {  	s5 =	simm.s32 $0x800;
	v9 =	vmul.f32 v9, v5;
	v38 =	vor.u32 s26, v48;
	v0 =	vunpack.i.u.bf16.f32 v35  }
0x5fb: {  	v50 =	vor.u32 s5, v8;
	v37 =	vunpack.i.l.bf16.f32 v37;
	v0 =	vmul.f32 v0, v44  }
0x5fc: {  	v35 =	vunpack.i.l.bf16.f32 v35;
	v7 =	vadd.f32 v9, v37;
	v9 =	vunpack.i.u.bf16.f32 v31  }
0x5fd: {  	v35 =	vadd.f32 v0, v35;
	v0 =	vor.u32 s28, v28;
	v29 =	vor.u32 s29, v45  }
0x5fe: {  	v16 =	vld.idx.msk [tilespmem:v16+s12+$0x0], $0xffff;
	v9 =	vmul.f32 v9, v21;
	[tilespmem:$0x1FB40] =	vst v0  }
0x5ff: {  	[tilespmem:v38+s15+$0x0] =	vst.idx.msk $0xffff, v7;
	v7 =	vunpack.i.l.bf16.f32 v31  }
0x600: {  	v7 =	vadd.f32 v9, v7  }
0x601: {  	[tilespmem:v50+s15+$0x0] =	vst.idx.msk $0xffff, v35  }
0x602: {  	[tilespmem:v29+s15+$0x0] =	vst.idx.msk $0xffff, v7  }
0x603: {  	v7 =	vld [tilespmem:$0x1FE30];
	_ =	sdelay $0x1  }
0x604: {  	v46 =	vperm.xlane v54, v18;
	_ =	sdelay $0x1  }
0x605: {  	v40 =	vadd.s32 v22, v46;
	v36 =	vld.idx.msk [tilespmem:v36+s12+$0x0], $0xffff  }
0x606: {  	v26 =	vperm.xlane v56, v27;
	v46 =	vunpack.i.u.bf16.f32 v16;
	v7 =	vor.u32 s24, v7  }
0x607: {  	v49 =	vperm.xlane v11, v61;
	v29 =	vmul.f32 v46, v55  }
0x608: {  	v26 =	vadd.s32 v15, v26;
	v50 =	vperm.xlane v20, v58;
	v16 =	vunpack.i.l.bf16.f32 v16  }
0x609: {  	v37 =	vadd.s32 v62, v49;
	v31 =	vperm.xlane v30, v27;
	v16 =	vadd.f32 v29, v16  }
0x60a: {  	v9 =	vor.u32 s1, v2;
	v38 =	vld.idx.msk [tilespmem:v40+s12+$0x0], $0xffff;
	v50 =	vadd.s32 v57, v50;
	v29 =	vunpack.i.u.bf16.f32 v36  }
0x60b: {  	v18 =	vperm.xlane v19, v18;
	v41 =	vld [tilespmem:$0x1FE30];
	v29 =	vmul.f32 v29, v51;
	[tilespmem:v7+s15+$0x0] =	vst.idx.msk $0xffff, v16  }
0x60c: {  	v13 =	vmov v11;
	v43 =	vadd.s32 v15, v31;
	v31 =	vunpack.i.l.bf16.f32 v36;
	v11 =	vld [tilespmem:$0x1FF70]  }
0x60d: {  	v26 =	vld.idx.msk [tilespmem:v26+s12+$0x0], $0xffff;
	v7 =	vadd.s32 v22, v18;
	v22 =	vadd.f32 v29, v31  }
0x60e: {  	v39 =	vperm.xlane v20, v27;
	v36 =	vld.idx.msk [tilespmem:v37+s12+$0x0], $0xffff  }
0x60f: {  	v49 =	vperm.xlane v25, v27;
	v46 =	vunpack.i.u.bf16.f32 v38;
	v29 =	vunpack.i.l.bf16.f32 v38;
	v38 =	vld.idx.msk [tilespmem:v50+s12+$0x0], $0xffff;
	[tilespmem:v9+s15+$0x0] =	vst.idx.msk $0xffff, v22  }
0x610: {  	v39 =	vadd.s32 v15, v39;
	v0 =	vor.u32 s28, v48;
	v50 =	vld [tilespmem:$0x1FF40]  }
0x611: {  	v35 =	vadd.s32 v15, v49;
	v18 =	vmul.f32 v46, v5;
	v16 =	vor.u32 s26, v11  }
0x612: {  	v49 =	vperm.xlane v13, v27;
	v37 =	vor.u32 s5, v41;
	v31 =	vunpack.i.u.bf16.f32 v26  }
0x613: {  	v40 =	vperm.xlane v6, v27;
	v18 =	vadd.f32 v18, v29;
	v29 =	vmul.f32 v31, v44  }
0x614: {  	v26 =	vunpack.i.l.bf16.f32 v26;
	v31 =	vperm.xlane v34, v61;
	v9 =	vunpack.i.u.bf16.f32 v36  }
0x615: {  	v46 =	vmovc v34;
	v34 =	vadd.s32 v15, v40;
	[tilespmem:$0x1FC50] =	vst v0;
	v26 =	vadd.f32 v29, v26;
	v22 =	vor.u32 s29, v50  }
0x616: {  	v29 =	vmul.f32 v9, v21;
	v31 =	vadd.s32 v62, v31;
	[tilespmem:v16+s15+$0x0] =	vst.idx.msk $0xffff, v18  }
0x617: {  	[tilespmem:v37+s15+$0x0] =	vst.idx.msk $0xffff, v26;
	v26 =	vperm.xlane v47, v27;
	v16 =	vunpack.i.l.bf16.f32 v36;
	v36 =	vld.idx.msk [tilespmem:v7+s12+$0x0], $0xffff  }
0x618: {  	v41 =	vld.idx.msk [tilespmem:v60+s12+$0x0], $0xffff;
	v7 =	vadd.f32 v29, v16;
	v16 =	vunpack.i.u.bf16.f32 v38;
	v29 =	vor.u32 s24, v63  }
0x619: {  	v0 =	vadd.s32 v15, v49;
	v18 =	vperm.xlane v30, v58;
	v16 =	vmul.f32 v16, v55  }
0x61a: {  	v60 =	vmovc v45;
	v37 =	vor.u32 s1, v45;
	v38 =	vunpack.i.l.bf16.f32 v38;
	[tilespmem:v22+s15+$0x0] =	vst.idx.msk $0xffff, v7;
	v7 =	vperm.xlane v12, v27  }
0x61b: {  	v18 =	vadd.s32 v57, v18;
	v40 =	vld.idx.msk [tilespmem:v31+s12+$0x0], $0xffff;
	v38 =	vadd.f32 v16, v38;
	v31 =	vadd.s32 v15, v26  }
0x61c: {  	v22 =	vld.idx.msk [tilespmem:v39+s12+$0x0], $0xffff;
	[tilespmem:$0x1FB20] =	vst v0;
	v26 =	vadd.s32 v15, v7;
	v7 =	vperm.xlane v46, v27;
	v45 =	vunpack.i.u.bf16.f32 v36  }
0x61d: {  	[tilespmem:v29+s15+$0x0] =	vst.idx.msk $0xffff, v38;
	v29 =	vunpack.i.u.bf16.f32 v41;
	v5 =	vmul.f32 v45, v5  }
0x61e: {  	v0 =	vadd.s32 v15, v7;
	v39 =	vmul.f32 v29, v51;
	v29 =	vunpack.i.l.bf16.f32 v36  }
0x61f: {  	[tilespmem:$0x1FBB0] =	vst v0;
	v0 =	vadd.f32 v5, v29  }
0x620: {  	v18 =	vld.idx.msk [tilespmem:v18+s12+$0x0], $0xffff  }
0x621: {  	[tilespmem:$0x1FC40] =	vst v0;
	v0 =	vld [tilespmem:$0x1F980];
	_ =	sdelay $0x7  }
0x622: {  	[tilespmem:v0+s15+$0x0] =	vst.idx.msk $0xffff, v3  }
0x623: {  	v0 =	vld [tilespmem:$0x1F990];
	_ =	sdelay $0x4  }
0x624: {  	v45 =	vunpack.i.u.bf16.f32 v40  }
0x625: {  	v1 =	vmul.f32 v45, v21;
	v7 =	vld [tilespmem:$0x1FF50]  }
0x626: {  	v38 =	vunpack.i.l.bf16.f32 v41;
	v42 =	vunpack.i.l.bf16.f32 v40  }
0x627: {  	v38 =	vadd.f32 v39, v38;
	v39 =	vadd.f32 v1, v42;
	v1 =	vunpack.i.u.bf16.f32 v18;
	v20 =	vld.idx.msk [tilespmem:v0+s12+$0x0], $0xffff  }
0x628: {  	v41 =	vmul.f32 v1, v55;
	v1 =	vor.u32 s28, v11;
	v0 =	vld [tilespmem:$0x1FF00]  }
0x629: {  	v49 =	vunpack.i.u.bf16.f32 v22;
	[tilespmem:$0x1F9A0] =	vst v1;
	v1 =	vld [tilespmem:$0x1F9B0]  }
0x62a: {  	v5 =	vperm.xlane v33, v61;
	v28 =	vmul.f32 v49, v44;
	v49 =	vor.u32 s29, v7;
	_ =	sdelay $0x1  }
0x62b: {  	v5 =	vadd.s32 v62, v5;
	_ =	sdelay $0x1  }
0x62c: {  	v42 =	vor.u32 s24, v0  }
0x62d: {  	[tilespmem:v49+s15+$0x0] =	vst.idx.msk $0xffff, v39;
	v49 =	vperm.xlane v33, v27  }
0x62e: {  	v18 =	vunpack.i.l.bf16.f32 v18;
	[tilespmem:v37+s15+$0x0] =	vst.idx.msk $0xffff, v38  }
0x62f: {  	v18 =	vadd.f32 v41, v18;
	v5 =	vld.idx.msk [tilespmem:v5+s12+$0x0], $0xffff;
	[tilespmem:v1+s15+$0x0] =	vst.idx.msk $0xffff, v17;
	v1 =	vadd.s32 v15, v49  }
0x630: {  	v36 =	vor.u32 s5, v0;
	[tilespmem:$0x1F9C0] =	vst v1;
	v0 =	vld [tilespmem:$0x1F9D0]  }
0x631: {  	v17 =	vor.u32 s5, v63;
	v29 =	vld [tilespmem:$0x1FD40];
	[tilespmem:v42+s15+$0x0] =	vst.idx.msk $0xffff, v18  }
0x632: {  	v1 =	vld [tilespmem:$0x1FDD0]  }
0x633: {  	v41 =	vunpack.i.l.bf16.f32 v22  }
0x634: {  	v28 =	vadd.f32 v28, v41;
	_ =	sdelay $0x1  }
0x635: {  	v10 =	vmov v25;
	[tilespmem:v17+s15+$0x0] =	vst.idx.msk $0xffff, v28  }
0x636: {  	v45 =	vperm.xlane v10, v58;
	v49 =	vperm.xlane v1, v27;
	v1 =	vld [tilespmem:$0x1F9E0];
	_ =	sdelay $0x1  }
0x637: {  	v11 =	vadd.s32 v57, v45;
	_ =	sdelay $0x3  }
0x638: {  	v38 =	vperm.xlane v29, v27  }
0x639: {  	v45 =	vmov v33;
	v33 =	vunpack.i.u.bf16.f32 v20;
	v11 =	vld.idx.msk [tilespmem:v11+s12+$0x0], $0xffff  }
0x63a: {  	v37 =	vmul.f32 v33, v52;
	v4 =	vld.idx.msk [tilespmem:v1+s12+$0x0], $0xffff;
	v1 =	vadd.s32 v15, v38  }
0x63b: {  	v28 =	vperm.xlane v23, v27;
	v33 =	vld.idx.msk [tilespmem:v0+s12+$0x0], $0xffff;
	[tilespmem:$0x1F9F0] =	vst v1;
	v1 =	vadd.s32 v15, v49  }
0x63c: {  	[tilespmem:$0x1FA00] =	vst v1  }
0x63d: {  	v1 =	vadd.s32 v15, v28;
	v38 =	vld.idx.msk [tilespmem:v43+s12+$0x0], $0xffff  }
0x63e: {  	[tilespmem:$0x1FA10] =	vst v1;
	v1 =	vld [tilespmem:$0x1FA20];
	_ =	sdelay $0x4  }
0x63f: {  	v20 =	vunpack.i.l.bf16.f32 v20  }
0x640: {  	v20 =	vadd.f32 v37, v20;
	_ =	sdelay $0x1  }
0x641: {  	v0 =	vld [tilespmem:$0x1FF80];
	[tilespmem:v1+s15+$0x0] =	vst.idx.msk $0xffff, v20  }
0x642: {  	v1 =	vld [tilespmem:$0x1FA30];
	_ =	sdelay $0x7  }
0x643: {  	v25 =	vmov v13;
	v39 =	vor.u32 s29, v0;
	v28 =	vunpack.i.u.bf16.f32 v5;
	v13 =	vld.idx.msk [tilespmem:v1+s12+$0x0], $0xffff  }
0x644: {  	v28 =	vmul.f32 v28, v21;
	v1 =	vld [tilespmem:$0x1FE80]  }
0x645: {  	v5 =	vunpack.i.l.bf16.f32 v5  }
0x646: {  	v5 =	vadd.f32 v28, v5  }
0x647: {  	v42 =	vperm.xlane v29, v61  }
0x648: {  	[tilespmem:v39+s15+$0x0] =	vst.idx.msk $0xffff, v5  }
0x649: {  	v30 =	vadd.s32 v62, v42;
	v41 =	vor.u32 s5, v1;
	v42 =	vor.u32 s24, v1;
	v1 =	vld [tilespmem:$0x1FA40];
	_ =	sdelay $0x7  }
0x64a: {  	[tilespmem:v1+s15+$0x0] =	vst.idx.msk $0xffff, v32  }
0x64b: {  	v1 =	vld [tilespmem:$0x1FA50];
	_ =	sdelay $0x2  }
0x64c: {  	v40 =	vor.u32 s1, v50;
	v20 =	vunpack.i.u.bf16.f32 v33  }
0x64d: {  	v49 =	vmul.f32 v20, v51  }
0x64e: {  	v33 =	vunpack.i.l.bf16.f32 v33  }
0x64f: {  	v3 =	vadd.f32 v49, v33;
	_ =	sdelay $0x1  }
0x650: {  	[tilespmem:v40+s15+$0x0] =	vst.idx.msk $0xffff, v3;
	v49 =	vld.idx.msk [tilespmem:v1+s12+$0x0], $0xffff  }
0x651: {  	v1 =	vld [tilespmem:$0x1FA60];
	_ =	sdelay $0x2  }
0x652: {  	v28 =	vunpack.i.u.bf16.f32 v11  }
0x653: {  	v28 =	vmul.f32 v28, v55  }
0x654: {  	v11 =	vunpack.i.l.bf16.f32 v11;
	v20 =	vperm.xlane v6, v58  }
0x655: {  	v11 =	vadd.f32 v28, v11  }
0x656: {  	v39 =	vadd.s32 v57, v20  }
0x657: {  	v37 =	vunpack.i.u.bf16.f32 v38;
	v5 =	vmov v24;
	v20 =	vor.u32 s5, v24;
	[tilespmem:v42+s15+$0x0] =	vst.idx.msk $0xffff, v11;
	v24 =	vld.idx.msk [tilespmem:v1+s12+$0x0], $0xffff  }
0x658: {  	v43 =	vunpack.i.u.bf16.f32 v4;
	v2 =	vmul.f32 v37, v44;
	v28 =	vunpack.i.u.bf16.f32 v13;
	v1 =	vld [tilespmem:$0x1FDD0]  }
0x659: {  	v37 =	vmul.f32 v43, v53;
	v43 =	vunpack.i.l.bf16.f32 v38;
	v3 =	vmul.f32 v28, v52  }
0x65a: {  	v2 =	vadd.f32 v2, v43;
	v30 =	vld.idx.msk [tilespmem:v30+s12+$0x0], $0xffff;
	v13 =	vunpack.i.l.bf16.f32 v13  }
0x65b: {  	s10 =	sadd.s32 $0x20, s10;
	v3 =	vadd.f32 v3, v13;
	v11 =	vperm.xlane v54, v27;
	v13 =	vld.idx.msk [tilespmem:v39+s12+$0x0], $0xffff  }
0x65c: {  	[tilespmem:v36+s15+$0x0] =	vst.idx.msk $0xffff, v2;
	v36 =	vld [tilespmem:s10+$0x0]  }
0x65d: {  	v35 =	vld.idx.msk [tilespmem:v35+s12+$0x0], $0xffff;
	v28 =	vperm.xlane v1, v61;
	v1 =	vadd.s32 v15, v11  }
0x65e: {  	[tilespmem:$0x1FA70] =	vst v1;
	v1 =	vld [tilespmem:$0x1FA80];
	_ =	sdelay $0x6  }
0x65f: {  	v2 =	vld [tilespmem:$0x1FFA0]  }
0x660: {  	[tilespmem:v1+s15+$0x0] =	vst.idx.msk $0xffff, v3  }
0x661: {  	v1 =	vld [tilespmem:$0x1FA90];
	_ =	sdelay $0x1  }
0x662: {  	v4 =	vunpack.i.l.bf16.f32 v4  }
0x663: {  	v6 =	vmovc v54;
	v32 =	vadd.f32 v37, v4;
	v4 =	vunpack.i.u.bf16.f32 v30;
	v54 =	vor.u32 s29, v2  }
0x664: {  	v4 =	vmul.f32 v4, v21;
	v11 =	vadd.s32 v62, v28  }
0x665: {  	v30 =	vunpack.i.l.bf16.f32 v30;
	v37 =	vor.u32 s24, v5  }
0x666: {  	v4 =	vadd.f32 v4, v30;
	v27 =	vperm.xlane v19, v27;
	v30 =	vunpack.i.l.bf16.f32 v24  }
0x667: {  	v28 =	vunpack.i.u.bf16.f32 v49;
	v3 =	vunpack.i.u.bf16.f32 v24;
	v24 =	vunpack.i.u.bf16.f32 v13  }
0x668: {  	[tilespmem:v54+s15+$0x0] =	vst.idx.msk $0xffff, v4;
	v24 =	vmul.f32 v24, v55;
	v10 =	vld.idx.msk [tilespmem:v1+s12+$0x0], $0xffff;
	v1 =	vmul.f32 v28, v59  }
0x669: {  	v39 =	vld.idx.msk [tilespmem:v11+s12+$0x0], $0xffff;
	v11 =	vunpack.i.l.bf16.f32 v13  }
0x66a: {  	v38 =	vld [tilespmem:s10+$0xFFFFFFF0];
	v54 =	vadd.f32 v24, v11;
	[tilespmem:$0x1FAA0] =	vst v1;
	v1 =	vadd.s32 v15, v27  }
0x66b: {  	[tilespmem:$0x1FAB0] =	vst v1  }
0x66c: {  	[tilespmem:v37+s15+$0x0] =	vst.idx.msk $0xffff, v54  }
0x66d: {  	v1 =	vld [tilespmem:$0x1FAC0];
	_ =	sdelay $0x5  }
0x66e: {  	v9 =	vmov v47  }
0x66f: {  	v43 =	vmov v19;
	v19 =	vperm.xlane v9, v58  }
0x670: {  	[tilespmem:v1+s15+$0x0] =	vst.idx.msk $0xffff, v32  }
0x671: {  	v5 =	vlaneseq.u32;
	v19 =	vadd.s32 v57, v19;
	v1 =	vld [tilespmem:$0x1FAD0]  }
0x672: {  	v33 =	vunpack.i.u.bf16.f32 v35;
	v4 =	vand.u32 $0xF, v36;
	v3 =	vmul.f32 v3, v51  }
0x673: {  	v13 =	vperm.xlane v5, v4;
	v28 =	vmul.f32 v33, v44  }
0x674: {  	v35 =	vunpack.i.l.bf16.f32 v35;
	v11 =	vand.u32 $0xFFFFFFF0, v36  }
0x675: {  	v36 =	vadd.s32 v11, v13;
	v13 =	vadd.f32 v3, v30;
	v3 =	vadd.f32 v28, v35  }
0x676: {  	v27 =	vld.idx.msk [tilespmem:v19+s12+$0x0], $0xffff  }
0x677: {  	v59 =	vmov v44;
	v44 =	vld [tilespmem:$0x1FF90];
	[tilespmem:v41+s15+$0x0] =	vst.idx.msk $0xffff, v3  }
0x678: {  	v17 =	vld [tilespmem:$0x1FF20]  }
0x679: {  	v47 =	vmov v12;
	v14 =	vunpack.i.u.bf16.f32 v10;
	v19 =	vand.u32 $0xF, v38;
	v12 =	vld.idx.msk [tilespmem:v1+s12+$0x0], $0xffff  }
0x67a: {  	v15 =	vunpack.i.l.bf16.f32 v10;
	v10 =	vunpack.i.u.bf16.f32 v39;
	v30 =	vperm.xlane v5, v19  }
0x67b: {  	v40 =	vmul.f32 v10, v21;
	v10 =	vand.u32 $0xFFFFFFF0, v38  }
0x67c: {  	v30 =	vadd.s32 v10, v30;
	v3 =	vunpack.i.l.bf16.f32 v39;
	v32 =	vor.u32 s29, v44  }
0x67d: {  	v37 =	vunpack.i.u.bf16.f32 v27;
	v35 =	vadd.f32 v40, v3;
	v38 =	vor.u32 s24, v17  }
0x67e: {  	v39 =	vunpack.i.u.bf16.f32 v12;
	v40 =	vunpack.i.l.bf16.f32 v12;
	v12 =	vmul.f32 v37, v55  }
0x67f: {  	v28 =	vperm.xlane v23, v61;
	v33 =	vld.idx.msk [tilespmem:v36+s12+$0x0], $0xffff;
	v27 =	vunpack.i.l.bf16.f32 v27  }
0x680: {  	v36 =	vperm.xlane v47, v58;
	v34 =	vld.idx.msk [tilespmem:v34+s12+$0x0], $0xffff;
	v12 =	vadd.f32 v12, v27  }
0x681: {  	s31 =	sadd.s32 $0x20, s30;
	v28 =	vadd.s32 v62, v28;
	v30 =	vld.idx.msk [tilespmem:v30+s12+$0x0], $0xffff;
	[tilespmem:v32+s15+$0x0] =	vst.idx.msk $0xffff, v35  }
0x682: {  	v3 =	vld [tilespmem:s31+$0x0];
	v32 =	vadd.s32 v57, v36;
	[tilespmem:v38+s15+$0x0] =	vst.idx.msk $0xffff, v12  }
0x683: {  	v42 =	vperm.xlane v56, v4;
	v18 =	vld [tilespmem:$0x1FFB0]  }
0x684: {  	v14 =	vmul.f32 v14, v52;
	v41 =	vperm.xlane v56, v19  }
0x685: {  	s30 =	simm.s32 $0xB00;
	v56 =	vunpack.i.u.bf16.f32 v34;
	v34 =	vunpack.i.l.bf16.f32 v34;
	v35 =	vadd.s32 v11, v42;
	v12 =	vld [tilespmem:s31+$0xFFFFFFF0]  }
0x686: {  	v42 =	vunpack.i.u.bf16.f32 v30;
	v36 =	vld.idx.msk [tilespmem:v28+s12+$0x0], $0xffff;
	v37 =	vor.u32 s30, v8;
	v27 =	vunpack.i.u.bf16.f32 v33  }
0x687: {  	v28 =	vmul.f32 v39, v53;
	v33 =	vunpack.i.l.bf16.f32 v33;
	v39 =	vmul.f32 v27, v3;
	v32 =	vld.idx.msk [tilespmem:v32+s12+$0x0], $0xffff  }
0x688: {  	v27 =	vadd.f32 v14, v15;
	v15 =	vmul.f32 v56, v59;
	v56 =	vor.u32 s28, v18;
	s28 =	simm.s32 $0xA00  }
0x689: {  	v28 =	vadd.f32 v28, v40;
	v33 =	vadd.f32 v39, v33;
	v40 =	vor.u32 s28, v8  }
0x68a: {  	v15 =	vadd.f32 v15, v34;
	v39 =	vmul.f32 v42, v12  }
0x68b: {  	v30 =	vunpack.i.l.bf16.f32 v30;
	[tilespmem:v37+s15+$0x0] =	vst.idx.msk $0xffff, v33  }
0x68c: {  	[tilespmem:v20+s15+$0x0] =	vst.idx.msk $0xffff, v15;
	v20 =	vunpack.i.u.bf16.f32 v32;
	v15 =	vadd.f32 v39, v30;
	v39 =	vor.u32 s24, v60  }
0x68d: {  	v38 =	vadd.s32 v10, v41;
	v35 =	vld.idx.msk [tilespmem:v35+s12+$0x0], $0xffff;
	v20 =	vmul.f32 v20, v55  }
0x68e: {  	v33 =	vunpack.i.u.bf16.f32 v36;
	v37 =	vor.u32 s29, v48;
	v30 =	vunpack.i.l.bf16.f32 v32;
	v8 =	vld [tilespmem:$0x1FFD0];
	[tilespmem:v40+s15+$0x0] =	vst.idx.msk $0xffff, v15  }
0x68f: {  	v33 =	vmul.f32 v33, v21;
	v15 =	vadd.f32 v20, v30;
	v1 =	vld [tilespmem:$0x1FE30]  }
0x690: {  	v42 =	vld.idx.msk [tilespmem:v31+s12+$0x0], $0xffff;
	v31 =	vunpack.i.l.bf16.f32 v36  }
0x691: {  	v41 =	vperm.xlane v25, v58;
	[tilespmem:v39+s15+$0x0] =	vst.idx.msk $0xffff, v15;
	v15 =	vadd.f32 v33, v31;
	_ =	sdelay $0x1  }
0x692: {  	v34 =	vperm.xlane v6, v61;
	v36 =	vadd.s32 v57, v41;
	v38 =	vld.idx.msk [tilespmem:v38+s12+$0x0], $0xffff;
	[tilespmem:v37+s15+$0x0] =	vst.idx.msk $0xffff, v15  }
0x693: {  	v41 =	vunpack.i.u.bf16.f32 v35;
	v32 =	vperm.xlane v8, v4;
	v20 =	vor.u32 s30, v1;
	v1 =	vld [tilespmem:$0x1FE30]  }
0x694: {  	v40 =	vmul.f32 v41, v3  }
0x695: {  	v34 =	vadd.s32 v62, v34;
	v32 =	vadd.s32 v11, v32;
	v31 =	vunpack.i.l.bf16.f32 v35  }
0x696: {  	v33 =	vadd.f32 v40, v31;
	v40 =	vunpack.i.u.bf16.f32 v42;
	v37 =	vperm.xlane v43, v61  }
0x697: {  	v35 =	vor.u32 s5, v17;
	v15 =	vmul.f32 v40, v59  }
0x698: {  	v37 =	vadd.s32 v62, v37;
	v62 =	vunpack.i.u.bf16.f32 v38;
	[tilespmem:v20+s15+$0x0] =	vst.idx.msk $0xffff, v33;
	v33 =	vor.u32 s28, v1  }
0x699: {  	v36 =	vld.idx.msk [tilespmem:v36+s12+$0x0], $0xffff;
	v31 =	vor.u32 s1, v2;
	v40 =	vunpack.i.l.bf16.f32 v42;
	v42 =	vmul.f32 v62, v12  }
0x69a: {  	v24 =	vmovc v2;
	v2 =	vor.u32 s1, v44;
	v34 =	vld.idx.msk [tilespmem:v34+s12+$0x0], $0xffff;
	v40 =	vadd.f32 v15, v40;
	v38 =	vunpack.i.l.bf16.f32 v38  }
0x69b: {  	v38 =	vadd.f32 v42, v38;
	v32 =	vld.idx.msk [tilespmem:v32+s12+$0x0], $0xffff;
	[tilespmem:$0x1FAE0] =	vst v2  }
0x69c: {  	v1 =	vld [tilespmem:$0x1FDD0];
	[tilespmem:v35+s15+$0x0] =	vst.idx.msk $0xffff, v40  }
0x69d: {  	[tilespmem:v33+s15+$0x0] =	vst.idx.msk $0xffff, v38  }
0x69e: {  	v14 =	vld [tilespmem:$0x1FF70]  }
0x69f: {  	v20 =	vperm.xlane v8, v19  }
0x6a0: {  	v62 =	vunpack.i.u.bf16.f32 v36;
	v35 =	vperm.xlane v46, v58  }
0x6a1: {  	v36 =	vunpack.i.l.bf16.f32 v36;
	v42 =	vor.u32 s24, v50;
	v20 =	vadd.s32 v10, v20;
	v26 =	vld.idx.msk [tilespmem:v26+s12+$0x0], $0xffff  }
0x6a2: {  	v16 =	vmovc v9;
	v40 =	vmul.f32 v62, v55;
	v62 =	vunpack.i.u.bf16.f32 v34;
	v35 =	vadd.s32 v57, v35  }
0x6a3: {  	v9 =	vmovc v6;
	v6 =	vmovc v44;
	v62 =	vmul.f32 v62, v21;
	v44 =	vunpack.i.u.bf16.f32 v32;
	v2 =	vld [tilespmem:$0x1FCE0];
	v33 =	vor.u32 s29, v14  }
0x6a4: {  	v34 =	vunpack.i.l.bf16.f32 v34;
	v36 =	vadd.f32 v40, v36;
	v38 =	vmul.f32 v44, v3  }
0x6a5: {  	v41 =	vor.u32 s1, v7;
	v34 =	vadd.f32 v62, v34;
	v32 =	vunpack.i.l.bf16.f32 v32  }
0x6a6: {  	[tilespmem:v42+s15+$0x0] =	vst.idx.msk $0xffff, v36;
	v20 =	vld.idx.msk [tilespmem:v20+s12+$0x0], $0xffff;
	v62 =	vunpack.i.u.bf16.f32 v26;
	v32 =	vadd.f32 v38, v32;
	v38 =	vor.u32 s30, v63  }
0x6a7: {  	v5 =	vmovc v0;
	v39 =	vor.u32 s1, v0;
	v61 =	vmovc v43;
	v26 =	vunpack.i.l.bf16.f32 v26;
	v35 =	vld.idx.msk [tilespmem:v35+s12+$0x0], $0xffff;
	v36 =	vmul.f32 v62, v59  }
0x6a8: {  	v0 =	vld [tilespmem:$0x1FD30];
	v43 =	vperm.xlane v2, v19;
	v44 =	vperm.xlane v2, v4;
	v2 =	vor.u32 s1, v48;
	[tilespmem:v33+s15+$0x0] =	vst.idx.msk $0xffff, v34  }
0x6a9: {  	v26 =	vadd.f32 v36, v26;
	v36 =	vld.idx.msk [tilespmem:v37+s12+$0x0], $0xffff;
	[tilespmem:$0x1FAF0] =	vst v2  }
0x6aa: {  	[tilespmem:v41+s15+$0x0] =	vst.idx.msk $0xffff, v13  }
0x6ab: {  	[tilespmem:v38+s15+$0x0] =	vst.idx.msk $0xffff, v32  }
0x6ac: {  	v2 =	vld [tilespmem:$0x1FB00];
	_ =	sdelay $0x3  }
0x6ad: {  	v40 =	vadd.s32 v11, v44  }
0x6ae: {  	v42 =	vor.u32 s5, v60  }
0x6af: {  	v34 =	vadd.s32 v10, v43;
	v43 =	vunpack.i.u.bf16.f32 v20;
	v37 =	vor.u32 s28, v63  }
0x6b0: {  	v33 =	vmul.f32 v43, v12  }
0x6b1: {  	v13 =	vunpack.i.l.bf16.f32 v20;
	v32 =	vld.idx.msk [tilespmem:v2+s12+$0x0], $0xffff;
	v2 =	vor.u32 s1, v14  }
0x6b2: {  	v13 =	vadd.f32 v33, v13;
	v40 =	vld.idx.msk [tilespmem:v40+s12+$0x0], $0xffff;
	[tilespmem:$0x1FB10] =	vst v2  }
0x6b3: {  	v54 =	vmov v23;
	v23 =	vunpack.i.u.bf16.f32 v35;
	v38 =	vor.u32 s24, v7;
	[tilespmem:v42+s15+$0x0] =	vst.idx.msk $0xffff, v26  }
0x6b4: {  	v23 =	vmul.f32 v23, v55;
	v63 =	vld [tilespmem:$0x1FD80];
	[tilespmem:v37+s15+$0x0] =	vst.idx.msk $0xffff, v13  }
0x6b5: {  	v26 =	vunpack.i.l.bf16.f32 v35;
	v2 =	vld [tilespmem:$0x1FB20]  }
0x6b6: {  	v23 =	vadd.f32 v23, v26;
	_ =	sdelay $0x1  }
0x6b7: {  	v62 =	vperm.xlane v0, v19;
	[tilespmem:v38+s15+$0x0] =	vst.idx.msk $0xffff, v23  }
0x6b8: {  	v44 =	vperm.xlane v0, v4;
	v20 =	vperm.xlane v45, v58;
	v26 =	vunpack.i.u.bf16.f32 v36;
	v0 =	vld [tilespmem:$0x1FB40]  }
0x6b9: {  	v21 =	vmul.f32 v26, v21  }
0x6ba: {  	v20 =	vadd.s32 v57, v20;
	v13 =	vperm.xlane v16, v19;
	v36 =	vunpack.i.l.bf16.f32 v36  }
0x6bb: {  	v36 =	vadd.f32 v21, v36;
	v21 =	vld.idx.msk [tilespmem:v34+s12+$0x0], $0xffff  }
0x6bc: {  	v23 =	vunpack.i.u.bf16.f32 v32;
	v16 =	vld.idx.msk [tilespmem:v2+s12+$0x0], $0xffff;
	v2 =	vadd.s32 v10, v13  }
0x6bd: {  	v41 =	vadd.s32 v10, v62;
	v62 =	vmul.f32 v23, v51;
	[tilespmem:$0x1FB30] =	vst v2;
	v2 =	vld [tilespmem:$0x1FF00]  }
0x6be: {  	v13 =	vunpack.i.l.bf16.f32 v32  }
0x6bf: {  	v15 =	vmovc v50;
	v43 =	vor.u32 s5, v50;
	v50 =	vperm.xlane v63, v19;
	v13 =	vadd.f32 v62, v13;
	v34 =	vld.idx.msk [tilespmem:v20+s12+$0x0], $0xffff  }
0x6c0: {  	v26 =	vperm.xlane v47, v19;
	v38 =	vunpack.i.u.bf16.f32 v40;
	[tilespmem:v0+s15+$0x0] =	vst.idx.msk $0xffff, v27  }
0x6c1: {  	v42 =	vmul.f32 v38, v3;
	v33 =	vadd.s32 v10, v50;
	[tilespmem:v39+s15+$0x0] =	vst.idx.msk $0xffff, v13;
	v47 =	vunpack.i.u.bf16.f32 v16  }
0x6c2: {  	v32 =	vmul.f32 v47, v59;
	v38 =	vor.u32 s28, v2;
	v50 =	vor.u32 s30, v2;
	v2 =	vld [tilespmem:$0x1FB50]  }
0x6c3: {  	v0 =	vunpack.i.l.bf16.f32 v16  }
0x6c4: {  	v32 =	vadd.f32 v32, v0;
	v0 =	vunpack.i.u.bf16.f32 v34  }
0x6c5: {  	v35 =	vperm.xlane v25, v19;
	v25 =	vmul.f32 v0, v55;
	v0 =	vld [tilespmem:$0x1FB70];
	_ =	sdelay $0x3  }
0x6c6: {  	v20 =	vadd.s32 v10, v26;
	v26 =	vunpack.i.l.bf16.f32 v40  }
0x6c7: {  	v26 =	vadd.f32 v42, v26;
	v39 =	vld.idx.msk [tilespmem:v2+s12+$0x0], $0xffff;
	v2 =	vadd.s32 v10, v35  }
0x6c8: {  	v13 =	vunpack.i.u.bf16.f32 v21;
	[tilespmem:$0x1FB60] =	vst v2  }
0x6c9: {  	v13 =	vmul.f32 v13, v12;
	[tilespmem:v50+s15+$0x0] =	vst.idx.msk $0xffff, v26;
	v50 =	vperm.xlane v1, v19  }
0x6ca: {  	v62 =	vadd.s32 v11, v44;
	v44 =	vld.idx.msk [tilespmem:v0+s12+$0x0], $0xffff;
	v0 =	vunpack.i.l.bf16.f32 v21  }
0x6cb: {  	v26 =	vadd.f32 v13, v0;
	v0 =	vadd.s32 v10, v50  }
0x6cc: {  	[tilespmem:$0x1FB80] =	vst v0;
	v0 =	vld [tilespmem:$0x1FB90];
	_ =	sdelay $0x6  }
0x6cd: {  	[tilespmem:v43+s15+$0x0] =	vst.idx.msk $0xffff, v32  }
0x6ce: {  	[tilespmem:v0+s15+$0x0] =	vst.idx.msk $0xffff, v28  }
0x6cf: {  	v0 =	vld [tilespmem:$0x1FBA0];
	_ =	sdelay $0x5  }
0x6d0: {  	v16 =	vperm.xlane v46, v19  }
0x6d1: {  	v13 =	vunpack.i.l.bf16.f32 v34  }
0x6d2: {  	v23 =	vadd.s32 v10, v16;
	v16 =	vadd.f32 v25, v13;
	[tilespmem:v38+s15+$0x0] =	vst.idx.msk $0xffff, v26;
	v13 =	vld.idx.msk [tilespmem:v0+s12+$0x0], $0xffff  }
0x6d3: {  	v50 =	vor.u32 s24, v5;
	v0 =	vmov v5;
	v5 =	vld [tilespmem:$0x1FBB0];
	_ =	sdelay $0x1  }
0x6d4: {  	v8 =	vperm.xlane v45, v19;
	v21 =	vperm.xlane v29, v19  }
0x6d5: {  	v34 =	vld.idx.msk [tilespmem:v62+s12+$0x0], $0xffff  }
0x6d6: {  	v37 =	vadd.s32 v10, v8;
	v27 =	vadd.s32 v10, v21;
	v21 =	vunpack.i.u.bf16.f32 v39  }
0x6d7: {  	v46 =	vor.u32 s5, v7;
	v25 =	vperm.xlane v54, v19;
	v54 =	vperm.xlane v29, v58  }
0x6d8: {  	v22 =	vmovc v7;
	v7 =	vunpack.i.l.bf16.f32 v39;
	v47 =	vunpack.i.u.bf16.f32 v44;
	v28 =	vmul.f32 v21, v52  }
0x6d9: {  	v32 =	vmul.f32 v47, v51;
	v21 =	vmovc v51;
	v51 =	vunpack.i.l.bf16.f32 v44;
	v26 =	vadd.s32 v57, v54;
	v39 =	vld.idx.msk [tilespmem:v41+s12+$0x0], $0xffff  }
0x6da: {  	v41 =	vadd.f32 v28, v7;
	v7 =	vunpack.i.u.bf16.f32 v34;
	v54 =	vld.idx.msk [tilespmem:v5+s12+$0x0], $0xffff;
	v5 =	vor.u32 s5, v0  }
0x6db: {  	v32 =	vadd.f32 v32, v51;
	v51 =	vperm.xlane v9, v19;
	v7 =	vmul.f32 v7, v3;
	[tilespmem:$0x1FBC0] =	vst v5  }
0x6dc: {  	v35 =	vadd.s32 v10, v25;
	v19 =	vperm.xlane v61, v19;
	v34 =	vunpack.i.l.bf16.f32 v34;
	[tilespmem:v50+s15+$0x0] =	vst.idx.msk $0xffff, v16  }
0x6dd: {  	v47 =	vadd.s32 v10, v51;
	v50 =	vadd.f32 v7, v34;
	v7 =	vunpack.i.u.bf16.f32 v13;
	[tilespmem:v31+s15+$0x0] =	vst.idx.msk $0xffff, v32  }
0x6de: {  	v38 =	vld.idx.msk [tilespmem:v26+s12+$0x0], $0xffff;
	v34 =	vmul.f32 v7, v53;
	v7 =	vadd.s32 v10, v19;
	v10 =	vmovc v6;
	v6 =	vor.u32 s5, v6  }
0x6df: {  	[tilespmem:$0x1FBD0] =	vst v6;
	v6 =	vld [tilespmem:$0x1FBE0];
	_ =	sdelay $0x4  }
0x6e0: {  	v26 =	vunpack.i.u.bf16.f32 v54  }
0x6e1: {  	v5 =	vld [tilespmem:$0x1FC00];
	v19 =	vmul.f32 v26, v59;
	v26 =	vunpack.i.u.bf16.f32 v39  }
0x6e2: {  	v31 =	vunpack.i.l.bf16.f32 v54;
	v26 =	vmul.f32 v26, v12  }
0x6e3: {  	v53 =	vadd.f32 v19, v31;
	v31 =	vld.idx.msk [tilespmem:v6+s12+$0x0], $0xffff;
	v6 =	vunpack.i.l.bf16.f32 v39  }
0x6e4: {  	v51 =	vadd.f32 v26, v6;
	v6 =	vperm.xlane v1, v58;
	v1 =	vld [tilespmem:$0x1FBF0];
	_ =	sdelay $0x4  }
0x6e5: {  	[tilespmem:v5+s15+$0x0] =	vst.idx.msk $0xffff, v1  }
0x6e6: {  	v30 =	vor.u32 s25, v18;
	v1 =	vld [tilespmem:$0x1FC10];
	_ =	sdelay $0x4  }
0x6e7: {  	v9 =	vld [tilespmem:$0x1FE80];
	[tilespmem:v30+s15+$0x0] =	vst.idx.msk $0xffff, v1;
	v1 =	vor.u32 s5, v14  }
0x6e8: {  	v32 =	vor.u32 s29, v18;
	[tilespmem:$0x1FC20] =	vst v1;
	v1 =	vor.u32 s5, v18  }
0x6e9: {  	v44 =	vor.u32 s26, v18;
	[tilespmem:$0x1FC30] =	vst v1;
	v1 =	vld [tilespmem:$0x1FC40];
	_ =	sdelay $0x3  }
0x6ea: {  	[tilespmem:v32+s15+$0x0] =	vst.idx.msk $0xffff, v36  }
0x6eb: {  	[tilespmem:v44+s15+$0x0] =	vst.idx.msk $0xffff, v1  }
0x6ec: {  	v1 =	vld [tilespmem:$0x1FF10];
	_ =	sdelay $0x4  }
0x6ed: {  	v32 =	vor.u32 s28, v1;
	v1 =	vld [tilespmem:$0x1FC50];
	_ =	sdelay $0x1  }
0x6ee: {  	v61 =	vor.u32 s30, v9;
	_ =	sdelay $0x4  }
0x6ef: {  	[tilespmem:v61+s15+$0x0] =	vst.idx.msk $0xffff, v50  }
0x6f0: {  	[tilespmem:v1+s15+$0x0] =	vst.idx.msk $0xffff, v41  }
0x6f1: {  	v19 =	vperm.xlane v63, v4;
	v1 =	vld [tilespmem:$0x1FC60]  }
0x6f2: {  	v62 =	vor.u32 s1, v18  }
0x6f3: {  	v29 =	vmovc v57;
	v57 =	vor.u32 s5, v48;
	v16 =	vor.u32 s5, v24;
	v54 =	vadd.s32 v11, v19  }
0x6f4: {  	v63 =	vunpack.i.l.bf16.f32 v49;
	v49 =	vunpack.i.l.bf16.f32 v38;
	v19 =	vunpack.i.u.bf16.f32 v38  }
0x6f5: {  	v28 =	vmovc v58;
	v45 =	vmul.f32 v19, v55;
	v19 =	vor.u32 s28, v17;
	v58 =	vor.u32 s28, v15  }
0x6f6: {  	v15 =	vor.u32 s28, v22;
	v26 =	vor.u32 s28, v0;
	v43 =	vadd.s32 v29, v6;
	v5 =	vmovc v48  }
0x6f7: {  	v6 =	vor.u32 s28, v24;
	v42 =	vunpack.i.l.bf16.f32 v31;
	v39 =	vor.u32 s28, v5  }
0x6f8: {  	s23 =	sadd.s32 $0x340, s23;
	s0 =	simm.s32 $0xA;
	v48 =	vor.u32 s28, v9;
	v9 =	vor.u32 s28, v60;
	v36 =	vor.u32 s28, v14;
	v50 =	vld.idx.msk [tilespmem:v54+s12+$0x0], $0xffff  }
0x6f9: {  	s25 =	simm.s32 $0x0;
	s1 =	simm.s32 $0xB00;
	s26 =	sadd.s32 $0x20, s10;
	v44 =	vunpack.i.u.bf16.f32 v31;
	v41 =	vor.u32 s28, v10;
	[tilespmem:v46+s15+$0x0] =	vst.idx.msk $0xffff, v53;
	v46 =	vor.u32 s24, v24;
	v40 =	vld.idx.msk [tilespmem:v1+s12+$0x0], $0xffff  }
.LBB2_11:
0x6fa: {  	v0 =	vld [tilespmem:$0x1FAF0];
	_ =	sdelay $0x4  }
0x6fb: {  	v1 =	vmov v0;
	v0 =	vmov v57  }
0x6fc: {  	[tilespmem:$0x1FAF0] =	vst v0;
	v0 =	vld [tilespmem:$0x1F9C0];
	_ =	sdelay $0x6  }
0x6fd: {  	[tilespmem:v48+s15+$0x0] =	vst.idx.msk $0xffff, v51  }
0x6fe: {  	v45 =	vadd.f32 v45, v49;
	v49 =	vld.idx.msk [tilespmem:v0+s12+$0x0], $0xffff  }
0x6ff: {  	v0 =	vld [tilespmem:$0x1FAE0];
	_ =	sdelay $0x3  }
0x700: {  	v44 =	vmul.f32 v44, v21;
	_ =	sdelay $0x1  }
0x701: {  	v51 =	vld [tilespmem:s26+$0xFFFFFFF0];
	v42 =	vadd.f32 v44, v42  }
0x702: {  	[tilespmem:$0x1F6A0] =	vst v26;
	v26 =	vld.idx.msk [tilespmem:v33+s12+$0x0], $0xffff  }
0x703: {  	[tilespmem:v0+s15+$0x0] =	vst.idx.msk $0xffff, v42;
	v0 =	vld [tilespmem:$0x1FAA0];
	_ =	sdelay $0x4  }
0x704: {  	[tilespmem:$0x1F730] =	vst v15;
	v15 =	vadd.f32 v0, v63;
	v0 =	vunpack.i.l.bf16.f32 v13  }
0x705: {  	[tilespmem:$0x1F720] =	vst v0;
	v0 =	vld [tilespmem:$0x1F910];
	_ =	sdelay $0x7  }
0x706: {  	v44 =	vld.idx.msk [tilespmem:v0+s12+$0x0], $0xffff  }
0x707: {  	v0 =	vld [tilespmem:$0x1F9A0];
	_ =	sdelay $0x2  }
0x708: {  	[tilespmem:$0x1F6B0] =	vst v58;
	v58 =	vunpack.i.u.bf16.f32 v40  }
0x709: {  	v48 =	vmul.f32 v58, v52  }
0x70a: {  	v54 =	vunpack.i.l.bf16.f32 v40  }
0x70b: {  	v57 =	vadd.f32 v48, v54  }
0x70c: {  	v5 =	vld [tilespmem:$0x1F750]  }
0x70d: {  	[tilespmem:v0+s15+$0x0] =	vst.idx.msk $0xffff, v57;
	v0 =	vld [tilespmem:$0x1F860]  }
0x70e: {  	v53 =	vld [tilespmem:s26+$0x0]  }
0x70f: {  	v61 =	vld [tilespmem:$0x1FDC0]  }
0x710: {  	v58 =	vmov v20;
	v20 =	vld [tilespmem:$0x1FF10]  }
0x711: {  	v10 =	vld [tilespmem:$0x1FFB0];
	[tilespmem:v46+s15+$0x0] =	vst.idx.msk $0xffff, v45  }
0x712: {  	[tilespmem:$0x1F6F0] =	vst v6;
	v46 =	vld.idx.msk [tilespmem:v43+s12+$0x0], $0xffff  }
0x713: {  	[tilespmem:$0x1F700] =	vst v52;
	v2 =	vlaneseq.u32;
	v6 =	vld [tilespmem:$0x1FE20];
	v52 =	vunpack.i.u.bf16.f32 v50  }
0x714: {  	v30 =	vmovc v21;
	v21 =	vld [tilespmem:$0x1FFD0];
	v38 =	vperm.xlane v61, v4;
	v33 =	vmul.f32 v52, v3;
	v43 =	vand.u32 $0xF, v51  }
0x715: {  	v60 =	vor.u32 s30, v20;
	v0 =	vld.idx.msk [tilespmem:v0+s12+$0x0], $0xffff;
	[tilespmem:v5+s15+$0x0] =	vst.idx.msk $0xffff, v15;
	v15 =	vperm.xlane v2, v43  }
0x716: {  	v54 =	vand.u32 $0xF, v53;
	v45 =	vadd.s32 v11, v38;
	v42 =	vand.u32 $0xFFFFFFF0, v51;
	v13 =	vld [tilespmem:$0x1F7A0]  }
0x717: {  	v8 =	vld [tilespmem:$0x1FF90];
	v38 =	vunpack.i.l.bf16.f32 v50;
	v51 =	vadd.s32 v42, v15;
	v15 =	vunpack.i.u.bf16.f32 v46  }
0x718: {  	v25 =	vld [tilespmem:$0x1FCE0];
	[tilespmem:$0x1F6E0] =	vst v1;
	v1 =	vperm.xlane v2, v54;
	v24 =	vadd.f32 v33, v38  }
0x719: {  	v63 =	vand.u32 $0xFFFFFFF0, v53;
	v5 =	vld [tilespmem:$0x1FDA0]  }
0x71a: {  	v52 =	vld [tilespmem:$0x1FD80];
	[tilespmem:v60+s15+$0x0] =	vst.idx.msk $0xffff, v24;
	v1 =	vadd.s32 v63, v1;
	v17 =	vmul.f32 v15, v55;
	v15 =	vmov v37  }
0x71b: {  	v14 =	vmov v13;
	[tilespmem:$0x1F9C0] =	vst v15;
	v15 =	vld [tilespmem:$0x1FA10]  }
0x71c: {  	v45 =	vld.idx.msk [tilespmem:v45+s12+$0x0], $0xffff;
	[tilespmem:$0x1F750] =	vst v14  }
0x71d: {  	v31 =	vmovc v59;
	v22 =	vor.u32 s28, v10;
	v59 =	vor.u32 s24, v8;
	v40 =	vperm.xlane v6, v43;
	[tilespmem:$0x1F6D0] =	vst v0;
	v0 =	vmovc v62  }
0x71e: {  	v18 =	vmov v22;
	v2 =	vmov v56;
	v38 =	vperm.xlane v5, v28;
	[tilespmem:$0x1F740] =	vst v0;
	v0 =	vld [tilespmem:$0x1FC30]  }
0x71f: {  	v24 =	vperm.xlane v21, v43;
	v1 =	vld.idx.msk [tilespmem:v1+s12+$0x0], $0xffff;
	[tilespmem:$0x1F7A0] =	vst v2;
	v2 =	vadd.s32 v42, v40;
	v40 =	vunpack.i.l.bf16.f32 v46  }
0x720: {  	v22 =	vld [tilespmem:$0x1FCB0];
	v14 =	vperm.xlane v52, v43;
	v33 =	vadd.f32 v17, v40;
	v48 =	vadd.s32 v29, v38;
	v15 =	vmovc v15  }
0x721: {  	s31 =	sadd.s32 $0x20, s31;
	v50 =	vadd.s32 v42, v24;
	v24 =	vperm.xlane v25, v43;
	v17 =	vunpack.i.u.bf16.f32 v45;
	[tilespmem:$0x1F910] =	vst v15;
	v15 =	vld [tilespmem:$0x1FA70]  }
0x722: {  	v60 =	vld [tilespmem:s31+$0x0];
	[tilespmem:v59+s15+$0x0] =	vst.idx.msk $0xffff, v33;
	v59 =	vadd.s32 v42, v14;
	v14 =	vmul.f32 v17, v3  }
0x723: {  	v62 =	vld [tilespmem:$0x1FD30];
	v13 =	vmov v0  }
0x724: {  	v53 =	vadd.s32 v42, v24;
	v24 =	vunpack.i.u.bf16.f32 v26;
	v46 =	vunpack.i.u.bf16.f32 v1;
	[tilespmem:$0x1F690] =	vst v13;
	v13 =	vld [tilespmem:$0x1FBD0]  }
0x725: {  	v57 =	vperm.xlane v22, v4;
	[tilespmem:$0x1F710] =	vst v59;
	v37 =	vld.idx.msk [tilespmem:v48+s12+$0x0], $0xffff;
	v48 =	vunpack.i.l.bf16.f32 v26;
	v26 =	vunpack.i.l.bf16.f32 v45  }
0x726: {  	v59 =	vperm.xlane v22, v43;
	v22 =	vperm.xlane v6, v54;
	v6 =	vld [tilespmem:$0x1F930];
	v26 =	vadd.f32 v14, v26;
	v14 =	vmovc v15  }
0x727: {  	[tilespmem:$0x1F930] =	vst v14;
	v14 =	vmul.f32 v46, v60;
	v46 =	vmov v16;
	v16 =	vld [tilespmem:$0x1FB10]  }
0x728: {  	v56 =	vperm.xlane v62, v43  }
0x729: {  	v0 =	vmov v13  }
0x72a: {  	v24 =	vmul.f32 v24, v12;
	v38 =	vmov v41;
	v41 =	vld.idx.msk [tilespmem:v51+s12+$0x0], $0xffff;
	[tilespmem:$0x1FAE0] =	vst v0;
	v0 =	vadd.s32 v42, v56  }
0x72b: {  	[tilespmem:$0x1F6C0] =	vst v0;
	v0 =	vld [tilespmem:$0x1FF20]  }
0x72c: {  	v24 =	vadd.f32 v24, v48;
	v51 =	vmovc v6;
	v6 =	vld [tilespmem:$0x1FFE0];
	v48 =	vunpack.i.l.bf16.f32 v1;
	v1 =	vmov v16  }
0x72d: {  	[tilespmem:$0x1F9A0] =	vst v1;
	v1 =	vld [tilespmem:$0x1FB30];
	_ =	sdelay $0x2  }
0x72e: {  	[tilespmem:$0x1FC30] =	vst v18;
	v16 =	vld [tilespmem:$0x1FC20];
	v18 =	vor.u32 s30, v0  }
0x72f: {  	v61 =	vperm.xlane v61, v43;
	v40 =	vmovc v23;
	v23 =	vld [tilespmem:$0x1FF60];
	v17 =	vadd.s32 v11, v57;
	v13 =	vmov v35;
	s30 =	sadd.s32 $0x200, s30  }
0x730: {  	[tilespmem:$0x1FA10] =	vst v13;
	v13 =	vld [tilespmem:$0x1FFC0];
	v56 =	vor.u32 s30, v6  }
0x731: {  	[tilespmem:$0x1FBD0] =	vst v38;
	v45 =	vld [tilespmem:s31+$0xFFFFFFF0]  }
0x732: {  	[tilespmem:v32+s15+$0x0] =	vst.idx.msk $0xffff, v24;
	v35 =	vadd.s32 v42, v61;
	v15 =	vld [tilespmem:$0x1FD10]  }
0x733: {  	v61 =	vmov v47;
	v14 =	vadd.f32 v14, v48;
	s28 =	sadd.s32 $0xFFFFFF00, s30;
	[tilespmem:v18+s15+$0x0] =	vst.idx.msk $0xffff, v26;
	v47 =	vld.idx.msk [tilespmem:v1+s12+$0x0], $0xffff;
	v1 =	vmov v16  }
0x734: {  	v57 =	vmov v39;
	v17 =	vld.idx.msk [tilespmem:v17+s12+$0x0], $0xffff;
	[tilespmem:$0x1FB10] =	vst v1;
	v1 =	vor.u32 s28, v6;
	v6 =	vmov v36  }
0x735: {  	v39 =	vperm.xlane v13, v43;
	v26 =	vmov v35;
	[tilespmem:v56+s15+$0x0] =	vst.idx.msk $0xffff, v14;
	v56 =	vperm.xlane v13, v4;
	v13 =	vld [tilespmem:$0x1F970]  }
0x736: {  	v18 =	vadd.s32 v63, v22;
	[tilespmem:$0x1FB30] =	vst v26  }
0x737: {  	v38 =	vor.u32 s24, v23;
	v24 =	vunpack.i.u.bf16.f32 v37;
	v26 =	vld [tilespmem:$0x1FF30];
	[tilespmem:$0x1FC20] =	vst v6;
	v6 =	vmov v34  }
0x738: {  	v33 =	vunpack.i.u.bf16.f32 v41;
	v24 =	vmul.f32 v24, v55;
	v22 =	vperm.xlane v15, v28  }
0x739: {  	v37 =	vunpack.i.l.bf16.f32 v37;
	v48 =	vmul.f32 v33, v45  }
0x73a: {  	v14 =	vadd.f32 v24, v37;
	v22 =	vadd.s32 v29, v22;
	[tilespmem:$0x1FAA0] =	vst v6;
	v6 =	vmov v13  }
0x73b: {  	v41 =	vunpack.i.l.bf16.f32 v41;
	[tilespmem:$0x1FA70] =	vst v61;
	v18 =	vld.idx.msk [tilespmem:v18+s12+$0x0], $0xffff  }
0x73c: {  	v61 =	vld [tilespmem:$0x1FE30];
	v36 =	vadd.f32 v48, v41;
	[tilespmem:v38+s15+$0x0] =	vst.idx.msk $0xffff, v14;
	v48 =	vunpack.i.u.bf16.f32 v17;
	v24 =	vor.u32 s1, v26  }
0x73d: {  	v41 =	vadd.s32 v11, v56;
	v14 =	vmul.f32 v48, v3;
	v13 =	vld [tilespmem:$0x1FAB0];
	[tilespmem:$0x1F860] =	vst v6;
	v6 =	vmov v7  }
0x73e: {  	v17 =	vunpack.i.l.bf16.f32 v17;
	[tilespmem:$0x1FAB0] =	vst v6;
	v6 =	vld [tilespmem:$0x1FD50]  }
0x73f: {  	v22 =	vld.idx.msk [tilespmem:v22+s12+$0x0], $0xffff;
	[tilespmem:v1+s15+$0x0] =	vst.idx.msk $0xffff, v36;
	v1 =	vunpack.i.u.bf16.f32 v47;
	v14 =	vadd.f32 v14, v17;
	v17 =	vor.u32 s28, v0  }
0x740: {  	v36 =	vperm.xlane v21, v54;
	v2 =	vld.idx.msk [tilespmem:v2+s12+$0x0], $0xffff;
	v1 =	vmul.f32 v1, v12;
	v38 =	vunpack.i.u.bf16.f32 v18  }
0x741: {  	v0 =	vld [tilespmem:$0x1FF40];
	[tilespmem:v24+s15+$0x0] =	vst.idx.msk $0xffff, v14;
	v7 =	vunpack.i.l.bf16.f32 v47;
	v47 =	vadd.s32 v42, v59;
	v59 =	vor.u32 s30, v61  }
0x742: {  	v33 =	vmovc v29;
	v14 =	vmul.f32 v38, v60;
	v24 =	vadd.s32 v63, v36;
	v36 =	vld.idx.msk [tilespmem:v41+s12+$0x0], $0xffff;
	v13 =	vmov v13  }
0x743: {  	v18 =	vunpack.i.l.bf16.f32 v18;
	[tilespmem:$0x1F970] =	vst v13;
	v13 =	vld [tilespmem:$0x1FF70];
	v41 =	vperm.xlane v6, v28  }
0x744: {  	v32 =	vld [tilespmem:$0x1FE80];
	v56 =	vunpack.i.u.bf16.f32 v22;
	v14 =	vadd.f32 v14, v18;
	v1 =	vadd.f32 v1, v7  }
0x745: {  	v7 =	vunpack.i.l.bf16.f32 v22;
	v22 =	vunpack.i.u.bf16.f32 v2;
	v41 =	vadd.s32 v33, v41;
	v33 =	vmovc v11;
	v11 =	vmovc v63;
	v63 =	vld [tilespmem:$0x1FCC0]  }
0x746: {  	v29 =	vmov v27;
	v27 =	vld [tilespmem:$0x1FFF0];
	v18 =	vmul.f32 v56, v55;
	[tilespmem:v59+s15+$0x0] =	vst.idx.msk $0xffff, v14;
	v14 =	vmul.f32 v22, v45  }
0x747: {  	v22 =	vadd.s32 v42, v39;
	v39 =	vor.u32 s1, v0;
	v59 =	vor.u32 s28, v0;
	v0 =	vld [tilespmem:$0x1FF50]  }
0x748: {  	v37 =	vor.u32 s28, v61;
	v7 =	vadd.f32 v18, v7;
	[tilespmem:v19+s15+$0x0] =	vst.idx.msk $0xffff, v1;
	v18 =	vld.idx.msk [tilespmem:v24+s12+$0x0], $0xffff;
	v61 =	vor.u32 s24, v13  }
0x749: {  	v38 =	vmov v4;
	v24 =	vld.idx.msk [tilespmem:v58+s12+$0x0], $0xffff  }
0x74a: {  	v1 =	vperm.xlane v63, v38;
	v58 =	vperm.xlane v63, v43;
	v63 =	vld [tilespmem:$0x1FCF0]  }
0x74b: {  	v35 =	vor.u32 s28, v27;
	v48 =	vor.u32 s28, v32;
	v2 =	vunpack.i.l.bf16.f32 v2  }
0x74c: {  	v32 =	vor.u32 s28, v20;
	v21 =	vunpack.i.u.bf16.f32 v36;
	v2 =	vadd.f32 v14, v2  }
0x74d: {  	v4 =	vmovc v54;
	v20 =	vmov v47;
	v47 =	vunpack.i.u.bf16.f32 v49;
	[tilespmem:v61+s15+$0x0] =	vst.idx.msk $0xffff, v7;
	v7 =	vmul.f32 v21, v3  }
0x74e: {  	v36 =	vunpack.i.l.bf16.f32 v36;
	[tilespmem:v37+s15+$0x0] =	vst.idx.msk $0xffff, v2;
	v54 =	vor.u32 s28, v0;
	v61 =	vperm.xlane v25, v4;
	v14 =	vld.idx.msk [tilespmem:v41+s12+$0x0], $0xffff  }
0x74f: {  	v19 =	vmovc v17;
	v41 =	vmul.f32 v47, v31;
	v17 =	vadd.f32 v7, v36;
	v2 =	vperm.xlane v63, v43  }
0x750: {  	v1 =	vadd.s32 v33, v1;
	v36 =	vld.idx.msk [tilespmem:v50+s12+$0x0], $0xffff;
	v7 =	vadd.s32 v42, v58;
	v50 =	vor.u32 s30, v27  }
0x751: {  	[tilespmem:v39+s15+$0x0] =	vst.idx.msk $0xffff, v17;
	v17 =	vadd.s32 v11, v61;
	v37 =	vadd.s32 v42, v2;
	v2 =	vunpack.i.u.bf16.f32 v18  }
0x752: {  	v39 =	vunpack.i.u.bf16.f32 v24;
	v61 =	vor.u32 s24, v10;
	s24 =	smov.u32 s1;
	v2 =	vmul.f32 v2, v60  }
0x753: {  	v47 =	vor.u32 s24, v0;
	v0 =	vld [tilespmem:$0x1FB60];
	v58 =	vunpack.i.u.bf16.f32 v14;
	v18 =	vunpack.i.l.bf16.f32 v18  }
0x754: {  	v2 =	vadd.f32 v2, v18;
	v18 =	vmul.f32 v39, v12;
	v39 =	vmul.f32 v58, v55  }
0x755: {  	v24 =	vunpack.i.l.bf16.f32 v24;
	v14 =	vunpack.i.l.bf16.f32 v14;
	v58 =	vunpack.i.u.bf16.f32 v36  }
0x756: {  	v1 =	vld.idx.msk [tilespmem:v1+s12+$0x0], $0xffff;
	[tilespmem:v50+s15+$0x0] =	vst.idx.msk $0xffff, v2;
	v2 =	vadd.f32 v39, v14;
	v14 =	vmul.f32 v58, v45  }
0x757: {  	v36 =	vunpack.i.l.bf16.f32 v36;
	v18 =	vadd.f32 v18, v24  }
0x758: {  	v17 =	vld.idx.msk [tilespmem:v17+s12+$0x0], $0xffff;
	[tilespmem:v61+s15+$0x0] =	vst.idx.msk $0xffff, v2;
	v2 =	vadd.f32 v14, v36  }
0x759: {  	[tilespmem:v9+s15+$0x0] =	vst.idx.msk $0xffff, v18  }
0x75a: {  	[tilespmem:v35+s15+$0x0] =	vst.idx.msk $0xffff, v2  }
0x75b: {  	v39 =	vld.idx.msk [tilespmem:v0+s12+$0x0], $0xffff  }
0x75c: {  	v0 =	vld [tilespmem:$0x1FBC0];
	_ =	sdelay $0x3  }
0x75d: {  	v55 =	vmov v3;
	v24 =	vperm.xlane v63, v38;
	v63 =	vunpack.i.u.bf16.f32 v1  }
0x75e: {  	v49 =	vunpack.i.l.bf16.f32 v49;
	v14 =	vmul.f32 v63, v55  }
0x75f: {  	v1 =	vunpack.i.l.bf16.f32 v1;
	v9 =	vadd.f32 v41, v49  }
0x760: {  	v1 =	vadd.f32 v14, v1;
	v14 =	vld.idx.msk [tilespmem:v53+s12+$0x0], $0xffff  }
0x761: {  	[tilespmem:v0+s15+$0x0] =	vst.idx.msk $0xffff, v9;
	v0 =	vld [tilespmem:$0x1F9F0];
	_ =	sdelay $0x2  }
0x762: {  	v25 =	vld [tilespmem:$0x1FD40]  }
0x763: {  	v16 =	vld [tilespmem:$0x1FF00]  }
0x764: {  	v24 =	vadd.s32 v33, v24  }
0x765: {  	v50 =	vld [tilespmem:$0x1FF80];
	_ =	sdelay $0x1  }
0x766: {  	v58 =	vperm.xlane v25, v43;
	[tilespmem:v47+s15+$0x0] =	vst.idx.msk $0xffff, v1;
	v1 =	vld.idx.msk [tilespmem:v0+s12+$0x0], $0xffff;
	v0 =	vmov v29  }
0x767: {  	v56 =	vor.u32 s28, v26;
	v3 =	vmovc v60;
	v49 =	vor.u32 s30, v16;
	v28 =	vunpack.i.u.bf16.f32 v17;
	[tilespmem:$0x1F9F0] =	vst v0;
	v0 =	vld [tilespmem:$0x1F6B0]  }
0x768: {  	v36 =	vadd.s32 v42, v58;
	v58 =	vperm.xlane v5, v43;
	v28 =	vmul.f32 v28, v3;
	v24 =	vld.idx.msk [tilespmem:v24+s12+$0x0], $0xffff  }
0x769: {  	v27 =	vperm.xlane v62, v4;
	v2 =	vor.u32 s28, v50;
	v17 =	vunpack.i.l.bf16.f32 v17  }
0x76a: {  	v5 =	vld [tilespmem:$0x1F6A0];
	v35 =	vadd.s32 v42, v58;
	v26 =	vmovc v2;
	v17 =	vadd.f32 v28, v17;
	v2 =	vunpack.i.u.bf16.f32 v39  }
0x76b: {  	v50 =	vor.u32 s24, v50;
	v58 =	vunpack.i.u.bf16.f32 v14;
	v2 =	vmul.f32 v2, v12  }
0x76c: {  	v47 =	vadd.s32 v11, v27;
	v39 =	vunpack.i.l.bf16.f32 v39;
	[tilespmem:v49+s15+$0x0] =	vst.idx.msk $0xffff, v17;
	v17 =	vmul.f32 v58, v45  }
0x76d: {  	v14 =	vunpack.i.l.bf16.f32 v14;
	v58 =	vunpack.i.u.bf16.f32 v24;
	v2 =	vadd.f32 v2, v39  }
0x76e: {  	v14 =	vadd.f32 v17, v14;
	v17 =	vmul.f32 v58, v55  }
0x76f: {  	v5 =	vmov v5;
	[tilespmem:v0+s15+$0x0] =	vst.idx.msk $0xffff, v2;
	v2 =	vunpack.i.l.bf16.f32 v24  }
0x770: {  	[tilespmem:$0x1FBC0] =	vst v5;
	v5 =	vld [tilespmem:$0x1F6C0];
	v0 =	vadd.f32 v17, v2  }
0x771: {  	v49 =	vld.idx.msk [tilespmem:v47+s12+$0x0], $0xffff  }
0x772: {  	v34 =	vor.u32 s28, v16;
	[tilespmem:v50+s15+$0x0] =	vst.idx.msk $0xffff, v0;
	v0 =	vld [tilespmem:$0x1FA00];
	_ =	sdelay $0x1  }
0x773: {  	v9 =	vmov v56;
	v56 =	vunpack.i.u.bf16.f32 v1  }
0x774: {  	v41 =	vor.u32 s28, v8;
	v8 =	vmovc v22;
	v22 =	vunpack.i.u.bf16.f32 v44;
	v24 =	vmul.f32 v56, v31  }
0x775: {  	v22 =	vmul.f32 v22, v30;
	v1 =	vunpack.i.l.bf16.f32 v1  }
0x776: {  	[tilespmem:v34+s15+$0x0] =	vst.idx.msk $0xffff, v14;
	v2 =	vunpack.i.l.bf16.f32 v44;
	v1 =	vadd.f32 v24, v1  }
0x777: {  	v14 =	vld.idx.msk [tilespmem:v40+s12+$0x0], $0xffff;
	v2 =	vadd.f32 v22, v2;
	v22 =	vperm.xlane v15, v43  }
0x778: {  	v17 =	vld.idx.msk [tilespmem:v5+s12+$0x0], $0xffff;
	[tilespmem:v46+s15+$0x0] =	vst.idx.msk $0xffff, v1  }
0x779: {  	v47 =	vadd.s32 v42, v22;
	v22 =	vld.idx.msk [tilespmem:v0+s12+$0x0], $0xffff  }
0x77a: {  	v0 =	vld [tilespmem:$0x1F6E0];
	_ =	sdelay $0x3  }
0x77b: {  	v27 =	vmov v36;
	v36 =	vperm.xlane v25, v38;
	_ =	sdelay $0x1  }
0x77c: {  	v36 =	vadd.s32 v33, v36;
	_ =	sdelay $0x1  }
0x77d: {  	[tilespmem:v0+s15+$0x0] =	vst.idx.msk $0xffff, v2;
	v0 =	vld [tilespmem:$0x1F6F0];
	_ =	sdelay $0x1  }
0x77e: {  	v61 =	vld [tilespmem:$0x1FDD0]  }
0x77f: {  	v56 =	vld.idx.msk [tilespmem:v36+s12+$0x0], $0xffff  }
0x780: {  	v36 =	vor.u32 s28, v13;
	v13 =	vld [tilespmem:$0x1F6D0]  }
0x781: {  	v16 =	vmov v0;
	v0 =	vld [tilespmem:$0x1F700]  }
0x782: {  	v24 =	vunpack.i.u.bf16.f32 v49  }
0x783: {  	v39 =	vor.u32 s28, v23;
	v23 =	vmov v7;
	v7 =	vmul.f32 v24, v3  }
0x784: {  	v1 =	vunpack.i.l.bf16.f32 v49  }
0x785: {  	v1 =	vadd.f32 v7, v1;
	v7 =	vunpack.i.u.bf16.f32 v13;
	v2 =	vperm.xlane v6, v43  }
0x786: {  	v10 =	vperm.xlane v61, v43;
	v34 =	vmul.f32 v7, v0;
	v7 =	vunpack.i.u.bf16.f32 v17  }
0x787: {  	v60 =	vld [tilespmem:$0x1FE80];
	v43 =	vmul.f32 v7, v45;
	v7 =	vadd.s32 v42, v2;
	v2 =	vperm.xlane v61, v38  }
0x788: {  	v29 =	vmov v33;
	v40 =	vld.idx.msk [tilespmem:v51+s12+$0x0], $0xffff;
	v17 =	vunpack.i.l.bf16.f32 v17  }
0x789: {  	v51 =	vadd.f32 v43, v17;
	v43 =	vadd.s32 v29, v2;
	v2 =	vld [tilespmem:$0x1FB80];
	_ =	sdelay $0x4  }
0x78a: {  	v60 =	vor.u32 s30, v60;
	v0 =	vmov v2  }
0x78b: {  	[tilespmem:$0x1FA00] =	vst v0;
	v0 =	vld [tilespmem:$0x1F730]  }
0x78c: {  	v63 =	vld [tilespmem:$0x1FFA0];
	v58 =	vmov v59;
	v59 =	vperm.xlane v52, v4;
	_ =	sdelay $0x1  }
0x78d: {  	s0 =	sadd.s32 $0x2, s0;
	v24 =	vadd.s32 v11, v59;
	v5 =	vunpack.i.u.bf16.f32 v14  }
0x78e: {  	p0 =	slt.u32 s0, $0x32;
	[tilespmem:v60+s15+$0x0] =	vst.idx.msk $0xffff, v1;
	v1 =	vmul.f32 v5, v12  }
.Ltmp4:
0x78f: {  	v62 =	vld [tilespmem:$0x1F690];
	v14 =	vunpack.i.l.bf16.f32 v14;
	(pc) =	sbr.rel @p0 .LBB2_11-.Ltmp4, $4  }
0x790: {  	v21 =	vmov v31;
	v18 =	vor.u32 s28, v63;
	v33 =	vld [tilespmem:$0x1F710];
	v1 =	vadd.f32 v1, v14  }
0x791: {  	[tilespmem:$0x1FB60] =	vst v8;
	v53 =	vadd.s32 v42, v10;
	v28 =	vmovc v38;
	v52 =	vmovc v30;
	v15 =	vmov v54;
	v46 =	vor.u32 s24, v63;
	v63 =	vld [tilespmem:$0x1F720]  }
0x792: {  	v59 =	vmovc v12;
	v50 =	vld.idx.msk [tilespmem:v24+s12+$0x0], $0xffff;
	v49 =	vunpack.i.l.bf16.f32 v56;
	v14 =	vunpack.i.u.bf16.f32 v56;
	[tilespmem:v0+s15+$0x0] =	vst.idx.msk $0xffff, v1;
	v0 =	vmov v53  }
0x793: {  	s26 =	sadd.s32 $0x20, s26;
	s1 =	smov.u32 s30;
	v12 =	vmovc v45;
	v56 =	vld [tilespmem:$0x1F740];
	v44 =	vunpack.i.u.bf16.f32 v22;
	v6 =	vmovc v18;
	v45 =	vmul.f32 v14, v55;
	v42 =	vunpack.i.l.bf16.f32 v22;
	[tilespmem:$0x1FB80] =	vst v0  }
0x794: {  	_ =	sdelay $0x1  }
0x795: {  	v24 =	vld [tilespmem:$0x1FFF0]  }
0x796: {  	v22 =	vld [tilespmem:$0x1FFE0]  }
0x797: {  	v25 =	vld [tilespmem:$0x1FDC0];
	[tilespmem:v48+s15+$0x0] =	vst.idx.msk $0xffff, v51  }
0x798: {  	v0 =	vld [tilespmem:$0x1FF10];
	_ =	sdelay $0x4  }
0x799: {  	v17 =	vld.idx.msk [tilespmem:v33+s12+$0x0], $0xffff;
	v2 =	vunpack.i.u.bf16.f32 v50;
	v14 =	vor.u32 s30, v0  }
0x79a: {  	v2 =	vmul.f32 v2, v3  }
0x79b: {  	v18 =	vunpack.i.l.bf16.f32 v50  }
0x79c: {  	v2 =	vadd.f32 v2, v18;
	_ =	sdelay $0x1  }
0x79d: {  	[tilespmem:v14+s15+$0x0] =	vst.idx.msk $0xffff, v2;
	v2 =	vunpack.i.u.bf16.f32 v17  }
0x79e: {  	v2 =	vmul.f32 v2, v12  }
0x79f: {  	v30 =	vunpack.i.l.bf16.f32 v17  }
0x7a0: {  	v2 =	vadd.f32 v2, v30  }
0x7a1: {  	v1 =	vperm.xlane v25, v4  }
0x7a2: {  	v33 =	vld [tilespmem:$0x1FCB0];
	[tilespmem:v32+s15+$0x0] =	vst.idx.msk $0xffff, v2  }
0x7a3: {  	v1 =	vadd.s32 v11, v1;
	v0 =	vld [tilespmem:$0x1FB30];
	_ =	sdelay $0x4  }
0x7a4: {  	v1 =	vld.idx.msk [tilespmem:v1+s12+$0x0], $0xffff  }
0x7a5: {  	v5 =	vld [tilespmem:$0x1FF20];
	_ =	sdelay $0x1  }
0x7a6: {  	v18 =	vld.idx.msk [tilespmem:v0+s12+$0x0], $0xffff;
	_ =	sdelay $0x1  }
0x7a7: {  	v31 =	vperm.xlane v33, v4;
	v2 =	vunpack.i.u.bf16.f32 v1  }
0x7a8: {  	v2 =	vmul.f32 v2, v3;
	v38 =	vor.u32 s30, v5  }
0x7a9: {  	v1 =	vunpack.i.l.bf16.f32 v1;
	v14 =	vadd.s32 v11, v31  }
0x7aa: {  	v1 =	vadd.f32 v2, v1;
	v2 =	vunpack.i.u.bf16.f32 v18  }
0x7ab: {  	v2 =	vmul.f32 v2, v12  }
0x7ac: {  	v48 =	vunpack.i.l.bf16.f32 v18  }
0x7ad: {  	[tilespmem:v38+s15+$0x0] =	vst.idx.msk $0xffff, v1;
	v2 =	vadd.f32 v2, v48  }
0x7ae: {  	v1 =	vld.idx.msk [tilespmem:v14+s12+$0x0], $0xffff  }
0x7af: {  	v38 =	vld [tilespmem:$0x1FFC0];
	[tilespmem:v19+s15+$0x0] =	vst.idx.msk $0xffff, v2  }
0x7b0: {  	v0 =	vld [tilespmem:$0x1FF30]  }
0x7b1: {  	v18 =	vld.idx.msk [tilespmem:v20+s12+$0x0], $0xffff;
	_ =	sdelay $0x1  }
0x7b2: {  	v2 =	vunpack.i.u.bf16.f32 v1  }
0x7b3: {  	v2 =	vmul.f32 v2, v3  }
0x7b4: {  	v1 =	vunpack.i.l.bf16.f32 v1;
	v51 =	vor.u32 s1, v0  }
0x7b5: {  	v1 =	vadd.f32 v2, v1;
	v2 =	vunpack.i.u.bf16.f32 v18  }
0x7b6: {  	v2 =	vmul.f32 v2, v12  }
0x7b7: {  	v53 =	vunpack.i.l.bf16.f32 v18  }
0x7b8: {  	v2 =	vadd.f32 v2, v53  }
0x7b9: {  	[tilespmem:v51+s15+$0x0] =	vst.idx.msk $0xffff, v1  }
0x7ba: {  	v19 =	vld [tilespmem:$0x1FCC0];
	[tilespmem:v9+s15+$0x0] =	vst.idx.msk $0xffff, v2  }
0x7bb: {  	v0 =	vld [tilespmem:$0x1FF40];
	_ =	sdelay $0x2  }
0x7bc: {  	v50 =	vperm.xlane v38, v4;
	_ =	sdelay $0x1  }
0x7bd: {  	v14 =	vadd.s32 v11, v50;
	v60 =	vor.u32 s1, v0;
	v0 =	vld [tilespmem:$0x1FB60];
	_ =	sdelay $0x4  }
0x7be: {  	v1 =	vld.idx.msk [tilespmem:v14+s12+$0x0], $0xffff;
	_ =	sdelay $0x2  }
0x7bf: {  	v30 =	vld.idx.msk [tilespmem:v0+s12+$0x0], $0xffff;
	_ =	sdelay $0x1  }
0x7c0: {  	v2 =	vunpack.i.u.bf16.f32 v1  }
0x7c1: {  	v2 =	vmul.f32 v2, v3  }
0x7c2: {  	v1 =	vunpack.i.l.bf16.f32 v1  }
0x7c3: {  	v1 =	vadd.f32 v2, v1;
	v2 =	vunpack.i.u.bf16.f32 v30  }
0x7c4: {  	v54 =	vperm.xlane v19, v4;
	v2 =	vmul.f32 v2, v12  }
0x7c5: {  	v31 =	vunpack.i.l.bf16.f32 v30  }
0x7c6: {  	v14 =	vadd.s32 v11, v54;
	v2 =	vadd.f32 v2, v31  }
0x7c7: {  	[tilespmem:v60+s15+$0x0] =	vst.idx.msk $0xffff, v1  }
0x7c8: {  	v20 =	vld [tilespmem:$0x1FCF0];
	[tilespmem:v58+s15+$0x0] =	vst.idx.msk $0xffff, v2  }
0x7c9: {  	v0 =	vld [tilespmem:$0x1FF50];
	_ =	sdelay $0x1  }
0x7ca: {  	v1 =	vld.idx.msk [tilespmem:v14+s12+$0x0], $0xffff;
	_ =	sdelay $0x2  }
0x7cb: {  	v48 =	vor.u32 s1, v0;
	v0 =	vld.idx.msk [tilespmem:v23+s12+$0x0], $0xffff  }
0x7cc: {  	v32 =	vperm.xlane v20, v4  }
0x7cd: {  	v2 =	vunpack.i.u.bf16.f32 v1  }
0x7ce: {  	v9 =	vadd.s32 v11, v32;
	v2 =	vmul.f32 v2, v3  }
0x7cf: {  	v1 =	vunpack.i.l.bf16.f32 v1  }
0x7d0: {  	v1 =	vadd.f32 v2, v1;
	v2 =	vunpack.i.u.bf16.f32 v0  }
0x7d1: {  	v2 =	vmul.f32 v2, v12  }
0x7d2: {  	[tilespmem:v48+s15+$0x0] =	vst.idx.msk $0xffff, v1;
	v0 =	vunpack.i.l.bf16.f32 v0  }
0x7d3: {  	v1 =	vld.idx.msk [tilespmem:v9+s12+$0x0], $0xffff;
	v0 =	vadd.f32 v2, v0  }
0x7d4: {  	v23 =	vld [tilespmem:$0x1FD40]  }
0x7d5: {  	v2 =	vld [tilespmem:$0x1F9C0];
	[tilespmem:v15+s15+$0x0] =	vst.idx.msk $0xffff, v0  }
0x7d6: {  	v32 =	vld [tilespmem:$0x1FF80];
	_ =	sdelay $0x4  }
0x7d7: {  	v0 =	vunpack.i.u.bf16.f32 v1;
	v51 =	vor.u32 s1, v32  }
0x7d8: {  	v0 =	vmul.f32 v0, v3  }
0x7d9: {  	v1 =	vunpack.i.l.bf16.f32 v1  }
0x7da: {  	v0 =	vadd.f32 v0, v1  }
0x7db: {  	v2 =	vld.idx.msk [tilespmem:v2+s12+$0x0], $0xffff  }
0x7dc: {  	[tilespmem:v51+s15+$0x0] =	vst.idx.msk $0xffff, v0  }
0x7dd: {  	v5 =	vld [tilespmem:$0x1FBC0]  }
0x7de: {  	v53 =	vld.idx.msk [tilespmem:v37+s12+$0x0], $0xffff;
	_ =	sdelay $0x1  }
0x7df: {  	v1 =	vunpack.i.u.bf16.f32 v2  }
0x7e0: {  	v0 =	vmul.f32 v1, v59  }
0x7e1: {  	v50 =	vperm.xlane v23, v4;
	v1 =	vunpack.i.l.bf16.f32 v2  }
0x7e2: {  	v54 =	vunpack.i.u.bf16.f32 v53;
	v0 =	vadd.f32 v0, v1  }
0x7e3: {  	v9 =	vadd.s32 v11, v50;
	v1 =	vmul.f32 v54, v12  }
0x7e4: {  	v58 =	vunpack.i.l.bf16.f32 v53;
	[tilespmem:v5+s15+$0x0] =	vst.idx.msk $0xffff, v0  }
0x7e5: {  	v0 =	vadd.f32 v1, v58;
	v1 =	vld [tilespmem:$0x1F9F0];
	_ =	sdelay $0x2  }
0x7e6: {  	v2 =	vld.idx.msk [tilespmem:v9+s12+$0x0], $0xffff;
	[tilespmem:v26+s15+$0x0] =	vst.idx.msk $0xffff, v0  }
0x7e7: {  	v30 =	vld [tilespmem:$0x1FFA0];
	_ =	sdelay $0x3  }
0x7e8: {  	v1 =	vld.idx.msk [tilespmem:v1+s12+$0x0], $0xffff  }
0x7e9: {  	v0 =	vunpack.i.u.bf16.f32 v2;
	v31 =	vor.u32 s1, v30  }
0x7ea: {  	v0 =	vmul.f32 v0, v3  }
0x7eb: {  	v37 =	vadd.f32 v45, v49;
	v2 =	vunpack.i.l.bf16.f32 v2  }
0x7ec: {  	v0 =	vadd.f32 v0, v2  }
0x7ed: {  	[tilespmem:v46+s15+$0x0] =	vst.idx.msk $0xffff, v37;
	v46 =	vunpack.i.u.bf16.f32 v1  }
0x7ee: {  	[tilespmem:v31+s15+$0x0] =	vst.idx.msk $0xffff, v0;
	v0 =	vmul.f32 v46, v59  }
0x7ef: {  	v1 =	vunpack.i.l.bf16.f32 v1  }
0x7f0: {  	v0 =	vadd.f32 v0, v1  }
0x7f1: {  	v45 =	vld.idx.msk [tilespmem:v27+s12+$0x0], $0xffff  }
0x7f2: {  	v27 =	vld [tilespmem:$0x1FDA0];
	[tilespmem:v16+s15+$0x0] =	vst.idx.msk $0xffff, v0  }
0x7f3: {  	v60 =	vperm.xlane v61, v4;
	v5 =	vld [tilespmem:$0x1FA00];
	_ =	sdelay $0x1  }
0x7f4: {  	v9 =	vadd.s32 v11, v60  }
0x7f5: {  	v48 =	vunpack.i.u.bf16.f32 v45  }
0x7f6: {  	v2 =	vld.idx.msk [tilespmem:v43+s12+$0x0], $0xffff;
	v1 =	vmul.f32 v48, v12  }
0x7f7: {  	v26 =	vmov v13;
	v13 =	vunpack.i.l.bf16.f32 v45;
	v60 =	vld [tilespmem:$0x1FF90]  }
0x7f8: {  	v1 =	vadd.f32 v1, v13  }
0x7f9: {  	v9 =	vld.idx.msk [tilespmem:v9+s12+$0x0], $0xffff  }
0x7fa: {  	[tilespmem:v6+s15+$0x0] =	vst.idx.msk $0xffff, v1;
	v53 =	vld.idx.msk [tilespmem:v5+s12+$0x0], $0xffff  }
0x7fb: {  	v5 =	vld [tilespmem:$0x1FB80]  }
0x7fc: {  	v0 =	vunpack.i.u.bf16.f32 v2;
	v50 =	vor.u32 s24, v60  }
0x7fd: {  	v0 =	vmul.f32 v0, v55  }
0x7fe: {  	v2 =	vunpack.i.l.bf16.f32 v2;
	v1 =	vunpack.i.u.bf16.f32 v9;
	v18 =	vor.u32 s1, v60  }
0x7ff: {  	v0 =	vadd.f32 v0, v2;
	v1 =	vmul.f32 v1, v3  }
0x800: {  	v9 =	vunpack.i.l.bf16.f32 v9  }
0x801: {  	[tilespmem:v50+s15+$0x0] =	vst.idx.msk $0xffff, v0;
	v0 =	vadd.f32 v1, v9;
	_ =	sdelay $0x1  }
0x802: {  	[tilespmem:v18+s15+$0x0] =	vst.idx.msk $0xffff, v0;
	v8 =	vld.idx.msk [tilespmem:v5+s12+$0x0], $0xffff  }
0x803: {  	v5 =	vld [tilespmem:$0x1FAE0];
	_ =	sdelay $0x3  }
0x804: {  	v1 =	vmul.f32 v44, v21;
	_ =	sdelay $0x1  }
0x805: {  	v1 =	vadd.f32 v1, v42;
	_ =	sdelay $0x1  }
0x806: {  	[tilespmem:v5+s15+$0x0] =	vst.idx.msk $0xffff, v1  }
0x807: {  	v5 =	vld [tilespmem:$0x1F910];
	_ =	sdelay $0x7  }
0x808: {  	v43 =	vld.idx.msk [tilespmem:v5+s12+$0x0], $0xffff  }
0x809: {  	v49 =	vperm.xlane v27, v28;
	v5 =	vld [tilespmem:$0x1FBD0];
	_ =	sdelay $0x1  }
0x80a: {  	v51 =	vadd.s32 v29, v49  }
0x80b: {  	v16 =	vunpack.i.u.bf16.f32 v53  }
0x80c: {  	v54 =	vperm.xlane v27, v4;
	v0 =	vmul.f32 v16, v59  }
0x80d: {  	v17 =	vunpack.i.l.bf16.f32 v53  }
0x80e: {  	v2 =	vadd.s32 v11, v54;
	v0 =	vadd.f32 v0, v17  }
0x80f: {  	v58 =	vld.idx.msk [tilespmem:v51+s12+$0x0], $0xffff  }
0x810: {  	v18 =	vld [tilespmem:$0x1FD10];
	[tilespmem:v5+s15+$0x0] =	vst.idx.msk $0xffff, v0  }
0x811: {  	v5 =	vld [tilespmem:$0x1FF60];
	_ =	sdelay $0x1  }
0x812: {  	v2 =	vld.idx.msk [tilespmem:v2+s12+$0x0], $0xffff;
	v37 =	vunpack.i.u.bf16.f32 v8  }
0x813: {  	v42 =	vmul.f32 v37, v12  }
0x814: {  	v8 =	vunpack.i.l.bf16.f32 v8  }
0x815: {  	v8 =	vadd.f32 v42, v8;
	v0 =	vunpack.i.u.bf16.f32 v58;
	v10 =	vor.u32 s24, v5  }
0x816: {  	v0 =	vmul.f32 v0, v55  }
0x817: {  	v9 =	vunpack.i.l.bf16.f32 v58;
	v6 =	vld [tilespmem:$0x1FA10];
	[tilespmem:v41+s15+$0x0] =	vst.idx.msk $0xffff, v8;
	v8 =	vunpack.i.u.bf16.f32 v2;
	v46 =	vor.u32 s1, v5  }
0x818: {  	v8 =	vmul.f32 v8, v3;
	v0 =	vadd.f32 v0, v9  }
0x819: {  	v2 =	vunpack.i.l.bf16.f32 v2  }
0x81a: {  	[tilespmem:v10+s15+$0x0] =	vst.idx.msk $0xffff, v0;
	v0 =	vadd.f32 v8, v2;
	_ =	sdelay $0x1  }
0x81b: {  	[tilespmem:v46+s15+$0x0] =	vst.idx.msk $0xffff, v0  }
0x81c: {  	v5 =	vld [tilespmem:$0x1FAF0];
	_ =	sdelay $0x2  }
0x81d: {  	v2 =	vunpack.i.u.bf16.f32 v43  }
0x81e: {  	v2 =	vmul.f32 v2, v21  }
0x81f: {  	v8 =	vunpack.i.l.bf16.f32 v43  }
0x820: {  	v45 =	vld.idx.msk [tilespmem:v6+s12+$0x0], $0xffff;
	v2 =	vadd.f32 v2, v8  }
0x821: {  	v49 =	vld.idx.msk [tilespmem:v35+s12+$0x0], $0xffff  }
0x822: {  	v31 =	vmov v28;
	v1 =	vperm.xlane v18, v28;
	v28 =	vld [tilespmem:$0x1FD50];
	[tilespmem:v5+s15+$0x0] =	vst.idx.msk $0xffff, v2  }
0x823: {  	v5 =	vld [tilespmem:$0x1F930]  }
0x824: {  	v1 =	vadd.s32 v29, v1  }
0x825: {  	v50 =	vunpack.i.u.bf16.f32 v45  }
0x826: {  	v53 =	vunpack.i.u.bf16.f32 v49;
	v51 =	vmul.f32 v50, v59  }
0x827: {  	v10 =	vmul.f32 v53, v12;
	v54 =	vunpack.i.l.bf16.f32 v45  }
0x828: {  	v13 =	vunpack.i.l.bf16.f32 v49;
	v9 =	vadd.f32 v51, v54  }
0x829: {  	v1 =	vld.idx.msk [tilespmem:v1+s12+$0x0], $0xffff;
	v10 =	vadd.f32 v10, v13  }
0x82a: {  	v37 =	vld [tilespmem:$0x1FF70];
	[tilespmem:v57+s15+$0x0] =	vst.idx.msk $0xffff, v9  }
0x82b: {  	v44 =	vperm.xlane v18, v4;
	v0 =	vperm.xlane v28, v31;
	[tilespmem:v39+s15+$0x0] =	vst.idx.msk $0xffff, v10;
	v31 =	vld.idx.msk [tilespmem:v5+s12+$0x0], $0xffff  }
0x82c: {  	v5 =	vld [tilespmem:$0x1FA70]  }
0x82d: {  	v48 =	vadd.s32 v11, v44;
	_ =	sdelay $0x1  }
0x82e: {  	v58 =	vunpack.i.u.bf16.f32 v1;
	v0 =	vadd.s32 v29, v0;
	v29 =	vor.u32 s24, v37  }
0x82f: {  	v35 =	vmul.f32 v58, v55  }
0x830: {  	v1 =	vunpack.i.l.bf16.f32 v1  }
0x831: {  	v8 =	vld.idx.msk [tilespmem:v48+s12+$0x0], $0xffff;
	v1 =	vadd.f32 v35, v1;
	_ =	sdelay $0x1  }
0x832: {  	[tilespmem:v29+s15+$0x0] =	vst.idx.msk $0xffff, v1;
	v42 =	vld.idx.msk [tilespmem:v5+s12+$0x0], $0xffff  }
0x833: {  	v5 =	vld [tilespmem:$0x1F9A0];
	_ =	sdelay $0x1  }
0x834: {  	v39 =	vunpack.i.u.bf16.f32 v8;
	v41 =	vor.u32 s1, v37  }
0x835: {  	v2 =	vunpack.i.u.bf16.f32 v40;
	v10 =	vmul.f32 v39, v3  }
0x836: {  	v2 =	vmul.f32 v2, v52;
	v8 =	vunpack.i.l.bf16.f32 v8  }
0x837: {  	v43 =	vunpack.i.l.bf16.f32 v40;
	v1 =	vadd.f32 v10, v8  }
0x838: {  	v2 =	vadd.f32 v2, v43  }
0x839: {  	[tilespmem:v41+s15+$0x0] =	vst.idx.msk $0xffff, v1  }
0x83a: {  	[tilespmem:v5+s15+$0x0] =	vst.idx.msk $0xffff, v2  }
0x83b: {  	v5 =	vld [tilespmem:$0x1F860];
	_ =	sdelay $0x7  }
0x83c: {  	v45 =	vld.idx.msk [tilespmem:v5+s12+$0x0], $0xffff  }
0x83d: {  	v5 =	vld [tilespmem:$0x1FB10];
	_ =	sdelay $0x2  }
0x83e: {  	v8 =	vunpack.i.u.bf16.f32 v31  }
0x83f: {  	v2 =	vmul.f32 v8, v21  }
0x840: {  	v1 =	vunpack.i.l.bf16.f32 v31  }
0x841: {  	v1 =	vadd.f32 v2, v1;
	_ =	sdelay $0x1  }
0x842: {  	[tilespmem:v5+s15+$0x0] =	vst.idx.msk $0xffff, v1  }
0x843: {  	v5 =	vld [tilespmem:$0x1F970];
	_ =	sdelay $0x6  }
0x844: {  	v44 =	vld.idx.msk [tilespmem:v47+s12+$0x0], $0xffff  }
0x845: {  	v47 =	vld.idx.msk [tilespmem:v5+s12+$0x0], $0xffff  }
0x846: {  	v5 =	vld [tilespmem:$0x1FC20];
	_ =	sdelay $0x2  }
0x847: {  	v8 =	vunpack.i.u.bf16.f32 v42  }
0x848: {  	v2 =	vmul.f32 v8, v59;
	v8 =	vunpack.i.u.bf16.f32 v44  }
0x849: {  	v4 =	vperm.xlane v28, v4;
	v46 =	vunpack.i.l.bf16.f32 v42;
	v8 =	vmul.f32 v8, v12  }
0x84a: {  	v1 =	vadd.f32 v2, v46;
	v2 =	vunpack.i.l.bf16.f32 v44  }
0x84b: {  	v4 =	vadd.s32 v11, v4;
	v2 =	vadd.f32 v8, v2  }
0x84c: {  	v0 =	vld.idx.msk [tilespmem:v0+s12+$0x0], $0xffff;
	[tilespmem:v5+s15+$0x0] =	vst.idx.msk $0xffff, v1  }
0x84d: {  	v1 =	vld [tilespmem:$0x1FAA0];
	[tilespmem:v36+s15+$0x0] =	vst.idx.msk $0xffff, v2  }
0x84e: {  	v48 =	vld [tilespmem:$0x1FFB0]  }
0x84f: {  	v14 =	vld [tilespmem:$0x1F750]  }
0x850: {  	v4 =	vld.idx.msk [tilespmem:v4+s12+$0x0], $0xffff  }
0x851: {  	v8 =	vunpack.i.u.bf16.f32 v0  }
0x852: {  	v5 =	vmul.f32 v8, v55  }
0x853: {  	v0 =	vunpack.i.l.bf16.f32 v0;
	v2 =	vor.u32 s24, v48  }
0x854: {  	v6 =	vunpack.i.u.bf16.f32 v45;
	v0 =	vadd.f32 v5, v0  }
0x855: {  	v5 =	vmul.f32 v6, v52;
	v6 =	vunpack.i.u.bf16.f32 v4;
	v1 =	vadd.f32 v1, v63  }
0x856: {  	v3 =	vmul.f32 v6, v3  }
0x857: {  	v8 =	vld [tilespmem:$0x1FAB0];
	v4 =	vunpack.i.l.bf16.f32 v4;
	[tilespmem:v14+s15+$0x0] =	vst.idx.msk $0xffff, v1  }
0x858: {  	v1 =	vadd.f32 v3, v4;
	v4 =	vunpack.i.l.bf16.f32 v45;
	[tilespmem:v2+s15+$0x0] =	vst.idx.msk $0xffff, v0  }
0x859: {  	v2 =	vadd.f32 v5, v4;
	v5 =	vld [tilespmem:$0x1F7A0];
	_ =	sdelay $0x3  }
0x85a: {  	v6 =	vor.u32 s1, v48  }
0x85b: {  	v49 =	vunpack.i.l.bf16.f32 v26  }
0x85c: {  	v11 =	vadd.f32 v34, v49;
	v50 =	vunpack.i.u.bf16.f32 v47  }
0x85d: {  	v3 =	vmul.f32 v50, v21  }
0x85e: {  	[tilespmem:v5+s15+$0x0] =	vst.idx.msk $0xffff, v11;
	v5 =	vunpack.i.l.bf16.f32 v47  }
0x85f: {  	v7 =	vld.idx.msk [tilespmem:v7+s12+$0x0], $0xffff;
	[tilespmem:v6+s15+$0x0] =	vst.idx.msk $0xffff, v1;
	v3 =	vadd.f32 v3, v5  }
0x860: {  	v8 =	vld.idx.msk [tilespmem:v8+s12+$0x0], $0xffff;
	[tilespmem:v56+s15+$0x0] =	vst.idx.msk $0xffff, v2  }
0x861: {  	[tilespmem:v62+s15+$0x0] =	vst.idx.msk $0xffff, v3  }
0x862: {  	v3 =	vld [tilespmem:$0x1FC30];
	_ =	sdelay $0x1  }
0x863: {  	v51 =	vunpack.i.u.bf16.f32 v7;
	v0 =	vor.u32 s28, v48  }
0x864: {  	v4 =	vunpack.i.u.bf16.f32 v8;
	v5 =	vmul.f32 v51, v12  }
0x865: {  	v2 =	vunpack.i.l.bf16.f32 v7;
	v4 =	vmul.f32 v4, v59  }
0x866: {  	v1 =	vunpack.i.l.bf16.f32 v8;
	v2 =	vadd.f32 v5, v2  }
0x867: {  	v1 =	vadd.f32 v4, v1  }
0x868: {  	[tilespmem:v0+s15+$0x0] =	vst.idx.msk $0xffff, v2  }
0x869: {  	s0 =	simm.s32 $0x10700;
	[tilespmem:v3+s15+$0x0] =	vst.idx.msk $0xffff, v1  }
0x86a: {  	v0 =	vld [tilespmem:s0+$0xFFFFFF10]  }
0x86b: {  	v1 =	vld [tilespmem:s0+$0xFFFFFF20]  }
0x86c: {  	v52 =	vld [tilespmem:$0x1FE20]  }
0x86d: {  	v21 =	vld [tilespmem:$0x1FFD0];
	_ =	sdelay $0x3  }
0x86e: {  	v2 =	vld [tilespmem:s0+$0xFFFFFF30];
	v0 =	vperm.xlane v0, v52  }
0x86f: {  	v3 =	vld [tilespmem:s0+$0xFFFFFF40];
	v1 =	vperm.xlane v1, v21  }
0x870: {  	v4 =	vld [tilespmem:s0+$0xFFFFFF50];
	[tilespmem:s0+$0xFFFFFF10] =	vst v0  }
0x871: {  	v14 =	vld [tilespmem:$0x1FCE0];
	[tilespmem:s0+$0xFFFFFF20] =	vst v1  }
0x872: {  	v53 =	vld [tilespmem:$0x1FD30]  }
0x873: {  	v5 =	vld [tilespmem:s0+$0xFFFFFF60]  }
0x874: {  	v6 =	vld [tilespmem:s0+$0xFFFFFF70]  }
0x875: {  	v0 =	vld [tilespmem:s0+$0xFFFFFF80]  }
0x876: {  	v8 =	vld [tilespmem:s0+$0x10];
	v2 =	vperm.xlane v2, v14  }
0x877: {  	v1 =	vld [tilespmem:s0+$0xFFFFFF90];
	v3 =	vperm.xlane v3, v53  }
0x878: {  	v55 =	vld [tilespmem:s0+$0x20];
	v5 =	vperm.xlane v5, v25;
	[tilespmem:s0+$0xFFFFFF30] =	vst v2  }
0x879: {  	v6 =	vperm.xlane v6, v33;
	v54 =	vld [tilespmem:$0x1FD80];
	[tilespmem:s0+$0xFFFFFF40] =	vst v3  }
0x87a: {  	v56 =	vld [tilespmem:s0+$0x30];
	v0 =	vperm.xlane v0, v38;
	[tilespmem:s0+$0xFFFFFF60] =	vst v5  }
0x87b: {  	v7 =	vld [tilespmem:s0+$0xF0];
	v8 =	vperm.xlane v8, v52;
	[tilespmem:s0+$0xFFFFFF70] =	vst v6  }
0x87c: {  	v1 =	vperm.xlane v1, v19;
	v2 =	vld [tilespmem:s0+$0xFFFFFFA0];
	[tilespmem:s0+$0xFFFFFF80] =	vst v0  }
0x87d: {  	v5 =	vld [tilespmem:s0+$0x0];
	[tilespmem:s0+$0x10] =	vst v8;
	v0 =	vperm.xlane v55, v21  }
0x87e: {  	v3 =	vld [tilespmem:s0+$0xFFFFFFB0];
	[tilespmem:s0+$0xFFFFFF90] =	vst v1;
	v4 =	vperm.xlane v4, v54  }
0x87f: {  	v11 =	vld [tilespmem:s0+$0x40];
	[tilespmem:s0+$0x20] =	vst v0;
	v0 =	vperm.xlane v56, v14  }
0x880: {  	v58 =	vld [tilespmem:s0+$0x50];
	[tilespmem:s0+$0xFFFFFF50] =	vst v4;
	v4 =	vperm.xlane v7, v28  }
0x881: {  	v57 =	vlaneseq.u32;
	v2 =	vperm.xlane v2, v20;
	[tilespmem:s0+$0x30] =	vst v0;
	v7 =	vld [tilespmem:s0+$0xFFFFFFC0]  }
0x882: {  	v5 =	vperm.xlane v5, v57;
	[tilespmem:s0+$0xF0] =	vst v4;
	v4 =	vld [tilespmem:s0+$0xFFFFFFD0]  }
0x883: {  	v6 =	vld [tilespmem:s0+$0x60];
	v1 =	vperm.xlane v3, v23;
	[tilespmem:s0+$0xFFFFFFA0] =	vst v2  }
0x884: {  	v0 =	vperm.xlane v11, v53;
	[tilespmem:s0+$0x0] =	vst v5;
	v5 =	vld [tilespmem:s0+$0xFFFFFFE0]  }
0x885: {  	v8 =	vld [tilespmem:s0+$0xFFFFFFF0];
	[tilespmem:s0+$0xFFFFFFB0] =	vst v1;
	v1 =	vperm.xlane v58, v54  }
0x886: {  	v59 =	vld [tilespmem:s0+$0x70];
	[tilespmem:s0+$0x40] =	vst v0;
	v2 =	vperm.xlane v7, v61  }
0x887: {  	v62 =	vld [tilespmem:s0+$0x80];
	[tilespmem:s0+$0x50] =	vst v1;
	v3 =	vperm.xlane v4, v27  }
0x888: {  	v63 =	vld [tilespmem:s0+$0x90];
	[tilespmem:s0+$0xFFFFFFC0] =	vst v2;
	v2 =	vperm.xlane v6, v25  }
0x889: {  	v7 =	vld [tilespmem:s0+$0xA0];
	v4 =	vperm.xlane v5, v18;
	[tilespmem:s0+$0xFFFFFFD0] =	vst v3  }
0x88a: {  	v0 =	vld [tilespmem:s0+$0xB0];
	v5 =	vperm.xlane v8, v28;
	[tilespmem:s0+$0x60] =	vst v2  }
0x88b: {  	v1 =	vld [tilespmem:s0+$0xC0];
	v3 =	vperm.xlane v59, v33;
	[tilespmem:s0+$0xFFFFFFE0] =	vst v4  }
0x88c: {  	v2 =	vld [tilespmem:s0+$0xD0];
	v4 =	vperm.xlane v62, v38;
	[tilespmem:s0+$0xFFFFFFF0] =	vst v5  }
0x88d: {  	v42 =	vmov v38;
	v36 =	vmov v30;
	v57 =	vmov v60;
	[tilespmem:s0+$0x70] =	vst v3;
	v3 =	vld [tilespmem:s0+$0xE0]  }
0x88e: {  	s1 =	simm.s32 $0x10900;
	v23 =	vmovc v48;
	v5 =	vperm.xlane v63, v19;
	v6 =	vperm.xlane v7, v20;
	v20 =	vmov v21;
	[tilespmem:s0+$0x80] =	vst v4;
	v4 =	vld [tilespmem:s0+$0xFFFFFF00]  }
.LBB2_13:
0x88f: {  	v7 =	vld [tilespmem:s1+$0xF0]  }
0x890: {  	v15 =	vld [tilespmem:$0x1FD40]  }
0x891: {  	v16 =	vld [tilespmem:$0x1FDA0]  }
0x892: {  	v17 =	vld [tilespmem:$0x1FD10]  }
0x893: {  	v18 =	vld [tilespmem:$0x1FD50]  }
0x894: {  	v19 =	vld [tilespmem:$0x1FE20]  }
0x895: {  	v8 =	vld [tilespmem:$0x1FD30]  }
0x896: {  	v9 =	vld [tilespmem:$0x1FD80]  }
0x897: {  	v10 =	vld [tilespmem:$0x1FDC0]  }
0x898: {  	v11 =	vld [tilespmem:$0x1FCB0];
	[tilespmem:s0+$0x90] =	vst v5;
	v1 =	vperm.xlane v1, v61  }
0x899: {  	v12 =	vld [tilespmem:$0x1FCC0];
	[tilespmem:s0+$0xA0] =	vst v6;
	v0 =	vperm.xlane v0, v15  }
0x89a: {  	v14 =	vld [tilespmem:$0x1FCF0];
	[tilespmem:s0+$0xC0] =	vst v1;
	v1 =	vperm.xlane v3, v17  }
0x89b: {  	v5 =	vld [tilespmem:s1+$0xFFFFFF10];
	[tilespmem:s0+$0xB0] =	vst v0;
	v0 =	vperm.xlane v2, v16  }
0x89c: {  	v6 =	vld [tilespmem:s1+$0xFFFFFF20];
	v7 =	vperm.xlane v7, v18;
	[tilespmem:s0+$0xE0] =	vst v1  }
0x89d: {  	v2 =	vld [tilespmem:s1+$0xFFFFFF30];
	[tilespmem:s0+$0xD0] =	vst v0  }
0x89e: {  	[tilespmem:s1+$0xF0] =	vst v7;
	v7 =	vld [tilespmem:$0x1FCE0]  }
0x89f: {  	v13 =	vlaneseq.u32;
	v3 =	vld [tilespmem:s1+$0xFFFFFF40]  }
0x8a0: {  	v4 =	vperm.xlane v4, v13;
	v0 =	vld [tilespmem:s1+$0xFFFFFF50]  }
0x8a1: {  	v1 =	vperm.xlane v5, v19;
	v5 =	vld [tilespmem:s1+$0xFFFFFF60]  }
0x8a2: {  	[tilespmem:s0+$0xFFFFFF00] =	vst v4;
	v4 =	vperm.xlane v6, v20;
	v6 =	vld [tilespmem:s1+$0xFFFFFF70]  }
0x8a3: {  	[tilespmem:s1+$0xFFFFFF10] =	vst v1;
	v1 =	vperm.xlane v2, v7;
	v2 =	vld [tilespmem:s1+$0xFFFFFF80]  }
0x8a4: {  	[tilespmem:s1+$0xFFFFFF20] =	vst v4;
	v4 =	vld [tilespmem:s1+$0xFFFFFF90];
	v3 =	vperm.xlane v3, v8  }
0x8a5: {  	v0 =	vperm.xlane v0, v9;
	[tilespmem:s1+$0xFFFFFF30] =	vst v1;
	v1 =	vld [tilespmem:s1+$0xFFFFFFA0]  }
0x8a6: {  	[tilespmem:s1+$0xFFFFFF40] =	vst v3;
	v3 =	vperm.xlane v5, v10;
	v5 =	vld [tilespmem:s1+$0xFFFFFFB0]  }
0x8a7: {  	[tilespmem:s1+$0xFFFFFF50] =	vst v0;
	v0 =	vperm.xlane v6, v11;
	v6 =	vld [tilespmem:s1+$0xFFFFFFC0]  }
0x8a8: {  	[tilespmem:s1+$0xFFFFFF60] =	vst v3;
	v3 =	vld [tilespmem:s1+$0xFFFFFFD0];
	v2 =	vperm.xlane v2, v42  }
0x8a9: {  	[tilespmem:s1+$0xFFFFFF70] =	vst v0;
	v0 =	vperm.xlane v4, v12;
	v4 =	vld [tilespmem:s1+$0xFFFFFFE0]  }
0x8aa: {  	[tilespmem:s1+$0xFFFFFF80] =	vst v2;
	v1 =	vperm.xlane v1, v14;
	v2 =	vld [tilespmem:s1+$0xFFFFFFF0]  }
0x8ab: {  	[tilespmem:s1+$0xFFFFFF90] =	vst v0;
	v0 =	vperm.xlane v5, v15;
	v5 =	vld [tilespmem:s1+$0x0]  }
0x8ac: {  	[tilespmem:s1+$0xFFFFFFA0] =	vst v1;
	v1 =	vperm.xlane v6, v61;
	v6 =	vld [tilespmem:s1+$0x10]  }
0x8ad: {  	[tilespmem:s1+$0xFFFFFFB0] =	vst v0;
	v0 =	vperm.xlane v3, v16;
	v3 =	vld [tilespmem:s1+$0x20]  }
0x8ae: {  	[tilespmem:s1+$0xFFFFFFC0] =	vst v1;
	v1 =	vperm.xlane v4, v17;
	v4 =	vld [tilespmem:s1+$0x30]  }
0x8af: {  	[tilespmem:s1+$0xFFFFFFD0] =	vst v0;
	v0 =	vperm.xlane v2, v18;
	v2 =	vld [tilespmem:s1+$0x40]  }
0x8b0: {  	[tilespmem:s1+$0xFFFFFFE0] =	vst v1;
	v1 =	vperm.xlane v5, v13;
	v5 =	vld [tilespmem:s1+$0x50]  }
0x8b1: {  	[tilespmem:s1+$0xFFFFFFF0] =	vst v0;
	v0 =	vperm.xlane v6, v19;
	v6 =	vld [tilespmem:s1+$0x60]  }
0x8b2: {  	[tilespmem:s1+$0x0] =	vst v1;
	v1 =	vperm.xlane v3, v20;
	v3 =	vld [tilespmem:s1+$0x70]  }
0x8b3: {  	[tilespmem:s1+$0x10] =	vst v0;
	v0 =	vperm.xlane v4, v7;
	v4 =	vld [tilespmem:s1+$0x80]  }
0x8b4: {  	s25 =	sadd.s32 $0x2, s25;
	v7 =	vld [tilespmem:s1+$0x90];
	[tilespmem:s1+$0x20] =	vst v1;
	v1 =	vperm.xlane v2, v8  }
0x8b5: {  	p0 =	slt.u32 s25, $0x32;
	v8 =	vld [tilespmem:s1+$0xA0];
	[tilespmem:s1+$0x30] =	vst v0;
	v2 =	vperm.xlane v5, v9  }
.Ltmp5:
0x8b6: {  	v0 =	vld [tilespmem:s1+$0xB0];
	[tilespmem:s1+$0x40] =	vst v1;
	v5 =	vperm.xlane v6, v10;
	(pc) =	sbr.rel @p0 .LBB2_13-.Ltmp5, $4  }
0x8b7: {  	v1 =	vld [tilespmem:s1+$0xC0];
	[tilespmem:s1+$0x50] =	vst v2;
	v3 =	vperm.xlane v3, v11  }
0x8b8: {  	s0 =	smov.u32 s1;
	v2 =	vld [tilespmem:s1+$0xD0];
	[tilespmem:s1+$0x60] =	vst v5;
	v6 =	vperm.xlane v4, v42  }
0x8b9: {  	v4 =	vld [tilespmem:s0+$0xFFFFFF00];
	[tilespmem:s1+$0x70] =	vst v3  }
0x8ba: {  	v18 =	vlaneseq.u32;
	v5 =	vperm.xlane v7, v12;
	v3 =	vld [tilespmem:s1+$0xE0];
	s1 =	sadd.s32 $0x200, s1;
	[tilespmem:s0+$0x80] =	vst v6;
	v6 =	vperm.xlane v8, v14  }
0x8bb: {  	_ = 	snop  }
0x8bc: {  	[tilespmem:s0+$0x90] =	vst v5  }
0x8bd: {  	v5 =	vld [tilespmem:$0x1FD40];
	_ =	sdelay $0x4  }
0x8be: {  	v0 =	vperm.xlane v0, v5  }
0x8bf: {  	v1 =	vperm.xlane v1, v61;
	[tilespmem:s0+$0xA0] =	vst v6  }
0x8c0: {  	[tilespmem:s0+$0xB0] =	vst v0  }
0x8c1: {  	v0 =	vld [tilespmem:$0x1FDA0];
	[tilespmem:s0+$0xC0] =	vst v1  }
0x8c2: {  	v1 =	vld [tilespmem:$0x1FD10];
	_ =	sdelay $0x2  }
0x8c3: {  	v63 =	vperm.xlane v4, v18  }
0x8c4: {  	v0 =	vperm.xlane v2, v0  }
0x8c5: {  	[tilespmem:s0+$0xFFFFFF00] =	vst v63;
	v1 =	vperm.xlane v3, v1  }
0x8c6: {  	[tilespmem:s0+$0xD0] =	vst v0  }
0x8c7: {  	[tilespmem:s0+$0xE0] =	vst v1  }
0x8c8: {  	s22 =	sadd.s32 $0x1, s22;
	v21 =	vld [tilespmem:$0x1FF00]  }
0x8c9: {  	p0 =	sne.s32 s22, $0x8;
	v43 =	vld [tilespmem:$0x1FF10]  }
.Ltmp6:
0x8ca: {  	s1 =	sadd.s32 s4, s23;
	v44 =	vld [tilespmem:$0x1FF20];
	(pc) =	sbr.rel @p0 .LBB2_6-.Ltmp6, $4  }
0x8cb: {  	s1 =	sshll.u32 s1, $0x1;
	v45 =	vld [tilespmem:$0x1FF30]  }
0x8cc: {  	s21 =	sadd.s32 $0x680, s21;
	s1 =	sand.u32 $0x1FFFFF80, s1;
	v46 =	vld [tilespmem:$0x1FF40]  }
0x8cd: {  	s20 =	sadd.s32 $0x680, s20;
	s19 =	sadd.s32 $0x680, s19;
	s31 =	sadd.s32 s2, s1;
	v56 =	vld [tilespmem:$0x1FF50]  }
0x8ce: {  	v28 =	vmov v22;
	v19 =	vmov v24;
	[hbm4b:s31+s3] =	stream.linear.scatter [tilespmem:s15], [sflag:$0x3], $0x3400, $0x38;
	v22 =	vld [tilespmem:$0x1FF60]  }
0x8cf: {  	_ =	swait.ge [sflag:s16], $0x3400  }
0x8d0: {  	s18 =	sadd.s32 $0x1, s18;
	[sflag:s16] =	ssyncset.done $0x0  }
0x8d1: {  	p0 =	sne.s32 s18, s8;
	[sflag:s16] =	ssyncadd.s32 $0xFFFFCC00  }
.Ltmp7:
0x8d2: {  	_ =	swait.ge [sflag:s17], $0x3400;
	(pc) =	sbr.rel @p0 .LBB2_1-.Ltmp7, $3  }
0x8d3: {  	v17 =	vld [tilespmem:$0x1FEF0];
	_ =	sdelay $0x1  }
0x8d4: {  	[sflag:s17] =	ssyncset.done $0x0  }
0x8d5: {  	[sflag:s17] =	ssyncadd.s32 $0xFFFFCC00  }
0x8d6: {  	_ =	sfence.sel $0x180000  }
0x8d7: {  	[bflag:$0x0] =	sbarrier.arrive $0xFFFF  }
0x8d8: {  	_ =	strace $0x90000047  }
0x8d9: {  	s0 =	stileid.u32;
	[bflag:$0x2] =	sbarrier.arrive $0xFFFF  }
0x8da: {  	p0 =	sne.s32 s0, $0x0;
	s0 =	rddreg [dreg:$0x2]  }
0x8db: {  	s0 =	sadd.s32 @!p0 $0x100000, s0  }
0x8dc: {  	[sflag:s0] =	ssyncadd.tile.s32 @!p0 $0x1;
	_ =	shalt  }
.Lfunc_end2:
_tile_overlayer_lowered:
.L_overlay_start_2:
0x8dd: {  	(tag) =	ssettag $0x2  }
0x8de: {  	s0 =	rddreg [dreg:$0x0];
	s2 =	stileid.u32  }
0x8df: {  	s1 =	rddreg [dreg:$0x1];
	p0 =	sne.s32 s2, $0x0  }
0x8e0: {  	s3 =	rddreg [dreg:$0x2];
	[bflag:$0x3] =	sbarrier.arrive $0xFFFF;
	s2 =	simm.s32 @!p0 $0x1C04  }
0x8e1: {  	[timem:s3], [sflag:s2] =	dma.local @!p0 [hbm:s0], s1  }
0x8e2: {  	s0 =	simm.s32 @!p0 $0x4  }
0x8e3: {  	_ =	swait.ge @!p0 [sflag:s0], s1  }
0x8e4: {  	s1 =	ssub.s32 @!p0 $0x0, s1;
	[sflag:s0] =	ssyncset.done @!p0 $0x0  }
0x8e5: {  	[sflag:s0] =	ssyncadd.s32 @!p0 s1  }
0x8e6: {  	[bflag:$0x3] =	sbarrier.arrive $0xFFFF  }
0x8e7: {  	_ =	shalt  }

</sc_bundles>
